<compile_context>
chip_gen: v7x
topology: tpu7x:2x2x1
jax: 0.10.2.dev20260603
libtpu: 0.0.44.dev20260713+nightly
codegen_flags: <defaults>
</compile_context>

<pallas_src>
import functools

import jax
import jax.numpy as jnp
from jax import lax
from jax.experimental import pallas as pl
from jax.experimental.pallas import tpu as pltpu
from jax.experimental.pallas import tpu_sc as plsc

N = 10000
E = 320000
H = 128
A = 64
L = 3
R = 232
T = 182
TP = 184
NP = 10112
NW = 32
EW = E // NW
K = 64
NCH = -(-EW // K)
EWP = NCH * K
NROWS = NP // 16


def _dotT(x, w):
    return lax.dot_general(x, w, (((1,), (1,)), ((), ())),
                           precision=lax.Precision.HIGHEST,
                           preferred_element_type=jnp.float32)


def _prep_body(rela_ref, tpad_ref, pw_ref, att1_ref,
               rp_ref, tp_ref, ra_ref, qa_ref):
    pw = pw_ref[...]
    tp_ref[...] = _dotT(tpad_ref[...], pw)
    for i in range(L):
        re = rela_ref[i]
        w1 = att1_ref[i]
        rp_ref[i] = _dotT(re, pw)
        ra_ref[i] = _dotT(re, w1[:, H:2 * H])
        qa_ref[i] = _dotT(re, w1[:, 2 * H:])


def _prep(rela, tpad, pw, att1):
    return pl.pallas_call(
        _prep_body,
        out_shape=(
            jax.ShapeDtypeStruct((L, R, H), jnp.float32),
            jax.ShapeDtypeStruct((TP, H), jnp.float32),
            jax.ShapeDtypeStruct((L, R, A), jnp.float32),
            jax.ShapeDtypeStruct((L, R, A), jnp.float32),
        ),
    )(rela, tpad, pw, att1)


def _tables_body(rp_ref, tp_ref, ra_ref, qa_ref, crt_ref, crq_ref):
    rp = rp_ref[0]
    tp = tp_ref[...]
    ra = ra_ref[0]
    qa = qa_ref[0]
    crt_ref[0] = rp[:, None, :] + tp[None, :, :]
    crq_ref[0] = ra[:, None, :] + qa[None, :, :]


def _tables(rp, tp, ra, qa):
    rb = 8
    grid = (L, R // rb)
    return pl.pallas_call(
        _tables_body,
        grid=grid,
        in_specs=[
            pl.BlockSpec((1, rb, H), lambda i, j: (i, j, 0)),
            pl.BlockSpec((TP, H), lambda i, j: (0, 0)),
            pl.BlockSpec((1, rb, A), lambda i, j: (i, j, 0)),
            pl.BlockSpec((1, R, A), lambda i, j: (i, 0, 0)),
        ],
        out_specs=(
            pl.BlockSpec((1, rb, TP, H), lambda i, j: (i, j, 0, 0)),
            pl.BlockSpec((1, rb, R, A), lambda i, j: (i, j, 0, 0)),
        ),
        out_shape=(
            jax.ShapeDtypeStruct((L, R, TP, H), jnp.float32),
            jax.ShapeDtypeStruct((L, R, R, A), jnp.float32),
        ),
    )(rp, tp, ra, qa)


def _hxf_body(p_ref, w3_ref, hx_ref):
    h = jnp.maximum(p_ref[0] + p_ref[1], 0.0)
    hx_ref[...] = _dotT(h, w3_ref[...])


def _hxf(p, w3):
    nb = 1000
    return pl.pallas_call(
        _hxf_body,
        grid=(N // nb,),
        in_specs=[
            pl.BlockSpec((2, nb, H), lambda j: (0, j, 0)),
            pl.BlockSpec((H + A, H), lambda j: (0, 0)),
        ],
        out_specs=pl.BlockSpec((nb, H + A), lambda j: (j, 0)),
        out_shape=jax.ShapeDtypeStruct((N, H + A), jnp.float32),
    )(p, w3)


def _final_body(p_ref, cw_ref, cb_ref, out_ref):
    h = jnp.maximum(p_ref[0] + p_ref[1], 0.0)
    out_ref[...] = lax.dot_general(h, cw_ref[...], (((1,), (0,)), ((), ())),
                                   precision=lax.Precision.HIGHEST,
                                   preferred_element_type=jnp.float32) + cb_ref[0]


def _final(p, cw, cb):
    nb = 1000
    return pl.pallas_call(
        _final_body,
        grid=(N // nb,),
        in_specs=[
            pl.BlockSpec((2, nb, H), lambda j: (0, j, 0)),
            pl.BlockSpec((H, H), lambda j: (0, 0)),
            pl.BlockSpec((1,), lambda j: (0,)),
        ],
        out_specs=pl.BlockSpec((nb, H), lambda j: (j, 0)),
        out_shape=jax.ShapeDtypeStruct((N, H), jnp.float32),
    )(p, cw, cb)


def _s0_body(crq_ref, a2_ref, out_ref):
    u = jnp.maximum(crq_ref[...], 0.0)
    t = lax.dot_general(u, a2_ref[...], (((1,), (0,)), ((), ())),
                        precision=lax.Precision.HIGHEST,
                        preferred_element_type=jnp.float32)
    out_ref[...] = 1.0 / (1.0 + jnp.exp(-t))


def _s0(crq0, a2rep):
    nb = 6728
    return pl.pallas_call(
        _s0_body,
        grid=(R * R // nb,),
        in_specs=[
            pl.BlockSpec((nb, A), lambda j: (j, 0)),
            pl.BlockSpec((A, 16), lambda j: (0, 0)),
        ],
        out_specs=pl.BlockSpec((nb, 16), lambda j: (j, 0)),
        out_shape=jax.ShapeDtypeStruct((R * R, 16), jnp.float32),
    )(crq0, a2rep)




def _edge_body(pk_h, hx_h, crt_h, crq_h, att2_h, zer_h, p_h,
               pk0, pk1, a0, a1, hx0, hx1, m0, m1,
               att2_v, accum, gs0, gs1):
    cid = lax.axis_index("c")
    sid = lax.axis_index("s")
    wid = sid * 2 + cid

    pltpu.sync_copy(zer_h.at[pl.ds(sid * NROWS, NROWS)],
                    accum.at[pl.ds(sid * NROWS, NROWS)])
    pltpu.sync_copy(att2_h, att2_v)
    plsc.subcore_barrier()

    bufs = ((pk0, a0, hx0, m0, gs0), (pk1, a1, hx1, m1, gs1))

    def issue(c, b):
        pk, av, hxv, mv, gs = bufs[b]
        pltpu.sync_copy(pk_h.at[wid, c], pk)
        pltpu.async_copy(crq_h.at[pk.at[0]], av, gs)
        pltpu.async_copy(crt_h.at[pk.at[1]], mv, gs)
        pltpu.async_copy(hx_h.at[pk.at[2]], hxv, gs)

    def work(c, b):
        pk, av, hxv, mv, gs = bufs[b]
        pltpu.make_async_copy(crq_h.at[pk.at[0]], av, gs).wait()
        pltpu.make_async_copy(crt_h.at[pk.at[1]], mv, gs).wait()
        pltpu.make_async_copy(hx_h.at[pk.at[2]], hxv, gs).wait()

        @plsc.parallel_loop(0, K, unroll=4)
        def esc(e):
            t = jnp.zeros((16,), jnp.float32)
            for q in range(A // 16):
                sl = pl.ds(q * 16, 16)
                u = jnp.maximum(av[e, sl] + hxv[e, pl.ds(H + q * 16, 16)], 0.0)
                t = t + u * att2_v[sl]
            tot = jnp.sum(t)
            sv = jnp.full((16,), tot, jnp.float32)
            s = 1.0 / (1.0 + jnp.exp(-sv))
            for q in range(H // 16):
                sl = pl.ds(q * 16, 16)
                mv[e, sl] = (mv[e, sl] + hxv[e, sl]) * s
        pltpu.sync_copy(mv, accum.at[pk.at[3]], add=True)

    issue(0, 0)

    def pair(cc, carry):
        c0 = 2 * cc
        c1 = c0 + 1

        @pl.when(c1 < NCH)
        def _():
            issue(c1, 1)

        work(c0, 0)

        @pl.when(c0 + 2 < NCH)
        def _():
            issue(c0 + 2, 0)

        @pl.when(c1 < NCH)
        def _():
            work(c1, 1)

        return carry

    lax.fori_loop(0, (NCH + 1) // 2, pair, 0)
    plsc.subcore_barrier()
    pltpu.sync_copy(accum.at[pl.ds(sid * NROWS, NROWS)],
                    p_h.at[cid, pl.ds(sid * NROWS, NROWS)])


def _edge_pass(pk, hx, crt, crq, att2, zer):
    mesh = plsc.VectorSubcoreMesh(core_axis_name="c", subcore_axis_name="s")
    kfn = pl.kernel(
        _edge_body,
        out_type=jax.ShapeDtypeStruct((2, NP, H), jnp.float32),
        mesh=mesh,
        compiler_params=pltpu.CompilerParams(needs_layout_passes=False,
                                             use_tc_tiling_on_sc=False),
        scratch_types=[
            pltpu.VMEM((4, K), jnp.int32),
            pltpu.VMEM((4, K), jnp.int32),
            pltpu.VMEM((K, A), jnp.float32),
            pltpu.VMEM((K, A), jnp.float32),
            pltpu.VMEM((K, H + A), jnp.float32),
            pltpu.VMEM((K, H + A), jnp.float32),
            pltpu.VMEM((K, H), jnp.float32),
            pltpu.VMEM((K, H), jnp.float32),
            pltpu.VMEM((A,), jnp.float32),
            pltpu.VMEM_SHARED((NP, H), jnp.float32),
            pltpu.SemaphoreType.DMA,
            pltpu.SemaphoreType.DMA,
        ],
    )
    return kfn(pk, hx, crt, crq, att2, zer)


def _edge0_body(pk_h, s0_h, crt_h, zer_h, p_h,
                pk0, pk1, s0b0, s0b1, m0, m1, accum, gs0, gs1):
    cid = lax.axis_index("c")
    sid = lax.axis_index("s")
    wid = sid * 2 + cid

    pltpu.sync_copy(zer_h.at[pl.ds(sid * NROWS, NROWS)],
                    accum.at[pl.ds(sid * NROWS, NROWS)])
    plsc.subcore_barrier()

    bufs = ((pk0, s0b0, m0, gs0), (pk1, s0b1, m1, gs1))

    def issue(c, b):
        pk, sv, mv, gs = bufs[b]
        pltpu.sync_copy(pk_h.at[wid, c], pk)
        pltpu.async_copy(s0_h.at[pk.at[0]], sv, gs)
        pltpu.async_copy(crt_h.at[pk.at[1]], mv, gs)

    def work(c, b):
        pk, sv, mv, gs = bufs[b]
        pltpu.make_async_copy(s0_h.at[pk.at[0]], sv, gs).wait()
        pltpu.make_async_copy(crt_h.at[pk.at[1]], mv, gs).wait()

        @plsc.parallel_loop(0, K, unroll=4)
        def esc(e):
            s = sv[e, pl.ds(0, 16)]
            for q in range(H // 16):
                sl = pl.ds(q * 16, 16)
                mv[e, sl] = mv[e, sl] * s

        pltpu.sync_copy(mv, accum.at[pk.at[3]], add=True)

    issue(0, 0)

    def pair(cc, carry):
        c0 = 2 * cc
        c1 = c0 + 1

        @pl.when(c1 < NCH)
        def _():
            issue(c1, 1)

        work(c0, 0)

        @pl.when(c0 + 2 < NCH)
        def _():
            issue(c0 + 2, 0)

        @pl.when(c1 < NCH)
        def _():
            work(c1, 1)

        return carry

    lax.fori_loop(0, (NCH + 1) // 2, pair, 0)
    plsc.subcore_barrier()
    pltpu.sync_copy(accum.at[pl.ds(sid * NROWS, NROWS)],
                    p_h.at[cid, pl.ds(sid * NROWS, NROWS)])


def _edge0_pass(pk, s0rep, crt0, zer):
    mesh = plsc.VectorSubcoreMesh(core_axis_name="c", subcore_axis_name="s")
    kfn = pl.kernel(
        _edge0_body,
        out_type=jax.ShapeDtypeStruct((2, NP, H), jnp.float32),
        mesh=mesh,
        compiler_params=pltpu.CompilerParams(needs_layout_passes=False,
                                             use_tc_tiling_on_sc=False),
        scratch_types=[
            pltpu.VMEM((4, K), jnp.int32),
            pltpu.VMEM((4, K), jnp.int32),
            pltpu.VMEM((K, 16), jnp.float32),
            pltpu.VMEM((K, 16), jnp.float32),
            pltpu.VMEM((K, H), jnp.float32),
            pltpu.VMEM((K, H), jnp.float32),
            pltpu.VMEM_SHARED((NP, H), jnp.float32),
            pltpu.SemaphoreType.DMA,
            pltpu.SemaphoreType.DMA,
        ],
    )
    return kfn(pk, s0rep, crt0, zer)


@jax.jit
def kernel(edge_src, edge_dst, edge_rel, rel_time, query_rel,
           rela_embed, time_embed, att1_w, att2_w, past_w, cls_w, cls_b):
    irt = edge_rel * TP + rel_time
    irq = edge_rel * R + query_rel
    tpad = jnp.pad(time_embed, ((0, TP - T), (0, 0)))

    rp, tp, ra, qa = _prep(rela_embed, tpad, past_w, att1_w)
    crt, crq = _tables(rp, tp, ra, qa)
    crt = crt.reshape(L, R * TP, H)
    crq = crq.reshape(L, R * R, A)

    zer = jnp.zeros((NP, H), jnp.float32)

    idx4 = jnp.stack([irq, irt, edge_src, edge_dst]).reshape(4, NW, EW)
    idx4 = jnp.pad(idx4, ((0, 0), (0, 0), (0, EWP - EW)))
    idx4 = idx4.at[3, :, EW:].set(NP - 1)
    pk = idx4.reshape(4, NW, NCH, K).transpose(1, 2, 0, 3)

    a2rep = jnp.broadcast_to(att2_w[0].reshape(A, 1), (A, 16))
    s0rep = _s0(crq[0], a2rep)
    p = _edge0_pass(pk, s0rep, crt[0], zer)
    for i in range(1, L):
        w3 = jnp.concatenate([past_w, att1_w[i][:, :H]], axis=0)
        hx = _hxf(p, w3)
        p = _edge_pass(pk, hx, crt[i], crq[i], att2_w[i].reshape(A), zer)

    cls_rep = jnp.broadcast_to(cls_w.reshape(H, 1), (H, H))
    return _final(p, cls_rep, cls_b)[:, 0]

# --- scband reference (transcript-rebuilt; emitter-appended) ---
"""Pipeline reference for scband-t-red-gnn-20993800142927 (READ-ONLY COPY).

The authoritative reference and input builder live on the scoring server;
editing this copy changes nothing except your own understanding.
"""

import jax, jax.numpy as jnp
import numpy as np

N = 10000   # num entities (active node table size)
E = 320000  # selected relation tuples per layer
H = 128     # hidden_dim
A = 64      # attn_dim
L = 3       # n_layer
R = 232     # (num_relations + 1) + 1 embedding rows
T = 182     # time embedding rows


def setup_inputs(seed: int = 0):
    key = jax.random.key(seed)
    ks = jax.random.split(key, 12)
    inp = {}
    inp['edge_src'] = jax.random.randint(ks[0], (E,), 0, N, dtype=jnp.int32)
    inp['edge_dst'] = jax.random.randint(ks[1], (E,), 0, N, dtype=jnp.int32)
    inp['edge_rel'] = jax.random.randint(ks[2], (E,), 0, R, dtype=jnp.int32)
    inp['rel_time'] = jax.random.randint(ks[3], (E,), 0, 121, dtype=jnp.int32)
    inp['query_rel'] = jax.random.randint(ks[4], (E,), 0, R, dtype=jnp.int32)
    # learned parameters (xavier-ish scale)
    inp['rela_embed'] = jax.random.normal(ks[5], (L, R, H), dtype=jnp.float32) * 0.05
    inp['time_embed'] = jax.random.normal(ks[6], (T, H), dtype=jnp.float32) * 0.05
    inp['att1_w'] = jax.random.normal(ks[7], (L, A, 3 * H), dtype=jnp.float32) * 0.05
    inp['att2_w'] = jax.random.normal(ks[8], (L, 1, A), dtype=jnp.float32) * 0.05
    inp['past_w'] = jax.random.normal(ks[9], (H, H), dtype=jnp.float32) * 0.05
    inp['cls_w'] = jax.random.normal(ks[10], (1, H), dtype=jnp.float32) * 0.05
    inp['cls_b'] = jnp.zeros((1,), dtype=jnp.float32)
    return inp


def reference(edge_src, edge_dst, edge_rel, rel_time, query_rel,
              rela_embed, time_embed, att1_w, att2_w, past_w, cls_w, cls_b):
    hidden = jnp.zeros((N, H), dtype=jnp.float32)
    for i in range(L):
        t_emb = time_embed[rel_time]                       # gather [E,H]
        r_emb = rela_embed[i][edge_rel]                    # gather [E,H]
        q_emb = rela_embed[i][query_rel]                   # gather [E,H]
        h_src = hidden[edge_src]                           # gather [E,H]
        embed_rel = h_src + r_emb + t_emb
        transformed = embed_rel @ past_w.T                 # [E,H]
        attn_in = jnp.concatenate([h_src, r_emb, q_emb], axis=1)  # [E,3H]
        score = jax.nn.sigmoid(jax.nn.relu(attn_in @ att1_w[i].T) @ att2_w[i].T)  # [E,1]
        msg = score * transformed
        hidden = jax.nn.relu(jax.ops.segment_sum(msg, edge_dst, num_segments=N))
    result = (hidden @ cls_w.T + cls_b).reshape(-1)        # [N]
    return result

if __name__ == "__main__":
    import jax
    _d = setup_inputs()
    print(jax.jit(kernel)(*tuple(_d.values())))

</pallas_src>

<mosaic_0001>
#map = affine_map<(d0, d1) -> (0, 0, 0, 0)>
#map1 = affine_map<(d0, d1) -> (0, 0)>
#map2 = affine_map<(d0, d1) -> (0, 0, 0)>
module attributes {stable_mosaic.version = 14 : i64} {
  func.func @_edge0_body(%arg0: i32, %arg1: i32, %arg2: memref<32x157x4x64xi32, #tpu.memory_space<hbm>>, %arg3: memref<53824x16xf32, #tpu.memory_space<hbm>>, %arg4: memref<42688x128xf32, #tpu.memory_space<hbm>>, %arg5: memref<10112x128xf32, #tpu.memory_space<hbm>>, %arg6: memref<2x10112x128xf32, #tpu.memory_space<hbm>>, %arg7: memref<4x64xi32, #tpu.memory_space<vmem>>, %arg8: memref<4x64xi32, #tpu.memory_space<vmem>>, %arg9: memref<64x16xf32, #tpu.memory_space<vmem>>, %arg10: memref<64x16xf32, #tpu.memory_space<vmem>>, %arg11: memref<64x128xf32, #tpu.memory_space<vmem>>, %arg12: memref<64x128xf32, #tpu.memory_space<vmem>>, %arg13: memref<10112x128xf32, #tpu.memory_space<vmem_shared>>, %arg14: memref<!tpu.dma_semaphore, #tpu.memory_space<semaphore_mem>>, %arg15: memref<!tpu.dma_semaphore, #tpu.memory_space<semaphore_mem>>) attributes {dimension_semantics = [#tpu.dimension_semantics<core_parallel>, #tpu.dimension_semantics<subcore_parallel>], iteration_bounds = array<i64: 2, 16>, scalar_prefetch = 0 : i64, scratch_operands = 9 : i64, tpu.core_type = #tpu.core_type<sc_vector_subcore>, window_params = [{transform_indices = #map}, {transform_indices = #map1}, {transform_indices = #map1}, {transform_indices = #map1}, {transform_indices = #map2}]} {
    %mul3A = arith.constant 2 : i32
    %mul3A_0 = arith.muli %arg1, %mul3A : i32
    %add3A = arith.addi %mul3A_0, %arg0 : i32
    %mul3A_1 = arith.constant 632 : i32
    %mul3A_2 = arith.muli %arg1, %mul3A_1 : i32
    %mul3A_3 = arith.constant 632 : i32
    %mul3A_4 = arith.muli %arg1, %mul3A_3 : i32
    "tpu.region"() ({
      %run_scoped3A_28 = tpu.sem_alloc : memref<!tpu.dma_semaphore, #tpu.memory_space<semaphore_mem>>
      %dma_start3A_29 = arith.constant 0 : i32
      %dma_start3A_30 = tpu.memref_slice %arg13[%mul3A_4, %dma_start3A_29] : memref<10112x128xf32, #tpu.memory_space<vmem_shared>> -> memref<632x128xf32, #tpu.memory_space<vmem_shared>>
      %dma_start3A_31 = arith.constant 0 : i32
      %dma_start3A_32 = tpu.memref_slice %arg5[%mul3A_2, %dma_start3A_31] : memref<10112x128xf32, #tpu.memory_space<hbm>> -> memref<632x128xf32, #tpu.memory_space<hbm>>
      tpu.enqueue_dma source(%dma_start3A_32 : memref<632x128xf32, #tpu.memory_space<hbm>>) target(%dma_start3A_30 : memref<632x128xf32, #tpu.memory_space<vmem_shared>>) target_semaphore(%run_scoped3A_28 : memref<!tpu.dma_semaphore, #tpu.memory_space<semaphore_mem>>)
      %dma_wait3A = arith.constant 0 : i32
      %dma_wait3A_33 = tpu.memref_slice %arg13[%mul3A_4, %dma_wait3A] : memref<10112x128xf32, #tpu.memory_space<vmem_shared>> -> memref<632x128xf32, #tpu.memory_space<vmem_shared>>
      %dma_wait3A_34 = arith.constant 0 : i32
      %dma_wait3A_35 = tpu.memref_slice %arg5[%mul3A_2, %dma_wait3A_34] : memref<10112x128xf32, #tpu.memory_space<hbm>> -> memref<632x128xf32, #tpu.memory_space<hbm>>
      tpu.wait_dma2 semaphore(%run_scoped3A_28 : memref<!tpu.dma_semaphore, #tpu.memory_space<semaphore_mem>>) src(%dma_wait3A_35 : memref<632x128xf32, #tpu.memory_space<hbm>>) dst(%dma_wait3A_33 : memref<632x128xf32, #tpu.memory_space<vmem_shared>>)
      tpu.yield
    }) : () -> ()
    %barrier3A = arith.constant 0 : index
    tpu.barrier barrier_id(%barrier3A)
    %run_scoped3A = arith.constant 0 : i32
    "tpu.region"() ({
      %run_scoped3A_28 = tpu.sem_alloc : memref<!tpu.dma_semaphore, #tpu.memory_space<semaphore_mem>>
      %dma_start3A_29 = arith.constant 0 : i32
      %dma_start3A_30 = arith.constant 0 : i32
      %dma_start3A_31 = tpu.memref_slice %arg2[%add3A, %run_scoped3A, %dma_start3A_29, %dma_start3A_30] : memref<32x157x4x64xi32, #tpu.memory_space<hbm>> -> memref<1x1x4x64xi32, #tpu.memory_space<hbm>>
      %dma_start3A_32 = tpu.memref_squeeze %dma_start3A_31 : memref<1x1x4x64xi32, #tpu.memory_space<hbm>> -> memref<4x64xi32, #tpu.memory_space<hbm>>
      %dma_start3A_33 = arith.constant 0 : i32
      %dma_start3A_34 = arith.constant 0 : i32
      %dma_start3A_35 = tpu.memref_slice %arg2[%add3A, %run_scoped3A, %dma_start3A_33, %dma_start3A_34] : memref<32x157x4x64xi32, #tpu.memory_space<hbm>> -> memref<1x1x4x64xi32, #tpu.memory_space<hbm>>
      %dma_start3A_36 = tpu.memref_squeeze %dma_start3A_35 : memref<1x1x4x64xi32, #tpu.memory_space<hbm>> -> memref<4x64xi32, #tpu.memory_space<hbm>>
      tpu.enqueue_dma source(%dma_start3A_36 : memref<4x64xi32, #tpu.memory_space<hbm>>) target(%arg7 : memref<4x64xi32, #tpu.memory_space<vmem>>) target_semaphore(%run_scoped3A_28 : memref<!tpu.dma_semaphore, #tpu.memory_space<semaphore_mem>>)
      %dma_wait3A = arith.constant 0 : i32
      %dma_wait3A_37 = arith.constant 0 : i32
      %dma_wait3A_38 = tpu.memref_slice %arg2[%add3A, %run_scoped3A, %dma_wait3A, %dma_wait3A_37] : memref<32x157x4x64xi32, #tpu.memory_space<hbm>> -> memref<1x1x4x64xi32, #tpu.memory_space<hbm>>
      %dma_wait3A_39 = tpu.memref_squeeze %dma_wait3A_38 : memref<1x1x4x64xi32, #tpu.memory_space<hbm>> -> memref<4x64xi32, #tpu.memory_space<hbm>>
      %dma_wait3A_40 = arith.constant 0 : i32
      %dma_wait3A_41 = arith.constant 0 : i32
      %dma_wait3A_42 = tpu.memref_slice %arg2[%add3A, %run_scoped3A, %dma_wait3A_40, %dma_wait3A_41] : memref<32x157x4x64xi32, #tpu.memory_space<hbm>> -> memref<1x1x4x64xi32, #tpu.memory_space<hbm>>
      %dma_wait3A_43 = tpu.memref_squeeze %dma_wait3A_42 : memref<1x1x4x64xi32, #tpu.memory_space<hbm>> -> memref<4x64xi32, #tpu.memory_space<hbm>>
      tpu.wait_dma2 semaphore(%run_scoped3A_28 : memref<!tpu.dma_semaphore, #tpu.memory_space<semaphore_mem>>) src(%dma_wait3A_43 : memref<4x64xi32, #tpu.memory_space<hbm>>) dst(%arg7 : memref<4x64xi32, #tpu.memory_space<vmem>>)
      tpu.yield
    }) : () -> ()
    %dma_start3A = arith.constant 0 : i32
    %dma_start3A_5 = arith.constant 0 : i32
    %dma_start3A_6 = tpu.memref_slice %arg7[%dma_start3A, %dma_start3A_5] : memref<4x64xi32, #tpu.memory_space<vmem>> -> memref<1x64xi32, #tpu.memory_space<vmem>>
    %dma_start3A_7 = tpu.memref_squeeze %dma_start3A_6 : memref<1x64xi32, #tpu.memory_space<vmem>> -> memref<64xi32, #tpu.memory_space<vmem>>
    %dma_start3A_8 = arith.constant 0 : i32
    %dma_start3A_9 = arith.constant 0 : i32
    %dma_start3A_10 = tpu.memref_slice %arg3[%dma_start3A_8, %dma_start3A_9] : memref<53824x16xf32, #tpu.memory_space<hbm>> -> memref<53824x16xf32, #tpu.memory_space<hbm>>
    tpu.enqueue_indirect_dma source(%dma_start3A_10 : memref<53824x16xf32, #tpu.memory_space<hbm>>) target(%arg9 : memref<64x16xf32, #tpu.memory_space<vmem>>) offsets(%dma_start3A_7 : memref<64xi32, #tpu.memory_space<vmem>>) semaphore(%arg14 : memref<!tpu.dma_semaphore, #tpu.memory_space<semaphore_mem>>)
    %dma_start3A_11 = arith.constant 1 : i32
    %dma_start3A_12 = arith.constant 0 : i32
    %dma_start3A_13 = tpu.memref_slice %arg7[%dma_start3A_11, %dma_start3A_12] : memref<4x64xi32, #tpu.memory_space<vmem>> -> memref<1x64xi32, #tpu.memory_space<vmem>>
    %dma_start3A_14 = tpu.memref_squeeze %dma_start3A_13 : memref<1x64xi32, #tpu.memory_space<vmem>> -> memref<64xi32, #tpu.memory_space<vmem>>
    %dma_start3A_15 = arith.constant 0 : i32
    %dma_start3A_16 = arith.constant 0 : i32
    %dma_start3A_17 = tpu.memref_slice %arg4[%dma_start3A_15, %dma_start3A_16] : memref<42688x128xf32, #tpu.memory_space<hbm>> -> memref<42688x128xf32, #tpu.memory_space<hbm>>
    tpu.enqueue_indirect_dma source(%dma_start3A_17 : memref<42688x128xf32, #tpu.memory_space<hbm>>) target(%arg11 : memref<64x128xf32, #tpu.memory_space<vmem>>) offsets(%dma_start3A_14 : memref<64xi32, #tpu.memory_space<vmem>>) semaphore(%arg14 : memref<!tpu.dma_semaphore, #tpu.memory_space<semaphore_mem>>)
    %scan3A = arith.constant 0 : i32
    %scan3A_18 = arith.constant 0 : i32
    %scan3A_19 = arith.constant 79 : i32
    %scan3A_20 = arith.addi %scan3A_18, %scan3A_19 : i32
    %scan3A_21 = arith.constant 1 : i32
    scf.for %scan3A_28 = %scan3A_18 to %scan3A_20 step %scan3A_21  : i32 {
      %mul3A_29 = arith.constant 2 : i32
      %mul3A_30 = arith.muli %mul3A_29, %scan3A_28 : i32
      %add3A_31 = arith.constant 1 : i32
      %add3A_32 = arith.addi %mul3A_30, %add3A_31 : i32
      %lt3A = arith.constant 157 : i32
      %lt3A_33 = arith.cmpi slt, %add3A_32, %lt3A : i32
      %convert_element_type3A = arith.extui %lt3A_33 : i1 to i32
      %cond3A = arith.constant 0 : i32
      %cond3A_34 = arith.cmpi ne, %convert_element_type3A, %cond3A : i32
      scf.if %cond3A_34 {
        "tpu.region"() ({
          %run_scoped3A_77 = tpu.sem_alloc : memref<!tpu.dma_semaphore, #tpu.memory_space<semaphore_mem>>
          %dma_start3A_78 = arith.constant 0 : i32
          %dma_start3A_79 = arith.constant 0 : i32
          %dma_start3A_80 = tpu.memref_slice %arg2[%add3A, %add3A_32, %dma_start3A_78, %dma_start3A_79] : memref<32x157x4x64xi32, #tpu.memory_space<hbm>> -> memref<1x1x4x64xi32, #tpu.memory_space<hbm>>
          %dma_start3A_81 = tpu.memref_squeeze %dma_start3A_80 : memref<1x1x4x64xi32, #tpu.memory_space<hbm>> -> memref<4x64xi32, #tpu.memory_space<hbm>>
          %dma_start3A_82 = arith.constant 0 : i32
          %dma_start3A_83 = arith.constant 0 : i32
          %dma_start3A_84 = tpu.memref_slice %arg2[%add3A, %add3A_32, %dma_start3A_82, %dma_start3A_83] : memref<32x157x4x64xi32, #tpu.memory_space<hbm>> -> memref<1x1x4x64xi32, #tpu.memory_space<hbm>>
          %dma_start3A_85 = tpu.memref_squeeze %dma_start3A_84 : memref<1x1x4x64xi32, #tpu.memory_space<hbm>> -> memref<4x64xi32, #tpu.memory_space<hbm>>
          tpu.enqueue_dma source(%dma_start3A_85 : memref<4x64xi32, #tpu.memory_space<hbm>>) target(%arg8 : memref<4x64xi32, #tpu.memory_space<vmem>>) target_semaphore(%run_scoped3A_77 : memref<!tpu.dma_semaphore, #tpu.memory_space<semaphore_mem>>)
          %dma_wait3A_86 = arith.constant 0 : i32
          %dma_wait3A_87 = arith.constant 0 : i32
          %dma_wait3A_88 = tpu.memref_slice %arg2[%add3A, %add3A_32, %dma_wait3A_86, %dma_wait3A_87] : memref<32x157x4x64xi32, #tpu.memory_space<hbm>> -> memref<1x1x4x64xi32, #tpu.memory_space<hbm>>
          %dma_wait3A_89 = tpu.memref_squeeze %dma_wait3A_88 : memref<1x1x4x64xi32, #tpu.memory_space<hbm>> -> memref<4x64xi32, #tpu.memory_space<hbm>>
          %dma_wait3A_90 = arith.constant 0 : i32
          %dma_wait3A_91 = arith.constant 0 : i32
          %dma_wait3A_92 = tpu.memref_slice %arg2[%add3A, %add3A_32, %dma_wait3A_90, %dma_wait3A_91] : memref<32x157x4x64xi32, #tpu.memory_space<hbm>> -> memref<1x1x4x64xi32, #tpu.memory_space<hbm>>
          %dma_wait3A_93 = tpu.memref_squeeze %dma_wait3A_92 : memref<1x1x4x64xi32, #tpu.memory_space<hbm>> -> memref<4x64xi32, #tpu.memory_space<hbm>>
          tpu.wait_dma2 semaphore(%run_scoped3A_77 : memref<!tpu.dma_semaphore, #tpu.memory_space<semaphore_mem>>) src(%dma_wait3A_93 : memref<4x64xi32, #tpu.memory_space<hbm>>) dst(%arg8 : memref<4x64xi32, #tpu.memory_space<vmem>>)
          tpu.yield
        }) : () -> ()
        %dma_start3A_63 = arith.constant 0 : i32
        %dma_start3A_64 = arith.constant 0 : i32
        %dma_start3A_65 = tpu.memref_slice %arg8[%dma_start3A_63, %dma_start3A_64] : memref<4x64xi32, #tpu.memory_space<vmem>> -> memref<1x64xi32, #tpu.memory_space<vmem>>
        %dma_start3A_66 = tpu.memref_squeeze %dma_start3A_65 : memref<1x64xi32, #tpu.memory_space<vmem>> -> memref<64xi32, #tpu.memory_space<vmem>>
        %dma_start3A_67 = arith.constant 0 : i32
        %dma_start3A_68 = arith.constant 0 : i32
        %dma_start3A_69 = tpu.memref_slice %arg3[%dma_start3A_67, %dma_start3A_68] : memref<53824x16xf32, #tpu.memory_space<hbm>> -> memref<53824x16xf32, #tpu.memory_space<hbm>>
        tpu.enqueue_indirect_dma source(%dma_start3A_69 : memref<53824x16xf32, #tpu.memory_space<hbm>>) target(%arg10 : memref<64x16xf32, #tpu.memory_space<vmem>>) offsets(%dma_start3A_66 : memref<64xi32, #tpu.memory_space<vmem>>) semaphore(%arg15 : memref<!tpu.dma_semaphore, #tpu.memory_space<semaphore_mem>>)
        %dma_start3A_70 = arith.constant 1 : i32
        %dma_start3A_71 = arith.constant 0 : i32
        %dma_start3A_72 = tpu.memref_slice %arg8[%dma_start3A_70, %dma_start3A_71] : memref<4x64xi32, #tpu.memory_space<vmem>> -> memref<1x64xi32, #tpu.memory_space<vmem>>
        %dma_start3A_73 = tpu.memref_squeeze %dma_start3A_72 : memref<1x64xi32, #tpu.memory_space<vmem>> -> memref<64xi32, #tpu.memory_space<vmem>>
        %dma_start3A_74 = arith.constant 0 : i32
        %dma_start3A_75 = arith.constant 0 : i32
        %dma_start3A_76 = tpu.memref_slice %arg4[%dma_start3A_74, %dma_start3A_75] : memref<42688x128xf32, #tpu.memory_space<hbm>> -> memref<42688x128xf32, #tpu.memory_space<hbm>>
        tpu.enqueue_indirect_dma source(%dma_start3A_76 : memref<42688x128xf32, #tpu.memory_space<hbm>>) target(%arg12 : memref<64x128xf32, #tpu.memory_space<vmem>>) offsets(%dma_start3A_73 : memref<64xi32, #tpu.memory_space<vmem>>) semaphore(%arg15 : memref<!tpu.dma_semaphore, #tpu.memory_space<semaphore_mem>>)
      } else {
      }
      %dma_wait3A = arith.constant 0 : i32
      %dma_wait3A_35 = arith.constant 0 : i32
      %dma_wait3A_36 = tpu.memref_slice %arg7[%dma_wait3A, %dma_wait3A_35] : memref<4x64xi32, #tpu.memory_space<vmem>> -> memref<1x64xi32, #tpu.memory_space<vmem>>
      %dma_wait3A_37 = tpu.memref_squeeze %dma_wait3A_36 : memref<1x64xi32, #tpu.memory_space<vmem>> -> memref<64xi32, #tpu.memory_space<vmem>>
      %dma_wait3A_38 = arith.constant 0 : i32
      %dma_wait3A_39 = arith.constant 0 : i32
      %dma_wait3A_40 = tpu.memref_slice %arg3[%dma_wait3A_38, %dma_wait3A_39] : memref<53824x16xf32, #tpu.memory_space<hbm>> -> memref<53824x16xf32, #tpu.memory_space<hbm>>
      tpu.wait_indirect_dma semaphore(%arg14 : memref<!tpu.dma_semaphore, #tpu.memory_space<semaphore_mem>>) src(%dma_wait3A_40 : memref<53824x16xf32, #tpu.memory_space<hbm>>) dst(%arg9 : memref<64x16xf32, #tpu.memory_space<vmem>>)
      %dma_wait3A_41 = arith.constant 1 : i32
      %dma_wait3A_42 = arith.constant 0 : i32
      %dma_wait3A_43 = tpu.memref_slice %arg7[%dma_wait3A_41, %dma_wait3A_42] : memref<4x64xi32, #tpu.memory_space<vmem>> -> memref<1x64xi32, #tpu.memory_space<vmem>>
      %dma_wait3A_44 = tpu.memref_squeeze %dma_wait3A_43 : memref<1x64xi32, #tpu.memory_space<vmem>> -> memref<64xi32, #tpu.memory_space<vmem>>
      %dma_wait3A_45 = arith.constant 0 : i32
      %dma_wait3A_46 = arith.constant 0 : i32
      %dma_wait3A_47 = tpu.memref_slice %arg4[%dma_wait3A_45, %dma_wait3A_46] : memref<42688x128xf32, #tpu.memory_space<hbm>> -> memref<42688x128xf32, #tpu.memory_space<hbm>>
      tpu.wait_indirect_dma semaphore(%arg14 : memref<!tpu.dma_semaphore, #tpu.memory_space<semaphore_mem>>) src(%dma_wait3A_47 : memref<42688x128xf32, #tpu.memory_space<hbm>>) dst(%arg11 : memref<64x128xf32, #tpu.memory_space<vmem>>)
      %parallel_loop3A = arith.constant 0 : i32
      %parallel_loop3A_48 = arith.constant 64 : i32
      %parallel_loop3A_49 = arith.constant 1 : i32
      scf.for %parallel_loop3A_63 = %parallel_loop3A to %parallel_loop3A_48 step %parallel_loop3A_49  : i32 {
        %parallel_loop3A_64 = arith.index_cast %parallel_loop3A_63 : i32 to index
        %parallel_loop3A_65 = arith.constant 0 : index
        %parallel_loop3A_66 = tpu.vector_load %arg9[%parallel_loop3A_64, %parallel_loop3A_65] {strides = array<i32>} : memref<64x16xf32, #tpu.memory_space<vmem>>, vector<16xf32>,
        %parallel_loop3A_67 = arith.index_cast %parallel_loop3A_63 : i32 to index
        %parallel_loop3A_68 = arith.constant 0 : index
        %parallel_loop3A_69 = tpu.vector_load %arg11[%parallel_loop3A_67, %parallel_loop3A_68] {strides = array<i32>} : memref<64x128xf32, #tpu.memory_space<vmem>>, vector<16xf32>,
        %parallel_loop3A_70 = arith.mulf %parallel_loop3A_69, %parallel_loop3A_66 : vector<16xf32>
        %parallel_loop3A_71 = arith.index_cast %parallel_loop3A_63 : i32 to index
        %parallel_loop3A_72 = arith.constant 0 : index
        %parallel_loop3A_73 = tpu.vector_load %arg11[%parallel_loop3A_71, %parallel_loop3A_72] {strides = array<i32>} : memref<64x128xf32, #tpu.memory_space<vmem>>, vector<16xf32>,
        tpu.vector_store %arg11[%parallel_loop3A_71, %parallel_loop3A_72], %parallel_loop3A_70 {strides = array<i32>} : memref<64x128xf32, #tpu.memory_space<vmem>>, vector<16xf32>,
        %parallel_loop3A_74 = arith.index_cast %parallel_loop3A_63 : i32 to index
        %parallel_loop3A_75 = arith.constant 16 : index
        %parallel_loop3A_76 = tpu.vector_load %arg11[%parallel_loop3A_74, %parallel_loop3A_75] {strides = array<i32>} : memref<64x128xf32, #tpu.memory_space<vmem>>, vector<16xf32>,
        %parallel_loop3A_77 = arith.mulf %parallel_loop3A_76, %parallel_loop3A_66 : vector<16xf32>
        %parallel_loop3A_78 = arith.index_cast %parallel_loop3A_63 : i32 to index
        %parallel_loop3A_79 = arith.constant 16 : index
        %parallel_loop3A_80 = tpu.vector_load %arg11[%parallel_loop3A_78, %parallel_loop3A_79] {strides = array<i32>} : memref<64x128xf32, #tpu.memory_space<vmem>>, vector<16xf32>,
        tpu.vector_store %arg11[%parallel_loop3A_78, %parallel_loop3A_79], %parallel_loop3A_77 {strides = array<i32>} : memref<64x128xf32, #tpu.memory_space<vmem>>, vector<16xf32>,
        %parallel_loop3A_81 = arith.index_cast %parallel_loop3A_63 : i32 to index
        %parallel_loop3A_82 = arith.constant 32 : index
        %parallel_loop3A_83 = tpu.vector_load %arg11[%parallel_loop3A_81, %parallel_loop3A_82] {strides = array<i32>} : memref<64x128xf32, #tpu.memory_space<vmem>>, vector<16xf32>,
        %parallel_loop3A_84 = arith.mulf %parallel_loop3A_83, %parallel_loop3A_66 : vector<16xf32>
        %parallel_loop3A_85 = arith.index_cast %parallel_loop3A_63 : i32 to index
        %parallel_loop3A_86 = arith.constant 32 : index
        %parallel_loop3A_87 = tpu.vector_load %arg11[%parallel_loop3A_85, %parallel_loop3A_86] {strides = array<i32>} : memref<64x128xf32, #tpu.memory_space<vmem>>, vector<16xf32>,
        tpu.vector_store %arg11[%parallel_loop3A_85, %parallel_loop3A_86], %parallel_loop3A_84 {strides = array<i32>} : memref<64x128xf32, #tpu.memory_space<vmem>>, vector<16xf32>,
        %parallel_loop3A_88 = arith.index_cast %parallel_loop3A_63 : i32 to index
        %parallel_loop3A_89 = arith.constant 48 : index
        %parallel_loop3A_90 = tpu.vector_load %arg11[%parallel_loop3A_88, %parallel_loop3A_89] {strides = array<i32>} : memref<64x128xf32, #tpu.memory_space<vmem>>, vector<16xf32>,
        %parallel_loop3A_91 = arith.mulf %parallel_loop3A_90, %parallel_loop3A_66 : vector<16xf32>
        %parallel_loop3A_92 = arith.index_cast %parallel_loop3A_63 : i32 to index
        %parallel_loop3A_93 = arith.constant 48 : index
        %parallel_loop3A_94 = tpu.vector_load %arg11[%parallel_loop3A_92, %parallel_loop3A_93] {strides = array<i32>} : memref<64x128xf32, #tpu.memory_space<vmem>>, vector<16xf32>,
        tpu.vector_store %arg11[%parallel_loop3A_92, %parallel_loop3A_93], %parallel_loop3A_91 {strides = array<i32>} : memref<64x128xf32, #tpu.memory_space<vmem>>, vector<16xf32>,
        %parallel_loop3A_95 = arith.index_cast %parallel_loop3A_63 : i32 to index
        %parallel_loop3A_96 = arith.constant 64 : index
        %parallel_loop3A_97 = tpu.vector_load %arg11[%parallel_loop3A_95, %parallel_loop3A_96] {strides = array<i32>} : memref<64x128xf32, #tpu.memory_space<vmem>>, vector<16xf32>,
        %parallel_loop3A_98 = arith.mulf %parallel_loop3A_97, %parallel_loop3A_66 : vector<16xf32>
        %parallel_loop3A_99 = arith.index_cast %parallel_loop3A_63 : i32 to index
        %parallel_loop3A_100 = arith.constant 64 : index
        %parallel_loop3A_101 = tpu.vector_load %arg11[%parallel_loop3A_99, %parallel_loop3A_100] {strides = array<i32>} : memref<64x128xf32, #tpu.memory_space<vmem>>, vector<16xf32>,
        tpu.vector_store %arg11[%parallel_loop3A_99, %parallel_loop3A_100], %parallel_loop3A_98 {strides = array<i32>} : memref<64x128xf32, #tpu.memory_space<vmem>>, vector<16xf32>,
        %parallel_loop3A_102 = arith.index_cast %parallel_loop3A_63 : i32 to index
        %parallel_loop3A_103 = arith.constant 80 : index
        %parallel_loop3A_104 = tpu.vector_load %arg11[%parallel_loop3A_102, %parallel_loop3A_103] {strides = array<i32>} : memref<64x128xf32, #tpu.memory_space<vmem>>, vector<16xf32>,
        %parallel_loop3A_105 = arith.mulf %parallel_loop3A_104, %parallel_loop3A_66 : vector<16xf32>
        %parallel_loop3A_106 = arith.index_cast %parallel_loop3A_63 : i32 to index
        %parallel_loop3A_107 = arith.constant 80 : index
        %parallel_loop3A_108 = tpu.vector_load %arg11[%parallel_loop3A_106, %parallel_loop3A_107] {strides = array<i32>} : memref<64x128xf32, #tpu.memory_space<vmem>>, vector<16xf32>,
        tpu.vector_store %arg11[%parallel_loop3A_106, %parallel_loop3A_107], %parallel_loop3A_105 {strides = array<i32>} : memref<64x128xf32, #tpu.memory_space<vmem>>, vector<16xf32>,
        %parallel_loop3A_109 = arith.index_cast %parallel_loop3A_63 : i32 to index
        %parallel_loop3A_110 = arith.constant 96 : index
        %parallel_loop3A_111 = tpu.vector_load %arg11[%parallel_loop3A_109, %parallel_loop3A_110] {strides = array<i32>} : memref<64x128xf32, #tpu.memory_space<vmem>>, vector<16xf32>,
        %parallel_loop3A_112 = arith.mulf %parallel_loop3A_111, %parallel_loop3A_66 : vector<16xf32>
        %parallel_loop3A_113 = arith.index_cast %parallel_loop3A_63 : i32 to index
        %parallel_loop3A_114 = arith.constant 96 : index
        %parallel_loop3A_115 = tpu.vector_load %arg11[%parallel_loop3A_113, %parallel_loop3A_114] {strides = array<i32>} : memref<64x128xf32, #tpu.memory_space<vmem>>, vector<16xf32>,
        tpu.vector_store %arg11[%parallel_loop3A_113, %parallel_loop3A_114], %parallel_loop3A_112 {strides = array<i32>} : memref<64x128xf32, #tpu.memory_space<vmem>>, vector<16xf32>,
        %parallel_loop3A_116 = arith.index_cast %parallel_loop3A_63 : i32 to index
        %parallel_loop3A_117 = arith.constant 112 : index
        %parallel_loop3A_118 = tpu.vector_load %arg11[%parallel_loop3A_116, %parallel_loop3A_117] {strides = array<i32>} : memref<64x128xf32, #tpu.memory_space<vmem>>, vector<16xf32>,
        %parallel_loop3A_119 = arith.mulf %parallel_loop3A_118, %parallel_loop3A_66 : vector<16xf32>
        %parallel_loop3A_120 = arith.index_cast %parallel_loop3A_63 : i32 to index
        %parallel_loop3A_121 = arith.constant 112 : index
        %parallel_loop3A_122 = tpu.vector_load %arg11[%parallel_loop3A_120, %parallel_loop3A_121] {strides = array<i32>} : memref<64x128xf32, #tpu.memory_space<vmem>>, vector<16xf32>,
        tpu.vector_store %arg11[%parallel_loop3A_120, %parallel_loop3A_121], %parallel_loop3A_119 {strides = array<i32>} : memref<64x128xf32, #tpu.memory_space<vmem>>, vector<16xf32>,
      } {sc.loop_unroll_factor = 4 : i64, sc.parallel_access}
      %run_scoped3A_50 = arith.constant 3 : i32
      "tpu.region"() ({
        %run_scoped3A_63 = tpu.sem_alloc : memref<!tpu.dma_semaphore, #tpu.memory_space<semaphore_mem>>
        %dma_start3A_64 = arith.constant 0 : i32
        %dma_start3A_65 = tpu.memref_slice %arg7[%run_scoped3A_50, %dma_start3A_64] : memref<4x64xi32, #tpu.memory_space<vmem>> -> memref<1x64xi32, #tpu.memory_space<vmem>>
        %dma_start3A_66 = tpu.memref_squeeze %dma_start3A_65 : memref<1x64xi32, #tpu.memory_space<vmem>> -> memref<64xi32, #tpu.memory_space<vmem>>
        %dma_start3A_67 = arith.constant 0 : i32
        %dma_start3A_68 = arith.constant 0 : i32
        %dma_start3A_69 = tpu.memref_slice %arg13[%dma_start3A_67, %dma_start3A_68] : memref<10112x128xf32, #tpu.memory_space<vmem_shared>> -> memref<10112x128xf32, #tpu.memory_space<vmem_shared>>
        tpu.enqueue_indirect_dma source(%arg11 : memref<64x128xf32, #tpu.memory_space<vmem>>) target(%dma_start3A_69 : memref<10112x128xf32, #tpu.memory_space<vmem_shared>>) offsets(%dma_start3A_66 : memref<64xi32, #tpu.memory_space<vmem>>) semaphore(%run_scoped3A_63 : memref<!tpu.dma_semaphore, #tpu.memory_space<semaphore_mem>>) {add = true}
        %dma_wait3A_70 = arith.constant 0 : i32
        %dma_wait3A_71 = tpu.memref_slice %arg7[%run_scoped3A_50, %dma_wait3A_70] : memref<4x64xi32, #tpu.memory_space<vmem>> -> memref<1x64xi32, #tpu.memory_space<vmem>>
        %dma_wait3A_72 = tpu.memref_squeeze %dma_wait3A_71 : memref<1x64xi32, #tpu.memory_space<vmem>> -> memref<64xi32, #tpu.memory_space<vmem>>
        %dma_wait3A_73 = arith.constant 0 : i32
        %dma_wait3A_74 = arith.constant 0 : i32
        %dma_wait3A_75 = tpu.memref_slice %arg13[%dma_wait3A_73, %dma_wait3A_74] : memref<10112x128xf32, #tpu.memory_space<vmem_shared>> -> memref<10112x128xf32, #tpu.memory_space<vmem_shared>>
        tpu.wait_indirect_dma semaphore(%run_scoped3A_63 : memref<!tpu.dma_semaphore, #tpu.memory_space<semaphore_mem>>) src(%arg11 : memref<64x128xf32, #tpu.memory_space<vmem>>) dst(%dma_wait3A_75 : memref<10112x128xf32, #tpu.memory_space<vmem_shared>>)
        tpu.yield
      }) : () -> ()
      %add3A_51 = arith.constant 2 : i32
      %add3A_52 = arith.addi %mul3A_30, %add3A_51 : i32
      %lt3A_53 = arith.constant 157 : i32
      %lt3A_54 = arith.cmpi slt, %add3A_52, %lt3A_53 : i32
      %convert_element_type3A_55 = arith.extui %lt3A_54 : i1 to i32
      %cond3A_56 = arith.constant 0 : i32
      %cond3A_57 = arith.cmpi ne, %convert_element_type3A_55, %cond3A_56 : i32
      scf.if %cond3A_57 {
        %add3A_63 = arith.constant 2 : i32
        %add3A_64 = arith.addi %mul3A_30, %add3A_63 : i32
        "tpu.region"() ({
          %run_scoped3A_79 = tpu.sem_alloc : memref<!tpu.dma_semaphore, #tpu.memory_space<semaphore_mem>>
          %dma_start3A_80 = arith.constant 0 : i32
          %dma_start3A_81 = arith.constant 0 : i32
          %dma_start3A_82 = tpu.memref_slice %arg2[%add3A, %add3A_64, %dma_start3A_80, %dma_start3A_81] : memref<32x157x4x64xi32, #tpu.memory_space<hbm>> -> memref<1x1x4x64xi32, #tpu.memory_space<hbm>>
          %dma_start3A_83 = tpu.memref_squeeze %dma_start3A_82 : memref<1x1x4x64xi32, #tpu.memory_space<hbm>> -> memref<4x64xi32, #tpu.memory_space<hbm>>
          %dma_start3A_84 = arith.constant 0 : i32
          %dma_start3A_85 = arith.constant 0 : i32
          %dma_start3A_86 = tpu.memref_slice %arg2[%add3A, %add3A_64, %dma_start3A_84, %dma_start3A_85] : memref<32x157x4x64xi32, #tpu.memory_space<hbm>> -> memref<1x1x4x64xi32, #tpu.memory_space<hbm>>
          %dma_start3A_87 = tpu.memref_squeeze %dma_start3A_86 : memref<1x1x4x64xi32, #tpu.memory_space<hbm>> -> memref<4x64xi32, #tpu.memory_space<hbm>>
          tpu.enqueue_dma source(%dma_start3A_87 : memref<4x64xi32, #tpu.memory_space<hbm>>) target(%arg7 : memref<4x64xi32, #tpu.memory_space<vmem>>) target_semaphore(%run_scoped3A_79 : memref<!tpu.dma_semaphore, #tpu.memory_space<semaphore_mem>>)
          %dma_wait3A_88 = arith.constant 0 : i32
          %dma_wait3A_89 = arith.constant 0 : i32
          %dma_wait3A_90 = tpu.memref_slice %arg2[%add3A, %add3A_64, %dma_wait3A_88, %dma_wait3A_89] : memref<32x157x4x64xi32, #tpu.memory_space<hbm>> -> memref<1x1x4x64xi32, #tpu.memory_space<hbm>>
          %dma_wait3A_91 = tpu.memref_squeeze %dma_wait3A_90 : memref<1x1x4x64xi32, #tpu.memory_space<hbm>> -> memref<4x64xi32, #tpu.memory_space<hbm>>
          %dma_wait3A_92 = arith.constant 0 : i32
          %dma_wait3A_93 = arith.constant 0 : i32
          %dma_wait3A_94 = tpu.memref_slice %arg2[%add3A, %add3A_64, %dma_wait3A_92, %dma_wait3A_93] : memref<32x157x4x64xi32, #tpu.memory_space<hbm>> -> memref<1x1x4x64xi32, #tpu.memory_space<hbm>>
          %dma_wait3A_95 = tpu.memref_squeeze %dma_wait3A_94 : memref<1x1x4x64xi32, #tpu.memory_space<hbm>> -> memref<4x64xi32, #tpu.memory_space<hbm>>
          tpu.wait_dma2 semaphore(%run_scoped3A_79 : memref<!tpu.dma_semaphore, #tpu.memory_space<semaphore_mem>>) src(%dma_wait3A_95 : memref<4x64xi32, #tpu.memory_space<hbm>>) dst(%arg7 : memref<4x64xi32, #tpu.memory_space<vmem>>)
          tpu.yield
        }) : () -> ()
        %dma_start3A_65 = arith.constant 0 : i32
        %dma_start3A_66 = arith.constant 0 : i32
        %dma_start3A_67 = tpu.memref_slice %arg7[%dma_start3A_65, %dma_start3A_66] : memref<4x64xi32, #tpu.memory_space<vmem>> -> memref<1x64xi32, #tpu.memory_space<vmem>>
        %dma_start3A_68 = tpu.memref_squeeze %dma_start3A_67 : memref<1x64xi32, #tpu.memory_space<vmem>> -> memref<64xi32, #tpu.memory_space<vmem>>
        %dma_start3A_69 = arith.constant 0 : i32
        %dma_start3A_70 = arith.constant 0 : i32
        %dma_start3A_71 = tpu.memref_slice %arg3[%dma_start3A_69, %dma_start3A_70] : memref<53824x16xf32, #tpu.memory_space<hbm>> -> memref<53824x16xf32, #tpu.memory_space<hbm>>
        tpu.enqueue_indirect_dma source(%dma_start3A_71 : memref<53824x16xf32, #tpu.memory_space<hbm>>) target(%arg9 : memref<64x16xf32, #tpu.memory_space<vmem>>) offsets(%dma_start3A_68 : memref<64xi32, #tpu.memory_space<vmem>>) semaphore(%arg14 : memref<!tpu.dma_semaphore, #tpu.memory_space<semaphore_mem>>)
        %dma_start3A_72 = arith.constant 1 : i32
        %dma_start3A_73 = arith.constant 0 : i32
        %dma_start3A_74 = tpu.memref_slice %arg7[%dma_start3A_72, %dma_start3A_73] : memref<4x64xi32, #tpu.memory_space<vmem>> -> memref<1x64xi32, #tpu.memory_space<vmem>>
        %dma_start3A_75 = tpu.memref_squeeze %dma_start3A_74 : memref<1x64xi32, #tpu.memory_space<vmem>> -> memref<64xi32, #tpu.memory_space<vmem>>
        %dma_start3A_76 = arith.constant 0 : i32
        %dma_start3A_77 = arith.constant 0 : i32
        %dma_start3A_78 = tpu.memref_slice %arg4[%dma_start3A_76, %dma_start3A_77] : memref<42688x128xf32, #tpu.memory_space<hbm>> -> memref<42688x128xf32, #tpu.memory_space<hbm>>
        tpu.enqueue_indirect_dma source(%dma_start3A_78 : memref<42688x128xf32, #tpu.memory_space<hbm>>) target(%arg11 : memref<64x128xf32, #tpu.memory_space<vmem>>) offsets(%dma_start3A_75 : memref<64xi32, #tpu.memory_space<vmem>>) semaphore(%arg14 : memref<!tpu.dma_semaphore, #tpu.memory_space<semaphore_mem>>)
      } else {
      }
      %lt3A_58 = arith.constant 157 : i32
      %lt3A_59 = arith.cmpi slt, %add3A_32, %lt3A_58 : i32
      %convert_element_type3A_60 = arith.extui %lt3A_59 : i1 to i32
      %cond3A_61 = arith.constant 0 : i32
      %cond3A_62 = arith.cmpi ne, %convert_element_type3A_60, %cond3A_61 : i32
      scf.if %cond3A_62 {
        %dma_wait3A_63 = arith.constant 0 : i32
        %dma_wait3A_64 = arith.constant 0 : i32
        %dma_wait3A_65 = tpu.memref_slice %arg8[%dma_wait3A_63, %dma_wait3A_64] : memref<4x64xi32, #tpu.memory_space<vmem>> -> memref<1x64xi32, #tpu.memory_space<vmem>>
        %dma_wait3A_66 = tpu.memref_squeeze %dma_wait3A_65 : memref<1x64xi32, #tpu.memory_space<vmem>> -> memref<64xi32, #tpu.memory_space<vmem>>
        %dma_wait3A_67 = arith.constant 0 : i32
        %dma_wait3A_68 = arith.constant 0 : i32
        %dma_wait3A_69 = tpu.memref_slice %arg3[%dma_wait3A_67, %dma_wait3A_68] : memref<53824x16xf32, #tpu.memory_space<hbm>> -> memref<53824x16xf32, #tpu.memory_space<hbm>>
        tpu.wait_indirect_dma semaphore(%arg15 : memref<!tpu.dma_semaphore, #tpu.memory_space<semaphore_mem>>) src(%dma_wait3A_69 : memref<53824x16xf32, #tpu.memory_space<hbm>>) dst(%arg10 : memref<64x16xf32, #tpu.memory_space<vmem>>)
        %dma_wait3A_70 = arith.constant 1 : i32
        %dma_wait3A_71 = arith.constant 0 : i32
        %dma_wait3A_72 = tpu.memref_slice %arg8[%dma_wait3A_70, %dma_wait3A_71] : memref<4x64xi32, #tpu.memory_space<vmem>> -> memref<1x64xi32, #tpu.memory_space<vmem>>
        %dma_wait3A_73 = tpu.memref_squeeze %dma_wait3A_72 : memref<1x64xi32, #tpu.memory_space<vmem>> -> memref<64xi32, #tpu.memory_space<vmem>>
        %dma_wait3A_74 = arith.constant 0 : i32
        %dma_wait3A_75 = arith.constant 0 : i32
        %dma_wait3A_76 = tpu.memref_slice %arg4[%dma_wait3A_74, %dma_wait3A_75] : memref<42688x128xf32, #tpu.memory_space<hbm>> -> memref<42688x128xf32, #tpu.memory_space<hbm>>
        tpu.wait_indirect_dma semaphore(%arg15 : memref<!tpu.dma_semaphore, #tpu.memory_space<semaphore_mem>>) src(%dma_wait3A_76 : memref<42688x128xf32, #tpu.memory_space<hbm>>) dst(%arg12 : memref<64x128xf32, #tpu.memory_space<vmem>>)
        %parallel_loop3A_77 = arith.constant 0 : i32
        %parallel_loop3A_78 = arith.constant 64 : i32
        %parallel_loop3A_79 = arith.constant 1 : i32
        scf.for %parallel_loop3A_81 = %parallel_loop3A_77 to %parallel_loop3A_78 step %parallel_loop3A_79  : i32 {
          %parallel_loop3A_82 = arith.index_cast %parallel_loop3A_81 : i32 to index
          %parallel_loop3A_83 = arith.constant 0 : index
          %parallel_loop3A_84 = tpu.vector_load %arg10[%parallel_loop3A_82, %parallel_loop3A_83] {strides = array<i32>} : memref<64x16xf32, #tpu.memory_space<vmem>>, vector<16xf32>,
          %parallel_loop3A_85 = arith.index_cast %parallel_loop3A_81 : i32 to index
          %parallel_loop3A_86 = arith.constant 0 : index
          %parallel_loop3A_87 = tpu.vector_load %arg12[%parallel_loop3A_85, %parallel_loop3A_86] {strides = array<i32>} : memref<64x128xf32, #tpu.memory_space<vmem>>, vector<16xf32>,
          %parallel_loop3A_88 = arith.mulf %parallel_loop3A_87, %parallel_loop3A_84 : vector<16xf32>
          %parallel_loop3A_89 = arith.index_cast %parallel_loop3A_81 : i32 to index
          %parallel_loop3A_90 = arith.constant 0 : index
          %parallel_loop3A_91 = tpu.vector_load %arg12[%parallel_loop3A_89, %parallel_loop3A_90] {strides = array<i32>} : memref<64x128xf32, #tpu.memory_space<vmem>>, vector<16xf32>,
          tpu.vector_store %arg12[%parallel_loop3A_89, %parallel_loop3A_90], %parallel_loop3A_88 {strides = array<i32>} : memref<64x128xf32, #tpu.memory_space<vmem>>, vector<16xf32>,
          %parallel_loop3A_92 = arith.index_cast %parallel_loop3A_81 : i32 to index
          %parallel_loop3A_93 = arith.constant 16 : index
          %parallel_loop3A_94 = tpu.vector_load %arg12[%parallel_loop3A_92, %parallel_loop3A_93] {strides = array<i32>} : memref<64x128xf32, #tpu.memory_space<vmem>>, vector<16xf32>,
          %parallel_loop3A_95 = arith.mulf %parallel_loop3A_94, %parallel_loop3A_84 : vector<16xf32>
          %parallel_loop3A_96 = arith.index_cast %parallel_loop3A_81 : i32 to index
          %parallel_loop3A_97 = arith.constant 16 : index
          %parallel_loop3A_98 = tpu.vector_load %arg12[%parallel_loop3A_96, %parallel_loop3A_97] {strides = array<i32>} : memref<64x128xf32, #tpu.memory_space<vmem>>, vector<16xf32>,
          tpu.vector_store %arg12[%parallel_loop3A_96, %parallel_loop3A_97], %parallel_loop3A_95 {strides = array<i32>} : memref<64x128xf32, #tpu.memory_space<vmem>>, vector<16xf32>,
          %parallel_loop3A_99 = arith.index_cast %parallel_loop3A_81 : i32 to index
          %parallel_loop3A_100 = arith.constant 32 : index
          %parallel_loop3A_101 = tpu.vector_load %arg12[%parallel_loop3A_99, %parallel_loop3A_100] {strides = array<i32>} : memref<64x128xf32, #tpu.memory_space<vmem>>, vector<16xf32>,
          %parallel_loop3A_102 = arith.mulf %parallel_loop3A_101, %parallel_loop3A_84 : vector<16xf32>
          %parallel_loop3A_103 = arith.index_cast %parallel_loop3A_81 : i32 to index
          %parallel_loop3A_104 = arith.constant 32 : index
          %parallel_loop3A_105 = tpu.vector_load %arg12[%parallel_loop3A_103, %parallel_loop3A_104] {strides = array<i32>} : memref<64x128xf32, #tpu.memory_space<vmem>>, vector<16xf32>,
          tpu.vector_store %arg12[%parallel_loop3A_103, %parallel_loop3A_104], %parallel_loop3A_102 {strides = array<i32>} : memref<64x128xf32, #tpu.memory_space<vmem>>, vector<16xf32>,
          %parallel_loop3A_106 = arith.index_cast %parallel_loop3A_81 : i32 to index
          %parallel_loop3A_107 = arith.constant 48 : index
          %parallel_loop3A_108 = tpu.vector_load %arg12[%parallel_loop3A_106, %parallel_loop3A_107] {strides = array<i32>} : memref<64x128xf32, #tpu.memory_space<vmem>>, vector<16xf32>,
          %parallel_loop3A_109 = arith.mulf %parallel_loop3A_108, %parallel_loop3A_84 : vector<16xf32>
          %parallel_loop3A_110 = arith.index_cast %parallel_loop3A_81 : i32 to index
          %parallel_loop3A_111 = arith.constant 48 : index
          %parallel_loop3A_112 = tpu.vector_load %arg12[%parallel_loop3A_110, %parallel_loop3A_111] {strides = array<i32>} : memref<64x128xf32, #tpu.memory_space<vmem>>, vector<16xf32>,
          tpu.vector_store %arg12[%parallel_loop3A_110, %parallel_loop3A_111], %parallel_loop3A_109 {strides = array<i32>} : memref<64x128xf32, #tpu.memory_space<vmem>>, vector<16xf32>,
          %parallel_loop3A_113 = arith.index_cast %parallel_loop3A_81 : i32 to index
          %parallel_loop3A_114 = arith.constant 64 : index
          %parallel_loop3A_115 = tpu.vector_load %arg12[%parallel_loop3A_113, %parallel_loop3A_114] {strides = array<i32>} : memref<64x128xf32, #tpu.memory_space<vmem>>, vector<16xf32>,
          %parallel_loop3A_116 = arith.mulf %parallel_loop3A_115, %parallel_loop3A_84 : vector<16xf32>
          %parallel_loop3A_117 = arith.index_cast %parallel_loop3A_81 : i32 to index
          %parallel_loop3A_118 = arith.constant 64 : index
          %parallel_loop3A_119 = tpu.vector_load %arg12[%parallel_loop3A_117, %parallel_loop3A_118] {strides = array<i32>} : memref<64x128xf32, #tpu.memory_space<vmem>>, vector<16xf32>,
          tpu.vector_store %arg12[%parallel_loop3A_117, %parallel_loop3A_118], %parallel_loop3A_116 {strides = array<i32>} : memref<64x128xf32, #tpu.memory_space<vmem>>, vector<16xf32>,
          %parallel_loop3A_120 = arith.index_cast %parallel_loop3A_81 : i32 to index
          %parallel_loop3A_121 = arith.constant 80 : index
          %parallel_loop3A_122 = tpu.vector_load %arg12[%parallel_loop3A_120, %parallel_loop3A_121] {strides = array<i32>} : memref<64x128xf32, #tpu.memory_space<vmem>>, vector<16xf32>,
          %parallel_loop3A_123 = arith.mulf %parallel_loop3A_122, %parallel_loop3A_84 : vector<16xf32>
          %parallel_loop3A_124 = arith.index_cast %parallel_loop3A_81 : i32 to index
          %parallel_loop3A_125 = arith.constant 80 : index
          %parallel_loop3A_126 = tpu.vector_load %arg12[%parallel_loop3A_124, %parallel_loop3A_125] {strides = array<i32>} : memref<64x128xf32, #tpu.memory_space<vmem>>, vector<16xf32>,
          tpu.vector_store %arg12[%parallel_loop3A_124, %parallel_loop3A_125], %parallel_loop3A_123 {strides = array<i32>} : memref<64x128xf32, #tpu.memory_space<vmem>>, vector<16xf32>,
          %parallel_loop3A_127 = arith.index_cast %parallel_loop3A_81 : i32 to index
          %parallel_loop3A_128 = arith.constant 96 : index
          %parallel_loop3A_129 = tpu.vector_load %arg12[%parallel_loop3A_127, %parallel_loop3A_128] {strides = array<i32>} : memref<64x128xf32, #tpu.memory_space<vmem>>, vector<16xf32>,
          %parallel_loop3A_130 = arith.mulf %parallel_loop3A_129, %parallel_loop3A_84 : vector<16xf32>
          %parallel_loop3A_131 = arith.index_cast %parallel_loop3A_81 : i32 to index
          %parallel_loop3A_132 = arith.constant 96 : index
          %parallel_loop3A_133 = tpu.vector_load %arg12[%parallel_loop3A_131, %parallel_loop3A_132] {strides = array<i32>} : memref<64x128xf32, #tpu.memory_space<vmem>>, vector<16xf32>,
          tpu.vector_store %arg12[%parallel_loop3A_131, %parallel_loop3A_132], %parallel_loop3A_130 {strides = array<i32>} : memref<64x128xf32, #tpu.memory_space<vmem>>, vector<16xf32>,
          %parallel_loop3A_134 = arith.index_cast %parallel_loop3A_81 : i32 to index
          %parallel_loop3A_135 = arith.constant 112 : index
          %parallel_loop3A_136 = tpu.vector_load %arg12[%parallel_loop3A_134, %parallel_loop3A_135] {strides = array<i32>} : memref<64x128xf32, #tpu.memory_space<vmem>>, vector<16xf32>,
          %parallel_loop3A_137 = arith.mulf %parallel_loop3A_136, %parallel_loop3A_84 : vector<16xf32>
          %parallel_loop3A_138 = arith.index_cast %parallel_loop3A_81 : i32 to index
          %parallel_loop3A_139 = arith.constant 112 : index
          %parallel_loop3A_140 = tpu.vector_load %arg12[%parallel_loop3A_138, %parallel_loop3A_139] {strides = array<i32>} : memref<64x128xf32, #tpu.memory_space<vmem>>, vector<16xf32>,
          tpu.vector_store %arg12[%parallel_loop3A_138, %parallel_loop3A_139], %parallel_loop3A_137 {strides = array<i32>} : memref<64x128xf32, #tpu.memory_space<vmem>>, vector<16xf32>,
        } {sc.loop_unroll_factor = 4 : i64, sc.parallel_access}
        %run_scoped3A_80 = arith.constant 3 : i32
        "tpu.region"() ({
          %run_scoped3A_81 = tpu.sem_alloc : memref<!tpu.dma_semaphore, #tpu.memory_space<semaphore_mem>>
          %dma_start3A_82 = arith.constant 0 : i32
          %dma_start3A_83 = tpu.memref_slice %arg8[%run_scoped3A_80, %dma_start3A_82] : memref<4x64xi32, #tpu.memory_space<vmem>> -> memref<1x64xi32, #tpu.memory_space<vmem>>
          %dma_start3A_84 = tpu.memref_squeeze %dma_start3A_83 : memref<1x64xi32, #tpu.memory_space<vmem>> -> memref<64xi32, #tpu.memory_space<vmem>>
          %dma_start3A_85 = arith.constant 0 : i32
          %dma_start3A_86 = arith.constant 0 : i32
          %dma_start3A_87 = tpu.memref_slice %arg13[%dma_start3A_85, %dma_start3A_86] : memref<10112x128xf32, #tpu.memory_space<vmem_shared>> -> memref<10112x128xf32, #tpu.memory_space<vmem_shared>>
          tpu.enqueue_indirect_dma source(%arg12 : memref<64x128xf32, #tpu.memory_space<vmem>>) target(%dma_start3A_87 : memref<10112x128xf32, #tpu.memory_space<vmem_shared>>) offsets(%dma_start3A_84 : memref<64xi32, #tpu.memory_space<vmem>>) semaphore(%run_scoped3A_81 : memref<!tpu.dma_semaphore, #tpu.memory_space<semaphore_mem>>) {add = true}
          %dma_wait3A_88 = arith.constant 0 : i32
          %dma_wait3A_89 = tpu.memref_slice %arg8[%run_scoped3A_80, %dma_wait3A_88] : memref<4x64xi32, #tpu.memory_space<vmem>> -> memref<1x64xi32, #tpu.memory_space<vmem>>
          %dma_wait3A_90 = tpu.memref_squeeze %dma_wait3A_89 : memref<1x64xi32, #tpu.memory_space<vmem>> -> memref<64xi32, #tpu.memory_space<vmem>>
          %dma_wait3A_91 = arith.constant 0 : i32
          %dma_wait3A_92 = arith.constant 0 : i32
          %dma_wait3A_93 = tpu.memref_slice %arg13[%dma_wait3A_91, %dma_wait3A_92] : memref<10112x128xf32, #tpu.memory_space<vmem_shared>> -> memref<10112x128xf32, #tpu.memory_space<vmem_shared>>
          tpu.wait_indirect_dma semaphore(%run_scoped3A_81 : memref<!tpu.dma_semaphore, #tpu.memory_space<semaphore_mem>>) src(%arg12 : memref<64x128xf32, #tpu.memory_space<vmem>>) dst(%dma_wait3A_93 : memref<10112x128xf32, #tpu.memory_space<vmem_shared>>)
          tpu.yield
        }) : () -> ()
      } else {
      }
    }
    %scan3A_22 = arith.constant 79 : i32
    %barrier3A_23 = arith.constant 0 : index
    tpu.barrier barrier_id(%barrier3A_23)
    %mul3A_24 = arith.constant 632 : i32
    %mul3A_25 = arith.muli %arg1, %mul3A_24 : i32
    %mul3A_26 = arith.constant 632 : i32
    %mul3A_27 = arith.muli %arg1, %mul3A_26 : i32
    "tpu.region"() ({
      %run_scoped3A_28 = tpu.sem_alloc : memref<!tpu.dma_semaphore, #tpu.memory_space<semaphore_mem>>
      %dma_start3A_29 = arith.constant 0 : i32
      %dma_start3A_30 = tpu.memref_slice %arg6[%arg0, %mul3A_27, %dma_start3A_29] : memref<2x10112x128xf32, #tpu.memory_space<hbm>> -> memref<1x632x128xf32, #tpu.memory_space<hbm>>
      %dma_start3A_31 = tpu.memref_squeeze %dma_start3A_30 : memref<1x632x128xf32, #tpu.memory_space<hbm>> -> memref<632x128xf32, #tpu.memory_space<hbm>>
      %dma_start3A_32 = arith.constant 0 : i32
      %dma_start3A_33 = tpu.memref_slice %arg13[%mul3A_25, %dma_start3A_32] : memref<10112x128xf32, #tpu.memory_space<vmem_shared>> -> memref<632x128xf32, #tpu.memory_space<vmem_shared>>
      tpu.enqueue_dma source(%dma_start3A_33 : memref<632x128xf32, #tpu.memory_space<vmem_shared>>) target(%dma_start3A_31 : memref<632x128xf32, #tpu.memory_space<hbm>>) target_semaphore(%run_scoped3A_28 : memref<!tpu.dma_semaphore, #tpu.memory_space<semaphore_mem>>)
      %dma_wait3A = arith.constant 0 : i32
      %dma_wait3A_34 = tpu.memref_slice %arg6[%arg0, %mul3A_27, %dma_wait3A] : memref<2x10112x128xf32, #tpu.memory_space<hbm>> -> memref<1x632x128xf32, #tpu.memory_space<hbm>>
      %dma_wait3A_35 = tpu.memref_squeeze %dma_wait3A_34 : memref<1x632x128xf32, #tpu.memory_space<hbm>> -> memref<632x128xf32, #tpu.memory_space<hbm>>
      %dma_wait3A_36 = arith.constant 0 : i32
      %dma_wait3A_37 = tpu.memref_slice %arg13[%mul3A_25, %dma_wait3A_36] : memref<10112x128xf32, #tpu.memory_space<vmem_shared>> -> memref<632x128xf32, #tpu.memory_space<vmem_shared>>
      tpu.wait_dma2 semaphore(%run_scoped3A_28 : memref<!tpu.dma_semaphore, #tpu.memory_space<semaphore_mem>>) src(%dma_wait3A_37 : memref<632x128xf32, #tpu.memory_space<vmem_shared>>) dst(%dma_wait3A_35 : memref<632x128xf32, #tpu.memory_space<hbm>>)
      tpu.yield
    }) : () -> ()
    return
  }
}

#map = affine_map<(d0, d1) -> (0, 0, 0, 0)>
#map1 = affine_map<(d0, d1) -> (0, 0)>
#map2 = affine_map<(d0, d1) -> (0)>
#map3 = affine_map<(d0, d1) -> (0, 0, 0)>
module attributes {stable_mosaic.version = 14 : i64} {
  func.func @_edge_body(%arg0: i32, %arg1: i32, %arg2: memref<32x157x4x64xi32, #tpu.memory_space<hbm>>, %arg3: memref<10000x192xf32, #tpu.memory_space<hbm>>, %arg4: memref<42688x128xf32, #tpu.memory_space<hbm>>, %arg5: memref<53824x64xf32, #tpu.memory_space<hbm>>, %arg6: memref<64xf32, #tpu.memory_space<hbm>>, %arg7: memref<10112x128xf32, #tpu.memory_space<hbm>>, %arg8: memref<2x10112x128xf32, #tpu.memory_space<hbm>>, %arg9: memref<4x64xi32, #tpu.memory_space<vmem>>, %arg10: memref<4x64xi32, #tpu.memory_space<vmem>>, %arg11: memref<64x64xf32, #tpu.memory_space<vmem>>, %arg12: memref<64x64xf32, #tpu.memory_space<vmem>>, %arg13: memref<64x192xf32, #tpu.memory_space<vmem>>, %arg14: memref<64x192xf32, #tpu.memory_space<vmem>>, %arg15: memref<64x128xf32, #tpu.memory_space<vmem>>, %arg16: memref<64x128xf32, #tpu.memory_space<vmem>>, %arg17: memref<64xf32, #tpu.memory_space<vmem>>, %arg18: memref<10112x128xf32, #tpu.memory_space<vmem_shared>>, %arg19: memref<!tpu.dma_semaphore, #tpu.memory_space<semaphore_mem>>, %arg20: memref<!tpu.dma_semaphore, #tpu.memory_space<semaphore_mem>>) attributes {dimension_semantics = [#tpu.dimension_semantics<core_parallel>, #tpu.dimension_semantics<subcore_parallel>], iteration_bounds = array<i64: 2, 16>, scalar_prefetch = 0 : i64, scratch_operands = 12 : i64, tpu.core_type = #tpu.core_type<sc_vector_subcore>, window_params = [{transform_indices = #map}, {transform_indices = #map1}, {transform_indices = #map1}, {transform_indices = #map1}, {transform_indices = #map2}, {transform_indices = #map1}, {transform_indices = #map3}]} {
    %mul3A = arith.constant 2 : i32
    %mul3A_0 = arith.muli %arg1, %mul3A : i32
    %add3A = arith.addi %mul3A_0, %arg0 : i32
    %mul3A_1 = arith.constant 632 : i32
    %mul3A_2 = arith.muli %arg1, %mul3A_1 : i32
    %mul3A_3 = arith.constant 632 : i32
    %mul3A_4 = arith.muli %arg1, %mul3A_3 : i32
    "tpu.region"() ({
      %run_scoped3A_35 = tpu.sem_alloc : memref<!tpu.dma_semaphore, #tpu.memory_space<semaphore_mem>>
      %dma_start3A_36 = arith.constant 0 : i32
      %dma_start3A_37 = tpu.memref_slice %arg18[%mul3A_4, %dma_start3A_36] : memref<10112x128xf32, #tpu.memory_space<vmem_shared>> -> memref<632x128xf32, #tpu.memory_space<vmem_shared>>
      %dma_start3A_38 = arith.constant 0 : i32
      %dma_start3A_39 = tpu.memref_slice %arg7[%mul3A_2, %dma_start3A_38] : memref<10112x128xf32, #tpu.memory_space<hbm>> -> memref<632x128xf32, #tpu.memory_space<hbm>>
      tpu.enqueue_dma source(%dma_start3A_39 : memref<632x128xf32, #tpu.memory_space<hbm>>) target(%dma_start3A_37 : memref<632x128xf32, #tpu.memory_space<vmem_shared>>) target_semaphore(%run_scoped3A_35 : memref<!tpu.dma_semaphore, #tpu.memory_space<semaphore_mem>>)
      %dma_wait3A = arith.constant 0 : i32
      %dma_wait3A_40 = tpu.memref_slice %arg18[%mul3A_4, %dma_wait3A] : memref<10112x128xf32, #tpu.memory_space<vmem_shared>> -> memref<632x128xf32, #tpu.memory_space<vmem_shared>>
      %dma_wait3A_41 = arith.constant 0 : i32
      %dma_wait3A_42 = tpu.memref_slice %arg7[%mul3A_2, %dma_wait3A_41] : memref<10112x128xf32, #tpu.memory_space<hbm>> -> memref<632x128xf32, #tpu.memory_space<hbm>>
      tpu.wait_dma2 semaphore(%run_scoped3A_35 : memref<!tpu.dma_semaphore, #tpu.memory_space<semaphore_mem>>) src(%dma_wait3A_42 : memref<632x128xf32, #tpu.memory_space<hbm>>) dst(%dma_wait3A_40 : memref<632x128xf32, #tpu.memory_space<vmem_shared>>)
      tpu.yield
    }) : () -> ()
    "tpu.region"() ({
      %run_scoped3A_35 = tpu.sem_alloc : memref<!tpu.dma_semaphore, #tpu.memory_space<semaphore_mem>>
      tpu.enqueue_dma source(%arg6 : memref<64xf32, #tpu.memory_space<hbm>>) target(%arg17 : memref<64xf32, #tpu.memory_space<vmem>>) target_semaphore(%run_scoped3A_35 : memref<!tpu.dma_semaphore, #tpu.memory_space<semaphore_mem>>)
      tpu.wait_dma2 semaphore(%run_scoped3A_35 : memref<!tpu.dma_semaphore, #tpu.memory_space<semaphore_mem>>) src(%arg6 : memref<64xf32, #tpu.memory_space<hbm>>) dst(%arg17 : memref<64xf32, #tpu.memory_space<vmem>>)
      tpu.yield
    }) : () -> ()
    %barrier3A = arith.constant 0 : index
    tpu.barrier barrier_id(%barrier3A)
    %run_scoped3A = arith.constant 0 : i32
    "tpu.region"() ({
      %run_scoped3A_35 = tpu.sem_alloc : memref<!tpu.dma_semaphore, #tpu.memory_space<semaphore_mem>>
      %dma_start3A_36 = arith.constant 0 : i32
      %dma_start3A_37 = arith.constant 0 : i32
      %dma_start3A_38 = tpu.memref_slice %arg2[%add3A, %run_scoped3A, %dma_start3A_36, %dma_start3A_37] : memref<32x157x4x64xi32, #tpu.memory_space<hbm>> -> memref<1x1x4x64xi32, #tpu.memory_space<hbm>>
      %dma_start3A_39 = tpu.memref_squeeze %dma_start3A_38 : memref<1x1x4x64xi32, #tpu.memory_space<hbm>> -> memref<4x64xi32, #tpu.memory_space<hbm>>
      %dma_start3A_40 = arith.constant 0 : i32
      %dma_start3A_41 = arith.constant 0 : i32
      %dma_start3A_42 = tpu.memref_slice %arg2[%add3A, %run_scoped3A, %dma_start3A_40, %dma_start3A_41] : memref<32x157x4x64xi32, #tpu.memory_space<hbm>> -> memref<1x1x4x64xi32, #tpu.memory_space<hbm>>
      %dma_start3A_43 = tpu.memref_squeeze %dma_start3A_42 : memref<1x1x4x64xi32, #tpu.memory_space<hbm>> -> memref<4x64xi32, #tpu.memory_space<hbm>>
      tpu.enqueue_dma source(%dma_start3A_43 : memref<4x64xi32, #tpu.memory_space<hbm>>) target(%arg9 : memref<4x64xi32, #tpu.memory_space<vmem>>) target_semaphore(%run_scoped3A_35 : memref<!tpu.dma_semaphore, #tpu.memory_space<semaphore_mem>>)
      %dma_wait3A = arith.constant 0 : i32
      %dma_wait3A_44 = arith.constant 0 : i32
      %dma_wait3A_45 = tpu.memref_slice %arg2[%add3A, %run_scoped3A, %dma_wait3A, %dma_wait3A_44] : memref<32x157x4x64xi32, #tpu.memory_space<hbm>> -> memref<1x1x4x64xi32, #tpu.memory_space<hbm>>
      %dma_wait3A_46 = tpu.memref_squeeze %dma_wait3A_45 : memref<1x1x4x64xi32, #tpu.memory_space<hbm>> -> memref<4x64xi32, #tpu.memory_space<hbm>>
      %dma_wait3A_47 = arith.constant 0 : i32
      %dma_wait3A_48 = arith.constant 0 : i32
      %dma_wait3A_49 = tpu.memref_slice %arg2[%add3A, %run_scoped3A, %dma_wait3A_47, %dma_wait3A_48] : memref<32x157x4x64xi32, #tpu.memory_space<hbm>> -> memref<1x1x4x64xi32, #tpu.memory_space<hbm>>
      %dma_wait3A_50 = tpu.memref_squeeze %dma_wait3A_49 : memref<1x1x4x64xi32, #tpu.memory_space<hbm>> -> memref<4x64xi32, #tpu.memory_space<hbm>>
      tpu.wait_dma2 semaphore(%run_scoped3A_35 : memref<!tpu.dma_semaphore, #tpu.memory_space<semaphore_mem>>) src(%dma_wait3A_50 : memref<4x64xi32, #tpu.memory_space<hbm>>) dst(%arg9 : memref<4x64xi32, #tpu.memory_space<vmem>>)
      tpu.yield
    }) : () -> ()
    %dma_start3A = arith.constant 0 : i32
    %dma_start3A_5 = arith.constant 0 : i32
    %dma_start3A_6 = tpu.memref_slice %arg9[%dma_start3A, %dma_start3A_5] : memref<4x64xi32, #tpu.memory_space<vmem>> -> memref<1x64xi32, #tpu.memory_space<vmem>>
    %dma_start3A_7 = tpu.memref_squeeze %dma_start3A_6 : memref<1x64xi32, #tpu.memory_space<vmem>> -> memref<64xi32, #tpu.memory_space<vmem>>
    %dma_start3A_8 = arith.constant 0 : i32
    %dma_start3A_9 = arith.constant 0 : i32
    %dma_start3A_10 = tpu.memref_slice %arg5[%dma_start3A_8, %dma_start3A_9] : memref<53824x64xf32, #tpu.memory_space<hbm>> -> memref<53824x64xf32, #tpu.memory_space<hbm>>
    tpu.enqueue_indirect_dma source(%dma_start3A_10 : memref<53824x64xf32, #tpu.memory_space<hbm>>) target(%arg11 : memref<64x64xf32, #tpu.memory_space<vmem>>) offsets(%dma_start3A_7 : memref<64xi32, #tpu.memory_space<vmem>>) semaphore(%arg19 : memref<!tpu.dma_semaphore, #tpu.memory_space<semaphore_mem>>)
    %dma_start3A_11 = arith.constant 1 : i32
    %dma_start3A_12 = arith.constant 0 : i32
    %dma_start3A_13 = tpu.memref_slice %arg9[%dma_start3A_11, %dma_start3A_12] : memref<4x64xi32, #tpu.memory_space<vmem>> -> memref<1x64xi32, #tpu.memory_space<vmem>>
    %dma_start3A_14 = tpu.memref_squeeze %dma_start3A_13 : memref<1x64xi32, #tpu.memory_space<vmem>> -> memref<64xi32, #tpu.memory_space<vmem>>
    %dma_start3A_15 = arith.constant 0 : i32
    %dma_start3A_16 = arith.constant 0 : i32
    %dma_start3A_17 = tpu.memref_slice %arg4[%dma_start3A_15, %dma_start3A_16] : memref<42688x128xf32, #tpu.memory_space<hbm>> -> memref<42688x128xf32, #tpu.memory_space<hbm>>
    tpu.enqueue_indirect_dma source(%dma_start3A_17 : memref<42688x128xf32, #tpu.memory_space<hbm>>) target(%arg15 : memref<64x128xf32, #tpu.memory_space<vmem>>) offsets(%dma_start3A_14 : memref<64xi32, #tpu.memory_space<vmem>>) semaphore(%arg19 : memref<!tpu.dma_semaphore, #tpu.memory_space<semaphore_mem>>)
    %dma_start3A_18 = arith.constant 2 : i32
    %dma_start3A_19 = arith.constant 0 : i32
    %dma_start3A_20 = tpu.memref_slice %arg9[%dma_start3A_18, %dma_start3A_19] : memref<4x64xi32, #tpu.memory_space<vmem>> -> memref<1x64xi32, #tpu.memory_space<vmem>>
    %dma_start3A_21 = tpu.memref_squeeze %dma_start3A_20 : memref<1x64xi32, #tpu.memory_space<vmem>> -> memref<64xi32, #tpu.memory_space<vmem>>
    %dma_start3A_22 = arith.constant 0 : i32
    %dma_start3A_23 = arith.constant 0 : i32
    %dma_start3A_24 = tpu.memref_slice %arg3[%dma_start3A_22, %dma_start3A_23] : memref<10000x192xf32, #tpu.memory_space<hbm>> -> memref<10000x192xf32, #tpu.memory_space<hbm>>
    tpu.enqueue_indirect_dma source(%dma_start3A_24 : memref<10000x192xf32, #tpu.memory_space<hbm>>) target(%arg13 : memref<64x192xf32, #tpu.memory_space<vmem>>) offsets(%dma_start3A_21 : memref<64xi32, #tpu.memory_space<vmem>>) semaphore(%arg19 : memref<!tpu.dma_semaphore, #tpu.memory_space<semaphore_mem>>)
    %scan3A = arith.constant 0 : i32
    %scan3A_25 = arith.constant 0 : i32
    %scan3A_26 = arith.constant 79 : i32
    %scan3A_27 = arith.addi %scan3A_25, %scan3A_26 : i32
    %scan3A_28 = arith.constant 1 : i32
    scf.for %scan3A_35 = %scan3A_25 to %scan3A_27 step %scan3A_28  : i32 {
      %mul3A_36 = arith.constant 2 : i32
      %mul3A_37 = arith.muli %mul3A_36, %scan3A_35 : i32
      %add3A_38 = arith.constant 1 : i32
      %add3A_39 = arith.addi %mul3A_37, %add3A_38 : i32
      %lt3A = arith.constant 157 : i32
      %lt3A_40 = arith.cmpi slt, %add3A_39, %lt3A : i32
      %convert_element_type3A = arith.extui %lt3A_40 : i1 to i32
      %cond3A = arith.constant 0 : i32
      %cond3A_41 = arith.cmpi ne, %convert_element_type3A, %cond3A : i32
      scf.if %cond3A_41 {
        "tpu.region"() ({
          %run_scoped3A_98 = tpu.sem_alloc : memref<!tpu.dma_semaphore, #tpu.memory_space<semaphore_mem>>
          %dma_start3A_99 = arith.constant 0 : i32
          %dma_start3A_100 = arith.constant 0 : i32
          %dma_start3A_101 = tpu.memref_slice %arg2[%add3A, %add3A_39, %dma_start3A_99, %dma_start3A_100] : memref<32x157x4x64xi32, #tpu.memory_space<hbm>> -> memref<1x1x4x64xi32, #tpu.memory_space<hbm>>
          %dma_start3A_102 = tpu.memref_squeeze %dma_start3A_101 : memref<1x1x4x64xi32, #tpu.memory_space<hbm>> -> memref<4x64xi32, #tpu.memory_space<hbm>>
          %dma_start3A_103 = arith.constant 0 : i32
          %dma_start3A_104 = arith.constant 0 : i32
          %dma_start3A_105 = tpu.memref_slice %arg2[%add3A, %add3A_39, %dma_start3A_103, %dma_start3A_104] : memref<32x157x4x64xi32, #tpu.memory_space<hbm>> -> memref<1x1x4x64xi32, #tpu.memory_space<hbm>>
          %dma_start3A_106 = tpu.memref_squeeze %dma_start3A_105 : memref<1x1x4x64xi32, #tpu.memory_space<hbm>> -> memref<4x64xi32, #tpu.memory_space<hbm>>
          tpu.enqueue_dma source(%dma_start3A_106 : memref<4x64xi32, #tpu.memory_space<hbm>>) target(%arg10 : memref<4x64xi32, #tpu.memory_space<vmem>>) target_semaphore(%run_scoped3A_98 : memref<!tpu.dma_semaphore, #tpu.memory_space<semaphore_mem>>)
          %dma_wait3A_107 = arith.constant 0 : i32
          %dma_wait3A_108 = arith.constant 0 : i32
          %dma_wait3A_109 = tpu.memref_slice %arg2[%add3A, %add3A_39, %dma_wait3A_107, %dma_wait3A_108] : memref<32x157x4x64xi32, #tpu.memory_space<hbm>> -> memref<1x1x4x64xi32, #tpu.memory_space<hbm>>
          %dma_wait3A_110 = tpu.memref_squeeze %dma_wait3A_109 : memref<1x1x4x64xi32, #tpu.memory_space<hbm>> -> memref<4x64xi32, #tpu.memory_space<hbm>>
          %dma_wait3A_111 = arith.constant 0 : i32
          %dma_wait3A_112 = arith.constant 0 : i32
          %dma_wait3A_113 = tpu.memref_slice %arg2[%add3A, %add3A_39, %dma_wait3A_111, %dma_wait3A_112] : memref<32x157x4x64xi32, #tpu.memory_space<hbm>> -> memref<1x1x4x64xi32, #tpu.memory_space<hbm>>
          %dma_wait3A_114 = tpu.memref_squeeze %dma_wait3A_113 : memref<1x1x4x64xi32, #tpu.memory_space<hbm>> -> memref<4x64xi32, #tpu.memory_space<hbm>>
          tpu.wait_dma2 semaphore(%run_scoped3A_98 : memref<!tpu.dma_semaphore, #tpu.memory_space<semaphore_mem>>) src(%dma_wait3A_114 : memref<4x64xi32, #tpu.memory_space<hbm>>) dst(%arg10 : memref<4x64xi32, #tpu.memory_space<vmem>>)
          tpu.yield
        }) : () -> ()
        %dma_start3A_77 = arith.constant 0 : i32
        %dma_start3A_78 = arith.constant 0 : i32
        %dma_start3A_79 = tpu.memref_slice %arg10[%dma_start3A_77, %dma_start3A_78] : memref<4x64xi32, #tpu.memory_space<vmem>> -> memref<1x64xi32, #tpu.memory_space<vmem>>
        %dma_start3A_80 = tpu.memref_squeeze %dma_start3A_79 : memref<1x64xi32, #tpu.memory_space<vmem>> -> memref<64xi32, #tpu.memory_space<vmem>>
        %dma_start3A_81 = arith.constant 0 : i32
        %dma_start3A_82 = arith.constant 0 : i32
        %dma_start3A_83 = tpu.memref_slice %arg5[%dma_start3A_81, %dma_start3A_82] : memref<53824x64xf32, #tpu.memory_space<hbm>> -> memref<53824x64xf32, #tpu.memory_space<hbm>>
        tpu.enqueue_indirect_dma source(%dma_start3A_83 : memref<53824x64xf32, #tpu.memory_space<hbm>>) target(%arg12 : memref<64x64xf32, #tpu.memory_space<vmem>>) offsets(%dma_start3A_80 : memref<64xi32, #tpu.memory_space<vmem>>) semaphore(%arg20 : memref<!tpu.dma_semaphore, #tpu.memory_space<semaphore_mem>>)
        %dma_start3A_84 = arith.constant 1 : i32
        %dma_start3A_85 = arith.constant 0 : i32
        %dma_start3A_86 = tpu.memref_slice %arg10[%dma_start3A_84, %dma_start3A_85] : memref<4x64xi32, #tpu.memory_space<vmem>> -> memref<1x64xi32, #tpu.memory_space<vmem>>
        %dma_start3A_87 = tpu.memref_squeeze %dma_start3A_86 : memref<1x64xi32, #tpu.memory_space<vmem>> -> memref<64xi32, #tpu.memory_space<vmem>>
        %dma_start3A_88 = arith.constant 0 : i32
        %dma_start3A_89 = arith.constant 0 : i32
        %dma_start3A_90 = tpu.memref_slice %arg4[%dma_start3A_88, %dma_start3A_89] : memref<42688x128xf32, #tpu.memory_space<hbm>> -> memref<42688x128xf32, #tpu.memory_space<hbm>>
        tpu.enqueue_indirect_dma source(%dma_start3A_90 : memref<42688x128xf32, #tpu.memory_space<hbm>>) target(%arg16 : memref<64x128xf32, #tpu.memory_space<vmem>>) offsets(%dma_start3A_87 : memref<64xi32, #tpu.memory_space<vmem>>) semaphore(%arg20 : memref<!tpu.dma_semaphore, #tpu.memory_space<semaphore_mem>>)
        %dma_start3A_91 = arith.constant 2 : i32
        %dma_start3A_92 = arith.constant 0 : i32
        %dma_start3A_93 = tpu.memref_slice %arg10[%dma_start3A_91, %dma_start3A_92] : memref<4x64xi32, #tpu.memory_space<vmem>> -> memref<1x64xi32, #tpu.memory_space<vmem>>
        %dma_start3A_94 = tpu.memref_squeeze %dma_start3A_93 : memref<1x64xi32, #tpu.memory_space<vmem>> -> memref<64xi32, #tpu.memory_space<vmem>>
        %dma_start3A_95 = arith.constant 0 : i32
        %dma_start3A_96 = arith.constant 0 : i32
        %dma_start3A_97 = tpu.memref_slice %arg3[%dma_start3A_95, %dma_start3A_96] : memref<10000x192xf32, #tpu.memory_space<hbm>> -> memref<10000x192xf32, #tpu.memory_space<hbm>>
        tpu.enqueue_indirect_dma source(%dma_start3A_97 : memref<10000x192xf32, #tpu.memory_space<hbm>>) target(%arg14 : memref<64x192xf32, #tpu.memory_space<vmem>>) offsets(%dma_start3A_94 : memref<64xi32, #tpu.memory_space<vmem>>) semaphore(%arg20 : memref<!tpu.dma_semaphore, #tpu.memory_space<semaphore_mem>>)
      } else {
      }
      %dma_wait3A = arith.constant 0 : i32
      %dma_wait3A_42 = arith.constant 0 : i32
      %dma_wait3A_43 = tpu.memref_slice %arg9[%dma_wait3A, %dma_wait3A_42] : memref<4x64xi32, #tpu.memory_space<vmem>> -> memref<1x64xi32, #tpu.memory_space<vmem>>
      %dma_wait3A_44 = tpu.memref_squeeze %dma_wait3A_43 : memref<1x64xi32, #tpu.memory_space<vmem>> -> memref<64xi32, #tpu.memory_space<vmem>>
      %dma_wait3A_45 = arith.constant 0 : i32
      %dma_wait3A_46 = arith.constant 0 : i32
      %dma_wait3A_47 = tpu.memref_slice %arg5[%dma_wait3A_45, %dma_wait3A_46] : memref<53824x64xf32, #tpu.memory_space<hbm>> -> memref<53824x64xf32, #tpu.memory_space<hbm>>
      tpu.wait_indirect_dma semaphore(%arg19 : memref<!tpu.dma_semaphore, #tpu.memory_space<semaphore_mem>>) src(%dma_wait3A_47 : memref<53824x64xf32, #tpu.memory_space<hbm>>) dst(%arg11 : memref<64x64xf32, #tpu.memory_space<vmem>>)
      %dma_wait3A_48 = arith.constant 1 : i32
      %dma_wait3A_49 = arith.constant 0 : i32
      %dma_wait3A_50 = tpu.memref_slice %arg9[%dma_wait3A_48, %dma_wait3A_49] : memref<4x64xi32, #tpu.memory_space<vmem>> -> memref<1x64xi32, #tpu.memory_space<vmem>>
      %dma_wait3A_51 = tpu.memref_squeeze %dma_wait3A_50 : memref<1x64xi32, #tpu.memory_space<vmem>> -> memref<64xi32, #tpu.memory_space<vmem>>
      %dma_wait3A_52 = arith.constant 0 : i32
      %dma_wait3A_53 = arith.constant 0 : i32
      %dma_wait3A_54 = tpu.memref_slice %arg4[%dma_wait3A_52, %dma_wait3A_53] : memref<42688x128xf32, #tpu.memory_space<hbm>> -> memref<42688x128xf32, #tpu.memory_space<hbm>>
      tpu.wait_indirect_dma semaphore(%arg19 : memref<!tpu.dma_semaphore, #tpu.memory_space<semaphore_mem>>) src(%dma_wait3A_54 : memref<42688x128xf32, #tpu.memory_space<hbm>>) dst(%arg15 : memref<64x128xf32, #tpu.memory_space<vmem>>)
      %dma_wait3A_55 = arith.constant 2 : i32
      %dma_wait3A_56 = arith.constant 0 : i32
      %dma_wait3A_57 = tpu.memref_slice %arg9[%dma_wait3A_55, %dma_wait3A_56] : memref<4x64xi32, #tpu.memory_space<vmem>> -> memref<1x64xi32, #tpu.memory_space<vmem>>
      %dma_wait3A_58 = tpu.memref_squeeze %dma_wait3A_57 : memref<1x64xi32, #tpu.memory_space<vmem>> -> memref<64xi32, #tpu.memory_space<vmem>>
      %dma_wait3A_59 = arith.constant 0 : i32
      %dma_wait3A_60 = arith.constant 0 : i32
      %dma_wait3A_61 = tpu.memref_slice %arg3[%dma_wait3A_59, %dma_wait3A_60] : memref<10000x192xf32, #tpu.memory_space<hbm>> -> memref<10000x192xf32, #tpu.memory_space<hbm>>
      tpu.wait_indirect_dma semaphore(%arg19 : memref<!tpu.dma_semaphore, #tpu.memory_space<semaphore_mem>>) src(%dma_wait3A_61 : memref<10000x192xf32, #tpu.memory_space<hbm>>) dst(%arg13 : memref<64x192xf32, #tpu.memory_space<vmem>>)
      %parallel_loop3A = arith.constant 0 : i32
      %parallel_loop3A_62 = arith.constant 64 : i32
      %parallel_loop3A_63 = arith.constant 1 : i32
      scf.for %parallel_loop3A_77 = %parallel_loop3A to %parallel_loop3A_62 step %parallel_loop3A_63  : i32 {
        %parallel_loop3A_78 = arith.constant 0.000000e+00 : f32
        %parallel_loop3A_79 = vector.broadcast %parallel_loop3A_78 : f32 to vector<16xf32>
        %parallel_loop3A_80 = arith.index_cast %parallel_loop3A_77 : i32 to index
        %parallel_loop3A_81 = arith.constant 0 : index
        %parallel_loop3A_82 = tpu.vector_load %arg11[%parallel_loop3A_80, %parallel_loop3A_81] {strides = array<i32>} : memref<64x64xf32, #tpu.memory_space<vmem>>, vector<16xf32>,
        %parallel_loop3A_83 = arith.index_cast %parallel_loop3A_77 : i32 to index
        %parallel_loop3A_84 = arith.constant 128 : index
        %parallel_loop3A_85 = tpu.vector_load %arg13[%parallel_loop3A_83, %parallel_loop3A_84] {strides = array<i32>} : memref<64x192xf32, #tpu.memory_space<vmem>>, vector<16xf32>,
        %parallel_loop3A_86 = arith.addf %parallel_loop3A_82, %parallel_loop3A_85 : vector<16xf32>
        %parallel_loop3A_87 = arith.constant 0.000000e+00 : f32
        %parallel_loop3A_88 = vector.broadcast %parallel_loop3A_87 : f32 to vector<16xf32>
        %parallel_loop3A_89 = arith.maximumf %parallel_loop3A_86, %parallel_loop3A_88 : vector<16xf32>
        %parallel_loop3A_90 = arith.constant 0 : index
        %parallel_loop3A_91 = tpu.vector_load %arg17[%parallel_loop3A_90] {strides = array<i32>} : memref<64xf32, #tpu.memory_space<vmem>>, vector<16xf32>,
        %parallel_loop3A_92 = arith.mulf %parallel_loop3A_89, %parallel_loop3A_91 : vector<16xf32>
        %parallel_loop3A_93 = arith.addf %parallel_loop3A_79, %parallel_loop3A_92 : vector<16xf32>
        %parallel_loop3A_94 = arith.index_cast %parallel_loop3A_77 : i32 to index
        %parallel_loop3A_95 = arith.constant 16 : index
        %parallel_loop3A_96 = tpu.vector_load %arg11[%parallel_loop3A_94, %parallel_loop3A_95] {strides = array<i32>} : memref<64x64xf32, #tpu.memory_space<vmem>>, vector<16xf32>,
        %parallel_loop3A_97 = arith.index_cast %parallel_loop3A_77 : i32 to index
        %parallel_loop3A_98 = arith.constant 144 : index
        %parallel_loop3A_99 = tpu.vector_load %arg13[%parallel_loop3A_97, %parallel_loop3A_98] {strides = array<i32>} : memref<64x192xf32, #tpu.memory_space<vmem>>, vector<16xf32>,
        %parallel_loop3A_100 = arith.addf %parallel_loop3A_96, %parallel_loop3A_99 : vector<16xf32>
        %parallel_loop3A_101 = arith.constant 0.000000e+00 : f32
        %parallel_loop3A_102 = vector.broadcast %parallel_loop3A_101 : f32 to vector<16xf32>
        %parallel_loop3A_103 = arith.maximumf %parallel_loop3A_100, %parallel_loop3A_102 : vector<16xf32>
        %parallel_loop3A_104 = arith.constant 16 : index
        %parallel_loop3A_105 = tpu.vector_load %arg17[%parallel_loop3A_104] {strides = array<i32>} : memref<64xf32, #tpu.memory_space<vmem>>, vector<16xf32>,
        %parallel_loop3A_106 = arith.mulf %parallel_loop3A_103, %parallel_loop3A_105 : vector<16xf32>
        %parallel_loop3A_107 = arith.addf %parallel_loop3A_93, %parallel_loop3A_106 : vector<16xf32>
        %parallel_loop3A_108 = arith.index_cast %parallel_loop3A_77 : i32 to index
        %parallel_loop3A_109 = arith.constant 32 : index
        %parallel_loop3A_110 = tpu.vector_load %arg11[%parallel_loop3A_108, %parallel_loop3A_109] {strides = array<i32>} : memref<64x64xf32, #tpu.memory_space<vmem>>, vector<16xf32>,
        %parallel_loop3A_111 = arith.index_cast %parallel_loop3A_77 : i32 to index
        %parallel_loop3A_112 = arith.constant 160 : index
        %parallel_loop3A_113 = tpu.vector_load %arg13[%parallel_loop3A_111, %parallel_loop3A_112] {strides = array<i32>} : memref<64x192xf32, #tpu.memory_space<vmem>>, vector<16xf32>,
        %parallel_loop3A_114 = arith.addf %parallel_loop3A_110, %parallel_loop3A_113 : vector<16xf32>
        %parallel_loop3A_115 = arith.constant 0.000000e+00 : f32
        %parallel_loop3A_116 = vector.broadcast %parallel_loop3A_115 : f32 to vector<16xf32>
        %parallel_loop3A_117 = arith.maximumf %parallel_loop3A_114, %parallel_loop3A_116 : vector<16xf32>
        %parallel_loop3A_118 = arith.constant 32 : index
        %parallel_loop3A_119 = tpu.vector_load %arg17[%parallel_loop3A_118] {strides = array<i32>} : memref<64xf32, #tpu.memory_space<vmem>>, vector<16xf32>,
        %parallel_loop3A_120 = arith.mulf %parallel_loop3A_117, %parallel_loop3A_119 : vector<16xf32>
        %parallel_loop3A_121 = arith.addf %parallel_loop3A_107, %parallel_loop3A_120 : vector<16xf32>
        %parallel_loop3A_122 = arith.index_cast %parallel_loop3A_77 : i32 to index
        %parallel_loop3A_123 = arith.constant 48 : index
        %parallel_loop3A_124 = tpu.vector_load %arg11[%parallel_loop3A_122, %parallel_loop3A_123] {strides = array<i32>} : memref<64x64xf32, #tpu.memory_space<vmem>>, vector<16xf32>,
        %parallel_loop3A_125 = arith.index_cast %parallel_loop3A_77 : i32 to index
        %parallel_loop3A_126 = arith.constant 176 : index
        %parallel_loop3A_127 = tpu.vector_load %arg13[%parallel_loop3A_125, %parallel_loop3A_126] {strides = array<i32>} : memref<64x192xf32, #tpu.memory_space<vmem>>, vector<16xf32>,
        %parallel_loop3A_128 = arith.addf %parallel_loop3A_124, %parallel_loop3A_127 : vector<16xf32>
        %parallel_loop3A_129 = arith.constant 0.000000e+00 : f32
        %parallel_loop3A_130 = vector.broadcast %parallel_loop3A_129 : f32 to vector<16xf32>
        %parallel_loop3A_131 = arith.maximumf %parallel_loop3A_128, %parallel_loop3A_130 : vector<16xf32>
        %parallel_loop3A_132 = arith.constant 48 : index
        %parallel_loop3A_133 = tpu.vector_load %arg17[%parallel_loop3A_132] {strides = array<i32>} : memref<64xf32, #tpu.memory_space<vmem>>, vector<16xf32>,
        %parallel_loop3A_134 = arith.mulf %parallel_loop3A_131, %parallel_loop3A_133 : vector<16xf32>
        %parallel_loop3A_135 = arith.addf %parallel_loop3A_121, %parallel_loop3A_134 : vector<16xf32>
        %parallel_loop3A_136 = arith.constant true
        %parallel_loop3A_137 = vector.broadcast %parallel_loop3A_136 : i1 to vector<16xi1>
        %parallel_loop3A_138 = tpu.scan <sum>, %parallel_loop3A_135 masked %parallel_loop3A_137 : vector<16xf32>, vector<16xi1> -> vector<16xf32>
        %parallel_loop3A_139 = vector.extract %parallel_loop3A_138[15] : f32 from vector<16xf32>
        %parallel_loop3A_140 = vector.broadcast %parallel_loop3A_139 : f32 to vector<16xf32>
        %parallel_loop3A_141 = arith.constant 0.000000e+00 : f32
        %parallel_loop3A_142 = vector.broadcast %parallel_loop3A_141 : f32 to vector<16xf32>
        %parallel_loop3A_143 = arith.subf %parallel_loop3A_142, %parallel_loop3A_140 : vector<16xf32>
        %parallel_loop3A_144 = math.exp %parallel_loop3A_143 : vector<16xf32>
        %parallel_loop3A_145 = arith.constant 1.000000e+00 : f32
        %parallel_loop3A_146 = vector.broadcast %parallel_loop3A_145 : f32 to vector<16xf32>
        %parallel_loop3A_147 = arith.addf %parallel_loop3A_146, %parallel_loop3A_144 : vector<16xf32>
        %parallel_loop3A_148 = arith.constant 1.000000e+00 : f32
        %parallel_loop3A_149 = vector.broadcast %parallel_loop3A_148 : f32 to vector<16xf32>
        %parallel_loop3A_150 = arith.divf %parallel_loop3A_149, %parallel_loop3A_147 : vector<16xf32>
        %parallel_loop3A_151 = arith.index_cast %parallel_loop3A_77 : i32 to index
        %parallel_loop3A_152 = arith.constant 0 : index
        %parallel_loop3A_153 = tpu.vector_load %arg15[%parallel_loop3A_151, %parallel_loop3A_152] {strides = array<i32>} : memref<64x128xf32, #tpu.memory_space<vmem>>, vector<16xf32>,
        %parallel_loop3A_154 = arith.index_cast %parallel_loop3A_77 : i32 to index
        %parallel_loop3A_155 = arith.constant 0 : index
        %parallel_loop3A_156 = tpu.vector_load %arg13[%parallel_loop3A_154, %parallel_loop3A_155] {strides = array<i32>} : memref<64x192xf32, #tpu.memory_space<vmem>>, vector<16xf32>,
        %parallel_loop3A_157 = arith.addf %parallel_loop3A_153, %parallel_loop3A_156 : vector<16xf32>
        %parallel_loop3A_158 = arith.mulf %parallel_loop3A_157, %parallel_loop3A_150 : vector<16xf32>
        %parallel_loop3A_159 = arith.index_cast %parallel_loop3A_77 : i32 to index
        %parallel_loop3A_160 = arith.constant 0 : index
        %parallel_loop3A_161 = tpu.vector_load %arg15[%parallel_loop3A_159, %parallel_loop3A_160] {strides = array<i32>} : memref<64x128xf32, #tpu.memory_space<vmem>>, vector<16xf32>,
        tpu.vector_store %arg15[%parallel_loop3A_159, %parallel_loop3A_160], %parallel_loop3A_158 {strides = array<i32>} : memref<64x128xf32, #tpu.memory_space<vmem>>, vector<16xf32>,
        %parallel_loop3A_162 = arith.index_cast %parallel_loop3A_77 : i32 to index
        %parallel_loop3A_163 = arith.constant 16 : index
        %parallel_loop3A_164 = tpu.vector_load %arg15[%parallel_loop3A_162, %parallel_loop3A_163] {strides = array<i32>} : memref<64x128xf32, #tpu.memory_space<vmem>>, vector<16xf32>,
        %parallel_loop3A_165 = arith.index_cast %parallel_loop3A_77 : i32 to index
        %parallel_loop3A_166 = arith.constant 16 : index
        %parallel_loop3A_167 = tpu.vector_load %arg13[%parallel_loop3A_165, %parallel_loop3A_166] {strides = array<i32>} : memref<64x192xf32, #tpu.memory_space<vmem>>, vector<16xf32>,
        %parallel_loop3A_168 = arith.addf %parallel_loop3A_164, %parallel_loop3A_167 : vector<16xf32>
        %parallel_loop3A_169 = arith.mulf %parallel_loop3A_168, %parallel_loop3A_150 : vector<16xf32>
        %parallel_loop3A_170 = arith.index_cast %parallel_loop3A_77 : i32 to index
        %parallel_loop3A_171 = arith.constant 16 : index
        %parallel_loop3A_172 = tpu.vector_load %arg15[%parallel_loop3A_170, %parallel_loop3A_171] {strides = array<i32>} : memref<64x128xf32, #tpu.memory_space<vmem>>, vector<16xf32>,
        tpu.vector_store %arg15[%parallel_loop3A_170, %parallel_loop3A_171], %parallel_loop3A_169 {strides = array<i32>} : memref<64x128xf32, #tpu.memory_space<vmem>>, vector<16xf32>,
        %parallel_loop3A_173 = arith.index_cast %parallel_loop3A_77 : i32 to index
        %parallel_loop3A_174 = arith.constant 32 : index
        %parallel_loop3A_175 = tpu.vector_load %arg15[%parallel_loop3A_173, %parallel_loop3A_174] {strides = array<i32>} : memref<64x128xf32, #tpu.memory_space<vmem>>, vector<16xf32>,
        %parallel_loop3A_176 = arith.index_cast %parallel_loop3A_77 : i32 to index
        %parallel_loop3A_177 = arith.constant 32 : index
        %parallel_loop3A_178 = tpu.vector_load %arg13[%parallel_loop3A_176, %parallel_loop3A_177] {strides = array<i32>} : memref<64x192xf32, #tpu.memory_space<vmem>>, vector<16xf32>,
        %parallel_loop3A_179 = arith.addf %parallel_loop3A_175, %parallel_loop3A_178 : vector<16xf32>
        %parallel_loop3A_180 = arith.mulf %parallel_loop3A_179, %parallel_loop3A_150 : vector<16xf32>
        %parallel_loop3A_181 = arith.index_cast %parallel_loop3A_77 : i32 to index
        %parallel_loop3A_182 = arith.constant 32 : index
        %parallel_loop3A_183 = tpu.vector_load %arg15[%parallel_loop3A_181, %parallel_loop3A_182] {strides = array<i32>} : memref<64x128xf32, #tpu.memory_space<vmem>>, vector<16xf32>,
        tpu.vector_store %arg15[%parallel_loop3A_181, %parallel_loop3A_182], %parallel_loop3A_180 {strides = array<i32>} : memref<64x128xf32, #tpu.memory_space<vmem>>, vector<16xf32>,
        %parallel_loop3A_184 = arith.index_cast %parallel_loop3A_77 : i32 to index
        %parallel_loop3A_185 = arith.constant 48 : index
        %parallel_loop3A_186 = tpu.vector_load %arg15[%parallel_loop3A_184, %parallel_loop3A_185] {strides = array<i32>} : memref<64x128xf32, #tpu.memory_space<vmem>>, vector<16xf32>,
        %parallel_loop3A_187 = arith.index_cast %parallel_loop3A_77 : i32 to index
        %parallel_loop3A_188 = arith.constant 48 : index
        %parallel_loop3A_189 = tpu.vector_load %arg13[%parallel_loop3A_187, %parallel_loop3A_188] {strides = array<i32>} : memref<64x192xf32, #tpu.memory_space<vmem>>, vector<16xf32>,
        %parallel_loop3A_190 = arith.addf %parallel_loop3A_186, %parallel_loop3A_189 : vector<16xf32>
        %parallel_loop3A_191 = arith.mulf %parallel_loop3A_190, %parallel_loop3A_150 : vector<16xf32>
        %parallel_loop3A_192 = arith.index_cast %parallel_loop3A_77 : i32 to index
        %parallel_loop3A_193 = arith.constant 48 : index
        %parallel_loop3A_194 = tpu.vector_load %arg15[%parallel_loop3A_192, %parallel_loop3A_193] {strides = array<i32>} : memref<64x128xf32, #tpu.memory_space<vmem>>, vector<16xf32>,
        tpu.vector_store %arg15[%parallel_loop3A_192, %parallel_loop3A_193], %parallel_loop3A_191 {strides = array<i32>} : memref<64x128xf32, #tpu.memory_space<vmem>>, vector<16xf32>,
        %parallel_loop3A_195 = arith.index_cast %parallel_loop3A_77 : i32 to index
        %parallel_loop3A_196 = arith.constant 64 : index
        %parallel_loop3A_197 = tpu.vector_load %arg15[%parallel_loop3A_195, %parallel_loop3A_196] {strides = array<i32>} : memref<64x128xf32, #tpu.memory_space<vmem>>, vector<16xf32>,
        %parallel_loop3A_198 = arith.index_cast %parallel_loop3A_77 : i32 to index
        %parallel_loop3A_199 = arith.constant 64 : index
        %parallel_loop3A_200 = tpu.vector_load %arg13[%parallel_loop3A_198, %parallel_loop3A_199] {strides = array<i32>} : memref<64x192xf32, #tpu.memory_space<vmem>>, vector<16xf32>,
        %parallel_loop3A_201 = arith.addf %parallel_loop3A_197, %parallel_loop3A_200 : vector<16xf32>
        %parallel_loop3A_202 = arith.mulf %parallel_loop3A_201, %parallel_loop3A_150 : vector<16xf32>
        %parallel_loop3A_203 = arith.index_cast %parallel_loop3A_77 : i32 to index
        %parallel_loop3A_204 = arith.constant 64 : index
        %parallel_loop3A_205 = tpu.vector_load %arg15[%parallel_loop3A_203, %parallel_loop3A_204] {strides = array<i32>} : memref<64x128xf32, #tpu.memory_space<vmem>>, vector<16xf32>,
        tpu.vector_store %arg15[%parallel_loop3A_203, %parallel_loop3A_204], %parallel_loop3A_202 {strides = array<i32>} : memref<64x128xf32, #tpu.memory_space<vmem>>, vector<16xf32>,
        %parallel_loop3A_206 = arith.index_cast %parallel_loop3A_77 : i32 to index
        %parallel_loop3A_207 = arith.constant 80 : index
        %parallel_loop3A_208 = tpu.vector_load %arg15[%parallel_loop3A_206, %parallel_loop3A_207] {strides = array<i32>} : memref<64x128xf32, #tpu.memory_space<vmem>>, vector<16xf32>,
        %parallel_loop3A_209 = arith.index_cast %parallel_loop3A_77 : i32 to index
        %parallel_loop3A_210 = arith.constant 80 : index
        %parallel_loop3A_211 = tpu.vector_load %arg13[%parallel_loop3A_209, %parallel_loop3A_210] {strides = array<i32>} : memref<64x192xf32, #tpu.memory_space<vmem>>, vector<16xf32>,
        %parallel_loop3A_212 = arith.addf %parallel_loop3A_208, %parallel_loop3A_211 : vector<16xf32>
        %parallel_loop3A_213 = arith.mulf %parallel_loop3A_212, %parallel_loop3A_150 : vector<16xf32>
        %parallel_loop3A_214 = arith.index_cast %parallel_loop3A_77 : i32 to index
        %parallel_loop3A_215 = arith.constant 80 : index
        %parallel_loop3A_216 = tpu.vector_load %arg15[%parallel_loop3A_214, %parallel_loop3A_215] {strides = array<i32>} : memref<64x128xf32, #tpu.memory_space<vmem>>, vector<16xf32>,
        tpu.vector_store %arg15[%parallel_loop3A_214, %parallel_loop3A_215], %parallel_loop3A_213 {strides = array<i32>} : memref<64x128xf32, #tpu.memory_space<vmem>>, vector<16xf32>,
        %parallel_loop3A_217 = arith.index_cast %parallel_loop3A_77 : i32 to index
        %parallel_loop3A_218 = arith.constant 96 : index
        %parallel_loop3A_219 = tpu.vector_load %arg15[%parallel_loop3A_217, %parallel_loop3A_218] {strides = array<i32>} : memref<64x128xf32, #tpu.memory_space<vmem>>, vector<16xf32>,
        %parallel_loop3A_220 = arith.index_cast %parallel_loop3A_77 : i32 to index
        %parallel_loop3A_221 = arith.constant 96 : index
        %parallel_loop3A_222 = tpu.vector_load %arg13[%parallel_loop3A_220, %parallel_loop3A_221] {strides = array<i32>} : memref<64x192xf32, #tpu.memory_space<vmem>>, vector<16xf32>,
        %parallel_loop3A_223 = arith.addf %parallel_loop3A_219, %parallel_loop3A_222 : vector<16xf32>
        %parallel_loop3A_224 = arith.mulf %parallel_loop3A_223, %parallel_loop3A_150 : vector<16xf32>
        %parallel_loop3A_225 = arith.index_cast %parallel_loop3A_77 : i32 to index
        %parallel_loop3A_226 = arith.constant 96 : index
        %parallel_loop3A_227 = tpu.vector_load %arg15[%parallel_loop3A_225, %parallel_loop3A_226] {strides = array<i32>} : memref<64x128xf32, #tpu.memory_space<vmem>>, vector<16xf32>,
        tpu.vector_store %arg15[%parallel_loop3A_225, %parallel_loop3A_226], %parallel_loop3A_224 {strides = array<i32>} : memref<64x128xf32, #tpu.memory_space<vmem>>, vector<16xf32>,
        %parallel_loop3A_228 = arith.index_cast %parallel_loop3A_77 : i32 to index
        %parallel_loop3A_229 = arith.constant 112 : index
        %parallel_loop3A_230 = tpu.vector_load %arg15[%parallel_loop3A_228, %parallel_loop3A_229] {strides = array<i32>} : memref<64x128xf32, #tpu.memory_space<vmem>>, vector<16xf32>,
        %parallel_loop3A_231 = arith.index_cast %parallel_loop3A_77 : i32 to index
        %parallel_loop3A_232 = arith.constant 112 : index
        %parallel_loop3A_233 = tpu.vector_load %arg13[%parallel_loop3A_231, %parallel_loop3A_232] {strides = array<i32>} : memref<64x192xf32, #tpu.memory_space<vmem>>, vector<16xf32>,
        %parallel_loop3A_234 = arith.addf %parallel_loop3A_230, %parallel_loop3A_233 : vector<16xf32>
        %parallel_loop3A_235 = arith.mulf %parallel_loop3A_234, %parallel_loop3A_150 : vector<16xf32>
        %parallel_loop3A_236 = arith.index_cast %parallel_loop3A_77 : i32 to index
        %parallel_loop3A_237 = arith.constant 112 : index
        %parallel_loop3A_238 = tpu.vector_load %arg15[%parallel_loop3A_236, %parallel_loop3A_237] {strides = array<i32>} : memref<64x128xf32, #tpu.memory_space<vmem>>, vector<16xf32>,
        tpu.vector_store %arg15[%parallel_loop3A_236, %parallel_loop3A_237], %parallel_loop3A_235 {strides = array<i32>} : memref<64x128xf32, #tpu.memory_space<vmem>>, vector<16xf32>,
      } {sc.loop_unroll_factor = 4 : i64, sc.parallel_access}
      %run_scoped3A_64 = arith.constant 3 : i32
      "tpu.region"() ({
        %run_scoped3A_77 = tpu.sem_alloc : memref<!tpu.dma_semaphore, #tpu.memory_space<semaphore_mem>>
        %dma_start3A_78 = arith.constant 0 : i32
        %dma_start3A_79 = tpu.memref_slice %arg9[%run_scoped3A_64, %dma_start3A_78] : memref<4x64xi32, #tpu.memory_space<vmem>> -> memref<1x64xi32, #tpu.memory_space<vmem>>
        %dma_start3A_80 = tpu.memref_squeeze %dma_start3A_79 : memref<1x64xi32, #tpu.memory_space<vmem>> -> memref<64xi32, #tpu.memory_space<vmem>>
        %dma_start3A_81 = arith.constant 0 : i32
        %dma_start3A_82 = arith.constant 0 : i32
        %dma_start3A_83 = tpu.memref_slice %arg18[%dma_start3A_81, %dma_start3A_82] : memref<10112x128xf32, #tpu.memory_space<vmem_shared>> -> memref<10112x128xf32, #tpu.memory_space<vmem_shared>>
        tpu.enqueue_indirect_dma source(%arg15 : memref<64x128xf32, #tpu.memory_space<vmem>>) target(%dma_start3A_83 : memref<10112x128xf32, #tpu.memory_space<vmem_shared>>) offsets(%dma_start3A_80 : memref<64xi32, #tpu.memory_space<vmem>>) semaphore(%run_scoped3A_77 : memref<!tpu.dma_semaphore, #tpu.memory_space<semaphore_mem>>) {add = true}
        %dma_wait3A_84 = arith.constant 0 : i32
        %dma_wait3A_85 = tpu.memref_slice %arg9[%run_scoped3A_64, %dma_wait3A_84] : memref<4x64xi32, #tpu.memory_space<vmem>> -> memref<1x64xi32, #tpu.memory_space<vmem>>
        %dma_wait3A_86 = tpu.memref_squeeze %dma_wait3A_85 : memref<1x64xi32, #tpu.memory_space<vmem>> -> memref<64xi32, #tpu.memory_space<vmem>>
        %dma_wait3A_87 = arith.constant 0 : i32
        %dma_wait3A_88 = arith.constant 0 : i32
        %dma_wait3A_89 = tpu.memref_slice %arg18[%dma_wait3A_87, %dma_wait3A_88] : memref<10112x128xf32, #tpu.memory_space<vmem_shared>> -> memref<10112x128xf32, #tpu.memory_space<vmem_shared>>
        tpu.wait_indirect_dma semaphore(%run_scoped3A_77 : memref<!tpu.dma_semaphore, #tpu.memory_space<semaphore_mem>>) src(%arg15 : memref<64x128xf32, #tpu.memory_space<vmem>>) dst(%dma_wait3A_89 : memref<10112x128xf32, #tpu.memory_space<vmem_shared>>)
        tpu.yield
      }) : () -> ()
      %add3A_65 = arith.constant 2 : i32
      %add3A_66 = arith.addi %mul3A_37, %add3A_65 : i32
      %lt3A_67 = arith.constant 157 : i32
      %lt3A_68 = arith.cmpi slt, %add3A_66, %lt3A_67 : i32
      %convert_element_type3A_69 = arith.extui %lt3A_68 : i1 to i32
      %cond3A_70 = arith.constant 0 : i32
      %cond3A_71 = arith.cmpi ne, %convert_element_type3A_69, %cond3A_70 : i32
      scf.if %cond3A_71 {
        %add3A_77 = arith.constant 2 : i32
        %add3A_78 = arith.addi %mul3A_37, %add3A_77 : i32
        "tpu.region"() ({
          %run_scoped3A_100 = tpu.sem_alloc : memref<!tpu.dma_semaphore, #tpu.memory_space<semaphore_mem>>
          %dma_start3A_101 = arith.constant 0 : i32
          %dma_start3A_102 = arith.constant 0 : i32
          %dma_start3A_103 = tpu.memref_slice %arg2[%add3A, %add3A_78, %dma_start3A_101, %dma_start3A_102] : memref<32x157x4x64xi32, #tpu.memory_space<hbm>> -> memref<1x1x4x64xi32, #tpu.memory_space<hbm>>
          %dma_start3A_104 = tpu.memref_squeeze %dma_start3A_103 : memref<1x1x4x64xi32, #tpu.memory_space<hbm>> -> memref<4x64xi32, #tpu.memory_space<hbm>>
          %dma_start3A_105 = arith.constant 0 : i32
          %dma_start3A_106 = arith.constant 0 : i32
          %dma_start3A_107 = tpu.memref_slice %arg2[%add3A, %add3A_78, %dma_start3A_105, %dma_start3A_106] : memref<32x157x4x64xi32, #tpu.memory_space<hbm>> -> memref<1x1x4x64xi32, #tpu.memory_space<hbm>>
          %dma_start3A_108 = tpu.memref_squeeze %dma_start3A_107 : memref<1x1x4x64xi32, #tpu.memory_space<hbm>> -> memref<4x64xi32, #tpu.memory_space<hbm>>
          tpu.enqueue_dma source(%dma_start3A_108 : memref<4x64xi32, #tpu.memory_space<hbm>>) target(%arg9 : memref<4x64xi32, #tpu.memory_space<vmem>>) target_semaphore(%run_scoped3A_100 : memref<!tpu.dma_semaphore, #tpu.memory_space<semaphore_mem>>)
          %dma_wait3A_109 = arith.constant 0 : i32
          %dma_wait3A_110 = arith.constant 0 : i32
          %dma_wait3A_111 = tpu.memref_slice %arg2[%add3A, %add3A_78, %dma_wait3A_109, %dma_wait3A_110] : memref<32x157x4x64xi32, #tpu.memory_space<hbm>> -> memref<1x1x4x64xi32, #tpu.memory_space<hbm>>
          %dma_wait3A_112 = tpu.memref_squeeze %dma_wait3A_111 : memref<1x1x4x64xi32, #tpu.memory_space<hbm>> -> memref<4x64xi32, #tpu.memory_space<hbm>>
          %dma_wait3A_113 = arith.constant 0 : i32
          %dma_wait3A_114 = arith.constant 0 : i32
          %dma_wait3A_115 = tpu.memref_slice %arg2[%add3A, %add3A_78, %dma_wait3A_113, %dma_wait3A_114] : memref<32x157x4x64xi32, #tpu.memory_space<hbm>> -> memref<1x1x4x64xi32, #tpu.memory_space<hbm>>
          %dma_wait3A_116 = tpu.memref_squeeze %dma_wait3A_115 : memref<1x1x4x64xi32, #tpu.memory_space<hbm>> -> memref<4x64xi32, #tpu.memory_space<hbm>>
          tpu.wait_dma2 semaphore(%run_scoped3A_100 : memref<!tpu.dma_semaphore, #tpu.memory_space<semaphore_mem>>) src(%dma_wait3A_116 : memref<4x64xi32, #tpu.memory_space<hbm>>) dst(%arg9 : memref<4x64xi32, #tpu.memory_space<vmem>>)
          tpu.yield
        }) : () -> ()
        %dma_start3A_79 = arith.constant 0 : i32
        %dma_start3A_80 = arith.constant 0 : i32
        %dma_start3A_81 = tpu.memref_slice %arg9[%dma_start3A_79, %dma_start3A_80] : memref<4x64xi32, #tpu.memory_space<vmem>> -> memref<1x64xi32, #tpu.memory_space<vmem>>
        %dma_start3A_82 = tpu.memref_squeeze %dma_start3A_81 : memref<1x64xi32, #tpu.memory_space<vmem>> -> memref<64xi32, #tpu.memory_space<vmem>>
        %dma_start3A_83 = arith.constant 0 : i32
        %dma_start3A_84 = arith.constant 0 : i32
        %dma_start3A_85 = tpu.memref_slice %arg5[%dma_start3A_83, %dma_start3A_84] : memref<53824x64xf32, #tpu.memory_space<hbm>> -> memref<53824x64xf32, #tpu.memory_space<hbm>>
        tpu.enqueue_indirect_dma source(%dma_start3A_85 : memref<53824x64xf32, #tpu.memory_space<hbm>>) target(%arg11 : memref<64x64xf32, #tpu.memory_space<vmem>>) offsets(%dma_start3A_82 : memref<64xi32, #tpu.memory_space<vmem>>) semaphore(%arg19 : memref<!tpu.dma_semaphore, #tpu.memory_space<semaphore_mem>>)
        %dma_start3A_86 = arith.constant 1 : i32
        %dma_start3A_87 = arith.constant 0 : i32
        %dma_start3A_88 = tpu.memref_slice %arg9[%dma_start3A_86, %dma_start3A_87] : memref<4x64xi32, #tpu.memory_space<vmem>> -> memref<1x64xi32, #tpu.memory_space<vmem>>
        %dma_start3A_89 = tpu.memref_squeeze %dma_start3A_88 : memref<1x64xi32, #tpu.memory_space<vmem>> -> memref<64xi32, #tpu.memory_space<vmem>>
        %dma_start3A_90 = arith.constant 0 : i32
        %dma_start3A_91 = arith.constant 0 : i32
        %dma_start3A_92 = tpu.memref_slice %arg4[%dma_start3A_90, %dma_start3A_91] : memref<42688x128xf32, #tpu.memory_space<hbm>> -> memref<42688x128xf32, #tpu.memory_space<hbm>>
        tpu.enqueue_indirect_dma source(%dma_start3A_92 : memref<42688x128xf32, #tpu.memory_space<hbm>>) target(%arg15 : memref<64x128xf32, #tpu.memory_space<vmem>>) offsets(%dma_start3A_89 : memref<64xi32, #tpu.memory_space<vmem>>) semaphore(%arg19 : memref<!tpu.dma_semaphore, #tpu.memory_space<semaphore_mem>>)
        %dma_start3A_93 = arith.constant 2 : i32
        %dma_start3A_94 = arith.constant 0 : i32
        %dma_start3A_95 = tpu.memref_slice %arg9[%dma_start3A_93, %dma_start3A_94] : memref<4x64xi32, #tpu.memory_space<vmem>> -> memref<1x64xi32, #tpu.memory_space<vmem>>
        %dma_start3A_96 = tpu.memref_squeeze %dma_start3A_95 : memref<1x64xi32, #tpu.memory_space<vmem>> -> memref<64xi32, #tpu.memory_space<vmem>>
        %dma_start3A_97 = arith.constant 0 : i32
        %dma_start3A_98 = arith.constant 0 : i32
        %dma_start3A_99 = tpu.memref_slice %arg3[%dma_start3A_97, %dma_start3A_98] : memref<10000x192xf32, #tpu.memory_space<hbm>> -> memref<10000x192xf32, #tpu.memory_space<hbm>>
        tpu.enqueue_indirect_dma source(%dma_start3A_99 : memref<10000x192xf32, #tpu.memory_space<hbm>>) target(%arg13 : memref<64x192xf32, #tpu.memory_space<vmem>>) offsets(%dma_start3A_96 : memref<64xi32, #tpu.memory_space<vmem>>) semaphore(%arg19 : memref<!tpu.dma_semaphore, #tpu.memory_space<semaphore_mem>>)
      } else {
      }
      %lt3A_72 = arith.constant 157 : i32
      %lt3A_73 = arith.cmpi slt, %add3A_39, %lt3A_72 : i32
      %convert_element_type3A_74 = arith.extui %lt3A_73 : i1 to i32
      %cond3A_75 = arith.constant 0 : i32
      %cond3A_76 = arith.cmpi ne, %convert_element_type3A_74, %cond3A_75 : i32
      scf.if %cond3A_76 {
        %dma_wait3A_77 = arith.constant 0 : i32
        %dma_wait3A_78 = arith.constant 0 : i32
        %dma_wait3A_79 = tpu.memref_slice %arg10[%dma_wait3A_77, %dma_wait3A_78] : memref<4x64xi32, #tpu.memory_space<vmem>> -> memref<1x64xi32, #tpu.memory_space<vmem>>
        %dma_wait3A_80 = tpu.memref_squeeze %dma_wait3A_79 : memref<1x64xi32, #tpu.memory_space<vmem>> -> memref<64xi32, #tpu.memory_space<vmem>>
        %dma_wait3A_81 = arith.constant 0 : i32
        %dma_wait3A_82 = arith.constant 0 : i32
        %dma_wait3A_83 = tpu.memref_slice %arg5[%dma_wait3A_81, %dma_wait3A_82] : memref<53824x64xf32, #tpu.memory_space<hbm>> -> memref<53824x64xf32, #tpu.memory_space<hbm>>
        tpu.wait_indirect_dma semaphore(%arg20 : memref<!tpu.dma_semaphore, #tpu.memory_space<semaphore_mem>>) src(%dma_wait3A_83 : memref<53824x64xf32, #tpu.memory_space<hbm>>) dst(%arg12 : memref<64x64xf32, #tpu.memory_space<vmem>>)
        %dma_wait3A_84 = arith.constant 1 : i32
        %dma_wait3A_85 = arith.constant 0 : i32
        %dma_wait3A_86 = tpu.memref_slice %arg10[%dma_wait3A_84, %dma_wait3A_85] : memref<4x64xi32, #tpu.memory_space<vmem>> -> memref<1x64xi32, #tpu.memory_space<vmem>>
        %dma_wait3A_87 = tpu.memref_squeeze %dma_wait3A_86 : memref<1x64xi32, #tpu.memory_space<vmem>> -> memref<64xi32, #tpu.memory_space<vmem>>
        %dma_wait3A_88 = arith.constant 0 : i32
        %dma_wait3A_89 = arith.constant 0 : i32
        %dma_wait3A_90 = tpu.memref_slice %arg4[%dma_wait3A_88, %dma_wait3A_89] : memref<42688x128xf32, #tpu.memory_space<hbm>> -> memref<42688x128xf32, #tpu.memory_space<hbm>>
        tpu.wait_indirect_dma semaphore(%arg20 : memref<!tpu.dma_semaphore, #tpu.memory_space<semaphore_mem>>) src(%dma_wait3A_90 : memref<42688x128xf32, #tpu.memory_space<hbm>>) dst(%arg16 : memref<64x128xf32, #tpu.memory_space<vmem>>)
        %dma_wait3A_91 = arith.constant 2 : i32
        %dma_wait3A_92 = arith.constant 0 : i32
        %dma_wait3A_93 = tpu.memref_slice %arg10[%dma_wait3A_91, %dma_wait3A_92] : memref<4x64xi32, #tpu.memory_space<vmem>> -> memref<1x64xi32, #tpu.memory_space<vmem>>
        %dma_wait3A_94 = tpu.memref_squeeze %dma_wait3A_93 : memref<1x64xi32, #tpu.memory_space<vmem>> -> memref<64xi32, #tpu.memory_space<vmem>>
        %dma_wait3A_95 = arith.constant 0 : i32
        %dma_wait3A_96 = arith.constant 0 : i32
        %dma_wait3A_97 = tpu.memref_slice %arg3[%dma_wait3A_95, %dma_wait3A_96] : memref<10000x192xf32, #tpu.memory_space<hbm>> -> memref<10000x192xf32, #tpu.memory_space<hbm>>
        tpu.wait_indirect_dma semaphore(%arg20 : memref<!tpu.dma_semaphore, #tpu.memory_space<semaphore_mem>>) src(%dma_wait3A_97 : memref<10000x192xf32, #tpu.memory_space<hbm>>) dst(%arg14 : memref<64x192xf32, #tpu.memory_space<vmem>>)
        %parallel_loop3A_98 = arith.constant 0 : i32
        %parallel_loop3A_99 = arith.constant 64 : i32
        %parallel_loop3A_100 = arith.constant 1 : i32
        scf.for %parallel_loop3A_102 = %parallel_loop3A_98 to %parallel_loop3A_99 step %parallel_loop3A_100  : i32 {
          %parallel_loop3A_103 = arith.constant 0.000000e+00 : f32
          %parallel_loop3A_104 = vector.broadcast %parallel_loop3A_103 : f32 to vector<16xf32>
          %parallel_loop3A_105 = arith.index_cast %parallel_loop3A_102 : i32 to index
          %parallel_loop3A_106 = arith.constant 0 : index
          %parallel_loop3A_107 = tpu.vector_load %arg12[%parallel_loop3A_105, %parallel_loop3A_106] {strides = array<i32>} : memref<64x64xf32, #tpu.memory_space<vmem>>, vector<16xf32>,
          %parallel_loop3A_108 = arith.index_cast %parallel_loop3A_102 : i32 to index
          %parallel_loop3A_109 = arith.constant 128 : index
          %parallel_loop3A_110 = tpu.vector_load %arg14[%parallel_loop3A_108, %parallel_loop3A_109] {strides = array<i32>} : memref<64x192xf32, #tpu.memory_space<vmem>>, vector<16xf32>,
          %parallel_loop3A_111 = arith.addf %parallel_loop3A_107, %parallel_loop3A_110 : vector<16xf32>
          %parallel_loop3A_112 = arith.constant 0.000000e+00 : f32
          %parallel_loop3A_113 = vector.broadcast %parallel_loop3A_112 : f32 to vector<16xf32>
          %parallel_loop3A_114 = arith.maximumf %parallel_loop3A_111, %parallel_loop3A_113 : vector<16xf32>
          %parallel_loop3A_115 = arith.constant 0 : index
          %parallel_loop3A_116 = tpu.vector_load %arg17[%parallel_loop3A_115] {strides = array<i32>} : memref<64xf32, #tpu.memory_space<vmem>>, vector<16xf32>,
          %parallel_loop3A_117 = arith.mulf %parallel_loop3A_114, %parallel_loop3A_116 : vector<16xf32>
          %parallel_loop3A_118 = arith.addf %parallel_loop3A_104, %parallel_loop3A_117 : vector<16xf32>
          %parallel_loop3A_119 = arith.index_cast %parallel_loop3A_102 : i32 to index
          %parallel_loop3A_120 = arith.constant 16 : index
          %parallel_loop3A_121 = tpu.vector_load %arg12[%parallel_loop3A_119, %parallel_loop3A_120] {strides = array<i32>} : memref<64x64xf32, #tpu.memory_space<vmem>>, vector<16xf32>,
          %parallel_loop3A_122 = arith.index_cast %parallel_loop3A_102 : i32 to index
          %parallel_loop3A_123 = arith.constant 144 : index
          %parallel_loop3A_124 = tpu.vector_load %arg14[%parallel_loop3A_122, %parallel_loop3A_123] {strides = array<i32>} : memref<64x192xf32, #tpu.memory_space<vmem>>, vector<16xf32>,
          %parallel_loop3A_125 = arith.addf %parallel_loop3A_121, %parallel_loop3A_124 : vector<16xf32>
          %parallel_loop3A_126 = arith.constant 0.000000e+00 : f32
          %parallel_loop3A_127 = vector.broadcast %parallel_loop3A_126 : f32 to vector<16xf32>
          %parallel_loop3A_128 = arith.maximumf %parallel_loop3A_125, %parallel_loop3A_127 : vector<16xf32>
          %parallel_loop3A_129 = arith.constant 16 : index
          %parallel_loop3A_130 = tpu.vector_load %arg17[%parallel_loop3A_129] {strides = array<i32>} : memref<64xf32, #tpu.memory_space<vmem>>, vector<16xf32>,
          %parallel_loop3A_131 = arith.mulf %parallel_loop3A_128, %parallel_loop3A_130 : vector<16xf32>
          %parallel_loop3A_132 = arith.addf %parallel_loop3A_118, %parallel_loop3A_131 : vector<16xf32>
          %parallel_loop3A_133 = arith.index_cast %parallel_loop3A_102 : i32 to index
          %parallel_loop3A_134 = arith.constant 32 : index
          %parallel_loop3A_135 = tpu.vector_load %arg12[%parallel_loop3A_133, %parallel_loop3A_134] {strides = array<i32>} : memref<64x64xf32, #tpu.memory_space<vmem>>, vector<16xf32>,
          %parallel_loop3A_136 = arith.index_cast %parallel_loop3A_102 : i32 to index
          %parallel_loop3A_137 = arith.constant 160 : index
          %parallel_loop3A_138 = tpu.vector_load %arg14[%parallel_loop3A_136, %parallel_loop3A_137] {strides = array<i32>} : memref<64x192xf32, #tpu.memory_space<vmem>>, vector<16xf32>,
          %parallel_loop3A_139 = arith.addf %parallel_loop3A_135, %parallel_loop3A_138 : vector<16xf32>
          %parallel_loop3A_140 = arith.constant 0.000000e+00 : f32
          %parallel_loop3A_141 = vector.broadcast %parallel_loop3A_140 : f32 to vector<16xf32>
          %parallel_loop3A_142 = arith.maximumf %parallel_loop3A_139, %parallel_loop3A_141 : vector<16xf32>
          %parallel_loop3A_143 = arith.constant 32 : index
          %parallel_loop3A_144 = tpu.vector_load %arg17[%parallel_loop3A_143] {strides = array<i32>} : memref<64xf32, #tpu.memory_space<vmem>>, vector<16xf32>,
          %parallel_loop3A_145 = arith.mulf %parallel_loop3A_142, %parallel_loop3A_144 : vector<16xf32>
          %parallel_loop3A_146 = arith.addf %parallel_loop3A_132, %parallel_loop3A_145 : vector<16xf32>
          %parallel_loop3A_147 = arith.index_cast %parallel_loop3A_102 : i32 to index
          %parallel_loop3A_148 = arith.constant 48 : index
          %parallel_loop3A_149 = tpu.vector_load %arg12[%parallel_loop3A_147, %parallel_loop3A_148] {strides = array<i32>} : memref<64x64xf32, #tpu.memory_space<vmem>>, vector<16xf32>,
          %parallel_loop3A_150 = arith.index_cast %parallel_loop3A_102 : i32 to index
          %parallel_loop3A_151 = arith.constant 176 : index
          %parallel_loop3A_152 = tpu.vector_load %arg14[%parallel_loop3A_150, %parallel_loop3A_151] {strides = array<i32>} : memref<64x192xf32, #tpu.memory_space<vmem>>, vector<16xf32>,
          %parallel_loop3A_153 = arith.addf %parallel_loop3A_149, %parallel_loop3A_152 : vector<16xf32>
          %parallel_loop3A_154 = arith.constant 0.000000e+00 : f32
          %parallel_loop3A_155 = vector.broadcast %parallel_loop3A_154 : f32 to vector<16xf32>
          %parallel_loop3A_156 = arith.maximumf %parallel_loop3A_153, %parallel_loop3A_155 : vector<16xf32>
          %parallel_loop3A_157 = arith.constant 48 : index
          %parallel_loop3A_158 = tpu.vector_load %arg17[%parallel_loop3A_157] {strides = array<i32>} : memref<64xf32, #tpu.memory_space<vmem>>, vector<16xf32>,
          %parallel_loop3A_159 = arith.mulf %parallel_loop3A_156, %parallel_loop3A_158 : vector<16xf32>
          %parallel_loop3A_160 = arith.addf %parallel_loop3A_146, %parallel_loop3A_159 : vector<16xf32>
          %parallel_loop3A_161 = arith.constant true
          %parallel_loop3A_162 = vector.broadcast %parallel_loop3A_161 : i1 to vector<16xi1>
          %parallel_loop3A_163 = tpu.scan <sum>, %parallel_loop3A_160 masked %parallel_loop3A_162 : vector<16xf32>, vector<16xi1> -> vector<16xf32>
          %parallel_loop3A_164 = vector.extract %parallel_loop3A_163[15] : f32 from vector<16xf32>
          %parallel_loop3A_165 = vector.broadcast %parallel_loop3A_164 : f32 to vector<16xf32>
          %parallel_loop3A_166 = arith.constant 0.000000e+00 : f32
          %parallel_loop3A_167 = vector.broadcast %parallel_loop3A_166 : f32 to vector<16xf32>
          %parallel_loop3A_168 = arith.subf %parallel_loop3A_167, %parallel_loop3A_165 : vector<16xf32>
          %parallel_loop3A_169 = math.exp %parallel_loop3A_168 : vector<16xf32>
          %parallel_loop3A_170 = arith.constant 1.000000e+00 : f32
          %parallel_loop3A_171 = vector.broadcast %parallel_loop3A_170 : f32 to vector<16xf32>
          %parallel_loop3A_172 = arith.addf %parallel_loop3A_171, %parallel_loop3A_169 : vector<16xf32>
          %parallel_loop3A_173 = arith.constant 1.000000e+00 : f32
          %parallel_loop3A_174 = vector.broadcast %parallel_loop3A_173 : f32 to vector<16xf32>
          %parallel_loop3A_175 = arith.divf %parallel_loop3A_174, %parallel_loop3A_172 : vector<16xf32>
          %parallel_loop3A_176 = arith.index_cast %parallel_loop3A_102 : i32 to index
          %parallel_loop3A_177 = arith.constant 0 : index
          %parallel_loop3A_178 = tpu.vector_load %arg16[%parallel_loop3A_176, %parallel_loop3A_177] {strides = array<i32>} : memref<64x128xf32, #tpu.memory_space<vmem>>, vector<16xf32>,
          %parallel_loop3A_179 = arith.index_cast %parallel_loop3A_102 : i32 to index
          %parallel_loop3A_180 = arith.constant 0 : index
          %parallel_loop3A_181 = tpu.vector_load %arg14[%parallel_loop3A_179, %parallel_loop3A_180] {strides = array<i32>} : memref<64x192xf32, #tpu.memory_space<vmem>>, vector<16xf32>,
          %parallel_loop3A_182 = arith.addf %parallel_loop3A_178, %parallel_loop3A_181 : vector<16xf32>
          %parallel_loop3A_183 = arith.mulf %parallel_loop3A_182, %parallel_loop3A_175 : vector<16xf32>
          %parallel_loop3A_184 = arith.index_cast %parallel_loop3A_102 : i32 to index
          %parallel_loop3A_185 = arith.constant 0 : index
          %parallel_loop3A_186 = tpu.vector_load %arg16[%parallel_loop3A_184, %parallel_loop3A_185] {strides = array<i32>} : memref<64x128xf32, #tpu.memory_space<vmem>>, vector<16xf32>,
          tpu.vector_store %arg16[%parallel_loop3A_184, %parallel_loop3A_185], %parallel_loop3A_183 {strides = array<i32>} : memref<64x128xf32, #tpu.memory_space<vmem>>, vector<16xf32>,
          %parallel_loop3A_187 = arith.index_cast %parallel_loop3A_102 : i32 to index
          %parallel_loop3A_188 = arith.constant 16 : index
          %parallel_loop3A_189 = tpu.vector_load %arg16[%parallel_loop3A_187, %parallel_loop3A_188] {strides = array<i32>} : memref<64x128xf32, #tpu.memory_space<vmem>>, vector<16xf32>,
          %parallel_loop3A_190 = arith.index_cast %parallel_loop3A_102 : i32 to index
          %parallel_loop3A_191 = arith.constant 16 : index
          %parallel_loop3A_192 = tpu.vector_load %arg14[%parallel_loop3A_190, %parallel_loop3A_191] {strides = array<i32>} : memref<64x192xf32, #tpu.memory_space<vmem>>, vector<16xf32>,
          %parallel_loop3A_193 = arith.addf %parallel_loop3A_189, %parallel_loop3A_192 : vector<16xf32>
          %parallel_loop3A_194 = arith.mulf %parallel_loop3A_193, %parallel_loop3A_175 : vector<16xf32>
          %parallel_loop3A_195 = arith.index_cast %parallel_loop3A_102 : i32 to index
          %parallel_loop3A_196 = arith.constant 16 : index
          %parallel_loop3A_197 = tpu.vector_load %arg16[%parallel_loop3A_195, %parallel_loop3A_196] {strides = array<i32>} : memref<64x128xf32, #tpu.memory_space<vmem>>, vector<16xf32>,
          tpu.vector_store %arg16[%parallel_loop3A_195, %parallel_loop3A_196], %parallel_loop3A_194 {strides = array<i32>} : memref<64x128xf32, #tpu.memory_space<vmem>>, vector<16xf32>,
          %parallel_loop3A_198 = arith.index_cast %parallel_loop3A_102 : i32 to index
          %parallel_loop3A_199 = arith.constant 32 : index
          %parallel_loop3A_200 = tpu.vector_load %arg16[%parallel_loop3A_198, %parallel_loop3A_199] {strides = array<i32>} : memref<64x128xf32, #tpu.memory_space<vmem>>, vector<16xf32>,
          %parallel_loop3A_201 = arith.index_cast %parallel_loop3A_102 : i32 to index
          %parallel_loop3A_202 = arith.constant 32 : index
          %parallel_loop3A_203 = tpu.vector_load %arg14[%parallel_loop3A_201, %parallel_loop3A_202] {strides = array<i32>} : memref<64x192xf32, #tpu.memory_space<vmem>>, vector<16xf32>,
          %parallel_loop3A_204 = arith.addf %parallel_loop3A_200, %parallel_loop3A_203 : vector<16xf32>
          %parallel_loop3A_205 = arith.mulf %parallel_loop3A_204, %parallel_loop3A_175 : vector<16xf32>
          %parallel_loop3A_206 = arith.index_cast %parallel_loop3A_102 : i32 to index
          %parallel_loop3A_207 = arith.constant 32 : index
          %parallel_loop3A_208 = tpu.vector_load %arg16[%parallel_loop3A_206, %parallel_loop3A_207] {strides = array<i32>} : memref<64x128xf32, #tpu.memory_space<vmem>>, vector<16xf32>,
          tpu.vector_store %arg16[%parallel_loop3A_206, %parallel_loop3A_207], %parallel_loop3A_205 {strides = array<i32>} : memref<64x128xf32, #tpu.memory_space<vmem>>, vector<16xf32>,
          %parallel_loop3A_209 = arith.index_cast %parallel_loop3A_102 : i32 to index
          %parallel_loop3A_210 = arith.constant 48 : index
          %parallel_loop3A_211 = tpu.vector_load %arg16[%parallel_loop3A_209, %parallel_loop3A_210] {strides = array<i32>} : memref<64x128xf32, #tpu.memory_space<vmem>>, vector<16xf32>,
          %parallel_loop3A_212 = arith.index_cast %parallel_loop3A_102 : i32 to index
          %parallel_loop3A_213 = arith.constant 48 : index
          %parallel_loop3A_214 = tpu.vector_load %arg14[%parallel_loop3A_212, %parallel_loop3A_213] {strides = array<i32>} : memref<64x192xf32, #tpu.memory_space<vmem>>, vector<16xf32>,
          %parallel_loop3A_215 = arith.addf %parallel_loop3A_211, %parallel_loop3A_214 : vector<16xf32>
          %parallel_loop3A_216 = arith.mulf %parallel_loop3A_215, %parallel_loop3A_175 : vector<16xf32>
          %parallel_loop3A_217 = arith.index_cast %parallel_loop3A_102 : i32 to index
          %parallel_loop3A_218 = arith.constant 48 : index
          %parallel_loop3A_219 = tpu.vector_load %arg16[%parallel_loop3A_217, %parallel_loop3A_218] {strides = array<i32>} : memref<64x128xf32, #tpu.memory_space<vmem>>, vector<16xf32>,
          tpu.vector_store %arg16[%parallel_loop3A_217, %parallel_loop3A_218], %parallel_loop3A_216 {strides = array<i32>} : memref<64x128xf32, #tpu.memory_space<vmem>>, vector<16xf32>,
          %parallel_loop3A_220 = arith.index_cast %parallel_loop3A_102 : i32 to index
          %parallel_loop3A_221 = arith.constant 64 : index
          %parallel_loop3A_222 = tpu.vector_load %arg16[%parallel_loop3A_220, %parallel_loop3A_221] {strides = array<i32>} : memref<64x128xf32, #tpu.memory_space<vmem>>, vector<16xf32>,
          %parallel_loop3A_223 = arith.index_cast %parallel_loop3A_102 : i32 to index
          %parallel_loop3A_224 = arith.constant 64 : index
          %parallel_loop3A_225 = tpu.vector_load %arg14[%parallel_loop3A_223, %parallel_loop3A_224] {strides = array<i32>} : memref<64x192xf32, #tpu.memory_space<vmem>>, vector<16xf32>,
          %parallel_loop3A_226 = arith.addf %parallel_loop3A_222, %parallel_loop3A_225 : vector<16xf32>
          %parallel_loop3A_227 = arith.mulf %parallel_loop3A_226, %parallel_loop3A_175 : vector<16xf32>
          %parallel_loop3A_228 = arith.index_cast %parallel_loop3A_102 : i32 to index
          %parallel_loop3A_229 = arith.constant 64 : index
          %parallel_loop3A_230 = tpu.vector_load %arg16[%parallel_loop3A_228, %parallel_loop3A_229] {strides = array<i32>} : memref<64x128xf32, #tpu.memory_space<vmem>>, vector<16xf32>,
          tpu.vector_store %arg16[%parallel_loop3A_228, %parallel_loop3A_229], %parallel_loop3A_227 {strides = array<i32>} : memref<64x128xf32, #tpu.memory_space<vmem>>, vector<16xf32>,
          %parallel_loop3A_231 = arith.index_cast %parallel_loop3A_102 : i32 to index
          %parallel_loop3A_232 = arith.constant 80 : index
          %parallel_loop3A_233 = tpu.vector_load %arg16[%parallel_loop3A_231, %parallel_loop3A_232] {strides = array<i32>} : memref<64x128xf32, #tpu.memory_space<vmem>>, vector<16xf32>,
          %parallel_loop3A_234 = arith.index_cast %parallel_loop3A_102 : i32 to index
          %parallel_loop3A_235 = arith.constant 80 : index
          %parallel_loop3A_236 = tpu.vector_load %arg14[%parallel_loop3A_234, %parallel_loop3A_235] {strides = array<i32>} : memref<64x192xf32, #tpu.memory_space<vmem>>, vector<16xf32>,
          %parallel_loop3A_237 = arith.addf %parallel_loop3A_233, %parallel_loop3A_236 : vector<16xf32>
          %parallel_loop3A_238 = arith.mulf %parallel_loop3A_237, %parallel_loop3A_175 : vector<16xf32>
          %parallel_loop3A_239 = arith.index_cast %parallel_loop3A_102 : i32 to index
          %parallel_loop3A_240 = arith.constant 80 : index
          %parallel_loop3A_241 = tpu.vector_load %arg16[%parallel_loop3A_239, %parallel_loop3A_240] {strides = array<i32>} : memref<64x128xf32, #tpu.memory_space<vmem>>, vector<16xf32>,
          tpu.vector_store %arg16[%parallel_loop3A_239, %parallel_loop3A_240], %parallel_loop3A_238 {strides = array<i32>} : memref<64x128xf32, #tpu.memory_space<vmem>>, vector<16xf32>,
          %parallel_loop3A_242 = arith.index_cast %parallel_loop3A_102 : i32 to index
          %parallel_loop3A_243 = arith.constant 96 : index
          %parallel_loop3A_244 = tpu.vector_load %arg16[%parallel_loop3A_242, %parallel_loop3A_243] {strides = array<i32>} : memref<64x128xf32, #tpu.memory_space<vmem>>, vector<16xf32>,
          %parallel_loop3A_245 = arith.index_cast %parallel_loop3A_102 : i32 to index
          %parallel_loop3A_246 = arith.constant 96 : index
          %parallel_loop3A_247 = tpu.vector_load %arg14[%parallel_loop3A_245, %parallel_loop3A_246] {strides = array<i32>} : memref<64x192xf32, #tpu.memory_space<vmem>>, vector<16xf32>,
          %parallel_loop3A_248 = arith.addf %parallel_loop3A_244, %parallel_loop3A_247 : vector<16xf32>
          %parallel_loop3A_249 = arith.mulf %parallel_loop3A_248, %parallel_loop3A_175 : vector<16xf32>
          %parallel_loop3A_250 = arith.index_cast %parallel_loop3A_102 : i32 to index
          %parallel_loop3A_251 = arith.constant 96 : index
          %parallel_loop3A_252 = tpu.vector_load %arg16[%parallel_loop3A_250, %parallel_loop3A_251] {strides = array<i32>} : memref<64x128xf32, #tpu.memory_space<vmem>>, vector<16xf32>,
          tpu.vector_store %arg16[%parallel_loop3A_250, %parallel_loop3A_251], %parallel_loop3A_249 {strides = array<i32>} : memref<64x128xf32, #tpu.memory_space<vmem>>, vector<16xf32>,
          %parallel_loop3A_253 = arith.index_cast %parallel_loop3A_102 : i32 to index
          %parallel_loop3A_254 = arith.constant 112 : index
          %parallel_loop3A_255 = tpu.vector_load %arg16[%parallel_loop3A_253, %parallel_loop3A_254] {strides = array<i32>} : memref<64x128xf32, #tpu.memory_space<vmem>>, vector<16xf32>,
          %parallel_loop3A_256 = arith.index_cast %parallel_loop3A_102 : i32 to index
          %parallel_loop3A_257 = arith.constant 112 : index
          %parallel_loop3A_258 = tpu.vector_load %arg14[%parallel_loop3A_256, %parallel_loop3A_257] {strides = array<i32>} : memref<64x192xf32, #tpu.memory_space<vmem>>, vector<16xf32>,
          %parallel_loop3A_259 = arith.addf %parallel_loop3A_255, %parallel_loop3A_258 : vector<16xf32>
          %parallel_loop3A_260 = arith.mulf %parallel_loop3A_259, %parallel_loop3A_175 : vector<16xf32>
          %parallel_loop3A_261 = arith.index_cast %parallel_loop3A_102 : i32 to index
          %parallel_loop3A_262 = arith.constant 112 : index
          %parallel_loop3A_263 = tpu.vector_load %arg16[%parallel_loop3A_261, %parallel_loop3A_262] {strides = array<i32>} : memref<64x128xf32, #tpu.memory_space<vmem>>, vector<16xf32>,
          tpu.vector_store %arg16[%parallel_loop3A_261, %parallel_loop3A_262], %parallel_loop3A_260 {strides = array<i32>} : memref<64x128xf32, #tpu.memory_space<vmem>>, vector<16xf32>,
        } {sc.loop_unroll_factor = 4 : i64, sc.parallel_access}
        %run_scoped3A_101 = arith.constant 3 : i32
        "tpu.region"() ({
          %run_scoped3A_102 = tpu.sem_alloc : memref<!tpu.dma_semaphore, #tpu.memory_space<semaphore_mem>>
          %dma_start3A_103 = arith.constant 0 : i32
          %dma_start3A_104 = tpu.memref_slice %arg10[%run_scoped3A_101, %dma_start3A_103] : memref<4x64xi32, #tpu.memory_space<vmem>> -> memref<1x64xi32, #tpu.memory_space<vmem>>
          %dma_start3A_105 = tpu.memref_squeeze %dma_start3A_104 : memref<1x64xi32, #tpu.memory_space<vmem>> -> memref<64xi32, #tpu.memory_space<vmem>>
          %dma_start3A_106 = arith.constant 0 : i32
          %dma_start3A_107 = arith.constant 0 : i32
          %dma_start3A_108 = tpu.memref_slice %arg18[%dma_start3A_106, %dma_start3A_107] : memref<10112x128xf32, #tpu.memory_space<vmem_shared>> -> memref<10112x128xf32, #tpu.memory_space<vmem_shared>>
          tpu.enqueue_indirect_dma source(%arg16 : memref<64x128xf32, #tpu.memory_space<vmem>>) target(%dma_start3A_108 : memref<10112x128xf32, #tpu.memory_space<vmem_shared>>) offsets(%dma_start3A_105 : memref<64xi32, #tpu.memory_space<vmem>>) semaphore(%run_scoped3A_102 : memref<!tpu.dma_semaphore, #tpu.memory_space<semaphore_mem>>) {add = true}
          %dma_wait3A_109 = arith.constant 0 : i32
          %dma_wait3A_110 = tpu.memref_slice %arg10[%run_scoped3A_101, %dma_wait3A_109] : memref<4x64xi32, #tpu.memory_space<vmem>> -> memref<1x64xi32, #tpu.memory_space<vmem>>
          %dma_wait3A_111 = tpu.memref_squeeze %dma_wait3A_110 : memref<1x64xi32, #tpu.memory_space<vmem>> -> memref<64xi32, #tpu.memory_space<vmem>>
          %dma_wait3A_112 = arith.constant 0 : i32
          %dma_wait3A_113 = arith.constant 0 : i32
          %dma_wait3A_114 = tpu.memref_slice %arg18[%dma_wait3A_112, %dma_wait3A_113] : memref<10112x128xf32, #tpu.memory_space<vmem_shared>> -> memref<10112x128xf32, #tpu.memory_space<vmem_shared>>
          tpu.wait_indirect_dma semaphore(%run_scoped3A_102 : memref<!tpu.dma_semaphore, #tpu.memory_space<semaphore_mem>>) src(%arg16 : memref<64x128xf32, #tpu.memory_space<vmem>>) dst(%dma_wait3A_114 : memref<10112x128xf32, #tpu.memory_space<vmem_shared>>)
          tpu.yield
        }) : () -> ()
      } else {
      }
    }
    %scan3A_29 = arith.constant 79 : i32
    %barrier3A_30 = arith.constant 0 : index
    tpu.barrier barrier_id(%barrier3A_30)
    %mul3A_31 = arith.constant 632 : i32
    %mul3A_32 = arith.muli %arg1, %mul3A_31 : i32
    %mul3A_33 = arith.constant 632 : i32
    %mul3A_34 = arith.muli %arg1, %mul3A_33 : i32
    "tpu.region"() ({
      %run_scoped3A_35 = tpu.sem_alloc : memref<!tpu.dma_semaphore, #tpu.memory_space<semaphore_mem>>
      %dma_start3A_36 = arith.constant 0 : i32
      %dma_start3A_37 = tpu.memref_slice %arg8[%arg0, %mul3A_34, %dma_start3A_36] : memref<2x10112x128xf32, #tpu.memory_space<hbm>> -> memref<1x632x128xf32, #tpu.memory_space<hbm>>
      %dma_start3A_38 = tpu.memref_squeeze %dma_start3A_37 : memref<1x632x128xf32, #tpu.memory_space<hbm>> -> memref<632x128xf32, #tpu.memory_space<hbm>>
      %dma_start3A_39 = arith.constant 0 : i32
      %dma_start3A_40 = tpu.memref_slice %arg18[%mul3A_32, %dma_start3A_39] : memref<10112x128xf32, #tpu.memory_space<vmem_shared>> -> memref<632x128xf32, #tpu.memory_space<vmem_shared>>
      tpu.enqueue_dma source(%dma_start3A_40 : memref<632x128xf32, #tpu.memory_space<vmem_shared>>) target(%dma_start3A_38 : memref<632x128xf32, #tpu.memory_space<hbm>>) target_semaphore(%run_scoped3A_35 : memref<!tpu.dma_semaphore, #tpu.memory_space<semaphore_mem>>)
      %dma_wait3A = arith.constant 0 : i32
      %dma_wait3A_41 = tpu.memref_slice %arg8[%arg0, %mul3A_34, %dma_wait3A] : memref<2x10112x128xf32, #tpu.memory_space<hbm>> -> memref<1x632x128xf32, #tpu.memory_space<hbm>>
      %dma_wait3A_42 = tpu.memref_squeeze %dma_wait3A_41 : memref<1x632x128xf32, #tpu.memory_space<hbm>> -> memref<632x128xf32, #tpu.memory_space<hbm>>
      %dma_wait3A_43 = arith.constant 0 : i32
      %dma_wait3A_44 = tpu.memref_slice %arg18[%mul3A_32, %dma_wait3A_43] : memref<10112x128xf32, #tpu.memory_space<vmem_shared>> -> memref<632x128xf32, #tpu.memory_space<vmem_shared>>
      tpu.wait_dma2 semaphore(%run_scoped3A_35 : memref<!tpu.dma_semaphore, #tpu.memory_space<semaphore_mem>>) src(%dma_wait3A_44 : memref<632x128xf32, #tpu.memory_space<vmem_shared>>) dst(%dma_wait3A_42 : memref<632x128xf32, #tpu.memory_space<hbm>>)
      tpu.yield
    }) : () -> ()
    return
  }
}

#map = affine_map<(d0, d1) -> (0, 0, 0, 0)>
#map1 = affine_map<(d0, d1) -> (0, 0)>
#map2 = affine_map<(d0, d1) -> (0)>
#map3 = affine_map<(d0, d1) -> (0, 0, 0)>
module attributes {stable_mosaic.version = 14 : i64} {
  func.func @_edge_body(%arg0: i32, %arg1: i32, %arg2: memref<32x157x4x64xi32, #tpu.memory_space<hbm>>, %arg3: memref<10000x192xf32, #tpu.memory_space<hbm>>, %arg4: memref<42688x128xf32, #tpu.memory_space<hbm>>, %arg5: memref<53824x64xf32, #tpu.memory_space<hbm>>, %arg6: memref<64xf32, #tpu.memory_space<hbm>>, %arg7: memref<10112x128xf32, #tpu.memory_space<hbm>>, %arg8: memref<2x10112x128xf32, #tpu.memory_space<hbm>>, %arg9: memref<4x64xi32, #tpu.memory_space<vmem>>, %arg10: memref<4x64xi32, #tpu.memory_space<vmem>>, %arg11: memref<64x64xf32, #tpu.memory_space<vmem>>, %arg12: memref<64x64xf32, #tpu.memory_space<vmem>>, %arg13: memref<64x192xf32, #tpu.memory_space<vmem>>, %arg14: memref<64x192xf32, #tpu.memory_space<vmem>>, %arg15: memref<64x128xf32, #tpu.memory_space<vmem>>, %arg16: memref<64x128xf32, #tpu.memory_space<vmem>>, %arg17: memref<64xf32, #tpu.memory_space<vmem>>, %arg18: memref<10112x128xf32, #tpu.memory_space<vmem_shared>>, %arg19: memref<!tpu.dma_semaphore, #tpu.memory_space<semaphore_mem>>, %arg20: memref<!tpu.dma_semaphore, #tpu.memory_space<semaphore_mem>>) attributes {dimension_semantics = [#tpu.dimension_semantics<core_parallel>, #tpu.dimension_semantics<subcore_parallel>], iteration_bounds = array<i64: 2, 16>, scalar_prefetch = 0 : i64, scratch_operands = 12 : i64, tpu.core_type = #tpu.core_type<sc_vector_subcore>, window_params = [{transform_indices = #map}, {transform_indices = #map1}, {transform_indices = #map1}, {transform_indices = #map1}, {transform_indices = #map2}, {transform_indices = #map1}, {transform_indices = #map3}]} {
    %mul3A = arith.constant 2 : i32
    %mul3A_0 = arith.muli %arg1, %mul3A : i32
    %add3A = arith.addi %mul3A_0, %arg0 : i32
    %mul3A_1 = arith.constant 632 : i32
    %mul3A_2 = arith.muli %arg1, %mul3A_1 : i32
    %mul3A_3 = arith.constant 632 : i32
    %mul3A_4 = arith.muli %arg1, %mul3A_3 : i32
    "tpu.region"() ({
      %run_scoped3A_35 = tpu.sem_alloc : memref<!tpu.dma_semaphore, #tpu.memory_space<semaphore_mem>>
      %dma_start3A_36 = arith.constant 0 : i32
      %dma_start3A_37 = tpu.memref_slice %arg18[%mul3A_4, %dma_start3A_36] : memref<10112x128xf32, #tpu.memory_space<vmem_shared>> -> memref<632x128xf32, #tpu.memory_space<vmem_shared>>
      %dma_start3A_38 = arith.constant 0 : i32
      %dma_start3A_39 = tpu.memref_slice %arg7[%mul3A_2, %dma_start3A_38] : memref<10112x128xf32, #tpu.memory_space<hbm>> -> memref<632x128xf32, #tpu.memory_space<hbm>>
      tpu.enqueue_dma source(%dma_start3A_39 : memref<632x128xf32, #tpu.memory_space<hbm>>) target(%dma_start3A_37 : memref<632x128xf32, #tpu.memory_space<vmem_shared>>) target_semaphore(%run_scoped3A_35 : memref<!tpu.dma_semaphore, #tpu.memory_space<semaphore_mem>>)
      %dma_wait3A = arith.constant 0 : i32
      %dma_wait3A_40 = tpu.memref_slice %arg18[%mul3A_4, %dma_wait3A] : memref<10112x128xf32, #tpu.memory_space<vmem_shared>> -> memref<632x128xf32, #tpu.memory_space<vmem_shared>>
      %dma_wait3A_41 = arith.constant 0 : i32
      %dma_wait3A_42 = tpu.memref_slice %arg7[%mul3A_2, %dma_wait3A_41] : memref<10112x128xf32, #tpu.memory_space<hbm>> -> memref<632x128xf32, #tpu.memory_space<hbm>>
      tpu.wait_dma2 semaphore(%run_scoped3A_35 : memref<!tpu.dma_semaphore, #tpu.memory_space<semaphore_mem>>) src(%dma_wait3A_42 : memref<632x128xf32, #tpu.memory_space<hbm>>) dst(%dma_wait3A_40 : memref<632x128xf32, #tpu.memory_space<vmem_shared>>)
      tpu.yield
    }) : () -> ()
    "tpu.region"() ({
      %run_scoped3A_35 = tpu.sem_alloc : memref<!tpu.dma_semaphore, #tpu.memory_space<semaphore_mem>>
      tpu.enqueue_dma source(%arg6 : memref<64xf32, #tpu.memory_space<hbm>>) target(%arg17 : memref<64xf32, #tpu.memory_space<vmem>>) target_semaphore(%run_scoped3A_35 : memref<!tpu.dma_semaphore, #tpu.memory_space<semaphore_mem>>)
      tpu.wait_dma2 semaphore(%run_scoped3A_35 : memref<!tpu.dma_semaphore, #tpu.memory_space<semaphore_mem>>) src(%arg6 : memref<64xf32, #tpu.memory_space<hbm>>) dst(%arg17 : memref<64xf32, #tpu.memory_space<vmem>>)
      tpu.yield
    }) : () -> ()
    %barrier3A = arith.constant 0 : index
    tpu.barrier barrier_id(%barrier3A)
    %run_scoped3A = arith.constant 0 : i32
    "tpu.region"() ({
      %run_scoped3A_35 = tpu.sem_alloc : memref<!tpu.dma_semaphore, #tpu.memory_space<semaphore_mem>>
      %dma_start3A_36 = arith.constant 0 : i32
      %dma_start3A_37 = arith.constant 0 : i32
      %dma_start3A_38 = tpu.memref_slice %arg2[%add3A, %run_scoped3A, %dma_start3A_36, %dma_start3A_37] : memref<32x157x4x64xi32, #tpu.memory_space<hbm>> -> memref<1x1x4x64xi32, #tpu.memory_space<hbm>>
      %dma_start3A_39 = tpu.memref_squeeze %dma_start3A_38 : memref<1x1x4x64xi32, #tpu.memory_space<hbm>> -> memref<4x64xi32, #tpu.memory_space<hbm>>
      %dma_start3A_40 = arith.constant 0 : i32
      %dma_start3A_41 = arith.constant 0 : i32
      %dma_start3A_42 = tpu.memref_slice %arg2[%add3A, %run_scoped3A, %dma_start3A_40, %dma_start3A_41] : memref<32x157x4x64xi32, #tpu.memory_space<hbm>> -> memref<1x1x4x64xi32, #tpu.memory_space<hbm>>
      %dma_start3A_43 = tpu.memref_squeeze %dma_start3A_42 : memref<1x1x4x64xi32, #tpu.memory_space<hbm>> -> memref<4x64xi32, #tpu.memory_space<hbm>>
      tpu.enqueue_dma source(%dma_start3A_43 : memref<4x64xi32, #tpu.memory_space<hbm>>) target(%arg9 : memref<4x64xi32, #tpu.memory_space<vmem>>) target_semaphore(%run_scoped3A_35 : memref<!tpu.dma_semaphore, #tpu.memory_space<semaphore_mem>>)
      %dma_wait3A = arith.constant 0 : i32
      %dma_wait3A_44 = arith.constant 0 : i32
      %dma_wait3A_45 = tpu.memref_slice %arg2[%add3A, %run_scoped3A, %dma_wait3A, %dma_wait3A_44] : memref<32x157x4x64xi32, #tpu.memory_space<hbm>> -> memref<1x1x4x64xi32, #tpu.memory_space<hbm>>
      %dma_wait3A_46 = tpu.memref_squeeze %dma_wait3A_45 : memref<1x1x4x64xi32, #tpu.memory_space<hbm>> -> memref<4x64xi32, #tpu.memory_space<hbm>>
      %dma_wait3A_47 = arith.constant 0 : i32
      %dma_wait3A_48 = arith.constant 0 : i32
      %dma_wait3A_49 = tpu.memref_slice %arg2[%add3A, %run_scoped3A, %dma_wait3A_47, %dma_wait3A_48] : memref<32x157x4x64xi32, #tpu.memory_space<hbm>> -> memref<1x1x4x64xi32, #tpu.memory_space<hbm>>
      %dma_wait3A_50 = tpu.memref_squeeze %dma_wait3A_49 : memref<1x1x4x64xi32, #tpu.memory_space<hbm>> -> memref<4x64xi32, #tpu.memory_space<hbm>>
      tpu.wait_dma2 semaphore(%run_scoped3A_35 : memref<!tpu.dma_semaphore, #tpu.memory_space<semaphore_mem>>) src(%dma_wait3A_50 : memref<4x64xi32, #tpu.memory_space<hbm>>) dst(%arg9 : memref<4x64xi32, #tpu.memory_space<vmem>>)
      tpu.yield
    }) : () -> ()
    %dma_start3A = arith.constant 0 : i32
    %dma_start3A_5 = arith.constant 0 : i32
    %dma_start3A_6 = tpu.memref_slice %arg9[%dma_start3A, %dma_start3A_5] : memref<4x64xi32, #tpu.memory_space<vmem>> -> memref<1x64xi32, #tpu.memory_space<vmem>>
    %dma_start3A_7 = tpu.memref_squeeze %dma_start3A_6 : memref<1x64xi32, #tpu.memory_space<vmem>> -> memref<64xi32, #tpu.memory_space<vmem>>
    %dma_start3A_8 = arith.constant 0 : i32
    %dma_start3A_9 = arith.constant 0 : i32
    %dma_start3A_10 = tpu.memref_slice %arg5[%dma_start3A_8, %dma_start3A_9] : memref<53824x64xf32, #tpu.memory_space<hbm>> -> memref<53824x64xf32, #tpu.memory_space<hbm>>
    tpu.enqueue_indirect_dma source(%dma_start3A_10 : memref<53824x64xf32, #tpu.memory_space<hbm>>) target(%arg11 : memref<64x64xf32, #tpu.memory_space<vmem>>) offsets(%dma_start3A_7 : memref<64xi32, #tpu.memory_space<vmem>>) semaphore(%arg19 : memref<!tpu.dma_semaphore, #tpu.memory_space<semaphore_mem>>)
    %dma_start3A_11 = arith.constant 1 : i32
    %dma_start3A_12 = arith.constant 0 : i32
    %dma_start3A_13 = tpu.memref_slice %arg9[%dma_start3A_11, %dma_start3A_12] : memref<4x64xi32, #tpu.memory_space<vmem>> -> memref<1x64xi32, #tpu.memory_space<vmem>>
    %dma_start3A_14 = tpu.memref_squeeze %dma_start3A_13 : memref<1x64xi32, #tpu.memory_space<vmem>> -> memref<64xi32, #tpu.memory_space<vmem>>
    %dma_start3A_15 = arith.constant 0 : i32
    %dma_start3A_16 = arith.constant 0 : i32
    %dma_start3A_17 = tpu.memref_slice %arg4[%dma_start3A_15, %dma_start3A_16] : memref<42688x128xf32, #tpu.memory_space<hbm>> -> memref<42688x128xf32, #tpu.memory_space<hbm>>
    tpu.enqueue_indirect_dma source(%dma_start3A_17 : memref<42688x128xf32, #tpu.memory_space<hbm>>) target(%arg15 : memref<64x128xf32, #tpu.memory_space<vmem>>) offsets(%dma_start3A_14 : memref<64xi32, #tpu.memory_space<vmem>>) semaphore(%arg19 : memref<!tpu.dma_semaphore, #tpu.memory_space<semaphore_mem>>)
    %dma_start3A_18 = arith.constant 2 : i32
    %dma_start3A_19 = arith.constant 0 : i32
    %dma_start3A_20 = tpu.memref_slice %arg9[%dma_start3A_18, %dma_start3A_19] : memref<4x64xi32, #tpu.memory_space<vmem>> -> memref<1x64xi32, #tpu.memory_space<vmem>>
    %dma_start3A_21 = tpu.memref_squeeze %dma_start3A_20 : memref<1x64xi32, #tpu.memory_space<vmem>> -> memref<64xi32, #tpu.memory_space<vmem>>
    %dma_start3A_22 = arith.constant 0 : i32
    %dma_start3A_23 = arith.constant 0 : i32
    %dma_start3A_24 = tpu.memref_slice %arg3[%dma_start3A_22, %dma_start3A_23] : memref<10000x192xf32, #tpu.memory_space<hbm>> -> memref<10000x192xf32, #tpu.memory_space<hbm>>
    tpu.enqueue_indirect_dma source(%dma_start3A_24 : memref<10000x192xf32, #tpu.memory_space<hbm>>) target(%arg13 : memref<64x192xf32, #tpu.memory_space<vmem>>) offsets(%dma_start3A_21 : memref<64xi32, #tpu.memory_space<vmem>>) semaphore(%arg19 : memref<!tpu.dma_semaphore, #tpu.memory_space<semaphore_mem>>)
    %scan3A = arith.constant 0 : i32
    %scan3A_25 = arith.constant 0 : i32
    %scan3A_26 = arith.constant 79 : i32
    %scan3A_27 = arith.addi %scan3A_25, %scan3A_26 : i32
    %scan3A_28 = arith.constant 1 : i32
    scf.for %scan3A_35 = %scan3A_25 to %scan3A_27 step %scan3A_28  : i32 {
      %mul3A_36 = arith.constant 2 : i32
      %mul3A_37 = arith.muli %mul3A_36, %scan3A_35 : i32
      %add3A_38 = arith.constant 1 : i32
      %add3A_39 = arith.addi %mul3A_37, %add3A_38 : i32
      %lt3A = arith.constant 157 : i32
      %lt3A_40 = arith.cmpi slt, %add3A_39, %lt3A : i32
      %convert_element_type3A = arith.extui %lt3A_40 : i1 to i32
      %cond3A = arith.constant 0 : i32
      %cond3A_41 = arith.cmpi ne, %convert_element_type3A, %cond3A : i32
      scf.if %cond3A_41 {
        "tpu.region"() ({
          %run_scoped3A_98 = tpu.sem_alloc : memref<!tpu.dma_semaphore, #tpu.memory_space<semaphore_mem>>
          %dma_start3A_99 = arith.constant 0 : i32
          %dma_start3A_100 = arith.constant 0 : i32
          %dma_start3A_101 = tpu.memref_slice %arg2[%add3A, %add3A_39, %dma_start3A_99, %dma_start3A_100] : memref<32x157x4x64xi32, #tpu.memory_space<hbm>> -> memref<1x1x4x64xi32, #tpu.memory_space<hbm>>
          %dma_start3A_102 = tpu.memref_squeeze %dma_start3A_101 : memref<1x1x4x64xi32, #tpu.memory_space<hbm>> -> memref<4x64xi32, #tpu.memory_space<hbm>>
          %dma_start3A_103 = arith.constant 0 : i32
          %dma_start3A_104 = arith.constant 0 : i32
          %dma_start3A_105 = tpu.memref_slice %arg2[%add3A, %add3A_39, %dma_start3A_103, %dma_start3A_104] : memref<32x157x4x64xi32, #tpu.memory_space<hbm>> -> memref<1x1x4x64xi32, #tpu.memory_space<hbm>>
          %dma_start3A_106 = tpu.memref_squeeze %dma_start3A_105 : memref<1x1x4x64xi32, #tpu.memory_space<hbm>> -> memref<4x64xi32, #tpu.memory_space<hbm>>
          tpu.enqueue_dma source(%dma_start3A_106 : memref<4x64xi32, #tpu.memory_space<hbm>>) target(%arg10 : memref<4x64xi32, #tpu.memory_space<vmem>>) target_semaphore(%run_scoped3A_98 : memref<!tpu.dma_semaphore, #tpu.memory_space<semaphore_mem>>)
          %dma_wait3A_107 = arith.constant 0 : i32
          %dma_wait3A_108 = arith.constant 0 : i32
          %dma_wait3A_109 = tpu.memref_slice %arg2[%add3A, %add3A_39, %dma_wait3A_107, %dma_wait3A_108] : memref<32x157x4x64xi32, #tpu.memory_space<hbm>> -> memref<1x1x4x64xi32, #tpu.memory_space<hbm>>
          %dma_wait3A_110 = tpu.memref_squeeze %dma_wait3A_109 : memref<1x1x4x64xi32, #tpu.memory_space<hbm>> -> memref<4x64xi32, #tpu.memory_space<hbm>>
          %dma_wait3A_111 = arith.constant 0 : i32
          %dma_wait3A_112 = arith.constant 0 : i32
          %dma_wait3A_113 = tpu.memref_slice %arg2[%add3A, %add3A_39, %dma_wait3A_111, %dma_wait3A_112] : memref<32x157x4x64xi32, #tpu.memory_space<hbm>> -> memref<1x1x4x64xi32, #tpu.memory_space<hbm>>
          %dma_wait3A_114 = tpu.memref_squeeze %dma_wait3A_113 : memref<1x1x4x64xi32, #tpu.memory_space<hbm>> -> memref<4x64xi32, #tpu.memory_space<hbm>>
          tpu.wait_dma2 semaphore(%run_scoped3A_98 : memref<!tpu.dma_semaphore, #tpu.memory_space<semaphore_mem>>) src(%dma_wait3A_114 : memref<4x64xi32, #tpu.memory_space<hbm>>) dst(%arg10 : memref<4x64xi32, #tpu.memory_space<vmem>>)
          tpu.yield
        }) : () -> ()
        %dma_start3A_77 = arith.constant 0 : i32
        %dma_start3A_78 = arith.constant 0 : i32
        %dma_start3A_79 = tpu.memref_slice %arg10[%dma_start3A_77, %dma_start3A_78] : memref<4x64xi32, #tpu.memory_space<vmem>> -> memref<1x64xi32, #tpu.memory_space<vmem>>
        %dma_start3A_80 = tpu.memref_squeeze %dma_start3A_79 : memref<1x64xi32, #tpu.memory_space<vmem>> -> memref<64xi32, #tpu.memory_space<vmem>>
        %dma_start3A_81 = arith.constant 0 : i32
        %dma_start3A_82 = arith.constant 0 : i32
        %dma_start3A_83 = tpu.memref_slice %arg5[%dma_start3A_81, %dma_start3A_82] : memref<53824x64xf32, #tpu.memory_space<hbm>> -> memref<53824x64xf32, #tpu.memory_space<hbm>>
        tpu.enqueue_indirect_dma source(%dma_start3A_83 : memref<53824x64xf32, #tpu.memory_space<hbm>>) target(%arg12 : memref<64x64xf32, #tpu.memory_space<vmem>>) offsets(%dma_start3A_80 : memref<64xi32, #tpu.memory_space<vmem>>) semaphore(%arg20 : memref<!tpu.dma_semaphore, #tpu.memory_space<semaphore_mem>>)
        %dma_start3A_84 = arith.constant 1 : i32
        %dma_start3A_85 = arith.constant 0 : i32
        %dma_start3A_86 = tpu.memref_slice %arg10[%dma_start3A_84, %dma_start3A_85] : memref<4x64xi32, #tpu.memory_space<vmem>> -> memref<1x64xi32, #tpu.memory_space<vmem>>
        %dma_start3A_87 = tpu.memref_squeeze %dma_start3A_86 : memref<1x64xi32, #tpu.memory_space<vmem>> -> memref<64xi32, #tpu.memory_space<vmem>>
        %dma_start3A_88 = arith.constant 0 : i32
        %dma_start3A_89 = arith.constant 0 : i32
        %dma_start3A_90 = tpu.memref_slice %arg4[%dma_start3A_88, %dma_start3A_89] : memref<42688x128xf32, #tpu.memory_space<hbm>> -> memref<42688x128xf32, #tpu.memory_space<hbm>>
        tpu.enqueue_indirect_dma source(%dma_start3A_90 : memref<42688x128xf32, #tpu.memory_space<hbm>>) target(%arg16 : memref<64x128xf32, #tpu.memory_space<vmem>>) offsets(%dma_start3A_87 : memref<64xi32, #tpu.memory_space<vmem>>) semaphore(%arg20 : memref<!tpu.dma_semaphore, #tpu.memory_space<semaphore_mem>>)
        %dma_start3A_91 = arith.constant 2 : i32
        %dma_start3A_92 = arith.constant 0 : i32
        %dma_start3A_93 = tpu.memref_slice %arg10[%dma_start3A_91, %dma_start3A_92] : memref<4x64xi32, #tpu.memory_space<vmem>> -> memref<1x64xi32, #tpu.memory_space<vmem>>
        %dma_start3A_94 = tpu.memref_squeeze %dma_start3A_93 : memref<1x64xi32, #tpu.memory_space<vmem>> -> memref<64xi32, #tpu.memory_space<vmem>>
        %dma_start3A_95 = arith.constant 0 : i32
        %dma_start3A_96 = arith.constant 0 : i32
        %dma_start3A_97 = tpu.memref_slice %arg3[%dma_start3A_95, %dma_start3A_96] : memref<10000x192xf32, #tpu.memory_space<hbm>> -> memref<10000x192xf32, #tpu.memory_space<hbm>>
        tpu.enqueue_indirect_dma source(%dma_start3A_97 : memref<10000x192xf32, #tpu.memory_space<hbm>>) target(%arg14 : memref<64x192xf32, #tpu.memory_space<vmem>>) offsets(%dma_start3A_94 : memref<64xi32, #tpu.memory_space<vmem>>) semaphore(%arg20 : memref<!tpu.dma_semaphore, #tpu.memory_space<semaphore_mem>>)
      } else {
      }
      %dma_wait3A = arith.constant 0 : i32
      %dma_wait3A_42 = arith.constant 0 : i32
      %dma_wait3A_43 = tpu.memref_slice %arg9[%dma_wait3A, %dma_wait3A_42] : memref<4x64xi32, #tpu.memory_space<vmem>> -> memref<1x64xi32, #tpu.memory_space<vmem>>
      %dma_wait3A_44 = tpu.memref_squeeze %dma_wait3A_43 : memref<1x64xi32, #tpu.memory_space<vmem>> -> memref<64xi32, #tpu.memory_space<vmem>>
      %dma_wait3A_45 = arith.constant 0 : i32
      %dma_wait3A_46 = arith.constant 0 : i32
      %dma_wait3A_47 = tpu.memref_slice %arg5[%dma_wait3A_45, %dma_wait3A_46] : memref<53824x64xf32, #tpu.memory_space<hbm>> -> memref<53824x64xf32, #tpu.memory_space<hbm>>
      tpu.wait_indirect_dma semaphore(%arg19 : memref<!tpu.dma_semaphore, #tpu.memory_space<semaphore_mem>>) src(%dma_wait3A_47 : memref<53824x64xf32, #tpu.memory_space<hbm>>) dst(%arg11 : memref<64x64xf32, #tpu.memory_space<vmem>>)
      %dma_wait3A_48 = arith.constant 1 : i32
      %dma_wait3A_49 = arith.constant 0 : i32
      %dma_wait3A_50 = tpu.memref_slice %arg9[%dma_wait3A_48, %dma_wait3A_49] : memref<4x64xi32, #tpu.memory_space<vmem>> -> memref<1x64xi32, #tpu.memory_space<vmem>>
      %dma_wait3A_51 = tpu.memref_squeeze %dma_wait3A_50 : memref<1x64xi32, #tpu.memory_space<vmem>> -> memref<64xi32, #tpu.memory_space<vmem>>
      %dma_wait3A_52 = arith.constant 0 : i32
      %dma_wait3A_53 = arith.constant 0 : i32
      %dma_wait3A_54 = tpu.memref_slice %arg4[%dma_wait3A_52, %dma_wait3A_53] : memref<42688x128xf32, #tpu.memory_space<hbm>> -> memref<42688x128xf32, #tpu.memory_space<hbm>>
      tpu.wait_indirect_dma semaphore(%arg19 : memref<!tpu.dma_semaphore, #tpu.memory_space<semaphore_mem>>) src(%dma_wait3A_54 : memref<42688x128xf32, #tpu.memory_space<hbm>>) dst(%arg15 : memref<64x128xf32, #tpu.memory_space<vmem>>)
      %dma_wait3A_55 = arith.constant 2 : i32
      %dma_wait3A_56 = arith.constant 0 : i32
      %dma_wait3A_57 = tpu.memref_slice %arg9[%dma_wait3A_55, %dma_wait3A_56] : memref<4x64xi32, #tpu.memory_space<vmem>> -> memref<1x64xi32, #tpu.memory_space<vmem>>
      %dma_wait3A_58 = tpu.memref_squeeze %dma_wait3A_57 : memref<1x64xi32, #tpu.memory_space<vmem>> -> memref<64xi32, #tpu.memory_space<vmem>>
      %dma_wait3A_59 = arith.constant 0 : i32
      %dma_wait3A_60 = arith.constant 0 : i32
      %dma_wait3A_61 = tpu.memref_slice %arg3[%dma_wait3A_59, %dma_wait3A_60] : memref<10000x192xf32, #tpu.memory_space<hbm>> -> memref<10000x192xf32, #tpu.memory_space<hbm>>
      tpu.wait_indirect_dma semaphore(%arg19 : memref<!tpu.dma_semaphore, #tpu.memory_space<semaphore_mem>>) src(%dma_wait3A_61 : memref<10000x192xf32, #tpu.memory_space<hbm>>) dst(%arg13 : memref<64x192xf32, #tpu.memory_space<vmem>>)
      %parallel_loop3A = arith.constant 0 : i32
      %parallel_loop3A_62 = arith.constant 64 : i32
      %parallel_loop3A_63 = arith.constant 1 : i32
      scf.for %parallel_loop3A_77 = %parallel_loop3A to %parallel_loop3A_62 step %parallel_loop3A_63  : i32 {
        %parallel_loop3A_78 = arith.constant 0.000000e+00 : f32
        %parallel_loop3A_79 = vector.broadcast %parallel_loop3A_78 : f32 to vector<16xf32>
        %parallel_loop3A_80 = arith.index_cast %parallel_loop3A_77 : i32 to index
        %parallel_loop3A_81 = arith.constant 0 : index
        %parallel_loop3A_82 = tpu.vector_load %arg11[%parallel_loop3A_80, %parallel_loop3A_81] {strides = array<i32>} : memref<64x64xf32, #tpu.memory_space<vmem>>, vector<16xf32>,
        %parallel_loop3A_83 = arith.index_cast %parallel_loop3A_77 : i32 to index
        %parallel_loop3A_84 = arith.constant 128 : index
        %parallel_loop3A_85 = tpu.vector_load %arg13[%parallel_loop3A_83, %parallel_loop3A_84] {strides = array<i32>} : memref<64x192xf32, #tpu.memory_space<vmem>>, vector<16xf32>,
        %parallel_loop3A_86 = arith.addf %parallel_loop3A_82, %parallel_loop3A_85 : vector<16xf32>
        %parallel_loop3A_87 = arith.constant 0.000000e+00 : f32
        %parallel_loop3A_88 = vector.broadcast %parallel_loop3A_87 : f32 to vector<16xf32>
        %parallel_loop3A_89 = arith.maximumf %parallel_loop3A_86, %parallel_loop3A_88 : vector<16xf32>
        %parallel_loop3A_90 = arith.constant 0 : index
        %parallel_loop3A_91 = tpu.vector_load %arg17[%parallel_loop3A_90] {strides = array<i32>} : memref<64xf32, #tpu.memory_space<vmem>>, vector<16xf32>,
        %parallel_loop3A_92 = arith.mulf %parallel_loop3A_89, %parallel_loop3A_91 : vector<16xf32>
        %parallel_loop3A_93 = arith.addf %parallel_loop3A_79, %parallel_loop3A_92 : vector<16xf32>
        %parallel_loop3A_94 = arith.index_cast %parallel_loop3A_77 : i32 to index
        %parallel_loop3A_95 = arith.constant 16 : index
        %parallel_loop3A_96 = tpu.vector_load %arg11[%parallel_loop3A_94, %parallel_loop3A_95] {strides = array<i32>} : memref<64x64xf32, #tpu.memory_space<vmem>>, vector<16xf32>,
        %parallel_loop3A_97 = arith.index_cast %parallel_loop3A_77 : i32 to index
        %parallel_loop3A_98 = arith.constant 144 : index
        %parallel_loop3A_99 = tpu.vector_load %arg13[%parallel_loop3A_97, %parallel_loop3A_98] {strides = array<i32>} : memref<64x192xf32, #tpu.memory_space<vmem>>, vector<16xf32>,
        %parallel_loop3A_100 = arith.addf %parallel_loop3A_96, %parallel_loop3A_99 : vector<16xf32>
        %parallel_loop3A_101 = arith.constant 0.000000e+00 : f32
        %parallel_loop3A_102 = vector.broadcast %parallel_loop3A_101 : f32 to vector<16xf32>
        %parallel_loop3A_103 = arith.maximumf %parallel_loop3A_100, %parallel_loop3A_102 : vector<16xf32>
        %parallel_loop3A_104 = arith.constant 16 : index
        %parallel_loop3A_105 = tpu.vector_load %arg17[%parallel_loop3A_104] {strides = array<i32>} : memref<64xf32, #tpu.memory_space<vmem>>, vector<16xf32>,
        %parallel_loop3A_106 = arith.mulf %parallel_loop3A_103, %parallel_loop3A_105 : vector<16xf32>
        %parallel_loop3A_107 = arith.addf %parallel_loop3A_93, %parallel_loop3A_106 : vector<16xf32>
        %parallel_loop3A_108 = arith.index_cast %parallel_loop3A_77 : i32 to index
        %parallel_loop3A_109 = arith.constant 32 : index
        %parallel_loop3A_110 = tpu.vector_load %arg11[%parallel_loop3A_108, %parallel_loop3A_109] {strides = array<i32>} : memref<64x64xf32, #tpu.memory_space<vmem>>, vector<16xf32>,
        %parallel_loop3A_111 = arith.index_cast %parallel_loop3A_77 : i32 to index
        %parallel_loop3A_112 = arith.constant 160 : index
        %parallel_loop3A_113 = tpu.vector_load %arg13[%parallel_loop3A_111, %parallel_loop3A_112] {strides = array<i32>} : memref<64x192xf32, #tpu.memory_space<vmem>>, vector<16xf32>,
        %parallel_loop3A_114 = arith.addf %parallel_loop3A_110, %parallel_loop3A_113 : vector<16xf32>
        %parallel_loop3A_115 = arith.constant 0.000000e+00 : f32
        %parallel_loop3A_116 = vector.broadcast %parallel_loop3A_115 : f32 to vector<16xf32>
        %parallel_loop3A_117 = arith.maximumf %parallel_loop3A_114, %parallel_loop3A_116 : vector<16xf32>
        %parallel_loop3A_118 = arith.constant 32 : index
        %parallel_loop3A_119 = tpu.vector_load %arg17[%parallel_loop3A_118] {strides = array<i32>} : memref<64xf32, #tpu.memory_space<vmem>>, vector<16xf32>,
        %parallel_loop3A_120 = arith.mulf %parallel_loop3A_117, %parallel_loop3A_119 : vector<16xf32>
        %parallel_loop3A_121 = arith.addf %parallel_loop3A_107, %parallel_loop3A_120 : vector<16xf32>
        %parallel_loop3A_122 = arith.index_cast %parallel_loop3A_77 : i32 to index
        %parallel_loop3A_123 = arith.constant 48 : index
        %parallel_loop3A_124 = tpu.vector_load %arg11[%parallel_loop3A_122, %parallel_loop3A_123] {strides = array<i32>} : memref<64x64xf32, #tpu.memory_space<vmem>>, vector<16xf32>,
        %parallel_loop3A_125 = arith.index_cast %parallel_loop3A_77 : i32 to index
        %parallel_loop3A_126 = arith.constant 176 : index
        %parallel_loop3A_127 = tpu.vector_load %arg13[%parallel_loop3A_125, %parallel_loop3A_126] {strides = array<i32>} : memref<64x192xf32, #tpu.memory_space<vmem>>, vector<16xf32>,
        %parallel_loop3A_128 = arith.addf %parallel_loop3A_124, %parallel_loop3A_127 : vector<16xf32>
        %parallel_loop3A_129 = arith.constant 0.000000e+00 : f32
        %parallel_loop3A_130 = vector.broadcast %parallel_loop3A_129 : f32 to vector<16xf32>
        %parallel_loop3A_131 = arith.maximumf %parallel_loop3A_128, %parallel_loop3A_130 : vector<16xf32>
        %parallel_loop3A_132 = arith.constant 48 : index
        %parallel_loop3A_133 = tpu.vector_load %arg17[%parallel_loop3A_132] {strides = array<i32>} : memref<64xf32, #tpu.memory_space<vmem>>, vector<16xf32>,
        %parallel_loop3A_134 = arith.mulf %parallel_loop3A_131, %parallel_loop3A_133 : vector<16xf32>
        %parallel_loop3A_135 = arith.addf %parallel_loop3A_121, %parallel_loop3A_134 : vector<16xf32>
        %parallel_loop3A_136 = arith.constant true
        %parallel_loop3A_137 = vector.broadcast %parallel_loop3A_136 : i1 to vector<16xi1>
        %parallel_loop3A_138 = tpu.scan <sum>, %parallel_loop3A_135 masked %parallel_loop3A_137 : vector<16xf32>, vector<16xi1> -> vector<16xf32>
        %parallel_loop3A_139 = vector.extract %parallel_loop3A_138[15] : f32 from vector<16xf32>
        %parallel_loop3A_140 = vector.broadcast %parallel_loop3A_139 : f32 to vector<16xf32>
        %parallel_loop3A_141 = arith.constant 0.000000e+00 : f32
        %parallel_loop3A_142 = vector.broadcast %parallel_loop3A_141 : f32 to vector<16xf32>
        %parallel_loop3A_143 = arith.subf %parallel_loop3A_142, %parallel_loop3A_140 : vector<16xf32>
        %parallel_loop3A_144 = math.exp %parallel_loop3A_143 : vector<16xf32>
        %parallel_loop3A_145 = arith.constant 1.000000e+00 : f32
        %parallel_loop3A_146 = vector.broadcast %parallel_loop3A_145 : f32 to vector<16xf32>
        %parallel_loop3A_147 = arith.addf %parallel_loop3A_146, %parallel_loop3A_144 : vector<16xf32>
        %parallel_loop3A_148 = arith.constant 1.000000e+00 : f32
        %parallel_loop3A_149 = vector.broadcast %parallel_loop3A_148 : f32 to vector<16xf32>
        %parallel_loop3A_150 = arith.divf %parallel_loop3A_149, %parallel_loop3A_147 : vector<16xf32>
        %parallel_loop3A_151 = arith.index_cast %parallel_loop3A_77 : i32 to index
        %parallel_loop3A_152 = arith.constant 0 : index
        %parallel_loop3A_153 = tpu.vector_load %arg15[%parallel_loop3A_151, %parallel_loop3A_152] {strides = array<i32>} : memref<64x128xf32, #tpu.memory_space<vmem>>, vector<16xf32>,
        %parallel_loop3A_154 = arith.index_cast %parallel_loop3A_77 : i32 to index
        %parallel_loop3A_155 = arith.constant 0 : index
        %parallel_loop3A_156 = tpu.vector_load %arg13[%parallel_loop3A_154, %parallel_loop3A_155] {strides = array<i32>} : memref<64x192xf32, #tpu.memory_space<vmem>>, vector<16xf32>,
        %parallel_loop3A_157 = arith.addf %parallel_loop3A_153, %parallel_loop3A_156 : vector<16xf32>
        %parallel_loop3A_158 = arith.mulf %parallel_loop3A_157, %parallel_loop3A_150 : vector<16xf32>
        %parallel_loop3A_159 = arith.index_cast %parallel_loop3A_77 : i32 to index
        %parallel_loop3A_160 = arith.constant 0 : index
        %parallel_loop3A_161 = tpu.vector_load %arg15[%parallel_loop3A_159, %parallel_loop3A_160] {strides = array<i32>} : memref<64x128xf32, #tpu.memory_space<vmem>>, vector<16xf32>,
        tpu.vector_store %arg15[%parallel_loop3A_159, %parallel_loop3A_160], %parallel_loop3A_158 {strides = array<i32>} : memref<64x128xf32, #tpu.memory_space<vmem>>, vector<16xf32>,
        %parallel_loop3A_162 = arith.index_cast %parallel_loop3A_77 : i32 to index
        %parallel_loop3A_163 = arith.constant 16 : index
        %parallel_loop3A_164 = tpu.vector_load %arg15[%parallel_loop3A_162, %parallel_loop3A_163] {strides = array<i32>} : memref<64x128xf32, #tpu.memory_space<vmem>>, vector<16xf32>,
        %parallel_loop3A_165 = arith.index_cast %parallel_loop3A_77 : i32 to index
        %parallel_loop3A_166 = arith.constant 16 : index
        %parallel_loop3A_167 = tpu.vector_load %arg13[%parallel_loop3A_165, %parallel_loop3A_166] {strides = array<i32>} : memref<64x192xf32, #tpu.memory_space<vmem>>, vector<16xf32>,
        %parallel_loop3A_168 = arith.addf %parallel_loop3A_164, %parallel_loop3A_167 : vector<16xf32>
        %parallel_loop3A_169 = arith.mulf %parallel_loop3A_168, %parallel_loop3A_150 : vector<16xf32>
        %parallel_loop3A_170 = arith.index_cast %parallel_loop3A_77 : i32 to index
        %parallel_loop3A_171 = arith.constant 16 : index
        %parallel_loop3A_172 = tpu.vector_load %arg15[%parallel_loop3A_170, %parallel_loop3A_171] {strides = array<i32>} : memref<64x128xf32, #tpu.memory_space<vmem>>, vector<16xf32>,
        tpu.vector_store %arg15[%parallel_loop3A_170, %parallel_loop3A_171], %parallel_loop3A_169 {strides = array<i32>} : memref<64x128xf32, #tpu.memory_space<vmem>>, vector<16xf32>,
        %parallel_loop3A_173 = arith.index_cast %parallel_loop3A_77 : i32 to index
        %parallel_loop3A_174 = arith.constant 32 : index
        %parallel_loop3A_175 = tpu.vector_load %arg15[%parallel_loop3A_173, %parallel_loop3A_174] {strides = array<i32>} : memref<64x128xf32, #tpu.memory_space<vmem>>, vector<16xf32>,
        %parallel_loop3A_176 = arith.index_cast %parallel_loop3A_77 : i32 to index
        %parallel_loop3A_177 = arith.constant 32 : index
        %parallel_loop3A_178 = tpu.vector_load %arg13[%parallel_loop3A_176, %parallel_loop3A_177] {strides = array<i32>} : memref<64x192xf32, #tpu.memory_space<vmem>>, vector<16xf32>,
        %parallel_loop3A_179 = arith.addf %parallel_loop3A_175, %parallel_loop3A_178 : vector<16xf32>
        %parallel_loop3A_180 = arith.mulf %parallel_loop3A_179, %parallel_loop3A_150 : vector<16xf32>
        %parallel_loop3A_181 = arith.index_cast %parallel_loop3A_77 : i32 to index
        %parallel_loop3A_182 = arith.constant 32 : index
        %parallel_loop3A_183 = tpu.vector_load %arg15[%parallel_loop3A_181, %parallel_loop3A_182] {strides = array<i32>} : memref<64x128xf32, #tpu.memory_space<vmem>>, vector<16xf32>,
        tpu.vector_store %arg15[%parallel_loop3A_181, %parallel_loop3A_182], %parallel_loop3A_180 {strides = array<i32>} : memref<64x128xf32, #tpu.memory_space<vmem>>, vector<16xf32>,
        %parallel_loop3A_184 = arith.index_cast %parallel_loop3A_77 : i32 to index
        %parallel_loop3A_185 = arith.constant 48 : index
        %parallel_loop3A_186 = tpu.vector_load %arg15[%parallel_loop3A_184, %parallel_loop3A_185] {strides = array<i32>} : memref<64x128xf32, #tpu.memory_space<vmem>>, vector<16xf32>,
        %parallel_loop3A_187 = arith.index_cast %parallel_loop3A_77 : i32 to index
        %parallel_loop3A_188 = arith.constant 48 : index
        %parallel_loop3A_189 = tpu.vector_load %arg13[%parallel_loop3A_187, %parallel_loop3A_188] {strides = array<i32>} : memref<64x192xf32, #tpu.memory_space<vmem>>, vector<16xf32>,
        %parallel_loop3A_190 = arith.addf %parallel_loop3A_186, %parallel_loop3A_189 : vector<16xf32>
        %parallel_loop3A_191 = arith.mulf %parallel_loop3A_190, %parallel_loop3A_150 : vector<16xf32>
        %parallel_loop3A_192 = arith.index_cast %parallel_loop3A_77 : i32 to index
        %parallel_loop3A_193 = arith.constant 48 : index
        %parallel_loop3A_194 = tpu.vector_load %arg15[%parallel_loop3A_192, %parallel_loop3A_193] {strides = array<i32>} : memref<64x128xf32, #tpu.memory_space<vmem>>, vector<16xf32>,
        tpu.vector_store %arg15[%parallel_loop3A_192, %parallel_loop3A_193], %parallel_loop3A_191 {strides = array<i32>} : memref<64x128xf32, #tpu.memory_space<vmem>>, vector<16xf32>,
        %parallel_loop3A_195 = arith.index_cast %parallel_loop3A_77 : i32 to index
        %parallel_loop3A_196 = arith.constant 64 : index
        %parallel_loop3A_197 = tpu.vector_load %arg15[%parallel_loop3A_195, %parallel_loop3A_196] {strides = array<i32>} : memref<64x128xf32, #tpu.memory_space<vmem>>, vector<16xf32>,
        %parallel_loop3A_198 = arith.index_cast %parallel_loop3A_77 : i32 to index
        %parallel_loop3A_199 = arith.constant 64 : index
        %parallel_loop3A_200 = tpu.vector_load %arg13[%parallel_loop3A_198, %parallel_loop3A_199] {strides = array<i32>} : memref<64x192xf32, #tpu.memory_space<vmem>>, vector<16xf32>,
        %parallel_loop3A_201 = arith.addf %parallel_loop3A_197, %parallel_loop3A_200 : vector<16xf32>
        %parallel_loop3A_202 = arith.mulf %parallel_loop3A_201, %parallel_loop3A_150 : vector<16xf32>
        %parallel_loop3A_203 = arith.index_cast %parallel_loop3A_77 : i32 to index
        %parallel_loop3A_204 = arith.constant 64 : index
        %parallel_loop3A_205 = tpu.vector_load %arg15[%parallel_loop3A_203, %parallel_loop3A_204] {strides = array<i32>} : memref<64x128xf32, #tpu.memory_space<vmem>>, vector<16xf32>,
        tpu.vector_store %arg15[%parallel_loop3A_203, %parallel_loop3A_204], %parallel_loop3A_202 {strides = array<i32>} : memref<64x128xf32, #tpu.memory_space<vmem>>, vector<16xf32>,
        %parallel_loop3A_206 = arith.index_cast %parallel_loop3A_77 : i32 to index
        %parallel_loop3A_207 = arith.constant 80 : index
        %parallel_loop3A_208 = tpu.vector_load %arg15[%parallel_loop3A_206, %parallel_loop3A_207] {strides = array<i32>} : memref<64x128xf32, #tpu.memory_space<vmem>>, vector<16xf32>,
        %parallel_loop3A_209 = arith.index_cast %parallel_loop3A_77 : i32 to index
        %parallel_loop3A_210 = arith.constant 80 : index
        %parallel_loop3A_211 = tpu.vector_load %arg13[%parallel_loop3A_209, %parallel_loop3A_210] {strides = array<i32>} : memref<64x192xf32, #tpu.memory_space<vmem>>, vector<16xf32>,
        %parallel_loop3A_212 = arith.addf %parallel_loop3A_208, %parallel_loop3A_211 : vector<16xf32>
        %parallel_loop3A_213 = arith.mulf %parallel_loop3A_212, %parallel_loop3A_150 : vector<16xf32>
        %parallel_loop3A_214 = arith.index_cast %parallel_loop3A_77 : i32 to index
        %parallel_loop3A_215 = arith.constant 80 : index
        %parallel_loop3A_216 = tpu.vector_load %arg15[%parallel_loop3A_214, %parallel_loop3A_215] {strides = array<i32>} : memref<64x128xf32, #tpu.memory_space<vmem>>, vector<16xf32>,
        tpu.vector_store %arg15[%parallel_loop3A_214, %parallel_loop3A_215], %parallel_loop3A_213 {strides = array<i32>} : memref<64x128xf32, #tpu.memory_space<vmem>>, vector<16xf32>,
        %parallel_loop3A_217 = arith.index_cast %parallel_loop3A_77 : i32 to index
        %parallel_loop3A_218 = arith.constant 96 : index
        %parallel_loop3A_219 = tpu.vector_load %arg15[%parallel_loop3A_217, %parallel_loop3A_218] {strides = array<i32>} : memref<64x128xf32, #tpu.memory_space<vmem>>, vector<16xf32>,
        %parallel_loop3A_220 = arith.index_cast %parallel_loop3A_77 : i32 to index
        %parallel_loop3A_221 = arith.constant 96 : index
        %parallel_loop3A_222 = tpu.vector_load %arg13[%parallel_loop3A_220, %parallel_loop3A_221] {strides = array<i32>} : memref<64x192xf32, #tpu.memory_space<vmem>>, vector<16xf32>,
        %parallel_loop3A_223 = arith.addf %parallel_loop3A_219, %parallel_loop3A_222 : vector<16xf32>
        %parallel_loop3A_224 = arith.mulf %parallel_loop3A_223, %parallel_loop3A_150 : vector<16xf32>
        %parallel_loop3A_225 = arith.index_cast %parallel_loop3A_77 : i32 to index
        %parallel_loop3A_226 = arith.constant 96 : index
        %parallel_loop3A_227 = tpu.vector_load %arg15[%parallel_loop3A_225, %parallel_loop3A_226] {strides = array<i32>} : memref<64x128xf32, #tpu.memory_space<vmem>>, vector<16xf32>,
        tpu.vector_store %arg15[%parallel_loop3A_225, %parallel_loop3A_226], %parallel_loop3A_224 {strides = array<i32>} : memref<64x128xf32, #tpu.memory_space<vmem>>, vector<16xf32>,
        %parallel_loop3A_228 = arith.index_cast %parallel_loop3A_77 : i32 to index
        %parallel_loop3A_229 = arith.constant 112 : index
        %parallel_loop3A_230 = tpu.vector_load %arg15[%parallel_loop3A_228, %parallel_loop3A_229] {strides = array<i32>} : memref<64x128xf32, #tpu.memory_space<vmem>>, vector<16xf32>,
        %parallel_loop3A_231 = arith.index_cast %parallel_loop3A_77 : i32 to index
        %parallel_loop3A_232 = arith.constant 112 : index
        %parallel_loop3A_233 = tpu.vector_load %arg13[%parallel_loop3A_231, %parallel_loop3A_232] {strides = array<i32>} : memref<64x192xf32, #tpu.memory_space<vmem>>, vector<16xf32>,
        %parallel_loop3A_234 = arith.addf %parallel_loop3A_230, %parallel_loop3A_233 : vector<16xf32>
        %parallel_loop3A_235 = arith.mulf %parallel_loop3A_234, %parallel_loop3A_150 : vector<16xf32>
        %parallel_loop3A_236 = arith.index_cast %parallel_loop3A_77 : i32 to index
        %parallel_loop3A_237 = arith.constant 112 : index
        %parallel_loop3A_238 = tpu.vector_load %arg15[%parallel_loop3A_236, %parallel_loop3A_237] {strides = array<i32>} : memref<64x128xf32, #tpu.memory_space<vmem>>, vector<16xf32>,
        tpu.vector_store %arg15[%parallel_loop3A_236, %parallel_loop3A_237], %parallel_loop3A_235 {strides = array<i32>} : memref<64x128xf32, #tpu.memory_space<vmem>>, vector<16xf32>,
      } {sc.loop_unroll_factor = 4 : i64, sc.parallel_access}
      %run_scoped3A_64 = arith.constant 3 : i32
      "tpu.region"() ({
        %run_scoped3A_77 = tpu.sem_alloc : memref<!tpu.dma_semaphore, #tpu.memory_space<semaphore_mem>>
        %dma_start3A_78 = arith.constant 0 : i32
        %dma_start3A_79 = tpu.memref_slice %arg9[%run_scoped3A_64, %dma_start3A_78] : memref<4x64xi32, #tpu.memory_space<vmem>> -> memref<1x64xi32, #tpu.memory_space<vmem>>
        %dma_start3A_80 = tpu.memref_squeeze %dma_start3A_79 : memref<1x64xi32, #tpu.memory_space<vmem>> -> memref<64xi32, #tpu.memory_space<vmem>>
        %dma_start3A_81 = arith.constant 0 : i32
        %dma_start3A_82 = arith.constant 0 : i32
        %dma_start3A_83 = tpu.memref_slice %arg18[%dma_start3A_81, %dma_start3A_82] : memref<10112x128xf32, #tpu.memory_space<vmem_shared>> -> memref<10112x128xf32, #tpu.memory_space<vmem_shared>>
        tpu.enqueue_indirect_dma source(%arg15 : memref<64x128xf32, #tpu.memory_space<vmem>>) target(%dma_start3A_83 : memref<10112x128xf32, #tpu.memory_space<vmem_shared>>) offsets(%dma_start3A_80 : memref<64xi32, #tpu.memory_space<vmem>>) semaphore(%run_scoped3A_77 : memref<!tpu.dma_semaphore, #tpu.memory_space<semaphore_mem>>) {add = true}
        %dma_wait3A_84 = arith.constant 0 : i32
        %dma_wait3A_85 = tpu.memref_slice %arg9[%run_scoped3A_64, %dma_wait3A_84] : memref<4x64xi32, #tpu.memory_space<vmem>> -> memref<1x64xi32, #tpu.memory_space<vmem>>
        %dma_wait3A_86 = tpu.memref_squeeze %dma_wait3A_85 : memref<1x64xi32, #tpu.memory_space<vmem>> -> memref<64xi32, #tpu.memory_space<vmem>>
        %dma_wait3A_87 = arith.constant 0 : i32
        %dma_wait3A_88 = arith.constant 0 : i32
        %dma_wait3A_89 = tpu.memref_slice %arg18[%dma_wait3A_87, %dma_wait3A_88] : memref<10112x128xf32, #tpu.memory_space<vmem_shared>> -> memref<10112x128xf32, #tpu.memory_space<vmem_shared>>
        tpu.wait_indirect_dma semaphore(%run_scoped3A_77 : memref<!tpu.dma_semaphore, #tpu.memory_space<semaphore_mem>>) src(%arg15 : memref<64x128xf32, #tpu.memory_space<vmem>>) dst(%dma_wait3A_89 : memref<10112x128xf32, #tpu.memory_space<vmem_shared>>)
        tpu.yield
      }) : () -> ()
      %add3A_65 = arith.constant 2 : i32
      %add3A_66 = arith.addi %mul3A_37, %add3A_65 : i32
      %lt3A_67 = arith.constant 157 : i32
      %lt3A_68 = arith.cmpi slt, %add3A_66, %lt3A_67 : i32
      %convert_element_type3A_69 = arith.extui %lt3A_68 : i1 to i32
      %cond3A_70 = arith.constant 0 : i32
      %cond3A_71 = arith.cmpi ne, %convert_element_type3A_69, %cond3A_70 : i32
      scf.if %cond3A_71 {
        %add3A_77 = arith.constant 2 : i32
        %add3A_78 = arith.addi %mul3A_37, %add3A_77 : i32
        "tpu.region"() ({
          %run_scoped3A_100 = tpu.sem_alloc : memref<!tpu.dma_semaphore, #tpu.memory_space<semaphore_mem>>
          %dma_start3A_101 = arith.constant 0 : i32
          %dma_start3A_102 = arith.constant 0 : i32
          %dma_start3A_103 = tpu.memref_slice %arg2[%add3A, %add3A_78, %dma_start3A_101, %dma_start3A_102] : memref<32x157x4x64xi32, #tpu.memory_space<hbm>> -> memref<1x1x4x64xi32, #tpu.memory_space<hbm>>
          %dma_start3A_104 = tpu.memref_squeeze %dma_start3A_103 : memref<1x1x4x64xi32, #tpu.memory_space<hbm>> -> memref<4x64xi32, #tpu.memory_space<hbm>>
          %dma_start3A_105 = arith.constant 0 : i32
          %dma_start3A_106 = arith.constant 0 : i32
          %dma_start3A_107 = tpu.memref_slice %arg2[%add3A, %add3A_78, %dma_start3A_105, %dma_start3A_106] : memref<32x157x4x64xi32, #tpu.memory_space<hbm>> -> memref<1x1x4x64xi32, #tpu.memory_space<hbm>>
          %dma_start3A_108 = tpu.memref_squeeze %dma_start3A_107 : memref<1x1x4x64xi32, #tpu.memory_space<hbm>> -> memref<4x64xi32, #tpu.memory_space<hbm>>
          tpu.enqueue_dma source(%dma_start3A_108 : memref<4x64xi32, #tpu.memory_space<hbm>>) target(%arg9 : memref<4x64xi32, #tpu.memory_space<vmem>>) target_semaphore(%run_scoped3A_100 : memref<!tpu.dma_semaphore, #tpu.memory_space<semaphore_mem>>)
          %dma_wait3A_109 = arith.constant 0 : i32
          %dma_wait3A_110 = arith.constant 0 : i32
          %dma_wait3A_111 = tpu.memref_slice %arg2[%add3A, %add3A_78, %dma_wait3A_109, %dma_wait3A_110] : memref<32x157x4x64xi32, #tpu.memory_space<hbm>> -> memref<1x1x4x64xi32, #tpu.memory_space<hbm>>
          %dma_wait3A_112 = tpu.memref_squeeze %dma_wait3A_111 : memref<1x1x4x64xi32, #tpu.memory_space<hbm>> -> memref<4x64xi32, #tpu.memory_space<hbm>>
          %dma_wait3A_113 = arith.constant 0 : i32
          %dma_wait3A_114 = arith.constant 0 : i32
          %dma_wait3A_115 = tpu.memref_slice %arg2[%add3A, %add3A_78, %dma_wait3A_113, %dma_wait3A_114] : memref<32x157x4x64xi32, #tpu.memory_space<hbm>> -> memref<1x1x4x64xi32, #tpu.memory_space<hbm>>
          %dma_wait3A_116 = tpu.memref_squeeze %dma_wait3A_115 : memref<1x1x4x64xi32, #tpu.memory_space<hbm>> -> memref<4x64xi32, #tpu.memory_space<hbm>>
          tpu.wait_dma2 semaphore(%run_scoped3A_100 : memref<!tpu.dma_semaphore, #tpu.memory_space<semaphore_mem>>) src(%dma_wait3A_116 : memref<4x64xi32, #tpu.memory_space<hbm>>) dst(%arg9 : memref<4x64xi32, #tpu.memory_space<vmem>>)
          tpu.yield
        }) : () -> ()
        %dma_start3A_79 = arith.constant 0 : i32
        %dma_start3A_80 = arith.constant 0 : i32
        %dma_start3A_81 = tpu.memref_slice %arg9[%dma_start3A_79, %dma_start3A_80] : memref<4x64xi32, #tpu.memory_space<vmem>> -> memref<1x64xi32, #tpu.memory_space<vmem>>
        %dma_start3A_82 = tpu.memref_squeeze %dma_start3A_81 : memref<1x64xi32, #tpu.memory_space<vmem>> -> memref<64xi32, #tpu.memory_space<vmem>>
        %dma_start3A_83 = arith.constant 0 : i32
        %dma_start3A_84 = arith.constant 0 : i32
        %dma_start3A_85 = tpu.memref_slice %arg5[%dma_start3A_83, %dma_start3A_84] : memref<53824x64xf32, #tpu.memory_space<hbm>> -> memref<53824x64xf32, #tpu.memory_space<hbm>>
        tpu.enqueue_indirect_dma source(%dma_start3A_85 : memref<53824x64xf32, #tpu.memory_space<hbm>>) target(%arg11 : memref<64x64xf32, #tpu.memory_space<vmem>>) offsets(%dma_start3A_82 : memref<64xi32, #tpu.memory_space<vmem>>) semaphore(%arg19 : memref<!tpu.dma_semaphore, #tpu.memory_space<semaphore_mem>>)
        %dma_start3A_86 = arith.constant 1 : i32
        %dma_start3A_87 = arith.constant 0 : i32
        %dma_start3A_88 = tpu.memref_slice %arg9[%dma_start3A_86, %dma_start3A_87] : memref<4x64xi32, #tpu.memory_space<vmem>> -> memref<1x64xi32, #tpu.memory_space<vmem>>
        %dma_start3A_89 = tpu.memref_squeeze %dma_start3A_88 : memref<1x64xi32, #tpu.memory_space<vmem>> -> memref<64xi32, #tpu.memory_space<vmem>>
        %dma_start3A_90 = arith.constant 0 : i32
        %dma_start3A_91 = arith.constant 0 : i32
        %dma_start3A_92 = tpu.memref_slice %arg4[%dma_start3A_90, %dma_start3A_91] : memref<42688x128xf32, #tpu.memory_space<hbm>> -> memref<42688x128xf32, #tpu.memory_space<hbm>>
        tpu.enqueue_indirect_dma source(%dma_start3A_92 : memref<42688x128xf32, #tpu.memory_space<hbm>>) target(%arg15 : memref<64x128xf32, #tpu.memory_space<vmem>>) offsets(%dma_start3A_89 : memref<64xi32, #tpu.memory_space<vmem>>) semaphore(%arg19 : memref<!tpu.dma_semaphore, #tpu.memory_space<semaphore_mem>>)
        %dma_start3A_93 = arith.constant 2 : i32
        %dma_start3A_94 = arith.constant 0 : i32
        %dma_start3A_95 = tpu.memref_slice %arg9[%dma_start3A_93, %dma_start3A_94] : memref<4x64xi32, #tpu.memory_space<vmem>> -> memref<1x64xi32, #tpu.memory_space<vmem>>
        %dma_start3A_96 = tpu.memref_squeeze %dma_start3A_95 : memref<1x64xi32, #tpu.memory_space<vmem>> -> memref<64xi32, #tpu.memory_space<vmem>>
        %dma_start3A_97 = arith.constant 0 : i32
        %dma_start3A_98 = arith.constant 0 : i32
        %dma_start3A_99 = tpu.memref_slice %arg3[%dma_start3A_97, %dma_start3A_98] : memref<10000x192xf32, #tpu.memory_space<hbm>> -> memref<10000x192xf32, #tpu.memory_space<hbm>>
        tpu.enqueue_indirect_dma source(%dma_start3A_99 : memref<10000x192xf32, #tpu.memory_space<hbm>>) target(%arg13 : memref<64x192xf32, #tpu.memory_space<vmem>>) offsets(%dma_start3A_96 : memref<64xi32, #tpu.memory_space<vmem>>) semaphore(%arg19 : memref<!tpu.dma_semaphore, #tpu.memory_space<semaphore_mem>>)
      } else {
      }
      %lt3A_72 = arith.constant 157 : i32
      %lt3A_73 = arith.cmpi slt, %add3A_39, %lt3A_72 : i32
      %convert_element_type3A_74 = arith.extui %lt3A_73 : i1 to i32
      %cond3A_75 = arith.constant 0 : i32
      %cond3A_76 = arith.cmpi ne, %convert_element_type3A_74, %cond3A_75 : i32
      scf.if %cond3A_76 {
        %dma_wait3A_77 = arith.constant 0 : i32
        %dma_wait3A_78 = arith.constant 0 : i32
        %dma_wait3A_79 = tpu.memref_slice %arg10[%dma_wait3A_77, %dma_wait3A_78] : memref<4x64xi32, #tpu.memory_space<vmem>> -> memref<1x64xi32, #tpu.memory_space<vmem>>
        %dma_wait3A_80 = tpu.memref_squeeze %dma_wait3A_79 : memref<1x64xi32, #tpu.memory_space<vmem>> -> memref<64xi32, #tpu.memory_space<vmem>>
        %dma_wait3A_81 = arith.constant 0 : i32
        %dma_wait3A_82 = arith.constant 0 : i32
        %dma_wait3A_83 = tpu.memref_slice %arg5[%dma_wait3A_81, %dma_wait3A_82] : memref<53824x64xf32, #tpu.memory_space<hbm>> -> memref<53824x64xf32, #tpu.memory_space<hbm>>
        tpu.wait_indirect_dma semaphore(%arg20 : memref<!tpu.dma_semaphore, #tpu.memory_space<semaphore_mem>>) src(%dma_wait3A_83 : memref<53824x64xf32, #tpu.memory_space<hbm>>) dst(%arg12 : memref<64x64xf32, #tpu.memory_space<vmem>>)
        %dma_wait3A_84 = arith.constant 1 : i32
        %dma_wait3A_85 = arith.constant 0 : i32
        %dma_wait3A_86 = tpu.memref_slice %arg10[%dma_wait3A_84, %dma_wait3A_85] : memref<4x64xi32, #tpu.memory_space<vmem>> -> memref<1x64xi32, #tpu.memory_space<vmem>>
        %dma_wait3A_87 = tpu.memref_squeeze %dma_wait3A_86 : memref<1x64xi32, #tpu.memory_space<vmem>> -> memref<64xi32, #tpu.memory_space<vmem>>
        %dma_wait3A_88 = arith.constant 0 : i32
        %dma_wait3A_89 = arith.constant 0 : i32
        %dma_wait3A_90 = tpu.memref_slice %arg4[%dma_wait3A_88, %dma_wait3A_89] : memref<42688x128xf32, #tpu.memory_space<hbm>> -> memref<42688x128xf32, #tpu.memory_space<hbm>>
        tpu.wait_indirect_dma semaphore(%arg20 : memref<!tpu.dma_semaphore, #tpu.memory_space<semaphore_mem>>) src(%dma_wait3A_90 : memref<42688x128xf32, #tpu.memory_space<hbm>>) dst(%arg16 : memref<64x128xf32, #tpu.memory_space<vmem>>)
        %dma_wait3A_91 = arith.constant 2 : i32
        %dma_wait3A_92 = arith.constant 0 : i32
        %dma_wait3A_93 = tpu.memref_slice %arg10[%dma_wait3A_91, %dma_wait3A_92] : memref<4x64xi32, #tpu.memory_space<vmem>> -> memref<1x64xi32, #tpu.memory_space<vmem>>
        %dma_wait3A_94 = tpu.memref_squeeze %dma_wait3A_93 : memref<1x64xi32, #tpu.memory_space<vmem>> -> memref<64xi32, #tpu.memory_space<vmem>>
        %dma_wait3A_95 = arith.constant 0 : i32
        %dma_wait3A_96 = arith.constant 0 : i32
        %dma_wait3A_97 = tpu.memref_slice %arg3[%dma_wait3A_95, %dma_wait3A_96] : memref<10000x192xf32, #tpu.memory_space<hbm>> -> memref<10000x192xf32, #tpu.memory_space<hbm>>
        tpu.wait_indirect_dma semaphore(%arg20 : memref<!tpu.dma_semaphore, #tpu.memory_space<semaphore_mem>>) src(%dma_wait3A_97 : memref<10000x192xf32, #tpu.memory_space<hbm>>) dst(%arg14 : memref<64x192xf32, #tpu.memory_space<vmem>>)
        %parallel_loop3A_98 = arith.constant 0 : i32
        %parallel_loop3A_99 = arith.constant 64 : i32
        %parallel_loop3A_100 = arith.constant 1 : i32
        scf.for %parallel_loop3A_102 = %parallel_loop3A_98 to %parallel_loop3A_99 step %parallel_loop3A_100  : i32 {
          %parallel_loop3A_103 = arith.constant 0.000000e+00 : f32
          %parallel_loop3A_104 = vector.broadcast %parallel_loop3A_103 : f32 to vector<16xf32>
          %parallel_loop3A_105 = arith.index_cast %parallel_loop3A_102 : i32 to index
          %parallel_loop3A_106 = arith.constant 0 : index
          %parallel_loop3A_107 = tpu.vector_load %arg12[%parallel_loop3A_105, %parallel_loop3A_106] {strides = array<i32>} : memref<64x64xf32, #tpu.memory_space<vmem>>, vector<16xf32>,
          %parallel_loop3A_108 = arith.index_cast %parallel_loop3A_102 : i32 to index
          %parallel_loop3A_109 = arith.constant 128 : index
          %parallel_loop3A_110 = tpu.vector_load %arg14[%parallel_loop3A_108, %parallel_loop3A_109] {strides = array<i32>} : memref<64x192xf32, #tpu.memory_space<vmem>>, vector<16xf32>,
          %parallel_loop3A_111 = arith.addf %parallel_loop3A_107, %parallel_loop3A_110 : vector<16xf32>
          %parallel_loop3A_112 = arith.constant 0.000000e+00 : f32
          %parallel_loop3A_113 = vector.broadcast %parallel_loop3A_112 : f32 to vector<16xf32>
          %parallel_loop3A_114 = arith.maximumf %parallel_loop3A_111, %parallel_loop3A_113 : vector<16xf32>
          %parallel_loop3A_115 = arith.constant 0 : index
          %parallel_loop3A_116 = tpu.vector_load %arg17[%parallel_loop3A_115] {strides = array<i32>} : memref<64xf32, #tpu.memory_space<vmem>>, vector<16xf32>,
          %parallel_loop3A_117 = arith.mulf %parallel_loop3A_114, %parallel_loop3A_116 : vector<16xf32>
          %parallel_loop3A_118 = arith.addf %parallel_loop3A_104, %parallel_loop3A_117 : vector<16xf32>
          %parallel_loop3A_119 = arith.index_cast %parallel_loop3A_102 : i32 to index
          %parallel_loop3A_120 = arith.constant 16 : index
          %parallel_loop3A_121 = tpu.vector_load %arg12[%parallel_loop3A_119, %parallel_loop3A_120] {strides = array<i32>} : memref<64x64xf32, #tpu.memory_space<vmem>>, vector<16xf32>,
          %parallel_loop3A_122 = arith.index_cast %parallel_loop3A_102 : i32 to index
          %parallel_loop3A_123 = arith.constant 144 : index
          %parallel_loop3A_124 = tpu.vector_load %arg14[%parallel_loop3A_122, %parallel_loop3A_123] {strides = array<i32>} : memref<64x192xf32, #tpu.memory_space<vmem>>, vector<16xf32>,
          %parallel_loop3A_125 = arith.addf %parallel_loop3A_121, %parallel_loop3A_124 : vector<16xf32>
          %parallel_loop3A_126 = arith.constant 0.000000e+00 : f32
          %parallel_loop3A_127 = vector.broadcast %parallel_loop3A_126 : f32 to vector<16xf32>
          %parallel_loop3A_128 = arith.maximumf %parallel_loop3A_125, %parallel_loop3A_127 : vector<16xf32>
          %parallel_loop3A_129 = arith.constant 16 : index
          %parallel_loop3A_130 = tpu.vector_load %arg17[%parallel_loop3A_129] {strides = array<i32>} : memref<64xf32, #tpu.memory_space<vmem>>, vector<16xf32>,
          %parallel_loop3A_131 = arith.mulf %parallel_loop3A_128, %parallel_loop3A_130 : vector<16xf32>
          %parallel_loop3A_132 = arith.addf %parallel_loop3A_118, %parallel_loop3A_131 : vector<16xf32>
          %parallel_loop3A_133 = arith.index_cast %parallel_loop3A_102 : i32 to index
          %parallel_loop3A_134 = arith.constant 32 : index
          %parallel_loop3A_135 = tpu.vector_load %arg12[%parallel_loop3A_133, %parallel_loop3A_134] {strides = array<i32>} : memref<64x64xf32, #tpu.memory_space<vmem>>, vector<16xf32>,
          %parallel_loop3A_136 = arith.index_cast %parallel_loop3A_102 : i32 to index
          %parallel_loop3A_137 = arith.constant 160 : index
          %parallel_loop3A_138 = tpu.vector_load %arg14[%parallel_loop3A_136, %parallel_loop3A_137] {strides = array<i32>} : memref<64x192xf32, #tpu.memory_space<vmem>>, vector<16xf32>,
          %parallel_loop3A_139 = arith.addf %parallel_loop3A_135, %parallel_loop3A_138 : vector<16xf32>
          %parallel_loop3A_140 = arith.constant 0.000000e+00 : f32
          %parallel_loop3A_141 = vector.broadcast %parallel_loop3A_140 : f32 to vector<16xf32>
          %parallel_loop3A_142 = arith.maximumf %parallel_loop3A_139, %parallel_loop3A_141 : vector<16xf32>
          %parallel_loop3A_143 = arith.constant 32 : index
          %parallel_loop3A_144 = tpu.vector_load %arg17[%parallel_loop3A_143] {strides = array<i32>} : memref<64xf32, #tpu.memory_space<vmem>>, vector<16xf32>,
          %parallel_loop3A_145 = arith.mulf %parallel_loop3A_142, %parallel_loop3A_144 : vector<16xf32>
          %parallel_loop3A_146 = arith.addf %parallel_loop3A_132, %parallel_loop3A_145 : vector<16xf32>
          %parallel_loop3A_147 = arith.index_cast %parallel_loop3A_102 : i32 to index
          %parallel_loop3A_148 = arith.constant 48 : index
          %parallel_loop3A_149 = tpu.vector_load %arg12[%parallel_loop3A_147, %parallel_loop3A_148] {strides = array<i32>} : memref<64x64xf32, #tpu.memory_space<vmem>>, vector<16xf32>,
          %parallel_loop3A_150 = arith.index_cast %parallel_loop3A_102 : i32 to index
          %parallel_loop3A_151 = arith.constant 176 : index
          %parallel_loop3A_152 = tpu.vector_load %arg14[%parallel_loop3A_150, %parallel_loop3A_151] {strides = array<i32>} : memref<64x192xf32, #tpu.memory_space<vmem>>, vector<16xf32>,
          %parallel_loop3A_153 = arith.addf %parallel_loop3A_149, %parallel_loop3A_152 : vector<16xf32>
          %parallel_loop3A_154 = arith.constant 0.000000e+00 : f32
          %parallel_loop3A_155 = vector.broadcast %parallel_loop3A_154 : f32 to vector<16xf32>
          %parallel_loop3A_156 = arith.maximumf %parallel_loop3A_153, %parallel_loop3A_155 : vector<16xf32>
          %parallel_loop3A_157 = arith.constant 48 : index
          %parallel_loop3A_158 = tpu.vector_load %arg17[%parallel_loop3A_157] {strides = array<i32>} : memref<64xf32, #tpu.memory_space<vmem>>, vector<16xf32>,
          %parallel_loop3A_159 = arith.mulf %parallel_loop3A_156, %parallel_loop3A_158 : vector<16xf32>
          %parallel_loop3A_160 = arith.addf %parallel_loop3A_146, %parallel_loop3A_159 : vector<16xf32>
          %parallel_loop3A_161 = arith.constant true
          %parallel_loop3A_162 = vector.broadcast %parallel_loop3A_161 : i1 to vector<16xi1>
          %parallel_loop3A_163 = tpu.scan <sum>, %parallel_loop3A_160 masked %parallel_loop3A_162 : vector<16xf32>, vector<16xi1> -> vector<16xf32>
          %parallel_loop3A_164 = vector.extract %parallel_loop3A_163[15] : f32 from vector<16xf32>
          %parallel_loop3A_165 = vector.broadcast %parallel_loop3A_164 : f32 to vector<16xf32>
          %parallel_loop3A_166 = arith.constant 0.000000e+00 : f32
          %parallel_loop3A_167 = vector.broadcast %parallel_loop3A_166 : f32 to vector<16xf32>
          %parallel_loop3A_168 = arith.subf %parallel_loop3A_167, %parallel_loop3A_165 : vector<16xf32>
          %parallel_loop3A_169 = math.exp %parallel_loop3A_168 : vector<16xf32>
          %parallel_loop3A_170 = arith.constant 1.000000e+00 : f32
          %parallel_loop3A_171 = vector.broadcast %parallel_loop3A_170 : f32 to vector<16xf32>
          %parallel_loop3A_172 = arith.addf %parallel_loop3A_171, %parallel_loop3A_169 : vector<16xf32>
          %parallel_loop3A_173 = arith.constant 1.000000e+00 : f32
          %parallel_loop3A_174 = vector.broadcast %parallel_loop3A_173 : f32 to vector<16xf32>
          %parallel_loop3A_175 = arith.divf %parallel_loop3A_174, %parallel_loop3A_172 : vector<16xf32>
          %parallel_loop3A_176 = arith.index_cast %parallel_loop3A_102 : i32 to index
          %parallel_loop3A_177 = arith.constant 0 : index
          %parallel_loop3A_178 = tpu.vector_load %arg16[%parallel_loop3A_176, %parallel_loop3A_177] {strides = array<i32>} : memref<64x128xf32, #tpu.memory_space<vmem>>, vector<16xf32>,
          %parallel_loop3A_179 = arith.index_cast %parallel_loop3A_102 : i32 to index
          %parallel_loop3A_180 = arith.constant 0 : index
          %parallel_loop3A_181 = tpu.vector_load %arg14[%parallel_loop3A_179, %parallel_loop3A_180] {strides = array<i32>} : memref<64x192xf32, #tpu.memory_space<vmem>>, vector<16xf32>,
          %parallel_loop3A_182 = arith.addf %parallel_loop3A_178, %parallel_loop3A_181 : vector<16xf32>
          %parallel_loop3A_183 = arith.mulf %parallel_loop3A_182, %parallel_loop3A_175 : vector<16xf32>
          %parallel_loop3A_184 = arith.index_cast %parallel_loop3A_102 : i32 to index
          %parallel_loop3A_185 = arith.constant 0 : index
          %parallel_loop3A_186 = tpu.vector_load %arg16[%parallel_loop3A_184, %parallel_loop3A_185] {strides = array<i32>} : memref<64x128xf32, #tpu.memory_space<vmem>>, vector<16xf32>,
          tpu.vector_store %arg16[%parallel_loop3A_184, %parallel_loop3A_185], %parallel_loop3A_183 {strides = array<i32>} : memref<64x128xf32, #tpu.memory_space<vmem>>, vector<16xf32>,
          %parallel_loop3A_187 = arith.index_cast %parallel_loop3A_102 : i32 to index
          %parallel_loop3A_188 = arith.constant 16 : index
          %parallel_loop3A_189 = tpu.vector_load %arg16[%parallel_loop3A_187, %parallel_loop3A_188] {strides = array<i32>} : memref<64x128xf32, #tpu.memory_space<vmem>>, vector<16xf32>,
          %parallel_loop3A_190 = arith.index_cast %parallel_loop3A_102 : i32 to index
          %parallel_loop3A_191 = arith.constant 16 : index
          %parallel_loop3A_192 = tpu.vector_load %arg14[%parallel_loop3A_190, %parallel_loop3A_191] {strides = array<i32>} : memref<64x192xf32, #tpu.memory_space<vmem>>, vector<16xf32>,
          %parallel_loop3A_193 = arith.addf %parallel_loop3A_189, %parallel_loop3A_192 : vector<16xf32>
          %parallel_loop3A_194 = arith.mulf %parallel_loop3A_193, %parallel_loop3A_175 : vector<16xf32>
          %parallel_loop3A_195 = arith.index_cast %parallel_loop3A_102 : i32 to index
          %parallel_loop3A_196 = arith.constant 16 : index
          %parallel_loop3A_197 = tpu.vector_load %arg16[%parallel_loop3A_195, %parallel_loop3A_196] {strides = array<i32>} : memref<64x128xf32, #tpu.memory_space<vmem>>, vector<16xf32>,
          tpu.vector_store %arg16[%parallel_loop3A_195, %parallel_loop3A_196], %parallel_loop3A_194 {strides = array<i32>} : memref<64x128xf32, #tpu.memory_space<vmem>>, vector<16xf32>,
          %parallel_loop3A_198 = arith.index_cast %parallel_loop3A_102 : i32 to index
          %parallel_loop3A_199 = arith.constant 32 : index
          %parallel_loop3A_200 = tpu.vector_load %arg16[%parallel_loop3A_198, %parallel_loop3A_199] {strides = array<i32>} : memref<64x128xf32, #tpu.memory_space<vmem>>, vector<16xf32>,
          %parallel_loop3A_201 = arith.index_cast %parallel_loop3A_102 : i32 to index
          %parallel_loop3A_202 = arith.constant 32 : index
          %parallel_loop3A_203 = tpu.vector_load %arg14[%parallel_loop3A_201, %parallel_loop3A_202] {strides = array<i32>} : memref<64x192xf32, #tpu.memory_space<vmem>>, vector<16xf32>,
          %parallel_loop3A_204 = arith.addf %parallel_loop3A_200, %parallel_loop3A_203 : vector<16xf32>
          %parallel_loop3A_205 = arith.mulf %parallel_loop3A_204, %parallel_loop3A_175 : vector<16xf32>
          %parallel_loop3A_206 = arith.index_cast %parallel_loop3A_102 : i32 to index
          %parallel_loop3A_207 = arith.constant 32 : index
          %parallel_loop3A_208 = tpu.vector_load %arg16[%parallel_loop3A_206, %parallel_loop3A_207] {strides = array<i32>} : memref<64x128xf32, #tpu.memory_space<vmem>>, vector<16xf32>,
          tpu.vector_store %arg16[%parallel_loop3A_206, %parallel_loop3A_207], %parallel_loop3A_205 {strides = array<i32>} : memref<64x128xf32, #tpu.memory_space<vmem>>, vector<16xf32>,
          %parallel_loop3A_209 = arith.index_cast %parallel_loop3A_102 : i32 to index
          %parallel_loop3A_210 = arith.constant 48 : index
          %parallel_loop3A_211 = tpu.vector_load %arg16[%parallel_loop3A_209, %parallel_loop3A_210] {strides = array<i32>} : memref<64x128xf32, #tpu.memory_space<vmem>>, vector<16xf32>,
          %parallel_loop3A_212 = arith.index_cast %parallel_loop3A_102 : i32 to index
          %parallel_loop3A_213 = arith.constant 48 : index
          %parallel_loop3A_214 = tpu.vector_load %arg14[%parallel_loop3A_212, %parallel_loop3A_213] {strides = array<i32>} : memref<64x192xf32, #tpu.memory_space<vmem>>, vector<16xf32>,
          %parallel_loop3A_215 = arith.addf %parallel_loop3A_211, %parallel_loop3A_214 : vector<16xf32>
          %parallel_loop3A_216 = arith.mulf %parallel_loop3A_215, %parallel_loop3A_175 : vector<16xf32>
          %parallel_loop3A_217 = arith.index_cast %parallel_loop3A_102 : i32 to index
          %parallel_loop3A_218 = arith.constant 48 : index
          %parallel_loop3A_219 = tpu.vector_load %arg16[%parallel_loop3A_217, %parallel_loop3A_218] {strides = array<i32>} : memref<64x128xf32, #tpu.memory_space<vmem>>, vector<16xf32>,
          tpu.vector_store %arg16[%parallel_loop3A_217, %parallel_loop3A_218], %parallel_loop3A_216 {strides = array<i32>} : memref<64x128xf32, #tpu.memory_space<vmem>>, vector<16xf32>,
          %parallel_loop3A_220 = arith.index_cast %parallel_loop3A_102 : i32 to index
          %parallel_loop3A_221 = arith.constant 64 : index
          %parallel_loop3A_222 = tpu.vector_load %arg16[%parallel_loop3A_220, %parallel_loop3A_221] {strides = array<i32>} : memref<64x128xf32, #tpu.memory_space<vmem>>, vector<16xf32>,
          %parallel_loop3A_223 = arith.index_cast %parallel_loop3A_102 : i32 to index
          %parallel_loop3A_224 = arith.constant 64 : index
          %parallel_loop3A_225 = tpu.vector_load %arg14[%parallel_loop3A_223, %parallel_loop3A_224] {strides = array<i32>} : memref<64x192xf32, #tpu.memory_space<vmem>>, vector<16xf32>,
          %parallel_loop3A_226 = arith.addf %parallel_loop3A_222, %parallel_loop3A_225 : vector<16xf32>
          %parallel_loop3A_227 = arith.mulf %parallel_loop3A_226, %parallel_loop3A_175 : vector<16xf32>
          %parallel_loop3A_228 = arith.index_cast %parallel_loop3A_102 : i32 to index
          %parallel_loop3A_229 = arith.constant 64 : index
          %parallel_loop3A_230 = tpu.vector_load %arg16[%parallel_loop3A_228, %parallel_loop3A_229] {strides = array<i32>} : memref<64x128xf32, #tpu.memory_space<vmem>>, vector<16xf32>,
          tpu.vector_store %arg16[%parallel_loop3A_228, %parallel_loop3A_229], %parallel_loop3A_227 {strides = array<i32>} : memref<64x128xf32, #tpu.memory_space<vmem>>, vector<16xf32>,
          %parallel_loop3A_231 = arith.index_cast %parallel_loop3A_102 : i32 to index
          %parallel_loop3A_232 = arith.constant 80 : index
          %parallel_loop3A_233 = tpu.vector_load %arg16[%parallel_loop3A_231, %parallel_loop3A_232] {strides = array<i32>} : memref<64x128xf32, #tpu.memory_space<vmem>>, vector<16xf32>,
          %parallel_loop3A_234 = arith.index_cast %parallel_loop3A_102 : i32 to index
          %parallel_loop3A_235 = arith.constant 80 : index
          %parallel_loop3A_236 = tpu.vector_load %arg14[%parallel_loop3A_234, %parallel_loop3A_235] {strides = array<i32>} : memref<64x192xf32, #tpu.memory_space<vmem>>, vector<16xf32>,
          %parallel_loop3A_237 = arith.addf %parallel_loop3A_233, %parallel_loop3A_236 : vector<16xf32>
          %parallel_loop3A_238 = arith.mulf %parallel_loop3A_237, %parallel_loop3A_175 : vector<16xf32>
          %parallel_loop3A_239 = arith.index_cast %parallel_loop3A_102 : i32 to index
          %parallel_loop3A_240 = arith.constant 80 : index
          %parallel_loop3A_241 = tpu.vector_load %arg16[%parallel_loop3A_239, %parallel_loop3A_240] {strides = array<i32>} : memref<64x128xf32, #tpu.memory_space<vmem>>, vector<16xf32>,
          tpu.vector_store %arg16[%parallel_loop3A_239, %parallel_loop3A_240], %parallel_loop3A_238 {strides = array<i32>} : memref<64x128xf32, #tpu.memory_space<vmem>>, vector<16xf32>,
          %parallel_loop3A_242 = arith.index_cast %parallel_loop3A_102 : i32 to index
          %parallel_loop3A_243 = arith.constant 96 : index
          %parallel_loop3A_244 = tpu.vector_load %arg16[%parallel_loop3A_242, %parallel_loop3A_243] {strides = array<i32>} : memref<64x128xf32, #tpu.memory_space<vmem>>, vector<16xf32>,
          %parallel_loop3A_245 = arith.index_cast %parallel_loop3A_102 : i32 to index
          %parallel_loop3A_246 = arith.constant 96 : index
          %parallel_loop3A_247 = tpu.vector_load %arg14[%parallel_loop3A_245, %parallel_loop3A_246] {strides = array<i32>} : memref<64x192xf32, #tpu.memory_space<vmem>>, vector<16xf32>,
          %parallel_loop3A_248 = arith.addf %parallel_loop3A_244, %parallel_loop3A_247 : vector<16xf32>
          %parallel_loop3A_249 = arith.mulf %parallel_loop3A_248, %parallel_loop3A_175 : vector<16xf32>
          %parallel_loop3A_250 = arith.index_cast %parallel_loop3A_102 : i32 to index
          %parallel_loop3A_251 = arith.constant 96 : index
          %parallel_loop3A_252 = tpu.vector_load %arg16[%parallel_loop3A_250, %parallel_loop3A_251] {strides = array<i32>} : memref<64x128xf32, #tpu.memory_space<vmem>>, vector<16xf32>,
          tpu.vector_store %arg16[%parallel_loop3A_250, %parallel_loop3A_251], %parallel_loop3A_249 {strides = array<i32>} : memref<64x128xf32, #tpu.memory_space<vmem>>, vector<16xf32>,
          %parallel_loop3A_253 = arith.index_cast %parallel_loop3A_102 : i32 to index
          %parallel_loop3A_254 = arith.constant 112 : index
          %parallel_loop3A_255 = tpu.vector_load %arg16[%parallel_loop3A_253, %parallel_loop3A_254] {strides = array<i32>} : memref<64x128xf32, #tpu.memory_space<vmem>>, vector<16xf32>,
          %parallel_loop3A_256 = arith.index_cast %parallel_loop3A_102 : i32 to index
          %parallel_loop3A_257 = arith.constant 112 : index
          %parallel_loop3A_258 = tpu.vector_load %arg14[%parallel_loop3A_256, %parallel_loop3A_257] {strides = array<i32>} : memref<64x192xf32, #tpu.memory_space<vmem>>, vector<16xf32>,
          %parallel_loop3A_259 = arith.addf %parallel_loop3A_255, %parallel_loop3A_258 : vector<16xf32>
          %parallel_loop3A_260 = arith.mulf %parallel_loop3A_259, %parallel_loop3A_175 : vector<16xf32>
          %parallel_loop3A_261 = arith.index_cast %parallel_loop3A_102 : i32 to index
          %parallel_loop3A_262 = arith.constant 112 : index
          %parallel_loop3A_263 = tpu.vector_load %arg16[%parallel_loop3A_261, %parallel_loop3A_262] {strides = array<i32>} : memref<64x128xf32, #tpu.memory_space<vmem>>, vector<16xf32>,
          tpu.vector_store %arg16[%parallel_loop3A_261, %parallel_loop3A_262], %parallel_loop3A_260 {strides = array<i32>} : memref<64x128xf32, #tpu.memory_space<vmem>>, vector<16xf32>,
        } {sc.loop_unroll_factor = 4 : i64, sc.parallel_access}
        %run_scoped3A_101 = arith.constant 3 : i32
        "tpu.region"() ({
          %run_scoped3A_102 = tpu.sem_alloc : memref<!tpu.dma_semaphore, #tpu.memory_space<semaphore_mem>>
          %dma_start3A_103 = arith.constant 0 : i32
          %dma_start3A_104 = tpu.memref_slice %arg10[%run_scoped3A_101, %dma_start3A_103] : memref<4x64xi32, #tpu.memory_space<vmem>> -> memref<1x64xi32, #tpu.memory_space<vmem>>
          %dma_start3A_105 = tpu.memref_squeeze %dma_start3A_104 : memref<1x64xi32, #tpu.memory_space<vmem>> -> memref<64xi32, #tpu.memory_space<vmem>>
          %dma_start3A_106 = arith.constant 0 : i32
          %dma_start3A_107 = arith.constant 0 : i32
          %dma_start3A_108 = tpu.memref_slice %arg18[%dma_start3A_106, %dma_start3A_107] : memref<10112x128xf32, #tpu.memory_space<vmem_shared>> -> memref<10112x128xf32, #tpu.memory_space<vmem_shared>>
          tpu.enqueue_indirect_dma source(%arg16 : memref<64x128xf32, #tpu.memory_space<vmem>>) target(%dma_start3A_108 : memref<10112x128xf32, #tpu.memory_space<vmem_shared>>) offsets(%dma_start3A_105 : memref<64xi32, #tpu.memory_space<vmem>>) semaphore(%run_scoped3A_102 : memref<!tpu.dma_semaphore, #tpu.memory_space<semaphore_mem>>) {add = true}
          %dma_wait3A_109 = arith.constant 0 : i32
          %dma_wait3A_110 = tpu.memref_slice %arg10[%run_scoped3A_101, %dma_wait3A_109] : memref<4x64xi32, #tpu.memory_space<vmem>> -> memref<1x64xi32, #tpu.memory_space<vmem>>
          %dma_wait3A_111 = tpu.memref_squeeze %dma_wait3A_110 : memref<1x64xi32, #tpu.memory_space<vmem>> -> memref<64xi32, #tpu.memory_space<vmem>>
          %dma_wait3A_112 = arith.constant 0 : i32
          %dma_wait3A_113 = arith.constant 0 : i32
          %dma_wait3A_114 = tpu.memref_slice %arg18[%dma_wait3A_112, %dma_wait3A_113] : memref<10112x128xf32, #tpu.memory_space<vmem_shared>> -> memref<10112x128xf32, #tpu.memory_space<vmem_shared>>
          tpu.wait_indirect_dma semaphore(%run_scoped3A_102 : memref<!tpu.dma_semaphore, #tpu.memory_space<semaphore_mem>>) src(%arg16 : memref<64x128xf32, #tpu.memory_space<vmem>>) dst(%dma_wait3A_114 : memref<10112x128xf32, #tpu.memory_space<vmem_shared>>)
          tpu.yield
        }) : () -> ()
      } else {
      }
    }
    %scan3A_29 = arith.constant 79 : i32
    %barrier3A_30 = arith.constant 0 : index
    tpu.barrier barrier_id(%barrier3A_30)
    %mul3A_31 = arith.constant 632 : i32
    %mul3A_32 = arith.muli %arg1, %mul3A_31 : i32
    %mul3A_33 = arith.constant 632 : i32
    %mul3A_34 = arith.muli %arg1, %mul3A_33 : i32
    "tpu.region"() ({
      %run_scoped3A_35 = tpu.sem_alloc : memref<!tpu.dma_semaphore, #tpu.memory_space<semaphore_mem>>
      %dma_start3A_36 = arith.constant 0 : i32
      %dma_start3A_37 = tpu.memref_slice %arg8[%arg0, %mul3A_34, %dma_start3A_36] : memref<2x10112x128xf32, #tpu.memory_space<hbm>> -> memref<1x632x128xf32, #tpu.memory_space<hbm>>
      %dma_start3A_38 = tpu.memref_squeeze %dma_start3A_37 : memref<1x632x128xf32, #tpu.memory_space<hbm>> -> memref<632x128xf32, #tpu.memory_space<hbm>>
      %dma_start3A_39 = arith.constant 0 : i32
      %dma_start3A_40 = tpu.memref_slice %arg18[%mul3A_32, %dma_start3A_39] : memref<10112x128xf32, #tpu.memory_space<vmem_shared>> -> memref<632x128xf32, #tpu.memory_space<vmem_shared>>
      tpu.enqueue_dma source(%dma_start3A_40 : memref<632x128xf32, #tpu.memory_space<vmem_shared>>) target(%dma_start3A_38 : memref<632x128xf32, #tpu.memory_space<hbm>>) target_semaphore(%run_scoped3A_35 : memref<!tpu.dma_semaphore, #tpu.memory_space<semaphore_mem>>)
      %dma_wait3A = arith.constant 0 : i32
      %dma_wait3A_41 = tpu.memref_slice %arg8[%arg0, %mul3A_34, %dma_wait3A] : memref<2x10112x128xf32, #tpu.memory_space<hbm>> -> memref<1x632x128xf32, #tpu.memory_space<hbm>>
      %dma_wait3A_42 = tpu.memref_squeeze %dma_wait3A_41 : memref<1x632x128xf32, #tpu.memory_space<hbm>> -> memref<632x128xf32, #tpu.memory_space<hbm>>
      %dma_wait3A_43 = arith.constant 0 : i32
      %dma_wait3A_44 = tpu.memref_slice %arg18[%mul3A_32, %dma_wait3A_43] : memref<10112x128xf32, #tpu.memory_space<vmem_shared>> -> memref<632x128xf32, #tpu.memory_space<vmem_shared>>
      tpu.wait_dma2 semaphore(%run_scoped3A_35 : memref<!tpu.dma_semaphore, #tpu.memory_space<semaphore_mem>>) src(%dma_wait3A_44 : memref<632x128xf32, #tpu.memory_space<vmem_shared>>) dst(%dma_wait3A_42 : memref<632x128xf32, #tpu.memory_space<hbm>>)
      tpu.yield
    }) : () -> ()
    return
  }
}

module attributes {stable_mosaic.version = 14 : i64} {
  func.func @_prep_body(%arg0: memref<3x232x128xf32, #tpu.memory_space<vmem>>, %arg1: memref<184x128xf32, #tpu.memory_space<vmem>>, %arg2: memref<128x128xf32, #tpu.memory_space<vmem>>, %arg3: memref<3x64x384xf32, #tpu.memory_space<vmem>>, %arg4: memref<3x232x128xf32, #tpu.memory_space<vmem>>, %arg5: memref<184x128xf32, #tpu.memory_space<vmem>>, %arg6: memref<3x232x64xf32, #tpu.memory_space<vmem>>, %arg7: memref<3x232x64xf32, #tpu.memory_space<vmem>>) attributes {dimension_semantics = [], scalar_prefetch = 0 : i64, scratch_operands = 0 : i64, tpu.core_type = #tpu.core_type<tc>} {
    %get3A = arith.constant 0 : index
    %get3A_0 = arith.constant 0 : index
    %get3A_1 = vector.load %arg2[%get3A, %get3A_0] : memref<128x128xf32, #tpu.memory_space<vmem>>, vector<128x128xf32>
    %get3A_2 = arith.constant 0 : index
    %get3A_3 = arith.constant 0 : index
    %get3A_4 = vector.load %arg1[%get3A_2, %get3A_3] : memref<184x128xf32, #tpu.memory_space<vmem>>, vector<184x128xf32>
    %dot_general3A = arith.constant dense<0.000000e+00> : vector<184x128xf32>
    %dot_general3A_5 = tpu.matmul %get3A_4, %get3A_1, %dot_general3A {dimension_numbers = #tpu.dot_dimension_numbers<[1], [1], [0], [0], [0, 0, 1, 0], [], []>, precision = #tpu.contract_precision<fp32>, transpose_lhs_hint = false} : vector<184x128xf32>, vector<128x128xf32>, vector<184x128xf32> -> vector<184x128xf32>
    %swap3A = arith.constant 0 : index
    %swap3A_6 = arith.constant 0 : index
    %swap3A_7 = vector.load %arg5[%swap3A, %swap3A_6] : memref<184x128xf32, #tpu.memory_space<vmem>>, vector<184x128xf32>
    tpu.vector_store %arg5[%swap3A, %swap3A_6], %dot_general3A_5 {strides = array<i32>} : memref<184x128xf32, #tpu.memory_space<vmem>>, vector<184x128xf32>,
    %get3A_8 = arith.constant 0 : index
    %get3A_9 = arith.constant 0 : index
    %get3A_10 = arith.constant 0 : index
    %get3A_11 = vector.load %arg0[%get3A_8, %get3A_9, %get3A_10] : memref<3x232x128xf32, #tpu.memory_space<vmem>>, vector<1x232x128xf32>
    %get3A_12 = vector.shape_cast %get3A_11 : vector<1x232x128xf32> to vector<232x128xf32>
    %get3A_13 = arith.constant 0 : index
    %get3A_14 = arith.constant 0 : index
    %get3A_15 = arith.constant 0 : index
    %get3A_16 = vector.load %arg3[%get3A_13, %get3A_14, %get3A_15] : memref<3x64x384xf32, #tpu.memory_space<vmem>>, vector<1x64x384xf32>
    %get3A_17 = vector.shape_cast %get3A_16 : vector<1x64x384xf32> to vector<64x384xf32>
    %dot_general3A_18 = arith.constant dense<0.000000e+00> : vector<232x128xf32>
    %dot_general3A_19 = tpu.matmul %get3A_12, %get3A_1, %dot_general3A_18 {dimension_numbers = #tpu.dot_dimension_numbers<[1], [1], [0], [0], [0, 0, 1, 0], [], []>, precision = #tpu.contract_precision<fp32>, transpose_lhs_hint = false} : vector<232x128xf32>, vector<128x128xf32>, vector<232x128xf32> -> vector<232x128xf32>
    %swap3A_20 = arith.constant 0 : index
    %swap3A_21 = arith.constant 0 : index
    %swap3A_22 = arith.constant 0 : index
    %swap3A_23 = vector.load %arg4[%swap3A_20, %swap3A_21, %swap3A_22] : memref<3x232x128xf32, #tpu.memory_space<vmem>>, vector<1x232x128xf32>
    %swap3A_24 = vector.shape_cast %swap3A_23 : vector<1x232x128xf32> to vector<232x128xf32>
    %swap3A_25 = vector.shape_cast %dot_general3A_19 : vector<232x128xf32> to vector<1x232x128xf32>
    tpu.vector_store %arg4[%swap3A_20, %swap3A_21, %swap3A_22], %swap3A_25 {strides = array<i32>} : memref<3x232x128xf32, #tpu.memory_space<vmem>>, vector<1x232x128xf32>,
    %slice3A = vector.extract_strided_slice %get3A_17 {offsets = [0, 128], sizes = [64, 128], strides = [1, 1]} : vector<64x384xf32> to vector<64x128xf32>
    %dot_general3A_26 = arith.constant dense<0.000000e+00> : vector<232x64xf32>
    %dot_general3A_27 = tpu.matmul %get3A_12, %slice3A, %dot_general3A_26 {dimension_numbers = #tpu.dot_dimension_numbers<[1], [1], [0], [0], [0, 0, 1, 0], [], []>, precision = #tpu.contract_precision<fp32>, transpose_lhs_hint = false} : vector<232x128xf32>, vector<64x128xf32>, vector<232x64xf32> -> vector<232x64xf32>
    %swap3A_28 = arith.constant 0 : index
    %swap3A_29 = arith.constant 0 : index
    %swap3A_30 = arith.constant 0 : index
    %swap3A_31 = vector.load %arg6[%swap3A_28, %swap3A_29, %swap3A_30] : memref<3x232x64xf32, #tpu.memory_space<vmem>>, vector<1x232x64xf32>
    %swap3A_32 = vector.shape_cast %swap3A_31 : vector<1x232x64xf32> to vector<232x64xf32>
    %swap3A_33 = vector.shape_cast %dot_general3A_27 : vector<232x64xf32> to vector<1x232x64xf32>
    tpu.vector_store %arg6[%swap3A_28, %swap3A_29, %swap3A_30], %swap3A_33 {strides = array<i32>} : memref<3x232x64xf32, #tpu.memory_space<vmem>>, vector<1x232x64xf32>,
    %slice3A_34 = vector.extract_strided_slice %get3A_17 {offsets = [0, 256], sizes = [64, 128], strides = [1, 1]} : vector<64x384xf32> to vector<64x128xf32>
    %dot_general3A_35 = arith.constant dense<0.000000e+00> : vector<232x64xf32>
    %dot_general3A_36 = tpu.matmul %get3A_12, %slice3A_34, %dot_general3A_35 {dimension_numbers = #tpu.dot_dimension_numbers<[1], [1], [0], [0], [0, 0, 1, 0], [], []>, precision = #tpu.contract_precision<fp32>, transpose_lhs_hint = false} : vector<232x128xf32>, vector<64x128xf32>, vector<232x64xf32> -> vector<232x64xf32>
    %swap3A_37 = arith.constant 0 : index
    %swap3A_38 = arith.constant 0 : index
    %swap3A_39 = arith.constant 0 : index
    %swap3A_40 = vector.load %arg7[%swap3A_37, %swap3A_38, %swap3A_39] : memref<3x232x64xf32, #tpu.memory_space<vmem>>, vector<1x232x64xf32>
    %swap3A_41 = vector.shape_cast %swap3A_40 : vector<1x232x64xf32> to vector<232x64xf32>
    %swap3A_42 = vector.shape_cast %dot_general3A_36 : vector<232x64xf32> to vector<1x232x64xf32>
    tpu.vector_store %arg7[%swap3A_37, %swap3A_38, %swap3A_39], %swap3A_42 {strides = array<i32>} : memref<3x232x64xf32, #tpu.memory_space<vmem>>, vector<1x232x64xf32>,
    %get3A_43 = arith.constant 1 : index
    %get3A_44 = arith.constant 0 : index
    %get3A_45 = arith.constant 0 : index
    %get3A_46 = vector.load %arg0[%get3A_43, %get3A_44, %get3A_45] : memref<3x232x128xf32, #tpu.memory_space<vmem>>, vector<1x232x128xf32>
    %get3A_47 = vector.shape_cast %get3A_46 : vector<1x232x128xf32> to vector<232x128xf32>
    %get3A_48 = arith.constant 1 : index
    %get3A_49 = arith.constant 0 : index
    %get3A_50 = arith.constant 0 : index
    %get3A_51 = vector.load %arg3[%get3A_48, %get3A_49, %get3A_50] : memref<3x64x384xf32, #tpu.memory_space<vmem>>, vector<1x64x384xf32>
    %get3A_52 = vector.shape_cast %get3A_51 : vector<1x64x384xf32> to vector<64x384xf32>
    %dot_general3A_53 = arith.constant dense<0.000000e+00> : vector<232x128xf32>
    %dot_general3A_54 = tpu.matmul %get3A_47, %get3A_1, %dot_general3A_53 {dimension_numbers = #tpu.dot_dimension_numbers<[1], [1], [0], [0], [0, 0, 1, 0], [], []>, precision = #tpu.contract_precision<fp32>, transpose_lhs_hint = false} : vector<232x128xf32>, vector<128x128xf32>, vector<232x128xf32> -> vector<232x128xf32>
    %swap3A_55 = arith.constant 1 : index
    %swap3A_56 = arith.constant 0 : index
    %swap3A_57 = arith.constant 0 : index
    %swap3A_58 = vector.load %arg4[%swap3A_55, %swap3A_56, %swap3A_57] : memref<3x232x128xf32, #tpu.memory_space<vmem>>, vector<1x232x128xf32>
    %swap3A_59 = vector.shape_cast %swap3A_58 : vector<1x232x128xf32> to vector<232x128xf32>
    %swap3A_60 = vector.shape_cast %dot_general3A_54 : vector<232x128xf32> to vector<1x232x128xf32>
    tpu.vector_store %arg4[%swap3A_55, %swap3A_56, %swap3A_57], %swap3A_60 {strides = array<i32>} : memref<3x232x128xf32, #tpu.memory_space<vmem>>, vector<1x232x128xf32>,
    %slice3A_61 = vector.extract_strided_slice %get3A_52 {offsets = [0, 128], sizes = [64, 128], strides = [1, 1]} : vector<64x384xf32> to vector<64x128xf32>
    %dot_general3A_62 = arith.constant dense<0.000000e+00> : vector<232x64xf32>
    %dot_general3A_63 = tpu.matmul %get3A_47, %slice3A_61, %dot_general3A_62 {dimension_numbers = #tpu.dot_dimension_numbers<[1], [1], [0], [0], [0, 0, 1, 0], [], []>, precision = #tpu.contract_precision<fp32>, transpose_lhs_hint = false} : vector<232x128xf32>, vector<64x128xf32>, vector<232x64xf32> -> vector<232x64xf32>
    %swap3A_64 = arith.constant 1 : index
    %swap3A_65 = arith.constant 0 : index
    %swap3A_66 = arith.constant 0 : index
    %swap3A_67 = vector.load %arg6[%swap3A_64, %swap3A_65, %swap3A_66] : memref<3x232x64xf32, #tpu.memory_space<vmem>>, vector<1x232x64xf32>
    %swap3A_68 = vector.shape_cast %swap3A_67 : vector<1x232x64xf32> to vector<232x64xf32>
    %swap3A_69 = vector.shape_cast %dot_general3A_63 : vector<232x64xf32> to vector<1x232x64xf32>
    tpu.vector_store %arg6[%swap3A_64, %swap3A_65, %swap3A_66], %swap3A_69 {strides = array<i32>} : memref<3x232x64xf32, #tpu.memory_space<vmem>>, vector<1x232x64xf32>,
    %slice3A_70 = vector.extract_strided_slice %get3A_52 {offsets = [0, 256], sizes = [64, 128], strides = [1, 1]} : vector<64x384xf32> to vector<64x128xf32>
    %dot_general3A_71 = arith.constant dense<0.000000e+00> : vector<232x64xf32>
    %dot_general3A_72 = tpu.matmul %get3A_47, %slice3A_70, %dot_general3A_71 {dimension_numbers = #tpu.dot_dimension_numbers<[1], [1], [0], [0], [0, 0, 1, 0], [], []>, precision = #tpu.contract_precision<fp32>, transpose_lhs_hint = false} : vector<232x128xf32>, vector<64x128xf32>, vector<232x64xf32> -> vector<232x64xf32>
    %swap3A_73 = arith.constant 1 : index
    %swap3A_74 = arith.constant 0 : index
    %swap3A_75 = arith.constant 0 : index
    %swap3A_76 = vector.load %arg7[%swap3A_73, %swap3A_74, %swap3A_75] : memref<3x232x64xf32, #tpu.memory_space<vmem>>, vector<1x232x64xf32>
    %swap3A_77 = vector.shape_cast %swap3A_76 : vector<1x232x64xf32> to vector<232x64xf32>
    %swap3A_78 = vector.shape_cast %dot_general3A_72 : vector<232x64xf32> to vector<1x232x64xf32>
    tpu.vector_store %arg7[%swap3A_73, %swap3A_74, %swap3A_75], %swap3A_78 {strides = array<i32>} : memref<3x232x64xf32, #tpu.memory_space<vmem>>, vector<1x232x64xf32>,
    %get3A_79 = arith.constant 2 : index
    %get3A_80 = arith.constant 0 : index
    %get3A_81 = arith.constant 0 : index
    %get3A_82 = vector.load %arg0[%get3A_79, %get3A_80, %get3A_81] : memref<3x232x128xf32, #tpu.memory_space<vmem>>, vector<1x232x128xf32>
    %get3A_83 = vector.shape_cast %get3A_82 : vector<1x232x128xf32> to vector<232x128xf32>
    %get3A_84 = arith.constant 2 : index
    %get3A_85 = arith.constant 0 : index
    %get3A_86 = arith.constant 0 : index
    %get3A_87 = vector.load %arg3[%get3A_84, %get3A_85, %get3A_86] : memref<3x64x384xf32, #tpu.memory_space<vmem>>, vector<1x64x384xf32>
    %get3A_88 = vector.shape_cast %get3A_87 : vector<1x64x384xf32> to vector<64x384xf32>
    %dot_general3A_89 = arith.constant dense<0.000000e+00> : vector<232x128xf32>
    %dot_general3A_90 = tpu.matmul %get3A_83, %get3A_1, %dot_general3A_89 {dimension_numbers = #tpu.dot_dimension_numbers<[1], [1], [0], [0], [0, 0, 1, 0], [], []>, precision = #tpu.contract_precision<fp32>, transpose_lhs_hint = false} : vector<232x128xf32>, vector<128x128xf32>, vector<232x128xf32> -> vector<232x128xf32>
    %swap3A_91 = arith.constant 2 : index
    %swap3A_92 = arith.constant 0 : index
    %swap3A_93 = arith.constant 0 : index
    %swap3A_94 = vector.load %arg4[%swap3A_91, %swap3A_92, %swap3A_93] : memref<3x232x128xf32, #tpu.memory_space<vmem>>, vector<1x232x128xf32>
    %swap3A_95 = vector.shape_cast %swap3A_94 : vector<1x232x128xf32> to vector<232x128xf32>
    %swap3A_96 = vector.shape_cast %dot_general3A_90 : vector<232x128xf32> to vector<1x232x128xf32>
    tpu.vector_store %arg4[%swap3A_91, %swap3A_92, %swap3A_93], %swap3A_96 {strides = array<i32>} : memref<3x232x128xf32, #tpu.memory_space<vmem>>, vector<1x232x128xf32>,
    %slice3A_97 = vector.extract_strided_slice %get3A_88 {offsets = [0, 128], sizes = [64, 128], strides = [1, 1]} : vector<64x384xf32> to vector<64x128xf32>
    %dot_general3A_98 = arith.constant dense<0.000000e+00> : vector<232x64xf32>
    %dot_general3A_99 = tpu.matmul %get3A_83, %slice3A_97, %dot_general3A_98 {dimension_numbers = #tpu.dot_dimension_numbers<[1], [1], [0], [0], [0, 0, 1, 0], [], []>, precision = #tpu.contract_precision<fp32>, transpose_lhs_hint = false} : vector<232x128xf32>, vector<64x128xf32>, vector<232x64xf32> -> vector<232x64xf32>
    %swap3A_100 = arith.constant 2 : index
    %swap3A_101 = arith.constant 0 : index
    %swap3A_102 = arith.constant 0 : index
    %swap3A_103 = vector.load %arg6[%swap3A_100, %swap3A_101, %swap3A_102] : memref<3x232x64xf32, #tpu.memory_space<vmem>>, vector<1x232x64xf32>
    %swap3A_104 = vector.shape_cast %swap3A_103 : vector<1x232x64xf32> to vector<232x64xf32>
    %swap3A_105 = vector.shape_cast %dot_general3A_99 : vector<232x64xf32> to vector<1x232x64xf32>
    tpu.vector_store %arg6[%swap3A_100, %swap3A_101, %swap3A_102], %swap3A_105 {strides = array<i32>} : memref<3x232x64xf32, #tpu.memory_space<vmem>>, vector<1x232x64xf32>,
    %slice3A_106 = vector.extract_strided_slice %get3A_88 {offsets = [0, 256], sizes = [64, 128], strides = [1, 1]} : vector<64x384xf32> to vector<64x128xf32>
    %dot_general3A_107 = arith.constant dense<0.000000e+00> : vector<232x64xf32>
    %dot_general3A_108 = tpu.matmul %get3A_83, %slice3A_106, %dot_general3A_107 {dimension_numbers = #tpu.dot_dimension_numbers<[1], [1], [0], [0], [0, 0, 1, 0], [], []>, precision = #tpu.contract_precision<fp32>, transpose_lhs_hint = false} : vector<232x128xf32>, vector<64x128xf32>, vector<232x64xf32> -> vector<232x64xf32>
    %swap3A_109 = arith.constant 2 : index
    %swap3A_110 = arith.constant 0 : index
    %swap3A_111 = arith.constant 0 : index
    %swap3A_112 = vector.load %arg7[%swap3A_109, %swap3A_110, %swap3A_111] : memref<3x232x64xf32, #tpu.memory_space<vmem>>, vector<1x232x64xf32>
    %swap3A_113 = vector.shape_cast %swap3A_112 : vector<1x232x64xf32> to vector<232x64xf32>
    %swap3A_114 = vector.shape_cast %dot_general3A_108 : vector<232x64xf32> to vector<1x232x64xf32>
    tpu.vector_store %arg7[%swap3A_109, %swap3A_110, %swap3A_111], %swap3A_114 {strides = array<i32>} : memref<3x232x64xf32, #tpu.memory_space<vmem>>, vector<1x232x64xf32>,
    return
  }
}

module attributes {stable_mosaic.version = 14 : i64} {
  func.func @_tables_body(%arg0: i32, %arg1: i32, %arg2: memref<1x8x128xf32, #tpu.memory_space<vmem>>, %arg3: memref<184x128xf32, #tpu.memory_space<vmem>>, %arg4: memref<1x8x64xf32, #tpu.memory_space<vmem>>, %arg5: memref<1x232x64xf32, #tpu.memory_space<vmem>>, %arg6: memref<1x8x184x128xf32, #tpu.memory_space<vmem>>, %arg7: memref<1x8x232x64xf32, #tpu.memory_space<vmem>>) attributes {dimension_semantics = [#tpu.dimension_semantics<arbitrary>, #tpu.dimension_semantics<arbitrary>], iteration_bounds = array<i64: 3, 29>, scalar_prefetch = 0 : i64, scratch_operands = 0 : i64, tpu.core_type = #tpu.core_type<tc>, window_params = [{transform_indices = @transform_0, window_bounds = array<i64: 1, 8, 128>}, {pipeline_mode = #tpu.pipeline_mode<synchronous>, transform_indices = @transform_1, window_bounds = array<i64: 184, 128>}, {transform_indices = @transform_2, window_bounds = array<i64: 1, 8, 64>}, {transform_indices = @transform_3, window_bounds = array<i64: 1, 232, 64>}, {transform_indices = @transform_4, window_bounds = array<i64: 1, 8, 184, 128>}, {transform_indices = @transform_5, window_bounds = array<i64: 1, 8, 232, 64>}]} {
    %get3A = arith.constant 0 : index
    %get3A_0 = arith.constant 0 : index
    %get3A_1 = arith.constant 0 : index
    %get3A_2 = vector.load %arg2[%get3A, %get3A_0, %get3A_1] : memref<1x8x128xf32, #tpu.memory_space<vmem>>, vector<1x8x128xf32>
    %get3A_3 = vector.shape_cast %get3A_2 : vector<1x8x128xf32> to vector<8x128xf32>
    %get3A_4 = arith.constant 0 : index
    %get3A_5 = arith.constant 0 : index
    %get3A_6 = vector.load %arg3[%get3A_4, %get3A_5] : memref<184x128xf32, #tpu.memory_space<vmem>>, vector<184x128xf32>
    %get3A_7 = arith.constant 0 : index
    %get3A_8 = arith.constant 0 : index
    %get3A_9 = arith.constant 0 : index
    %get3A_10 = vector.load %arg4[%get3A_7, %get3A_8, %get3A_9] : memref<1x8x64xf32, #tpu.memory_space<vmem>>, vector<1x8x64xf32>
    %get3A_11 = vector.shape_cast %get3A_10 : vector<1x8x64xf32> to vector<8x64xf32>
    %get3A_12 = arith.constant 0 : index
    %get3A_13 = arith.constant 0 : index
    %get3A_14 = arith.constant 0 : index
    %get3A_15 = vector.load %arg5[%get3A_12, %get3A_13, %get3A_14] : memref<1x232x64xf32, #tpu.memory_space<vmem>>, vector<1x232x64xf32>
    %get3A_16 = vector.shape_cast %get3A_15 : vector<1x232x64xf32> to vector<232x64xf32>
    %broadcast_in_dim3A = vector.shape_cast %get3A_3 : vector<8x128xf32> to vector<8x1x128xf32>
    %broadcast_in_dim3A_17 = vector.shape_cast %get3A_6 : vector<184x128xf32> to vector<1x184x128xf32>
    %add3A = vector.broadcast %broadcast_in_dim3A : vector<8x1x128xf32> to vector<8x184x128xf32>
    %add3A_18 = vector.broadcast %broadcast_in_dim3A_17 : vector<1x184x128xf32> to vector<8x184x128xf32>
    %add3A_19 = arith.addf %add3A, %add3A_18 : vector<8x184x128xf32>
    %swap3A = arith.constant 0 : index
    %swap3A_20 = arith.constant 0 : index
    %swap3A_21 = arith.constant 0 : index
    %swap3A_22 = arith.constant 0 : index
    %swap3A_23 = vector.load %arg6[%swap3A, %swap3A_20, %swap3A_21, %swap3A_22] : memref<1x8x184x128xf32, #tpu.memory_space<vmem>>, vector<1x8x184x128xf32>
    %swap3A_24 = vector.shape_cast %swap3A_23 : vector<1x8x184x128xf32> to vector<8x184x128xf32>
    %swap3A_25 = vector.shape_cast %add3A_19 : vector<8x184x128xf32> to vector<1x8x184x128xf32>
    tpu.vector_store %arg6[%swap3A, %swap3A_20, %swap3A_21, %swap3A_22], %swap3A_25 {strides = array<i32>} : memref<1x8x184x128xf32, #tpu.memory_space<vmem>>, vector<1x8x184x128xf32>,
    %broadcast_in_dim3A_26 = vector.shape_cast %get3A_11 : vector<8x64xf32> to vector<8x1x64xf32>
    %broadcast_in_dim3A_27 = vector.shape_cast %get3A_16 : vector<232x64xf32> to vector<1x232x64xf32>
    %add3A_28 = vector.broadcast %broadcast_in_dim3A_26 : vector<8x1x64xf32> to vector<8x232x64xf32>
    %add3A_29 = vector.broadcast %broadcast_in_dim3A_27 : vector<1x232x64xf32> to vector<8x232x64xf32>
    %add3A_30 = arith.addf %add3A_28, %add3A_29 : vector<8x232x64xf32>
    %swap3A_31 = arith.constant 0 : index
    %swap3A_32 = arith.constant 0 : index
    %swap3A_33 = arith.constant 0 : index
    %swap3A_34 = arith.constant 0 : index
    %swap3A_35 = vector.load %arg7[%swap3A_31, %swap3A_32, %swap3A_33, %swap3A_34] : memref<1x8x232x64xf32, #tpu.memory_space<vmem>>, vector<1x8x232x64xf32>
    %swap3A_36 = vector.shape_cast %swap3A_35 : vector<1x8x232x64xf32> to vector<8x232x64xf32>
    %swap3A_37 = vector.shape_cast %add3A_30 : vector<8x232x64xf32> to vector<1x8x232x64xf32>
    tpu.vector_store %arg7[%swap3A_31, %swap3A_32, %swap3A_33, %swap3A_34], %swap3A_37 {strides = array<i32>} : memref<1x8x232x64xf32, #tpu.memory_space<vmem>>, vector<1x8x232x64xf32>,
    return
  }
  func.func @transform_0(%arg0: i32, %arg1: i32) -> (i32, i32, i32) {
    %c0_i32 = arith.constant 0 : i32
    %c0_i32_0 = arith.constant 0 : i32
    return %arg0, %arg1, %c0_i32 : i32, i32, i32
  }
  func.func @transform_1(%arg0: i32, %arg1: i32) -> (i32, i32) {
    %c0_i32 = arith.constant 0 : i32
    %c0_i32_0 = arith.constant 0 : i32
    %c0_i32_1 = arith.constant 0 : i32
    return %c0_i32, %c0_i32_0 : i32, i32
  }
  func.func @transform_2(%arg0: i32, %arg1: i32) -> (i32, i32, i32) {
    %c0_i32 = arith.constant 0 : i32
    %c0_i32_0 = arith.constant 0 : i32
    return %arg0, %arg1, %c0_i32 : i32, i32, i32
  }
  func.func @transform_3(%arg0: i32, %arg1: i32) -> (i32, i32, i32) {
    %c0_i32 = arith.constant 0 : i32
    %c0_i32_0 = arith.constant 0 : i32
    %c0_i32_1 = arith.constant 0 : i32
    return %arg0, %c0_i32, %c0_i32_0 : i32, i32, i32
  }
  func.func @transform_4(%arg0: i32, %arg1: i32) -> (i32, i32, i32, i32) {
    %c0_i32 = arith.constant 0 : i32
    %c0_i32_0 = arith.constant 0 : i32
    %c0_i32_1 = arith.constant 0 : i32
    return %arg0, %arg1, %c0_i32, %c0_i32_0 : i32, i32, i32, i32
  }
  func.func @transform_5(%arg0: i32, %arg1: i32) -> (i32, i32, i32, i32) {
    %c0_i32 = arith.constant 0 : i32
    %c0_i32_0 = arith.constant 0 : i32
    %c0_i32_1 = arith.constant 0 : i32
    return %arg0, %arg1, %c0_i32, %c0_i32_0 : i32, i32, i32, i32
  }
}

module attributes {stable_mosaic.version = 14 : i64} {
  func.func @_s0_body(%arg0: i32, %arg1: memref<6728x64xf32, #tpu.memory_space<vmem>>, %arg2: memref<64x16xf32, #tpu.memory_space<vmem>>, %arg3: memref<6728x16xf32, #tpu.memory_space<vmem>>) attributes {dimension_semantics = [#tpu.dimension_semantics<arbitrary>], iteration_bounds = array<i64: 8>, scalar_prefetch = 0 : i64, scratch_operands = 0 : i64, tpu.core_type = #tpu.core_type<tc>, window_params = [{transform_indices = @transform_0, window_bounds = array<i64: 6728, 64>}, {pipeline_mode = #tpu.pipeline_mode<synchronous>, transform_indices = @transform_1, window_bounds = array<i64: 64, 16>}, {transform_indices = @transform_2, window_bounds = array<i64: 6728, 16>}]} {
    %get3A = arith.constant 0 : index
    %get3A_0 = arith.constant 0 : index
    %get3A_1 = vector.load %arg1[%get3A, %get3A_0] : memref<6728x64xf32, #tpu.memory_space<vmem>>, vector<6728x64xf32>
    %max3A = arith.constant 0.000000e+00 : f32
    %max3A_2 = vector.broadcast %max3A : f32 to vector<6728x64xf32>
    %max3A_3 = arith.maximumf %get3A_1, %max3A_2 : vector<6728x64xf32>
    %get3A_4 = arith.constant 0 : index
    %get3A_5 = arith.constant 0 : index
    %get3A_6 = vector.load %arg2[%get3A_4, %get3A_5] : memref<64x16xf32, #tpu.memory_space<vmem>>, vector<64x16xf32>
    %dot_general3A = arith.constant dense<0.000000e+00> : vector<6728x16xf32>
    %dot_general3A_7 = tpu.matmul %max3A_3, %get3A_6, %dot_general3A {dimension_numbers = #tpu.dot_dimension_numbers<[1], [0], [0], [1], [0, 0, 1, 1], [], []>, precision = #tpu.contract_precision<fp32>, transpose_lhs_hint = false} : vector<6728x64xf32>, vector<64x16xf32>, vector<6728x16xf32> -> vector<6728x16xf32>
    %neg3A = arith.constant 0.000000e+00 : f32
    %neg3A_8 = vector.broadcast %neg3A : f32 to vector<6728x16xf32>
    %neg3A_9 = arith.subf %neg3A_8, %dot_general3A_7 : vector<6728x16xf32>
    %exp3A = math.exp %neg3A_9 : vector<6728x16xf32>
    %add3A = arith.constant 1.000000e+00 : f32
    %add3A_10 = vector.broadcast %add3A : f32 to vector<6728x16xf32>
    %add3A_11 = arith.addf %add3A_10, %exp3A : vector<6728x16xf32>
    %div3A = arith.constant 1.000000e+00 : f32
    %div3A_12 = vector.broadcast %div3A : f32 to vector<6728x16xf32>
    %div3A_13 = arith.divf %div3A_12, %add3A_11 : vector<6728x16xf32>
    %swap3A = arith.constant 0 : index
    %swap3A_14 = arith.constant 0 : index
    %swap3A_15 = vector.load %arg3[%swap3A, %swap3A_14] : memref<6728x16xf32, #tpu.memory_space<vmem>>, vector<6728x16xf32>
    tpu.vector_store %arg3[%swap3A, %swap3A_14], %div3A_13 {strides = array<i32>} : memref<6728x16xf32, #tpu.memory_space<vmem>>, vector<6728x16xf32>,
    return
  }
  func.func @transform_0(%arg0: i32) -> (i32, i32) {
    %c0_i32 = arith.constant 0 : i32
    %c0_i32_0 = arith.constant 0 : i32
    return %arg0, %c0_i32 : i32, i32
  }
  func.func @transform_1(%arg0: i32) -> (i32, i32) {
    %c0_i32 = arith.constant 0 : i32
    %c0_i32_0 = arith.constant 0 : i32
    %c0_i32_1 = arith.constant 0 : i32
    return %c0_i32, %c0_i32_0 : i32, i32
  }
  func.func @transform_2(%arg0: i32) -> (i32, i32) {
    %c0_i32 = arith.constant 0 : i32
    %c0_i32_0 = arith.constant 0 : i32
    return %arg0, %c0_i32 : i32, i32
  }
}

module attributes {stable_mosaic.version = 14 : i64} {
  func.func @_hxf_body(%arg0: i32, %arg1: memref<2x1000x128xf32, #tpu.memory_space<vmem>>, %arg2: memref<192x128xf32, #tpu.memory_space<vmem>>, %arg3: memref<1000x192xf32, #tpu.memory_space<vmem>>) attributes {dimension_semantics = [#tpu.dimension_semantics<arbitrary>], iteration_bounds = array<i64: 10>, scalar_prefetch = 0 : i64, scratch_operands = 0 : i64, tpu.core_type = #tpu.core_type<tc>, window_params = [{transform_indices = @transform_0, window_bounds = array<i64: 2, 1000, 128>}, {pipeline_mode = #tpu.pipeline_mode<synchronous>, transform_indices = @transform_1, window_bounds = array<i64: 192, 128>}, {transform_indices = @transform_2, window_bounds = array<i64: 1000, 192>}]} {
    %get3A = arith.constant 0 : index
    %get3A_0 = arith.constant 0 : index
    %get3A_1 = arith.constant 0 : index
    %get3A_2 = vector.load %arg1[%get3A, %get3A_0, %get3A_1] : memref<2x1000x128xf32, #tpu.memory_space<vmem>>, vector<1x1000x128xf32>
    %get3A_3 = vector.shape_cast %get3A_2 : vector<1x1000x128xf32> to vector<1000x128xf32>
    %get3A_4 = arith.constant 1 : index
    %get3A_5 = arith.constant 0 : index
    %get3A_6 = arith.constant 0 : index
    %get3A_7 = vector.load %arg1[%get3A_4, %get3A_5, %get3A_6] : memref<2x1000x128xf32, #tpu.memory_space<vmem>>, vector<1x1000x128xf32>
    %get3A_8 = vector.shape_cast %get3A_7 : vector<1x1000x128xf32> to vector<1000x128xf32>
    %add3A = arith.addf %get3A_3, %get3A_8 : vector<1000x128xf32>
    %max3A = arith.constant 0.000000e+00 : f32
    %max3A_9 = vector.broadcast %max3A : f32 to vector<1000x128xf32>
    %max3A_10 = arith.maximumf %add3A, %max3A_9 : vector<1000x128xf32>
    %get3A_11 = arith.constant 0 : index
    %get3A_12 = arith.constant 0 : index
    %get3A_13 = vector.load %arg2[%get3A_11, %get3A_12] : memref<192x128xf32, #tpu.memory_space<vmem>>, vector<192x128xf32>
    %dot_general3A = arith.constant dense<0.000000e+00> : vector<1000x192xf32>
    %dot_general3A_14 = tpu.matmul %max3A_10, %get3A_13, %dot_general3A {dimension_numbers = #tpu.dot_dimension_numbers<[1], [1], [0], [0], [0, 0, 1, 0], [], []>, precision = #tpu.contract_precision<fp32>, transpose_lhs_hint = false} : vector<1000x128xf32>, vector<192x128xf32>, vector<1000x192xf32> -> vector<1000x192xf32>
    %swap3A = arith.constant 0 : index
    %swap3A_15 = arith.constant 0 : index
    %swap3A_16 = vector.load %arg3[%swap3A, %swap3A_15] : memref<1000x192xf32, #tpu.memory_space<vmem>>, vector<1000x192xf32>
    tpu.vector_store %arg3[%swap3A, %swap3A_15], %dot_general3A_14 {strides = array<i32>} : memref<1000x192xf32, #tpu.memory_space<vmem>>, vector<1000x192xf32>,
    return
  }
  func.func @transform_0(%arg0: i32) -> (i32, i32, i32) {
    %c0_i32 = arith.constant 0 : i32
    %c0_i32_0 = arith.constant 0 : i32
    %c0_i32_1 = arith.constant 0 : i32
    return %c0_i32, %arg0, %c0_i32_0 : i32, i32, i32
  }
  func.func @transform_1(%arg0: i32) -> (i32, i32) {
    %c0_i32 = arith.constant 0 : i32
    %c0_i32_0 = arith.constant 0 : i32
    %c0_i32_1 = arith.constant 0 : i32
    return %c0_i32, %c0_i32_0 : i32, i32
  }
  func.func @transform_2(%arg0: i32) -> (i32, i32) {
    %c0_i32 = arith.constant 0 : i32
    %c0_i32_0 = arith.constant 0 : i32
    return %arg0, %c0_i32 : i32, i32
  }
}

module attributes {stable_mosaic.version = 14 : i64} {
  func.func @_final_body(%arg0: i32, %arg1: memref<2x1000x128xf32, #tpu.memory_space<vmem>>, %arg2: memref<128x128xf32, #tpu.memory_space<vmem>>, %arg3: memref<1xf32, #tpu.memory_space<vmem>>, %arg4: memref<1000x128xf32, #tpu.memory_space<vmem>>) attributes {dimension_semantics = [#tpu.dimension_semantics<arbitrary>], iteration_bounds = array<i64: 10>, scalar_prefetch = 0 : i64, scratch_operands = 0 : i64, tpu.core_type = #tpu.core_type<tc>, window_params = [{transform_indices = @transform_0, window_bounds = array<i64: 2, 1000, 128>}, {pipeline_mode = #tpu.pipeline_mode<synchronous>, transform_indices = @transform_1, window_bounds = array<i64: 128, 128>}, {pipeline_mode = #tpu.pipeline_mode<synchronous>, transform_indices = @transform_2, window_bounds = array<i64: 1>}, {transform_indices = @transform_3, window_bounds = array<i64: 1000, 128>}]} {
    %get3A = arith.constant 0 : index
    %get3A_0 = arith.constant 0 : index
    %get3A_1 = arith.constant 0 : index
    %get3A_2 = vector.load %arg1[%get3A, %get3A_0, %get3A_1] : memref<2x1000x128xf32, #tpu.memory_space<vmem>>, vector<1x1000x128xf32>
    %get3A_3 = vector.shape_cast %get3A_2 : vector<1x1000x128xf32> to vector<1000x128xf32>
    %get3A_4 = arith.constant 1 : index
    %get3A_5 = arith.constant 0 : index
    %get3A_6 = arith.constant 0 : index
    %get3A_7 = vector.load %arg1[%get3A_4, %get3A_5, %get3A_6] : memref<2x1000x128xf32, #tpu.memory_space<vmem>>, vector<1x1000x128xf32>
    %get3A_8 = vector.shape_cast %get3A_7 : vector<1x1000x128xf32> to vector<1000x128xf32>
    %add3A = arith.addf %get3A_3, %get3A_8 : vector<1000x128xf32>
    %max3A = arith.constant 0.000000e+00 : f32
    %max3A_9 = vector.broadcast %max3A : f32 to vector<1000x128xf32>
    %max3A_10 = arith.maximumf %add3A, %max3A_9 : vector<1000x128xf32>
    %get3A_11 = arith.constant 0 : index
    %get3A_12 = arith.constant 0 : index
    %get3A_13 = vector.load %arg2[%get3A_11, %get3A_12] : memref<128x128xf32, #tpu.memory_space<vmem>>, vector<128x128xf32>
    %dot_general3A = arith.constant dense<0.000000e+00> : vector<1000x128xf32>
    %dot_general3A_14 = tpu.matmul %max3A_10, %get3A_13, %dot_general3A {dimension_numbers = #tpu.dot_dimension_numbers<[1], [0], [0], [1], [0, 0, 1, 1], [], []>, precision = #tpu.contract_precision<fp32>, transpose_lhs_hint = false} : vector<1000x128xf32>, vector<128x128xf32>, vector<1000x128xf32> -> vector<1000x128xf32>
    %get3A_15 = arith.constant 0 : index
    %get3A_16 = vector.load %arg3[%get3A_15] : memref<1xf32, #tpu.memory_space<vmem>>, vector<1xf32>
    %get3A_17 = vector.extract %get3A_16[0] : f32 from vector<1xf32>
    %add3A_18 = vector.broadcast %get3A_17 : f32 to vector<1000x128xf32>
    %add3A_19 = arith.addf %dot_general3A_14, %add3A_18 : vector<1000x128xf32>
    %swap3A = arith.constant 0 : index
    %swap3A_20 = arith.constant 0 : index
    %swap3A_21 = vector.load %arg4[%swap3A, %swap3A_20] : memref<1000x128xf32, #tpu.memory_space<vmem>>, vector<1000x128xf32>
    tpu.vector_store %arg4[%swap3A, %swap3A_20], %add3A_19 {strides = array<i32>} : memref<1000x128xf32, #tpu.memory_space<vmem>>, vector<1000x128xf32>,
    return
  }
  func.func @transform_0(%arg0: i32) -> (i32, i32, i32) {
    %c0_i32 = arith.constant 0 : i32
    %c0_i32_0 = arith.constant 0 : i32
    %c0_i32_1 = arith.constant 0 : i32
    return %c0_i32, %arg0, %c0_i32_0 : i32, i32, i32
  }
  func.func @transform_1(%arg0: i32) -> (i32, i32) {
    %c0_i32 = arith.constant 0 : i32
    %c0_i32_0 = arith.constant 0 : i32
    %c0_i32_1 = arith.constant 0 : i32
    return %c0_i32, %c0_i32_0 : i32, i32
  }
  func.func @transform_2(%arg0: i32) -> i32 {
    %c0_i32 = arith.constant 0 : i32
    %c0_i32_0 = arith.constant 0 : i32
    return %c0_i32 : i32
  }
  func.func @transform_3(%arg0: i32) -> (i32, i32) {
    %c0_i32 = arith.constant 0 : i32
    %c0_i32_0 = arith.constant 0 : i32
    return %arg0, %c0_i32 : i32, i32
  }
}

</mosaic_0001>

<sc_bundles>
// kernel: kernel.11.cloned.1.call-start
scs
__scs_entry_jumppad:
0x0: {  	(pc) =	sbr.rel $0x88, $3  }
0x1: {  	(tag) =	ssettag $0x0;
	lr =	simm.s32 $0x1  }
0x2: {  	[smem:$0x3F95] =	sst lr;
	_ =	strace $0xD0000000  }
0x3: {  	_ = 	snop  }
0x4: {  	_ = 	snop  }
0x5: {  	_ = 	snop  }
0x6: {  	_ = 	snop  }
0x7: {  	_ = 	snop  }
__scs_overlays_trampoline_lowered:
0x8: {  	[smem:$0x3FA4] =	sst s0  }
0x9: {  	[smem:$0x3FA5] =	sst s1  }
0xa: {  	[smem:$0x3FA6] =	sst s2  }
0xb: {  	[smem:$0x3FA7] =	sst s3  }
0xc: {  	[smem:$0x3FA8] =	sst s4  }
0xd: {  	[smem:$0x3FA9] =	sst s5  }
0xe: {  	[smem:$0x3FAA] =	sst s6  }
0xf: {  	[smem:$0x3FAB] =	sst s7  }
0x10: {  	[smem:$0x3FAC] =	sst s8  }
0x11: {  	[smem:$0x3FAD] =	sst s9;
	s0 =	simm.s32 @!p0 $0x0  }
0x12: {  	s1 =	sld [smem:$0x3F93];
	s0 =	simm.s32 @p0 $0x1  }
0x13: {  	[smem:$0x3FAE] =	sst s0;
	s0 =	simm.s32 @!p1 $0x0  }
0x14: {  	s2 =	sld [smem:$0x3F92];
	s0 =	simm.s32 @p1 $0x1  }
0x15: {  	[smem:$0x3FAF] =	sst s0;
	s0 =	simm.s32 @!p2 $0x0  }
0x16: {  	s3 =	sld [smem:$0x3FDB];
	s0 =	simm.s32 @p2 $0x1  }
0x17: {  	s4 =	simm.s32 $0x1BF5;
	[smem:$0x3FB1] =	sst s0  }
0x18: {  	s0 =	sld [smem:$0x3F94];
	_ =	swait.ge [sflag:s4], $0x0  }
0x19: {  	s7 =	sld [smem:$0x3F95]  }
0x1a: {  	s8 =	sadd.s32 $0xFFFFE003, lr  }
0x1b: {  	s9 =	sadd.s32 $0xFFFFFEF7, lr;
	s5 =	simm.s32 $0xFFFFFFFF;
	p2 =	slt.u32 s8, $0xFFFFF086  }
0x1c: {  	p1 =	slt.u32 s9, $0xF7A;
	s5 =	simm.s32 @!p2 $0x0  }
0x1d: {  	s5 =	simm.s32 @p1 $0x1;
	p0 =	seq.s32 s7, s2  }
0x1e: {  	s7 =	smul.u32 @!p0 $0xF7A, s2;
	p2 =	seq.s32 @!p0 s5, $0x0  }
0x1f: {  	s9 =	smul.u32 $0xF7A, s1;
	s8 =	simm.s32 @!p0 $0x1BF5;
	p2 =	por !p2, p0  }
0x20: {  	[sflag:s8] =	ssyncset.s32 @!p0 $0xFFFFF086;
	s6 =	sadd.s32 @!p0 s3, s7;
	s7 =	simm.s32 @!p0 $0x108  }
0x21: {  	s3 =	sadd.s32 s3, s9;
	s6 =	sadd.s32 @!p0 $0x88, s6;
	s7 =	simm.s32 @p2 $0x1082  }
0x22: {  	[simem:s7], [sflag:s8] =	dma.local @!p0 [hbm:s6], $0xF7A  }
0x23: {  	s9 =	sor.u32 $0xD0000000, s2;
	s6 =	simm.s32 $0x108;
	_ =	swait.ge @!p0 [sflag:s8], $0x0  }
0x24: {  	s3 =	sadd.s32 $0x88, s3;
	s6 =	simm.s32 @!p1 $0x1082;
	[sflag:s4] =	ssyncset.s32 $0xFFFFF086  }
0x25: {  	[simem:s6], [sflag:s4] =	dma.local [hbm:s3], $0xF7A  }
0x26: {  	[smem:$0x3F95] =	sst s1;
	(tag) =	ssettag s2;
	_ =	strace s9  }
0x27: {  	s1 =	sld [smem:$0x3FA5]  }
0x28: {  	s2 =	sld [smem:$0x3FA6]  }
0x29: {  	s4 =	sld [smem:$0x3FA8]  }
0x2a: {  	p0 =	seq.s32 s5, $0x0;
	s5 =	sld [smem:$0x3FA9]  }
0x2b: {  	s6 =	sld [smem:$0x3FAA]  }
0x2c: {  	s7 =	sld [smem:$0x3FAB]  }
0x2d: {  	s3 =	simm.s32 $0x108;
	s8 =	sld [smem:$0x3FAC]  }
0x2e: {  	s3 =	simm.s32 @!p0 $0x1082;
	s9 =	sld [smem:$0x3FAD]  }
0x2f: {  	lr =	sadd.s32 s0, s3;
	s0 =	sld [smem:$0x3FA4]  }
0x30: {  	s3 =	sld [smem:$0x3FA7]  }
0x31: {  	[smem:$0x3FB0] =	sst s10  }
0x32: {  	s10 =	sld [smem:$0x3FAE];
	_ =	sdelay $0x3  }
0x33: {  	p0 =	seq.s32 s10, $0x1;
	s10 =	sld [smem:$0x3FB0];
	_ =	sdelay $0x3  }
0x34: {  	[smem:$0x3FB0] =	sst s10  }
0x35: {  	s10 =	sld [smem:$0x3FAF];
	_ =	sdelay $0x3  }
0x36: {  	p1 =	seq.s32 s10, $0x1;
	s10 =	sld [smem:$0x3FB0];
	_ =	sdelay $0x3  }
0x37: {  	[smem:$0x3FB0] =	sst s10  }
0x38: {  	s10 =	sld [smem:$0x3FB1]  }
0x39: {  	_ = 	snop;
	(pc) =	sbr.ind lr, $3  }
0x3a: {  	_ = 	snop  }
0x3b: {  	_ = 	snop  }
0x3c: {  	p2 =	seq.s32 s10, $0x1;
	s10 =	sld [smem:$0x3FB0]  }
0x3d: {  	_ =	shalt  }
0x3e: {  	_ =	shalt  }
0x3f: {  	_ =	shalt  }
0x40: {  	_ =	shalt  }
0x41: {  	_ =	shalt  }
0x42: {  	_ =	shalt  }
0x43: {  	_ =	shalt  }
0x44: {  	_ =	shalt  }
0x45: {  	_ =	shalt  }
0x46: {  	_ =	shalt  }
0x47: {  	_ =	shalt  }
0x48: {  	_ =	shalt  }
0x49: {  	_ =	shalt  }
0x4a: {  	_ =	shalt  }
0x4b: {  	_ =	shalt  }
0x4c: {  	_ =	shalt  }
0x4d: {  	_ =	shalt  }
0x4e: {  	_ =	shalt  }
0x4f: {  	_ =	shalt  }
0x50: {  	_ =	shalt  }
0x51: {  	_ =	shalt  }
0x52: {  	_ =	shalt  }
0x53: {  	_ =	shalt  }
0x54: {  	_ =	shalt  }
0x55: {  	_ =	shalt  }
0x56: {  	_ =	shalt  }
0x57: {  	_ =	shalt  }
0x58: {  	_ =	shalt  }
0x59: {  	_ =	shalt  }
0x5a: {  	_ =	shalt  }
0x5b: {  	_ =	shalt  }
0x5c: {  	_ =	shalt  }
0x5d: {  	_ =	shalt  }
0x5e: {  	_ =	shalt  }
0x5f: {  	_ =	shalt  }
0x60: {  	_ =	shalt  }
0x61: {  	_ =	shalt  }
0x62: {  	_ =	shalt  }
0x63: {  	_ =	shalt  }
0x64: {  	_ =	shalt  }
0x65: {  	_ =	shalt  }
0x66: {  	_ =	shalt  }
0x67: {  	_ =	shalt  }
0x68: {  	_ =	shalt  }
0x69: {  	_ =	shalt  }
0x6a: {  	_ =	shalt  }
0x6b: {  	_ =	shalt  }
0x6c: {  	_ =	shalt  }
0x6d: {  	_ =	shalt  }
0x6e: {  	_ =	shalt  }
0x6f: {  	_ =	shalt  }
0x70: {  	_ =	shalt  }
0x71: {  	_ =	shalt  }
0x72: {  	_ =	shalt  }
0x73: {  	_ =	shalt  }
0x74: {  	_ =	shalt  }
0x75: {  	_ =	shalt  }
0x76: {  	_ =	shalt  }
0x77: {  	_ =	shalt  }
0x78: {  	_ =	shalt  }
0x79: {  	_ =	shalt  }
0x7a: {  	_ =	shalt  }
0x7b: {  	_ =	shalt  }
0x7c: {  	_ =	shalt  }
0x7d: {  	_ =	shalt  }
0x7e: {  	_ =	shalt  }
0x7f: {  	_ =	shalt  }
0x80: {  	_ =	shalt  }
0x81: {  	_ =	shalt  }
0x82: {  	_ =	shalt  }
0x83: {  	_ =	shalt  }
0x84: {  	_ =	shalt  }
0x85: {  	_ =	shalt  }
0x86: {  	_ =	shalt  }
0x87: {  	_ =	shalt  }
.Lfunc_end0:
.L_simem_size_0:
called_computation_lowered:
.L_overlay_start_0:
0x88: {  	s2 =	sld [smem:$0x3FD9]  }
0x89: {  	s3 =	sld [smem:$0x3FFE];
	_ =	sdelay $0x1  }
0x8a: {  	s1 =	srdreg.scid  }
0x8b: {  	s0 =	sand.u32 $0x1, s1  }
0x8c: {  	s16 =	sshll.u32 s0, $0xA;
	s2 =	sadd.s32 s3, s2  }
0x8d: {  	s2 =	sadd.s32 s2, s16  }
0x8e: {  	[smem:$0x3FBC] =	sst s2  }
0x8f: {  	_ = 	snop  }
0x90: {  	(tm) =	ssettm $0x1  }
0x91: {  	s17 =	sld [smem:$0x3FFB];
	_ =	sdelay $0x3  }
0x92: {  	_ =	strace s17  }
0x93: {  	s2 =	sld [smem:$0x3FFC];
	_ =	sdelay $0x3  }
0x94: {  	_ =	strace s2  }
0x95: {  	s2 =	sld [smem:$0x3FFD];
	_ =	sdelay $0x3  }
0x96: {  	_ =	strace s2  }
0x97: {  	_ =	strace $0x8FFFFFFF  }
0x98: {  	s18 =	sld [smem:$0x3FDB];
	_ =	sdelay $0x1  }
0x99: {  	s19 =	simm.s32 $_scs_section_size  }
0x9a: {  	s4 =	simm.s32 $_size__tile_overlayer_lowered;
	s5 =	simm.s32 $_tile_overlayer_lowered  }
0x9b: {  	s22 =	simm.s32 $0x1BFF;
	s21 =	sshll.u32 s5, $0x1;
	s2 =	sadd.s32 s19, s18  }
0x9c: {  	s6 =	simm.s32 $0x0;
	s20 =	sshll.u32 s4, $0x1;
	s4 =	sadd.s32 s21, s2  }
0x9d: {  	[timem:s6], [sflag:s22] =	dma.local [hbm:s4], s20  }
0x9e: {  	_ =	swait.ge [sflag:s22], s20  }
0x9f: {  	s3 =	ssub.s32 $0x0, s20;
	[sflag:s22] =	ssyncset.done $0x0  }
0xa0: {  	[sflag:s22] =	ssyncadd.s32 s3;
	_ =	sdelay $0x1  }
0xa1: {  	s23 =	simm.s32 $0x1B8B  }
0xa2: {  	_ =	swait.ge [sflag:s23], $0x1  }
0xa3: {  	[sflag:s23] =	ssyncset.done $0x0  }
0xa4: {  	s25 =	simm.s32 $0x1B8E;
	s24 =	sld [smem:$0x3FFE];
	[sflag:s23] =	ssyncadd.s32 $0xFFFFFFFF  }
0xa5: {  	s26 =	simm.s32 $execute0_lowered;
	[smem:$0x3FD2] =	sst s25  }
0xa6: {  	s4 =	sshll.u32 s26, $0x1;
	_ =	strace $0x80000046;
	[dreg:$0x1] =	wrdreg $0xFFFFFFFF  }
0xa7: {  	s28 =	simm.s32 $_size_execute0_lowered;
	s2 =	sadd.s32 s2, s4;
	[dreg:$0x0] =	wrdreg $0x0  }
0xa8: {  	s4 =	sshll.u32 s28, $0x1;
	[dreg:$0x2] =	wrdreg s2  }
0xa9: {  	[dreg:$0x3] =	wrdreg s4  }
0xaa: {  	[dreg:$0x4] =	wrdreg $0xC0  }
0xab: {  	_ =	task [dreg:s6], $0x5FFFF  }
0xac: {  	[dreg:$0x1] =	wrdreg $0xFFFFFFFF  }
0xad: {  	[dreg:$0x0] =	wrdreg $0x60  }
0xae: {  	[dreg:$0x2] =	wrdreg s24  }
0xaf: {  	[dreg:$0x3] =	wrdreg $0x4A000  }
0xb0: {  	[dreg:$0x4] =	wrdreg $0x9  }
0xb1: {  	_ =	task.clear_ibuf [dreg:s6], $0x5FFFF;
	_ =	strace $0x90000046  }
0xb2: {  	s29 =	simm.s32 $0x9;
	_ =	strace $0x80000048  }
0xb3: {  	_ =	swait.ge [sflag:s29], $0x1  }
0xb4: {  	[sflag:s29] =	ssyncadd.s32 $0xFFFFFFFF  }
0xb5: {  	_ =	strace $0x90000048  }
0xb6: {  	_ =	sfence  }
0xb7: {  	s30 =	sld [smem:$0x0];
	_ =	sdelay $0x2  }
0xb8: {  	s31 =	sshll.u32 s1, $0xD;
	s1 =	sshrl.u32 s1, $0x2  }
0xb9: {  	s3 =	sand.u32 $0x4000, s31;
	s1 =	sadd.s32 s1, s30  }
0xba: {  	s0 =	sor.u32 s3, s0;
	s1 =	sshll.u32 s1, $0x11  }
0xbb: {  	s0 =	sor.u32 s1, s0  }
0xbc: {  	s0 =	sadd.s32 $0x8F2B, s0  }
0xbd: {  	[sflag:s0] =	ssyncadd.remote.s32 $0x1  }
0xbe: {  	_ =	sfence.sel $0xFFFF  }
0xbf: {  	[dreg:$0x0] =	wrdreg $0xFFFFFFFF;
	(pc) =	sbr.abs _section_cstart, $3  }
0xc0: {  	[dreg:$0x1] =	wrdreg $0xFFFFFFFF  }
0xc1: {  	_ =	task.clear_ibuf [dreg:s6], $0x2FFFF;
	_ =	strace $0x9FFFFFFF  }
0xc2: {  	(tm) =	ssettm $0x7FFFFFFF  }
0xc3: {  	_ =	shalt  }
tec
execute0_lowered:
.L_overlay_start_1:
0x0: {  	(tag) =	ssettag $0x1  }
0x1: {  	s8 =	rddreg [dreg:$0x0]  }
0x2: {  	s2 =	rddreg [dreg:$0x1]  }
0x3: {  	s0 =	rddreg [dreg:$0x2];
	s3 =	simm.s32 $0x0;
	s1 =	stileid.u32  }
0x4: {  	s4 =	srdreg.scid;
	s16 =	simm.s32 $0x40;
	s17 =	simm.s32 $0x200  }
0x5: {  	s18 =	simm.s32 $0xA00;
	s19 =	simm.s32 $0x1;
	s20 =	simm.s32 $0xC0  }
0x6: {  	s21 =	simm.s32 $0x4;
	s22 =	simm.s32 $0x2;
	s23 =	simm.s32 $0x1C0  }
0x7: {  	s24 =	simm.s32 $0x2A00;
	s25 =	simm.s32 $0x0;
	[smem:$0x7FF] =	sst s3  }
0x8: {  	s9 =	smul.u32 $0x13C00, s1;
	s7 =	sand.u32 $0x1, s4;
	s4 =	sadd.s32 $0x4C00, s8  }
0x9: {  	s5 =	sadd.s32 $0x497000, s8;
	s6 =	sadd.s32 $0x4B1600, s8;
	s12 =	sshll.u32 s1, $0x1  }
0xa: {  	s30 =	sshll.u32 s1, $0x6;
	_ =	strace $0x80000047;
	s10 =	smul.u32 $0x13C000, s7  }
0xb: {  	s13 =	ssub.s32 $0x2, s7;
	s7 =	sor.u32 s7, s12;
	s11 =	sshrl.u32 s9, $0x3  }
0xc: {  	s29 =	sshrl.u32 s13, $0x1;
	s7 =	smul.u32 $0x9D00, s7;
	s15 =	sadd.s32 s9, s2  }
.Ltmp0:
0xd: {  	s10 =	sadd.s32 s9, s10;
	s11 =	sadd.s32 s11, s8;
	(pc) =	sbr.rel .LBB2_1-.Ltmp0, $4  }
0xe: {  	s13 =	ssub.s32 s13, s29;
	s9 =	sor.u32 $0x1C03, s30;
	s10 =	sshrl.u32 s10, $0x3  }
0xf: {  	s31 =	sshrl.u32 s7, $0x3;
	s13 =	smax.u32 s13, $0x1;
	s14 =	sadd.s32 s10, s8  }
0x10: {  	s8 =	sadd.s32 $0x569600, s11;
	s10 =	sadd.s32 s4, s31;
	s11 =	sadd.s32 $0x200, s7  }
0x11: {  	s12 =	sadd.s32 $0x590E00, s14;
	s14 =	sshrl.u32 s15, $0x3;
	s15 =	simm.s32 $0x3  }
.LBB2_9:
0x12: {  	s25 =	sadd.s32 $0x1, s25  }
0x13: {  	p0 =	sne.s32 s25, s13  }
.Ltmp1:
0x14: {  	[bflag:$0x0] =	sbarrier.arrive $0xFFFF;
	(pc) =	sbr.rel @!p0 .LBB2_10-.Ltmp1, $4  }
0x15: {  	[hbm:s12], [sflag:s9] =	dma.local [spmem:s14], $0x2780  }
0x16: {  	_ =	swait.ge [sflag:s15], $0x2780  }
0x17: {  	[sflag:s15] =	ssyncset.done $0x0  }
0x18: {  	[sflag:s15] =	ssyncadd.s32 $0xFFFFD880  }
.LBB2_1:
0x19: {  	[spmem:s14], [sflag:s9] =	dma.local [hbm:s8], $0x2780  }
0x1a: {  	_ =	swait.ge [sflag:s15], $0x2780  }
0x1b: {  	[sflag:s15] =	ssyncset.done $0x0  }
0x1c: {  	[sflag:s15] =	ssyncadd.s32 $0xFFFFD880  }
0x1d: {  	[bflag:$0x0] =	sbarrier.arrive $0xFFFF  }
0x1e: {  	[tilespmem:s3], [sflag:$0x3] =	stream.linear.gather [hbm4b:s10+s3], $0x100, $0x38;
	[tilespmem:$0x18600] =	vst v63  }
0x1f: {  	_ =	swait.ge [sflag:s15], $0x100  }
.Ltmp2:
0x20: {  	[sflag:s15] =	ssyncset.done $0x0;
	(pc) =	sbr.rel .LBB2_2-.Ltmp2, $4  }
0x21: {  	[sflag:s15] =	ssyncadd.s32 $0xFFFFFF00  }
0x22: {  	[tilespmem:s17], [sflag:$0x1] =	stream.indirect.gather [hbm4b:s5+s16], $0x10, s3, s16, $0xb8;
	[tilespmem:$0x18600] =	vst v63  }
0x23: {  	s26 =	simm.s32 $0x0  }
0x24: {  	[tilespmem:s18], [sflag:$0x1] =	stream.indirect.gather [hbm4b:s6+s16], $0x80, s16, s16, $0xb8;
	[tilespmem:$0x18600] =	vst v63  }
.LBB2_8:
0x25: {  	s26 =	sadd.s32 $0x1, s26  }
0x26: {  	p0 =	sne.s32 s26, $0x4F  }
.Ltmp3:
0x27: {  	_ = 	snop;
	(pc) =	sbr.rel @!p0 .LBB2_9-.Ltmp3, $1  }
0x28: {  	_ =	sdelay $0x3  }
.LBB2_2:
0x29: {  	s28 =	sshllo.u32 s26, $0x1  }
0x2a: {  	p0 =	sgt.u32 s28, $0x9C  }
0x2b: {  	s28 =	sshll.u32 @!p0 s28, $0x8  }
0x2c: {  	s28 =	sadd.s32 @!p0 s7, s28  }
0x2d: {  	s28 =	sshrl.u32 @!p0 s28, $0x3  }
0x2e: {  	s29 =	simm.s32 @!p0 $0x0;
	s30 =	simm.s32 @!p0 $0x100;
	s28 =	sadd.s32 @!p0 s4, s28  }
0x2f: {  	[tilespmem:s30], [sflag:$0x4] =	stream.linear.gather @!p0 [hbm4b:s28+s29], $0x100, $0x38;
	[tilespmem:$0x18600] =	vst v63  }
0x30: {  	s28 =	simm.s32 @!p0 $0x4  }
0x31: {  	_ =	swait.ge @!p0 [sflag:s28], $0x100  }
0x32: {  	[sflag:s28] =	ssyncset.done @!p0 $0x0  }
0x33: {  	s29 =	simm.s32 @!p0 $0x600;
	[sflag:s28] =	ssyncadd.s32 @!p0 $0xFFFFFF00;
	s28 =	simm.s32 @!p0 $0x40  }
0x34: {  	[tilespmem:s29], [sflag:$0x2] =	stream.indirect.gather @!p0 [hbm4b:s5+s28], $0x10, s30, s28, $0xb8;
	[tilespmem:$0x18600] =	vst v63  }
0x35: {  	s29 =	simm.s32 @!p0 $0x140;
	s30 =	simm.s32 @!p0 $0x2A00  }
0x36: {  	[tilespmem:s30], [sflag:$0x2] =	stream.indirect.gather @!p0 [hbm4b:s6+s28], $0x80, s29, s28, $0xb8;
	[tilespmem:$0x18600] =	vst v63  }
0x37: {  	_ =	swait.ge [sflag:s19], $0x400  }
0x38: {  	[sflag:s19] =	ssyncset.done $0x0  }
0x39: {  	[sflag:s19] =	ssyncadd.s32 $0xFFFFFC00  }
0x3a: {  	_ =	swait.ge [sflag:s19], $0x2000  }
0x3b: {  	[sflag:s19] =	ssyncset.done $0x0  }
0x3c: {  	s30 =	simm.s32 $0x220;
	[sflag:s19] =	ssyncadd.s32 $0xFFFFE000  }
0x3d: {  	s28 =	simm.s32 $0xB00;
	v4 =	vld [tilespmem:s30+$0x10]  }
0x3e: {  	v8 =	vld [tilespmem:s28+$0xF0]  }
0x3f: {  	v5 =	vld [tilespmem:s28+$0xFFFFFF00]  }
0x40: {  	v6 =	vld [tilespmem:s28+$0xFFFFFF10]  }
0x41: {  	v7 =	vld [tilespmem:s28+$0xFFFFFF20]  }
0x42: {  	v2 =	vld [tilespmem:s28+$0xFFFFFF30]  }
0x43: {  	v1 =	vld [tilespmem:s28+$0xFFFFFF40]  }
0x44: {  	v0 =	vld [tilespmem:s28+$0xFFFFFF50]  }
0x45: {  	v9 =	vld [tilespmem:s30+$0xFFFFFFF0]  }
0x46: {  	v3 =	vld [tilespmem:s28+$0xFFFFFF80]  }
0x47: {  	v10 =	vld [tilespmem:s28+$0xFFFFFF90]  }
0x48: {  	v11 =	vld [tilespmem:s28+$0xFFFFFFA0]  }
0x49: {  	v12 =	vld [tilespmem:s28+$0xFFFFFFB0]  }
0x4a: {  	v13 =	vld [tilespmem:s28+$0xFFFFFFC0]  }
0x4b: {  	v15 =	vld [tilespmem:s28+$0xFFFFFFD0]  }
0x4c: {  	v16 =	vld [tilespmem:s28+$0xFFFFFFE0]  }
0x4d: {  	v17 =	vld [tilespmem:s30+$0x0];
	v14 =	vmul.f32 v3, v9  }
0x4e: {  	v18 =	vld [tilespmem:s28+$0xA0];
	v8 =	vmul.f32 v8, v4  }
0x4f: {  	v3 =	vld [tilespmem:s28+$0xFFFFFF60];
	v10 =	vmul.f32 v10, v9;
	[tilespmem:s28+$0xFFFFFF80] =	vst v14  }
0x50: {  	[tilespmem:s28+$0xF0] =	vst v8;
	v8 =	vmul.f32 v11, v9;
	v11 =	vld [tilespmem:s28+$0x0]  }
0x51: {  	v14 =	vld [tilespmem:s28+$0xFFFFFFF0];
	[tilespmem:s28+$0xFFFFFF90] =	vst v10;
	v10 =	vmul.f32 v12, v9  }
0x52: {  	v12 =	vld [tilespmem:s28+$0x10];
	[tilespmem:s28+$0xFFFFFFA0] =	vst v8;
	v8 =	vmul.f32 v13, v9  }
0x53: {  	v13 =	vld [tilespmem:s28+$0x20];
	[tilespmem:s28+$0xFFFFFFB0] =	vst v10;
	v10 =	vmul.f32 v15, v9  }
0x54: {  	v15 =	vld [tilespmem:s28+$0x30];
	[tilespmem:s28+$0xFFFFFFC0] =	vst v8;
	v8 =	vmul.f32 v16, v9  }
0x55: {  	v16 =	vld [tilespmem:s28+$0x40];
	[tilespmem:s28+$0xFFFFFFD0] =	vst v10;
	v10 =	vmul.f32 v11, v17  }
0x56: {  	v11 =	vld [tilespmem:s28+$0x50];
	v9 =	vmul.f32 v14, v9;
	[tilespmem:s28+$0xFFFFFFE0] =	vst v8  }
0x57: {  	v14 =	vld [tilespmem:s28+$0x60];
	[tilespmem:s28+$0x0] =	vst v10;
	v10 =	vmul.f32 v12, v17  }
0x58: {  	[tilespmem:s28+$0xFFFFFFF0] =	vst v9;
	v9 =	vmul.f32 v13, v17;
	v12 =	vld [tilespmem:s28+$0x70]  }
0x59: {  	[tilespmem:s28+$0x10] =	vst v10;
	v10 =	vmul.f32 v15, v17;
	v15 =	vld [tilespmem:s28+$0x80]  }
0x5a: {  	[tilespmem:s28+$0x20] =	vst v9;
	v9 =	vmul.f32 v16, v17;
	v16 =	vld [tilespmem:s28+$0x90]  }
0x5b: {  	v8 =	vld [tilespmem:s28+$0xFFFFFF70];
	[tilespmem:s28+$0x30] =	vst v10;
	v10 =	vmul.f32 v11, v17  }
0x5c: {  	v13 =	vld [tilespmem:s28+$0xB0];
	[tilespmem:s28+$0x40] =	vst v9;
	v9 =	vmul.f32 v14, v17  }
0x5d: {  	v12 =	vmul.f32 v12, v17;
	[tilespmem:s28+$0x50] =	vst v10;
	v10 =	vld [tilespmem:s28+$0xC0]  }
0x5e: {  	v11 =	vld [tilespmem:s28+$0xD0];
	[tilespmem:s28+$0x60] =	vst v9;
	v15 =	vmul.f32 v15, v4  }
0x5f: {  	[tilespmem:s28+$0x70] =	vst v12;
	v12 =	vld [tilespmem:s28+$0xE0];
	v14 =	vmul.f32 v16, v4  }
0x60: {  	s31 =	simm.s32 $0xB00;
	s29 =	simm.s32 $0x0;
	v9 =	vld [tilespmem:s30+$0xFFFFFFE0];
	s30 =	simm.s32 $0x260;
	[tilespmem:s28+$0x80] =	vst v15;
	v15 =	vmul.f32 v18, v4  }
.LBB2_3:
0x61: {  	v16 =	vld [tilespmem:s30+$0x10];
	[tilespmem:s28+$0x90] =	vst v14;
	v13 =	vmul.f32 v13, v4;
	s31 =	sadd.s32 $0x200, s31  }
0x62: {  	s29 =	sadd.s32 $0x4, s29;
	v14 =	vld [tilespmem:s31+$0xF0];
	[tilespmem:s28+$0xA0] =	vst v15;
	v10 =	vmul.f32 v10, v4  }
0x63: {  	p1 =	slt.u32 s29, $0x3C;
	v15 =	vld [tilespmem:s31+$0xFFFFFF00];
	[tilespmem:s28+$0xB0] =	vst v13;
	v11 =	vmul.f32 v11, v4  }
0x64: {  	v13 =	vld [tilespmem:s31+$0xFFFFFF10];
	[tilespmem:s28+$0xC0] =	vst v10;
	v12 =	vmul.f32 v12, v4  }
0x65: {  	v10 =	vld [tilespmem:s31+$0xFFFFFF20];
	v18 =	vmul.f32 v5, v9;
	v6 =	vmul.f32 v6, v9;
	[tilespmem:s28+$0xD0] =	vst v11  }
0x66: {  	v7 =	vmul.f32 v7, v9;
	v11 =	vmul.f32 v2, v9;
	v2 =	vld [tilespmem:s31+$0xFFFFFF30];
	[tilespmem:s28+$0xE0] =	vst v12;
	v4 =	vmov v16  }
0x67: {  	v12 =	vmul.f32 v14, v4;
	[tilespmem:s28+$0xFFFFFF00] =	vst v18;
	v14 =	vmul.f32 v1, v9;
	v1 =	vld [tilespmem:s31+$0xFFFFFF40]  }
0x68: {  	v17 =	vmul.f32 v3, v9;
	v16 =	vmul.f32 v0, v9;
	[tilespmem:s28+$0xFFFFFF10] =	vst v6;
	v0 =	vld [tilespmem:s31+$0xFFFFFF50];
	v5 =	vmov v15  }
0x69: {  	v9 =	vmul.f32 v8, v9;
	v3 =	vld [tilespmem:s31+$0xFFFFFF60];
	[tilespmem:s31+$0xF0] =	vst v12;
	v6 =	vmov v13  }
0x6a: {  	v8 =	vld [tilespmem:s31+$0xFFFFFF70];
	[tilespmem:s28+$0xFFFFFF20] =	vst v7;
	v7 =	vmov v10  }
0x6b: {  	v10 =	vld [tilespmem:s30+$0xFFFFFFF0];
	[tilespmem:s28+$0xFFFFFF30] =	vst v11  }
0x6c: {  	v11 =	vld [tilespmem:s31+$0xFFFFFF80];
	[tilespmem:s28+$0xFFFFFF40] =	vst v14  }
0x6d: {  	v12 =	vld [tilespmem:s31+$0xFFFFFF90];
	[tilespmem:s28+$0xFFFFFF50] =	vst v16  }
0x6e: {  	v13 =	vld [tilespmem:s31+$0xFFFFFFA0];
	[tilespmem:s28+$0xFFFFFF60] =	vst v17  }
0x6f: {  	v14 =	vld [tilespmem:s31+$0xFFFFFFB0];
	[tilespmem:s28+$0xFFFFFF70] =	vst v9;
	s28 =	smov.u32 s31  }
0x70: {  	v9 =	vld [tilespmem:s31+$0xFFFFFFC0]  }
0x71: {  	v11 =	vmul.f32 v11, v10;
	v15 =	vld [tilespmem:s31+$0xFFFFFFD0]  }
0x72: {  	v12 =	vmul.f32 v12, v10;
	v16 =	vld [tilespmem:s31+$0xFFFFFFE0]  }
0x73: {  	[tilespmem:s31+$0xFFFFFF80] =	vst v11;
	v11 =	vmul.f32 v13, v10;
	v13 =	vld [tilespmem:s31+$0xFFFFFFF0]  }
0x74: {  	[tilespmem:s31+$0xFFFFFF90] =	vst v12;
	v12 =	vmul.f32 v14, v10;
	v14 =	vld [tilespmem:s30+$0x0]  }
0x75: {  	[tilespmem:s31+$0xFFFFFFA0] =	vst v11;
	v9 =	vmul.f32 v9, v10;
	v11 =	vld [tilespmem:s31+$0x0]  }
0x76: {  	[tilespmem:s31+$0xFFFFFFB0] =	vst v12;
	v12 =	vmul.f32 v15, v10;
	v15 =	vld [tilespmem:s31+$0x10]  }
0x77: {  	[tilespmem:s31+$0xFFFFFFC0] =	vst v9;
	v9 =	vmul.f32 v16, v10;
	v16 =	vld [tilespmem:s31+$0x20]  }
0x78: {  	[tilespmem:s31+$0xFFFFFFD0] =	vst v12;
	v10 =	vmul.f32 v13, v10;
	v12 =	vld [tilespmem:s31+$0x30]  }
0x79: {  	[tilespmem:s31+$0xFFFFFFE0] =	vst v9;
	v9 =	vld [tilespmem:s31+$0x40]  }
0x7a: {  	[tilespmem:s31+$0xFFFFFFF0] =	vst v10;
	v10 =	vmul.f32 v11, v14;
	v11 =	vld [tilespmem:s31+$0x50]  }
0x7b: {  	v13 =	vmul.f32 v15, v14;
	v15 =	vld [tilespmem:s31+$0x60]  }
0x7c: {  	[tilespmem:s31+$0x0] =	vst v10;
	v10 =	vmul.f32 v16, v14;
	v16 =	vld [tilespmem:s31+$0x70]  }
0x7d: {  	[tilespmem:s31+$0x10] =	vst v13;
	v12 =	vmul.f32 v12, v14;
	v17 =	vld [tilespmem:s31+$0x80]  }
0x7e: {  	[tilespmem:s31+$0x20] =	vst v10;
	v9 =	vmul.f32 v9, v14;
	v18 =	vld [tilespmem:s31+$0x90]  }
0x7f: {  	[tilespmem:s31+$0x30] =	vst v12;
	v10 =	vmul.f32 v11, v14;
	v19 =	vld [tilespmem:s31+$0xA0]  }
.Ltmp4:
0x80: {  	[tilespmem:s31+$0x40] =	vst v9;
	v9 =	vmul.f32 v15, v14;
	v13 =	vld [tilespmem:s31+$0xB0];
	(pc) =	sbr.rel @p1 .LBB2_3-.Ltmp4, $4  }
0x81: {  	[tilespmem:s31+$0x50] =	vst v10;
	v12 =	vmul.f32 v16, v14;
	v10 =	vld [tilespmem:s31+$0xC0]  }
0x82: {  	[tilespmem:s31+$0x60] =	vst v9;
	v15 =	vmul.f32 v17, v4;
	v11 =	vld [tilespmem:s31+$0xD0]  }
0x83: {  	[tilespmem:s31+$0x70] =	vst v12;
	v14 =	vmul.f32 v18, v4;
	v12 =	vld [tilespmem:s31+$0xE0]  }
0x84: {  	v9 =	vld [tilespmem:s30+$0xFFFFFFE0];
	[tilespmem:s31+$0x80] =	vst v15;
	v15 =	vmul.f32 v19, v4;
	s30 =	sadd.s32 $0x40, s30  }
0x85: {  	[tilespmem:s28+$0x90] =	vst v14;
	v13 =	vmul.f32 v13, v4  }
0x86: {  	[tilespmem:s28+$0xA0] =	vst v15;
	v10 =	vmul.f32 v10, v4  }
0x87: {  	[tilespmem:s28+$0xB0] =	vst v13;
	v11 =	vmul.f32 v11, v4  }
0x88: {  	[tilespmem:s28+$0xC0] =	vst v10;
	v60 =	vmul.f32 v12, v4  }
0x89: {  	v5 =	vmul.f32 v5, v9;
	[tilespmem:s28+$0xD0] =	vst v11  }
0x8a: {  	v6 =	vmul.f32 v6, v9;
	[tilespmem:s28+$0xE0] =	vst v60  }
0x8b: {  	v61 =	vmul.f32 v7, v9;
	[tilespmem:s28+$0xFFFFFF00] =	vst v5  }
0x8c: {  	v2 =	vmul.f32 v2, v9;
	[tilespmem:s28+$0xFFFFFF10] =	vst v6  }
0x8d: {  	v1 =	vmul.f32 v1, v9;
	[tilespmem:s28+$0xFFFFFF20] =	vst v61  }
0x8e: {  	v0 =	vmul.f32 v0, v9;
	[tilespmem:s28+$0xFFFFFF30] =	vst v2  }
0x8f: {  	v62 =	vmul.f32 v3, v9;
	[tilespmem:s28+$0xFFFFFF40] =	vst v1  }
0x90: {  	v63 =	vmul.f32 v8, v9;
	[tilespmem:s28+$0xFFFFFF50] =	vst v0  }
0x91: {  	p1 =	seq.s32 s26, $0x4E;
	[tilespmem:s28+$0xFFFFFF60] =	vst v62  }
0x92: {  	[tilespmem:s28+$0xFFFFFF70] =	vst v63;
	s28 =	sshll.u32 @!p1 s26, $0x9  }
0x93: {  	[spmem:s2] =	stream.indirect.scatter.add.f32 [tilespmem:s18], [sflag:$0x4], $0x80, s20, s16, $0xb8;
	[tilespmem:$0x18600] =	vst v63  }
0x94: {  	s28 =	sadd.s32 @!p1 s28, s11;
	_ =	swait.ge [sflag:s21], $0x2000  }
0x95: {  	s28 =	sshrl.u32 @!p1 s28, $0x3;
	[sflag:s21] =	ssyncset.done $0x0  }
0x96: {  	s29 =	simm.s32 @!p1 $0x0;
	s28 =	sadd.s32 @!p1 s4, s28;
	[sflag:s21] =	ssyncadd.s32 $0xFFFFE000  }
0x97: {  	[tilespmem:s29], [sflag:$0x4] =	stream.linear.gather @!p1 [hbm4b:s28+s29], $0x100, $0x38;
	[tilespmem:$0x18600] =	vst v63  }
0x98: {  	s28 =	simm.s32 @!p1 $0x4  }
0x99: {  	_ =	swait.ge @!p1 [sflag:s28], $0x100  }
.Ltmp5:
0x9a: {  	[sflag:s28] =	ssyncset.done @!p1 $0x0;
	(pc) =	sbr.rel @p0 .LBB2_8-.Ltmp5, $4  }
0x9b: {  	s30 =	simm.s32 @!p1 $0x200;
	[sflag:s28] =	ssyncadd.s32 @!p1 $0xFFFFFF00;
	s28 =	simm.s32 @!p1 $0x40  }
0x9c: {  	[tilespmem:s30], [sflag:$0x1] =	stream.indirect.gather @!p1 [hbm4b:s5+s28], $0x10, s29, s28, $0xb8;
	[tilespmem:$0x18600] =	vst v63  }
0x9d: {  	s29 =	simm.s32 @!p1 $0xA00  }
0x9e: {  	[tilespmem:s29], [sflag:$0x1] =	stream.indirect.gather @!p1 [hbm4b:s6+s28], $0x80, s28, s28, $0xb8;
	[tilespmem:$0x18600] =	vst v63  }
0x9f: {  	_ =	swait.ge [sflag:s22], $0x400  }
0xa0: {  	[sflag:s22] =	ssyncset.done $0x0  }
0xa1: {  	[sflag:s22] =	ssyncadd.s32 $0xFFFFFC00  }
0xa2: {  	_ =	swait.ge [sflag:s22], $0x2000  }
0xa3: {  	[sflag:s22] =	ssyncset.done $0x0  }
0xa4: {  	s30 =	simm.s32 $0x620;
	[sflag:s22] =	ssyncadd.s32 $0xFFFFE000  }
0xa5: {  	s28 =	simm.s32 $0x2B00;
	v4 =	vld [tilespmem:s30+$0x10]  }
0xa6: {  	v8 =	vld [tilespmem:s28+$0xF0]  }
0xa7: {  	v5 =	vld [tilespmem:s28+$0xFFFFFF00]  }
0xa8: {  	v6 =	vld [tilespmem:s28+$0xFFFFFF10]  }
0xa9: {  	v7 =	vld [tilespmem:s28+$0xFFFFFF20]  }
0xaa: {  	v2 =	vld [tilespmem:s28+$0xFFFFFF30]  }
0xab: {  	v1 =	vld [tilespmem:s28+$0xFFFFFF40]  }
0xac: {  	v0 =	vld [tilespmem:s28+$0xFFFFFF50]  }
0xad: {  	v9 =	vld [tilespmem:s30+$0xFFFFFFF0]  }
0xae: {  	v3 =	vld [tilespmem:s28+$0xFFFFFF80]  }
0xaf: {  	v10 =	vld [tilespmem:s28+$0xFFFFFF90]  }
0xb0: {  	v11 =	vld [tilespmem:s28+$0xFFFFFFA0]  }
0xb1: {  	v12 =	vld [tilespmem:s28+$0xFFFFFFB0]  }
0xb2: {  	v13 =	vld [tilespmem:s28+$0xFFFFFFC0]  }
0xb3: {  	v15 =	vld [tilespmem:s28+$0xFFFFFFD0]  }
0xb4: {  	v16 =	vld [tilespmem:s28+$0xFFFFFFE0]  }
0xb5: {  	v17 =	vld [tilespmem:s30+$0x0];
	v14 =	vmul.f32 v3, v9  }
0xb6: {  	v18 =	vld [tilespmem:s28+$0xA0];
	v8 =	vmul.f32 v8, v4  }
0xb7: {  	v3 =	vld [tilespmem:s28+$0xFFFFFF60];
	v10 =	vmul.f32 v10, v9;
	[tilespmem:s28+$0xFFFFFF80] =	vst v14  }
0xb8: {  	[tilespmem:s28+$0xF0] =	vst v8;
	v8 =	vmul.f32 v11, v9;
	v11 =	vld [tilespmem:s28+$0x0]  }
0xb9: {  	v14 =	vld [tilespmem:s28+$0xFFFFFFF0];
	[tilespmem:s28+$0xFFFFFF90] =	vst v10;
	v10 =	vmul.f32 v12, v9  }
0xba: {  	v12 =	vld [tilespmem:s28+$0x10];
	[tilespmem:s28+$0xFFFFFFA0] =	vst v8;
	v8 =	vmul.f32 v13, v9  }
0xbb: {  	v13 =	vld [tilespmem:s28+$0x20];
	[tilespmem:s28+$0xFFFFFFB0] =	vst v10;
	v10 =	vmul.f32 v15, v9  }
0xbc: {  	v15 =	vld [tilespmem:s28+$0x30];
	[tilespmem:s28+$0xFFFFFFC0] =	vst v8;
	v8 =	vmul.f32 v16, v9  }
0xbd: {  	v16 =	vld [tilespmem:s28+$0x40];
	[tilespmem:s28+$0xFFFFFFD0] =	vst v10;
	v10 =	vmul.f32 v11, v17  }
0xbe: {  	v11 =	vld [tilespmem:s28+$0x50];
	v9 =	vmul.f32 v14, v9;
	[tilespmem:s28+$0xFFFFFFE0] =	vst v8  }
0xbf: {  	v14 =	vld [tilespmem:s28+$0x60];
	[tilespmem:s28+$0x0] =	vst v10;
	v10 =	vmul.f32 v12, v17  }
0xc0: {  	[tilespmem:s28+$0xFFFFFFF0] =	vst v9;
	v9 =	vmul.f32 v13, v17;
	v12 =	vld [tilespmem:s28+$0x70]  }
0xc1: {  	[tilespmem:s28+$0x10] =	vst v10;
	v10 =	vmul.f32 v15, v17;
	v15 =	vld [tilespmem:s28+$0x80]  }
0xc2: {  	[tilespmem:s28+$0x20] =	vst v9;
	v9 =	vmul.f32 v16, v17;
	v16 =	vld [tilespmem:s28+$0x90]  }
0xc3: {  	v8 =	vld [tilespmem:s28+$0xFFFFFF70];
	[tilespmem:s28+$0x30] =	vst v10;
	v10 =	vmul.f32 v11, v17  }
0xc4: {  	v13 =	vld [tilespmem:s28+$0xB0];
	[tilespmem:s28+$0x40] =	vst v9;
	v9 =	vmul.f32 v14, v17  }
0xc5: {  	v12 =	vmul.f32 v12, v17;
	[tilespmem:s28+$0x50] =	vst v10;
	v10 =	vld [tilespmem:s28+$0xC0]  }
0xc6: {  	v11 =	vld [tilespmem:s28+$0xD0];
	[tilespmem:s28+$0x60] =	vst v9;
	v15 =	vmul.f32 v15, v4  }
0xc7: {  	[tilespmem:s28+$0x70] =	vst v12;
	v12 =	vld [tilespmem:s28+$0xE0];
	v14 =	vmul.f32 v16, v4  }
0xc8: {  	s29 =	simm.s32 $0x0;
	s31 =	simm.s32 $0x2B00;
	v9 =	vld [tilespmem:s30+$0xFFFFFFE0];
	s30 =	simm.s32 $0x660;
	[tilespmem:s28+$0x80] =	vst v15;
	v15 =	vmul.f32 v18, v4  }
.LBB2_6:
0xc9: {  	v16 =	vld [tilespmem:s30+$0x10];
	[tilespmem:s28+$0x90] =	vst v14;
	v13 =	vmul.f32 v13, v4;
	s31 =	sadd.s32 $0x200, s31  }
0xca: {  	s29 =	sadd.s32 $0x4, s29;
	v14 =	vld [tilespmem:s31+$0xF0];
	[tilespmem:s28+$0xA0] =	vst v15;
	v10 =	vmul.f32 v10, v4  }
0xcb: {  	p0 =	slt.u32 s29, $0x3C;
	v15 =	vld [tilespmem:s31+$0xFFFFFF00];
	[tilespmem:s28+$0xB0] =	vst v13;
	v11 =	vmul.f32 v11, v4  }
0xcc: {  	v13 =	vld [tilespmem:s31+$0xFFFFFF10];
	[tilespmem:s28+$0xC0] =	vst v10;
	v12 =	vmul.f32 v12, v4  }
0xcd: {  	v10 =	vld [tilespmem:s31+$0xFFFFFF20];
	v18 =	vmul.f32 v5, v9;
	v6 =	vmul.f32 v6, v9;
	[tilespmem:s28+$0xD0] =	vst v11  }
0xce: {  	v7 =	vmul.f32 v7, v9;
	v11 =	vmul.f32 v2, v9;
	v2 =	vld [tilespmem:s31+$0xFFFFFF30];
	[tilespmem:s28+$0xE0] =	vst v12;
	v4 =	vmov v16  }
0xcf: {  	v12 =	vmul.f32 v14, v4;
	[tilespmem:s28+$0xFFFFFF00] =	vst v18;
	v14 =	vmul.f32 v1, v9;
	v1 =	vld [tilespmem:s31+$0xFFFFFF40]  }
0xd0: {  	v17 =	vmul.f32 v3, v9;
	v16 =	vmul.f32 v0, v9;
	[tilespmem:s28+$0xFFFFFF10] =	vst v6;
	v0 =	vld [tilespmem:s31+$0xFFFFFF50];
	v5 =	vmov v15  }
0xd1: {  	v9 =	vmul.f32 v8, v9;
	v3 =	vld [tilespmem:s31+$0xFFFFFF60];
	[tilespmem:s31+$0xF0] =	vst v12;
	v6 =	vmov v13  }
0xd2: {  	v8 =	vld [tilespmem:s31+$0xFFFFFF70];
	[tilespmem:s28+$0xFFFFFF20] =	vst v7;
	v7 =	vmov v10  }
0xd3: {  	v10 =	vld [tilespmem:s30+$0xFFFFFFF0];
	[tilespmem:s28+$0xFFFFFF30] =	vst v11  }
0xd4: {  	v11 =	vld [tilespmem:s31+$0xFFFFFF80];
	[tilespmem:s28+$0xFFFFFF40] =	vst v14  }
0xd5: {  	v12 =	vld [tilespmem:s31+$0xFFFFFF90];
	[tilespmem:s28+$0xFFFFFF50] =	vst v16  }
0xd6: {  	v13 =	vld [tilespmem:s31+$0xFFFFFFA0];
	[tilespmem:s28+$0xFFFFFF60] =	vst v17  }
0xd7: {  	v14 =	vld [tilespmem:s31+$0xFFFFFFB0];
	[tilespmem:s28+$0xFFFFFF70] =	vst v9;
	s28 =	smov.u32 s31  }
0xd8: {  	v9 =	vld [tilespmem:s31+$0xFFFFFFC0]  }
0xd9: {  	v11 =	vmul.f32 v11, v10;
	v15 =	vld [tilespmem:s31+$0xFFFFFFD0]  }
0xda: {  	v12 =	vmul.f32 v12, v10;
	v16 =	vld [tilespmem:s31+$0xFFFFFFE0]  }
0xdb: {  	[tilespmem:s31+$0xFFFFFF80] =	vst v11;
	v11 =	vmul.f32 v13, v10;
	v13 =	vld [tilespmem:s31+$0xFFFFFFF0]  }
0xdc: {  	[tilespmem:s31+$0xFFFFFF90] =	vst v12;
	v12 =	vmul.f32 v14, v10;
	v14 =	vld [tilespmem:s30+$0x0]  }
0xdd: {  	[tilespmem:s31+$0xFFFFFFA0] =	vst v11;
	v9 =	vmul.f32 v9, v10;
	v11 =	vld [tilespmem:s31+$0x0]  }
0xde: {  	[tilespmem:s31+$0xFFFFFFB0] =	vst v12;
	v12 =	vmul.f32 v15, v10;
	v15 =	vld [tilespmem:s31+$0x10]  }
0xdf: {  	[tilespmem:s31+$0xFFFFFFC0] =	vst v9;
	v9 =	vmul.f32 v16, v10;
	v16 =	vld [tilespmem:s31+$0x20]  }
0xe0: {  	[tilespmem:s31+$0xFFFFFFD0] =	vst v12;
	v10 =	vmul.f32 v13, v10;
	v12 =	vld [tilespmem:s31+$0x30]  }
0xe1: {  	[tilespmem:s31+$0xFFFFFFE0] =	vst v9;
	v9 =	vld [tilespmem:s31+$0x40]  }
0xe2: {  	[tilespmem:s31+$0xFFFFFFF0] =	vst v10;
	v10 =	vmul.f32 v11, v14;
	v11 =	vld [tilespmem:s31+$0x50]  }
0xe3: {  	v13 =	vmul.f32 v15, v14;
	v15 =	vld [tilespmem:s31+$0x60]  }
0xe4: {  	[tilespmem:s31+$0x0] =	vst v10;
	v10 =	vmul.f32 v16, v14;
	v16 =	vld [tilespmem:s31+$0x70]  }
0xe5: {  	[tilespmem:s31+$0x10] =	vst v13;
	v12 =	vmul.f32 v12, v14;
	v17 =	vld [tilespmem:s31+$0x80]  }
0xe6: {  	[tilespmem:s31+$0x20] =	vst v10;
	v9 =	vmul.f32 v9, v14;
	v18 =	vld [tilespmem:s31+$0x90]  }
0xe7: {  	[tilespmem:s31+$0x30] =	vst v12;
	v10 =	vmul.f32 v11, v14;
	v19 =	vld [tilespmem:s31+$0xA0]  }
.Ltmp6:
0xe8: {  	[tilespmem:s31+$0x40] =	vst v9;
	v9 =	vmul.f32 v15, v14;
	v13 =	vld [tilespmem:s31+$0xB0];
	(pc) =	sbr.rel @p0 .LBB2_6-.Ltmp6, $4  }
0xe9: {  	[tilespmem:s31+$0x50] =	vst v10;
	v12 =	vmul.f32 v16, v14;
	v10 =	vld [tilespmem:s31+$0xC0]  }
0xea: {  	[tilespmem:s31+$0x60] =	vst v9;
	v15 =	vmul.f32 v17, v4;
	v11 =	vld [tilespmem:s31+$0xD0]  }
0xeb: {  	[tilespmem:s31+$0x70] =	vst v12;
	v14 =	vmul.f32 v18, v4;
	v12 =	vld [tilespmem:s31+$0xE0]  }
0xec: {  	v9 =	vld [tilespmem:s30+$0xFFFFFFE0];
	[tilespmem:s31+$0x80] =	vst v15;
	v15 =	vmul.f32 v19, v4;
	s30 =	sadd.s32 $0x40, s30  }
0xed: {  	[tilespmem:s28+$0x90] =	vst v14;
	v13 =	vmul.f32 v13, v4  }
0xee: {  	[tilespmem:s28+$0xA0] =	vst v15;
	v10 =	vmul.f32 v10, v4  }
0xef: {  	[tilespmem:s28+$0xB0] =	vst v13;
	v11 =	vmul.f32 v11, v4  }
0xf0: {  	[tilespmem:s28+$0xC0] =	vst v10;
	v60 =	vmul.f32 v12, v4  }
0xf1: {  	v5 =	vmul.f32 v5, v9;
	[tilespmem:s28+$0xD0] =	vst v11  }
0xf2: {  	v6 =	vmul.f32 v6, v9;
	[tilespmem:s28+$0xE0] =	vst v60  }
0xf3: {  	v61 =	vmul.f32 v7, v9;
	[tilespmem:s28+$0xFFFFFF00] =	vst v5  }
0xf4: {  	v2 =	vmul.f32 v2, v9;
	[tilespmem:s28+$0xFFFFFF10] =	vst v6  }
0xf5: {  	v1 =	vmul.f32 v1, v9;
	[tilespmem:s28+$0xFFFFFF20] =	vst v61  }
0xf6: {  	v0 =	vmul.f32 v0, v9;
	[tilespmem:s28+$0xFFFFFF30] =	vst v2  }
0xf7: {  	v62 =	vmul.f32 v3, v9;
	[tilespmem:s28+$0xFFFFFF40] =	vst v1  }
0xf8: {  	v63 =	vmul.f32 v8, v9;
	[tilespmem:s28+$0xFFFFFF50] =	vst v0  }
0xf9: {  	[tilespmem:s28+$0xFFFFFF60] =	vst v62  }
.Ltmp7:
0xfa: {  	[tilespmem:s28+$0xFFFFFF70] =	vst v63;
	(pc) =	sbr.rel .LBB2_8-.Ltmp7, $4  }
0xfb: {  	[spmem:s2] =	stream.indirect.scatter.add.f32 [tilespmem:s24], [sflag:$0x3], $0x80, s23, s16, $0xb8;
	[tilespmem:$0x18600] =	vst v63  }
0xfc: {  	_ =	swait.ge [sflag:s15], $0x2000  }
0xfd: {  	[sflag:s15] =	ssyncset.done $0x0  }
0xfe: {  	[sflag:s15] =	ssyncadd.s32 $0xFFFFE000  }
.LBB2_10:
0xff: {  	_ =	sfence.sel $0x180000  }
0x100: {  	[bflag:$0x0] =	sbarrier.arrive $0xFFFF  }
0x101: {  	p0 =	sne.s32 s1, $0x0;
	_ =	strace $0x90000047  }
0x102: {  	s0 =	sadd.s32 @!p0 $0x100000, s0;
	[bflag:$0x2] =	sbarrier.arrive $0xFFFF  }
0x103: {  	[sflag:s0] =	ssyncadd.tile.s32 @!p0 $0x1;
	_ =	shalt  }
.Lfunc_end2:
_tile_overlayer_lowered:
.L_overlay_start_2:
0x104: {  	(tag) =	ssettag $0x2  }
0x105: {  	s0 =	rddreg [dreg:$0x0];
	s2 =	stileid.u32  }
0x106: {  	s1 =	rddreg [dreg:$0x1];
	p0 =	sne.s32 s2, $0x0  }
0x107: {  	s3 =	rddreg [dreg:$0x2];
	[bflag:$0x3] =	sbarrier.arrive $0xFFFF;
	s2 =	simm.s32 @!p0 $0x1C03  }
0x108: {  	[timem:s3], [sflag:s2] =	dma.local @!p0 [hbm:s0], s1  }
0x109: {  	s0 =	simm.s32 @!p0 $0x3  }
0x10a: {  	_ =	swait.ge @!p0 [sflag:s0], s1  }
0x10b: {  	s1 =	ssub.s32 @!p0 $0x0, s1;
	[sflag:s0] =	ssyncset.done @!p0 $0x0  }
0x10c: {  	[sflag:s0] =	ssyncadd.s32 @!p0 s1  }
0x10d: {  	[bflag:$0x3] =	sbarrier.arrive $0xFFFF  }
0x10e: {  	_ =	shalt  }

// kernel: kernel.14.cloned.1.call-start
scs
__scs_entry_jumppad:
0x0: {  	(pc) =	sbr.rel $0x88, $3  }
0x1: {  	(tag) =	ssettag $0x0;
	lr =	simm.s32 $0x1  }
0x2: {  	[smem:$0x3F95] =	sst lr;
	_ =	strace $0xD0000000  }
0x3: {  	_ = 	snop  }
0x4: {  	_ = 	snop  }
0x5: {  	_ = 	snop  }
0x6: {  	_ = 	snop  }
0x7: {  	_ = 	snop  }
__scs_overlays_trampoline_lowered:
0x8: {  	[smem:$0x3FA4] =	sst s0  }
0x9: {  	[smem:$0x3FA5] =	sst s1  }
0xa: {  	[smem:$0x3FA6] =	sst s2  }
0xb: {  	[smem:$0x3FA7] =	sst s3  }
0xc: {  	[smem:$0x3FA8] =	sst s4  }
0xd: {  	[smem:$0x3FA9] =	sst s5  }
0xe: {  	[smem:$0x3FAA] =	sst s6  }
0xf: {  	[smem:$0x3FAB] =	sst s7  }
0x10: {  	[smem:$0x3FAC] =	sst s8  }
0x11: {  	[smem:$0x3FAD] =	sst s9;
	s0 =	simm.s32 @!p0 $0x0  }
0x12: {  	s1 =	sld [smem:$0x3F93];
	s0 =	simm.s32 @p0 $0x1  }
0x13: {  	[smem:$0x3FAE] =	sst s0;
	s0 =	simm.s32 @!p1 $0x0  }
0x14: {  	s2 =	sld [smem:$0x3F92];
	s0 =	simm.s32 @p1 $0x1  }
0x15: {  	[smem:$0x3FAF] =	sst s0;
	s0 =	simm.s32 @!p2 $0x0  }
0x16: {  	s3 =	sld [smem:$0x3FDB];
	s0 =	simm.s32 @p2 $0x1  }
0x17: {  	s4 =	simm.s32 $0x1BF5;
	[smem:$0x3FB1] =	sst s0  }
0x18: {  	s0 =	sld [smem:$0x3F94];
	_ =	swait.ge [sflag:s4], $0x0  }
0x19: {  	s7 =	sld [smem:$0x3F95]  }
0x1a: {  	s8 =	sadd.s32 $0xFFFFE003, lr  }
0x1b: {  	s9 =	sadd.s32 $0xFFFFFEF7, lr;
	s5 =	simm.s32 $0xFFFFFFFF;
	p2 =	slt.u32 s8, $0xFFFFF086  }
0x1c: {  	p1 =	slt.u32 s9, $0xF7A;
	s5 =	simm.s32 @!p2 $0x0  }
0x1d: {  	s5 =	simm.s32 @p1 $0x1;
	p0 =	seq.s32 s7, s2  }
0x1e: {  	s7 =	smul.u32 @!p0 $0xF7A, s2;
	p2 =	seq.s32 @!p0 s5, $0x0  }
0x1f: {  	s9 =	smul.u32 $0xF7A, s1;
	s8 =	simm.s32 @!p0 $0x1BF5;
	p2 =	por !p2, p0  }
0x20: {  	[sflag:s8] =	ssyncset.s32 @!p0 $0xFFFFF086;
	s6 =	sadd.s32 @!p0 s3, s7;
	s7 =	simm.s32 @!p0 $0x108  }
0x21: {  	s3 =	sadd.s32 s3, s9;
	s6 =	sadd.s32 @!p0 $0x88, s6;
	s7 =	simm.s32 @p2 $0x1082  }
0x22: {  	[simem:s7], [sflag:s8] =	dma.local @!p0 [hbm:s6], $0xF7A  }
0x23: {  	s9 =	sor.u32 $0xD0000000, s2;
	s6 =	simm.s32 $0x108;
	_ =	swait.ge @!p0 [sflag:s8], $0x0  }
0x24: {  	s3 =	sadd.s32 $0x88, s3;
	s6 =	simm.s32 @!p1 $0x1082;
	[sflag:s4] =	ssyncset.s32 $0xFFFFF086  }
0x25: {  	[simem:s6], [sflag:s4] =	dma.local [hbm:s3], $0xF7A  }
0x26: {  	[smem:$0x3F95] =	sst s1;
	(tag) =	ssettag s2;
	_ =	strace s9  }
0x27: {  	s1 =	sld [smem:$0x3FA5]  }
0x28: {  	s2 =	sld [smem:$0x3FA6]  }
0x29: {  	s4 =	sld [smem:$0x3FA8]  }
0x2a: {  	p0 =	seq.s32 s5, $0x0;
	s5 =	sld [smem:$0x3FA9]  }
0x2b: {  	s6 =	sld [smem:$0x3FAA]  }
0x2c: {  	s7 =	sld [smem:$0x3FAB]  }
0x2d: {  	s3 =	simm.s32 $0x108;
	s8 =	sld [smem:$0x3FAC]  }
0x2e: {  	s3 =	simm.s32 @!p0 $0x1082;
	s9 =	sld [smem:$0x3FAD]  }
0x2f: {  	lr =	sadd.s32 s0, s3;
	s0 =	sld [smem:$0x3FA4]  }
0x30: {  	s3 =	sld [smem:$0x3FA7]  }
0x31: {  	[smem:$0x3FB0] =	sst s10  }
0x32: {  	s10 =	sld [smem:$0x3FAE];
	_ =	sdelay $0x3  }
0x33: {  	p0 =	seq.s32 s10, $0x1;
	s10 =	sld [smem:$0x3FB0];
	_ =	sdelay $0x3  }
0x34: {  	[smem:$0x3FB0] =	sst s10  }
0x35: {  	s10 =	sld [smem:$0x3FAF];
	_ =	sdelay $0x3  }
0x36: {  	p1 =	seq.s32 s10, $0x1;
	s10 =	sld [smem:$0x3FB0];
	_ =	sdelay $0x3  }
0x37: {  	[smem:$0x3FB0] =	sst s10  }
0x38: {  	s10 =	sld [smem:$0x3FB1]  }
0x39: {  	_ = 	snop;
	(pc) =	sbr.ind lr, $3  }
0x3a: {  	_ = 	snop  }
0x3b: {  	_ = 	snop  }
0x3c: {  	p2 =	seq.s32 s10, $0x1;
	s10 =	sld [smem:$0x3FB0]  }
0x3d: {  	_ =	shalt  }
0x3e: {  	_ =	shalt  }
0x3f: {  	_ =	shalt  }
0x40: {  	_ =	shalt  }
0x41: {  	_ =	shalt  }
0x42: {  	_ =	shalt  }
0x43: {  	_ =	shalt  }
0x44: {  	_ =	shalt  }
0x45: {  	_ =	shalt  }
0x46: {  	_ =	shalt  }
0x47: {  	_ =	shalt  }
0x48: {  	_ =	shalt  }
0x49: {  	_ =	shalt  }
0x4a: {  	_ =	shalt  }
0x4b: {  	_ =	shalt  }
0x4c: {  	_ =	shalt  }
0x4d: {  	_ =	shalt  }
0x4e: {  	_ =	shalt  }
0x4f: {  	_ =	shalt  }
0x50: {  	_ =	shalt  }
0x51: {  	_ =	shalt  }
0x52: {  	_ =	shalt  }
0x53: {  	_ =	shalt  }
0x54: {  	_ =	shalt  }
0x55: {  	_ =	shalt  }
0x56: {  	_ =	shalt  }
0x57: {  	_ =	shalt  }
0x58: {  	_ =	shalt  }
0x59: {  	_ =	shalt  }
0x5a: {  	_ =	shalt  }
0x5b: {  	_ =	shalt  }
0x5c: {  	_ =	shalt  }
0x5d: {  	_ =	shalt  }
0x5e: {  	_ =	shalt  }
0x5f: {  	_ =	shalt  }
0x60: {  	_ =	shalt  }
0x61: {  	_ =	shalt  }
0x62: {  	_ =	shalt  }
0x63: {  	_ =	shalt  }
0x64: {  	_ =	shalt  }
0x65: {  	_ =	shalt  }
0x66: {  	_ =	shalt  }
0x67: {  	_ =	shalt  }
0x68: {  	_ =	shalt  }
0x69: {  	_ =	shalt  }
0x6a: {  	_ =	shalt  }
0x6b: {  	_ =	shalt  }
0x6c: {  	_ =	shalt  }
0x6d: {  	_ =	shalt  }
0x6e: {  	_ =	shalt  }
0x6f: {  	_ =	shalt  }
0x70: {  	_ =	shalt  }
0x71: {  	_ =	shalt  }
0x72: {  	_ =	shalt  }
0x73: {  	_ =	shalt  }
0x74: {  	_ =	shalt  }
0x75: {  	_ =	shalt  }
0x76: {  	_ =	shalt  }
0x77: {  	_ =	shalt  }
0x78: {  	_ =	shalt  }
0x79: {  	_ =	shalt  }
0x7a: {  	_ =	shalt  }
0x7b: {  	_ =	shalt  }
0x7c: {  	_ =	shalt  }
0x7d: {  	_ =	shalt  }
0x7e: {  	_ =	shalt  }
0x7f: {  	_ =	shalt  }
0x80: {  	_ =	shalt  }
0x81: {  	_ =	shalt  }
0x82: {  	_ =	shalt  }
0x83: {  	_ =	shalt  }
0x84: {  	_ =	shalt  }
0x85: {  	_ =	shalt  }
0x86: {  	_ =	shalt  }
0x87: {  	_ =	shalt  }
.Lfunc_end0:
.L_simem_size_0:
called_computation.1_lowered:
.L_overlay_start_0:
0x88: {  	s2 =	sld [smem:$0x3FD9]  }
0x89: {  	s3 =	sld [smem:$0x3FFE];
	_ =	sdelay $0x1  }
0x8a: {  	s1 =	srdreg.scid  }
0x8b: {  	s0 =	sand.u32 $0x1, s1  }
0x8c: {  	s16 =	sshll.u32 s0, $0xA;
	s2 =	sadd.s32 s3, s2  }
0x8d: {  	s2 =	sadd.s32 s2, s16  }
0x8e: {  	[smem:$0x3FBC] =	sst s2  }
0x8f: {  	_ = 	snop  }
0x90: {  	(tm) =	ssettm $0x1  }
0x91: {  	s17 =	sld [smem:$0x3FFB];
	_ =	sdelay $0x3  }
0x92: {  	_ =	strace s17  }
0x93: {  	s2 =	sld [smem:$0x3FFC];
	_ =	sdelay $0x3  }
0x94: {  	_ =	strace s2  }
0x95: {  	s2 =	sld [smem:$0x3FFD];
	_ =	sdelay $0x3  }
0x96: {  	_ =	strace s2  }
0x97: {  	_ =	strace $0x8FFFFFFF  }
0x98: {  	s18 =	sld [smem:$0x3FDB];
	_ =	sdelay $0x1  }
0x99: {  	s19 =	simm.s32 $_scs_section_size  }
0x9a: {  	s4 =	simm.s32 $_size__tile_overlayer_lowered;
	s5 =	simm.s32 $_tile_overlayer_lowered  }
0x9b: {  	s22 =	simm.s32 $0x1BFF;
	s21 =	sshll.u32 s5, $0x1;
	s2 =	sadd.s32 s19, s18  }
0x9c: {  	s6 =	simm.s32 $0x0;
	s20 =	sshll.u32 s4, $0x1;
	s4 =	sadd.s32 s21, s2  }
0x9d: {  	[timem:s6], [sflag:s22] =	dma.local [hbm:s4], s20  }
0x9e: {  	_ =	swait.ge [sflag:s22], s20  }
0x9f: {  	s3 =	ssub.s32 $0x0, s20;
	[sflag:s22] =	ssyncset.done $0x0  }
0xa0: {  	[sflag:s22] =	ssyncadd.s32 s3;
	_ =	sdelay $0x1  }
0xa1: {  	s23 =	simm.s32 $0x1B8B  }
0xa2: {  	_ =	swait.ge [sflag:s23], $0x1  }
0xa3: {  	[sflag:s23] =	ssyncset.done $0x0  }
0xa4: {  	s25 =	simm.s32 $0x1B8E;
	s24 =	sld [smem:$0x3FFE];
	[sflag:s23] =	ssyncadd.s32 $0xFFFFFFFF  }
0xa5: {  	s26 =	simm.s32 $execute0_lowered;
	[smem:$0x3FD2] =	sst s25  }
0xa6: {  	s4 =	sshll.u32 s26, $0x1;
	_ =	strace $0x80000049;
	[dreg:$0x1] =	wrdreg $0xFFFFFFFF  }
0xa7: {  	s28 =	simm.s32 $_size_execute0_lowered;
	s2 =	sadd.s32 s2, s4;
	[dreg:$0x0] =	wrdreg $0x0  }
0xa8: {  	s4 =	sshll.u32 s28, $0x1;
	[dreg:$0x2] =	wrdreg s2  }
0xa9: {  	[dreg:$0x3] =	wrdreg s4  }
0xaa: {  	[dreg:$0x4] =	wrdreg $0xC0  }
0xab: {  	_ =	task [dreg:s6], $0x5FFFF  }
0xac: {  	[dreg:$0x1] =	wrdreg $0xFFFFFFFF  }
0xad: {  	[dreg:$0x0] =	wrdreg $0x60  }
0xae: {  	[dreg:$0x2] =	wrdreg s24  }
0xaf: {  	[dreg:$0x3] =	wrdreg $0xC2400  }
0xb0: {  	[dreg:$0x4] =	wrdreg $0x9  }
0xb1: {  	_ =	task.clear_ibuf [dreg:s6], $0x5FFFF;
	_ =	strace $0x90000049  }
0xb2: {  	s29 =	simm.s32 $0x9;
	_ =	strace $0x8000004B  }
0xb3: {  	_ =	swait.ge [sflag:s29], $0x1  }
0xb4: {  	[sflag:s29] =	ssyncadd.s32 $0xFFFFFFFF  }
0xb5: {  	_ =	strace $0x9000004B  }
0xb6: {  	_ =	sfence  }
0xb7: {  	s30 =	sld [smem:$0x0];
	_ =	sdelay $0x2  }
0xb8: {  	s31 =	sshll.u32 s1, $0xD;
	s1 =	sshrl.u32 s1, $0x2  }
0xb9: {  	s3 =	sand.u32 $0x4000, s31;
	s1 =	sadd.s32 s1, s30  }
0xba: {  	s0 =	sor.u32 s3, s0;
	s1 =	sshll.u32 s1, $0x11  }
0xbb: {  	s0 =	sor.u32 s1, s0  }
0xbc: {  	s0 =	sadd.s32 $0x8F2B, s0  }
0xbd: {  	[sflag:s0] =	ssyncadd.remote.s32 $0x1  }
0xbe: {  	_ =	sfence.sel $0xFFFF  }
0xbf: {  	[dreg:$0x0] =	wrdreg $0xFFFFFFFF;
	(pc) =	sbr.abs _section_cstart, $3  }
0xc0: {  	[dreg:$0x1] =	wrdreg $0xFFFFFFFF  }
0xc1: {  	_ =	task.clear_ibuf [dreg:s6], $0x2FFFF;
	_ =	strace $0x9FFFFFFF  }
0xc2: {  	(tm) =	ssettm $0x7FFFFFFF  }
0xc3: {  	_ =	shalt  }
tec
execute0_lowered:
.L_overlay_start_1:
0x0: {  	(tag) =	ssettag $0x1  }
0x1: {  	s0 =	rddreg [dreg:$0x0]  }
0x2: {  	s1 =	rddreg [dreg:$0x1]  }
0x3: {  	s3 =	simm.s32 $0x0;
	s14 =	stileid.u32;
	s2 =	srdreg.scid  }
0x4: {  	s17 =	simm.s32 $0x3;
	s19 =	simm.s32 $0x40;
	s28 =	simm.s32 $0x2  }
0x5: {  	s29 =	simm.s32 $0x1C0;
	s30 =	simm.s32 $0xA200;
	s31 =	simm.s32 $0x0  }
0x6: {  	[smem:$0x7FF] =	sst s3;
	s4 =	sadd.s32 $0x4C00, s0;
	s5 =	sadd.s32 $0x590E00, s0  }
0x7: {  	s8 =	smul.u32 $0x13C00, s14;
	s2 =	sand.u32 $0x1, s2;
	s6 =	sadd.s32 $0x95200, s0  }
0x8: {  	s7 =	sadd.s32 $0x2C000, s0;
	s10 =	sadd.s32 $0x569400, s0;
	s11 =	sshll.u32 s14, $0x1  }
0x9: {  	s24 =	sshll.u32 s14, $0x6;
	_ =	strace $0x8000004A;
	s9 =	smul.u32 $0x13C000, s2  }
0xa: {  	[dreg:$0x3] =	wrdreg s10;
	s12 =	ssub.s32 $0x2, s2;
	s2 =	sor.u32 s2, s11  }
0xb: {  	s11 =	sor.u32 $0x1C03, s24;
	s24 =	simm.s32 $0x1;
	s20 =	sshrl.u32 s8, $0x3  }
0xc: {  	s13 =	sshrl.u32 s12, $0x1;
	s9 =	sadd.s32 s8, s9;
	s22 =	sadd.s32 s20, s0  }
0xd: {  	s23 =	ssub.s32 s12, s13;
	s21 =	sshrl.u32 s9, $0x3;
	s9 =	smul.u32 $0x9D00, s2  }
.Ltmp0:
0xe: {  	s8 =	sadd.s32 s8, s1;
	s2 =	sadd.s32 $0x569600, s22;
	(pc) =	sbr.rel .LBB2_1-.Ltmp0, $4  }
0xf: {  	s15 =	smax.u32 s23, $0x1;
	s16 =	sshrl.u32 s8, $0x3;
	s0 =	sadd.s32 s21, s0  }
0x10: {  	[dreg:$0x4] =	wrdreg s2;
	s21 =	simm.s32 $0x8200;
	s25 =	sshrl.u32 s9, $0x3  }
0x11: {  	s13 =	sadd.s32 $0x200, s9;
	s14 =	sadd.s32 $0x1E2A00, s0;
	s26 =	sadd.s32 s4, s25  }
0x12: {  	s25 =	simm.s32 $0xC0;
	[dreg:$0x5] =	wrdreg s26;
	s26 =	simm.s32 $0x4  }
.LBB2_9:
0x13: {  	s31 =	sadd.s32 $0x1, s31  }
0x14: {  	p0 =	sne.s32 s31, s15  }
.Ltmp1:
0x15: {  	[bflag:$0x0] =	sbarrier.arrive $0xFFFF;
	(pc) =	sbr.rel @!p0 .LBB2_10-.Ltmp1, $4  }
0x16: {  	[hbm:s14], [sflag:s11] =	dma.local [spmem:s16], $0x2780  }
0x17: {  	_ =	swait.ge [sflag:s17], $0x2780  }
0x18: {  	[sflag:s17] =	ssyncset.done $0x0  }
0x19: {  	[sflag:s17] =	ssyncadd.s32 $0xFFFFD880  }
.LBB2_1:
0x1a: {  	s0 =	rddreg [dreg:$0x4]  }
0x1b: {  	[spmem:s16], [sflag:s11] =	dma.local [hbm:s0], $0x2780  }
0x1c: {  	_ =	swait.ge [sflag:s17], $0x2780  }
0x1d: {  	[sflag:s17] =	ssyncset.done $0x0  }
0x1e: {  	s2 =	simm.s32 $0xC200;
	s12 =	rddreg [dreg:$0x3];
	[sflag:s17] =	ssyncadd.s32 $0xFFFFD880  }
0x1f: {  	[tilespmem:s2], [sflag:$0x3] =	stream.linear.gather [hbm4b:s12+s3], $0x40, $0x38;
	[tilespmem:$0x1FE40] =	vst v63  }
0x20: {  	_ =	swait.ge [sflag:s17], $0x40  }
0x21: {  	[sflag:s17] =	ssyncset.done $0x0  }
0x22: {  	[sflag:s17] =	ssyncadd.s32 $0xFFFFFFC0  }
0x23: {  	[bflag:$0x0] =	sbarrier.arrive $0xFFFF  }
0x24: {  	s18 =	rddreg [dreg:$0x5]  }
0x25: {  	[tilespmem:s3], [sflag:$0x3] =	stream.linear.gather [hbm4b:s18+s3], $0x100, $0x38;
	[tilespmem:$0x1FE40] =	vst v63  }
0x26: {  	_ =	swait.ge [sflag:s17], $0x100  }
0x27: {  	[sflag:s17] =	ssyncset.done $0x0  }
0x28: {  	s20 =	simm.s32 $0x200;
	[sflag:s17] =	ssyncadd.s32 $0xFFFFFF00  }
0x29: {  	[tilespmem:s20], [sflag:$0x1] =	stream.indirect.gather [hbm4b:s7+s19], $0x40, s3, s19, $0xb8;
	[tilespmem:$0x1FE40] =	vst v63  }
.Ltmp2:
0x2a: {  	_ = 	snop;
	(pc) =	sbr.rel .LBB2_2-.Ltmp2, $4  }
0x2b: {  	_ = 	snop  }
0x2c: {  	[tilespmem:s21], [sflag:$0x1] =	stream.indirect.gather [hbm4b:s6+s19], $0x80, s19, s19, $0xb8;
	[tilespmem:$0x1FE40] =	vst v63  }
0x2d: {  	s22 =	simm.s32 $0x80;
	s23 =	simm.s32 $0x2200;
	s0 =	simm.s32 $0x0  }
0x2e: {  	[tilespmem:s23], [sflag:$0x1] =	stream.indirect.gather [hbm4b:s5+s19], $0xC0, s22, s19, $0xb8;
	[tilespmem:$0x1FE40] =	vst v63  }
.LBB2_8:
0x2f: {  	s0 =	sadd.s32 $0x1, s0  }
0x30: {  	p0 =	sne.s32 s0, $0x4F  }
.Ltmp3:
0x31: {  	_ = 	snop;
	(pc) =	sbr.rel @!p0 .LBB2_9-.Ltmp3, $1  }
0x32: {  	_ =	sdelay $0x3  }
.LBB2_2:
0x33: {  	s2 =	sshllo.u32 s0, $0x1  }
0x34: {  	p0 =	sgt.u32 s2, $0x9C  }
0x35: {  	s2 =	sshll.u32 @!p0 s2, $0x8  }
0x36: {  	s2 =	sadd.s32 @!p0 s9, s2  }
0x37: {  	s2 =	sshrl.u32 @!p0 s2, $0x3  }
0x38: {  	s8 =	simm.s32 @!p0 $0x0;
	s10 =	simm.s32 @!p0 $0x100;
	s2 =	sadd.s32 @!p0 s4, s2  }
0x39: {  	[tilespmem:s10], [sflag:$0x4] =	stream.linear.gather @!p0 [hbm4b:s2+s8], $0x100, $0x38;
	[tilespmem:$0x1FE40] =	vst v63  }
0x3a: {  	s2 =	simm.s32 @!p0 $0x4  }
0x3b: {  	_ =	swait.ge @!p0 [sflag:s2], $0x100  }
0x3c: {  	[sflag:s2] =	ssyncset.done @!p0 $0x0  }
0x3d: {  	s8 =	simm.s32 @!p0 $0x1200;
	[sflag:s2] =	ssyncadd.s32 @!p0 $0xFFFFFF00;
	s2 =	simm.s32 @!p0 $0x40  }
0x3e: {  	[tilespmem:s8], [sflag:$0x2] =	stream.indirect.gather @!p0 [hbm4b:s7+s2], $0x40, s10, s2, $0xb8;
	[tilespmem:$0x1FE40] =	vst v63  }
0x3f: {  	s8 =	simm.s32 @!p0 $0x140;
	s10 =	simm.s32 @!p0 $0xA200  }
0x40: {  	[tilespmem:s10], [sflag:$0x2] =	stream.indirect.gather @!p0 [hbm4b:s6+s2], $0x80, s8, s2, $0xb8;
	[tilespmem:$0x1FE40] =	vst v63  }
0x41: {  	s8 =	simm.s32 @!p0 $0x180;
	s10 =	simm.s32 @!p0 $0x5200  }
0x42: {  	[tilespmem:s10], [sflag:$0x2] =	stream.indirect.gather @!p0 [hbm4b:s5+s2], $0xC0, s8, s2, $0xb8;
	[tilespmem:$0x1FE40] =	vst v63  }
0x43: {  	_ =	swait.ge [sflag:s24], $0x1000  }
0x44: {  	[sflag:s24] =	ssyncset.done $0x0  }
0x45: {  	[sflag:s24] =	ssyncadd.s32 $0xFFFFF000  }
0x46: {  	_ =	swait.ge [sflag:s24], $0x2000  }
0x47: {  	[sflag:s24] =	ssyncset.done $0x0  }
0x48: {  	[sflag:s24] =	ssyncadd.s32 $0xFFFFE000  }
0x49: {  	_ =	swait.ge [sflag:s24], $0x3000  }
0x4a: {  	[sflag:s24] =	ssyncset.done $0x0  }
0x4b: {  	[sflag:s24] =	ssyncadd.s32 $0xFFFFD000  }
0x4c: {  	v0 =	vld [tilespmem:$0xC210]  }
0x4d: {  	s20 =	simm.s32 $0x280;
	v1 =	vld [tilespmem:$0xC200]  }
0x4e: {  	s22 =	simm.s32 $0x2380;
	v2 =	vld [tilespmem:s20+$0x40]  }
0x4f: {  	v3 =	vld [tilespmem:s22+$0x140]  }
0x50: {  	v4 =	vld [tilespmem:s20+$0x50]  }
0x51: {  	v5 =	vld [tilespmem:s22+$0x150]  }
0x52: {  	v6 =	vld [tilespmem:s20+$0x60]  }
0x53: {  	v7 =	vld [tilespmem:s22+$0x160]  }
0x54: {  	v8 =	vld [tilespmem:s22+$0x170];
	v2 =	vadd.f32 v3, v2  }
0x55: {  	v3 =	vld [tilespmem:s20+$0x70]  }
0x56: {  	v9 =	vld [tilespmem:$0xC220];
	v4 =	vadd.f32 v5, v4;
	v2 =	vmax.f32 v2, $0.0e+00  }
0x57: {  	v2 =	vmul.f32 v2, v1  }
0x58: {  	v5 =	vld [tilespmem:$0xC230];
	v6 =	vadd.f32 v7, v6;
	v4 =	vmax.f32 v4, $0.0e+00  }
0x59: {  	v4 =	vmul.f32 v4, v0;
	v2 =	vadd.f32 $0.0e+00, v2  }
0x5a: {  	v6 =	vmax.f32 v6, $0.0e+00;
	v3 =	vadd.f32 v8, v3  }
0x5b: {  	v2 =	vadd.f32 v4, v2;
	v4 =	vmul.f32 v6, v9  }
0x5c: {  	v3 =	vmax.f32 v3, $0.0e+00  }
0x5d: {  	v3 =	vmul.f32 v3, v5;
	v2 =	vadd.f32 v4, v2;
	_ =	sdelay $0x1  }
0x5e: {  	v2 =	vadd.f32 v3, v2;
	_ =	sdelay $0x1  }
0x5f: {  	(xrf2) =	vadd.scan.msk.f32 $0xffff, v2;
	_ =	sdelay $0x9  }
0x60: {  	v2, _, _ =	vpop (xrf2)  }
0x61: {  	v2 =	vsub.f32 $0.0e+00, v2;
	_ =	sdelay $0x1  }
0x62: {  	v2 =	vmul.f32 $1.442695020e+00, v2;
	_ =	sdelay $0x1  }
0x63: {  	v11 =	vld [tilespmem:s20+$0xFFFFFF90];
	v2 =	vbroadcast v2, $0xF  }
0x64: {  	v12 =	vld [tilespmem:s22+$0xFFFFFF10]  }
0x65: {  	v13 =	vld [tilespmem:s20+$0xFFFFFFD0];
	(erf) = vpow2.f32 v2  }
0x66: {  	v14 =	vld [tilespmem:s22+$0xFFFFFFD0]  }
0x67: {  	v15 =	vld [tilespmem:s20+$0x10]  }
0x68: {  	v16 =	vld [tilespmem:s22+$0x90]  }
0x69: {  	v17 =	vld [tilespmem:s22+$0xC0]  }
0x6a: {  	v18 =	vld [tilespmem:s20+$0xFFFFFFA0]  }
0x6b: {  	v19 =	vld [tilespmem:s22+$0xFFFFFF20]  }
0x6c: {  	v20 =	vld [tilespmem:s20+$0xFFFFFFE0]  }
0x6d: {  	v21 =	vld [tilespmem:s22+$0xFFFFFFE0]  }
0x6e: {  	v7 =	vld [tilespmem:s22+$0x80];
	v10 =	vpop (erf)  }
0x6f: {  	v8 =	vld [tilespmem:s20+$0xFFFFFF80];
	v10 =	vadd.f32 $1.000000000e+00, v10  }
0x70: {  	v6 =	vld [tilespmem:s20+$0x0]  }
0x71: {  	v4 =	vld [tilespmem:s22+$0xFFFFFFC0];
	(erf) = vrcp.f32 v10  }
0x72: {  	v3 =	vld [tilespmem:s20+$0xFFFFFFC0]  }
0x73: {  	s2 =	simm.s32 $0x8300;
	v2 =	vld [tilespmem:s22+$0xFFFFFF00]  }
0x74: {  	v10 =	vld [tilespmem:s2+$0x80]  }
0x75: {  	v27 =	vld [tilespmem:s2+$0xFFFFFF10]  }
0x76: {  	v22 =	vld [tilespmem:s2+$0xFFFFFF90]  }
0x77: {  	v11 =	vadd.f32 v12, v11;
	v12 =	vld [tilespmem:s22+$0xFFFFFF30];
	v13 =	vadd.f32 v14, v13  }
0x78: {  	v6 =	vadd.f32 v7, v6;
	v7 =	vld [tilespmem:s20+$0xFFFFFFB0];
	v3 =	vadd.f32 v4, v3  }
0x79: {  	v14 =	vld [tilespmem:s20+$0xFFFFFFF0];
	v2 =	vadd.f32 v2, v8;
	v17 =	vadd.f32 v17, v10  }
0x7a: {  	v15 =	vadd.f32 v16, v15;
	v6 =	vmax.f32 v6, $0.0e+00;
	v4 =	vld [tilespmem:s22+$0xA0];
	v3 =	vmax.f32 v3, $0.0e+00;
	v10 =	vpop (erf)  }
0x7b: {  	v3 =	vmul.f32 v3, v1;
	v8 =	vld [tilespmem:s20+$0x20];
	v2 =	vmax.f32 v2, $0.0e+00;
	v17 =	vmul.f32 v10, v17  }
0x7c: {  	v2 =	vmul.f32 v2, v1;
	v1 =	vmul.f32 v6, v1;
	v6 =	vmax.f32 v11, $0.0e+00;
	v11 =	vld [tilespmem:s2+$0x90]  }
0x7d: {  	v7 =	vadd.f32 v12, v7;
	[tilespmem:s2+$0x80] =	vst v17;
	v17 =	vadd.f32 v19, v18;
	v18 =	vld [tilespmem:s22+$0xFFFFFFF0]  }
0x7e: {  	v13 =	vmax.f32 v13, $0.0e+00;
	v6 =	vmul.f32 v6, v0;
	v2 =	vadd.f32 $0.0e+00, v2;
	v16 =	vld [tilespmem:s22+$0xD0]  }
0x7f: {  	v25 =	vld [tilespmem:s2+$0x10];
	v13 =	vmul.f32 v13, v0;
	v7 =	vmax.f32 v7, $0.0e+00;
	v3 =	vadd.f32 $0.0e+00, v3  }
0x80: {  	s18 =	simm.s32 $0x2680;
	v26 =	vld [tilespmem:$0xC200];
	v2 =	vadd.f32 v6, v2;
	v6 =	vmax.f32 v15, $0.0e+00;
	v15 =	vadd.f32 v21, v20  }
0x81: {  	v24 =	vld [tilespmem:s18+$0x150];
	v3 =	vadd.f32 v13, v3;
	v4 =	vadd.f32 v4, v8;
	v13 =	vmax.f32 v17, $0.0e+00  }
0x82: {  	v0 =	vmul.f32 v6, v0;
	v12 =	vmax.f32 v15, $0.0e+00;
	v17 =	vld [tilespmem:s20+$0x30];
	v6 =	vmul.f32 v13, v9  }
0x83: {  	s23 =	simm.s32 $0x380;
	v13 =	vld [tilespmem:s22+$0xB0];
	v8 =	vadd.f32 v16, v11;
	v11 =	vmul.f32 v12, v9;
	v12 =	vadd.f32 v18, v14  }
0x84: {  	v28 =	vld [tilespmem:s23+$0x60];
	v1 =	vadd.f32 $0.0e+00, v1;
	v2 =	vadd.f32 v6, v2;
	v6 =	vmul.f32 v7, v5  }
0x85: {  	v29 =	vld [tilespmem:s18+$0x160];
	v4 =	vmax.f32 v4, $0.0e+00;
	v7 =	vmul.f32 v10, v8;
	v8 =	vmax.f32 v12, $0.0e+00  }
0x86: {  	v32 =	vld [tilespmem:s23+$0xFFFFFFC0];
	v2 =	vadd.f32 v6, v2;
	v3 =	vadd.f32 v11, v3;
	v6 =	vmul.f32 v8, v5  }
0x87: {  	v0 =	vadd.f32 v0, v1;
	v1 =	vmul.f32 v4, v9;
	v4 =	vld [tilespmem:s2+$0xA0];
	[tilespmem:s2+$0x90] =	vst v7  }
0x88: {  	v11 =	vadd.f32 v13, v17;
	(xrf2) =	vadd.scan.msk.f32 $0xffff, v2;
	v3 =	vadd.f32 v6, v3;
	v2 =	vld [tilespmem:s22+$0xE0]  }
0x89: {  	v33 =	vld [tilespmem:s18+$0xFFFFFFC0]  }
0x8a: {  	v34 =	vld [tilespmem:s23+$0x0];
	v7 =	vmax.f32 v11, $0.0e+00;
	(xrf2) =	vadd.scan.msk.f32 $0xffff, v3  }
0x8b: {  	v35 =	vld [tilespmem:s18+$0x80];
	v0 =	vadd.f32 v1, v0;
	v1 =	vmul.f32 v7, v5  }
0x8c: {  	v36 =	vld [tilespmem:s23+$0xFFFFFF80]  }
0x8d: {  	v37 =	vld [tilespmem:s23+$0xFFFFFF90];
	v0 =	vadd.f32 v1, v0;
	v1 =	vadd.f32 v2, v4  }
0x8e: {  	v38 =	vld [tilespmem:s18+$0xFFFFFF10]  }
0x8f: {  	v40 =	vld [tilespmem:s23+$0xFFFFFFD0];
	(xrf2) =	vadd.scan.msk.f32 $0xffff, v0;
	v1 =	vmul.f32 v10, v1  }
0x90: {  	v41 =	vld [tilespmem:s18+$0xFFFFFFD0]  }
0x91: {  	v42 =	vld [tilespmem:s23+$0x10]  }
0x92: {  	v43 =	vld [tilespmem:s18+$0x90]  }
0x93: {  	v55 =	vld [tilespmem:s23+$0xFFFFFFA0];
	[tilespmem:s2+$0xA0] =	vst v1;
	v1, _, _ =	vpop (xrf2)  }
0x94: {  	v44 =	vld [tilespmem:s18+$0xFFFFFF20];
	v4, _, _ =	vpop (xrf2)  }
0x95: {  	v45 =	vld [tilespmem:s23+$0xFFFFFFE0];
	v1 =	vsub.f32 $0.0e+00, v1;
	v4 =	vsub.f32 $0.0e+00, v4  }
0x96: {  	v46 =	vld [tilespmem:s18+$0xFFFFFFE0]  }
0x97: {  	v47 =	vld [tilespmem:s23+$0x20];
	v1 =	vmul.f32 $1.442695020e+00, v1  }
0x98: {  	v2 =	vld [tilespmem:s2+$0xB0]  }
0x99: {  	v3 =	vld [tilespmem:s22+$0xF0];
	v5 =	vmul.f32 $1.442695020e+00, v4;
	v1 =	vbroadcast v1, $0xF;
	v4, _, _ =	vpop (xrf2)  }
0x9a: {  	v56 =	vld [tilespmem:s23+$0xFFFFFFB0];
	v6 =	vsub.f32 $0.0e+00, v4  }
0x9b: {  	v48 =	vld [tilespmem:s18+$0xFFFFFF30];
	v16 =	vbroadcast v5, $0xF;
	(erf) = vpow2.f32 v1  }
0x9c: {  	v57 =	vld [tilespmem:s18+$0xA0];
	v6 =	vmul.f32 $1.442695020e+00, v6  }
0x9d: {  	v49 =	vld [tilespmem:s23+$0xFFFFFFF0];
	(erf) = vpow2.f32 v16  }
0x9e: {  	v59 =	vld [tilespmem:s18+$0xFFFFFFF0];
	v2 =	vadd.f32 v3, v2;
	v6 =	vbroadcast v6, $0xF  }
0x9f: {  	v50 =	vld [tilespmem:s23+$0x30]  }
0xa0: {  	v19 =	vld [tilespmem:s18+$0x140];
	v17 =	vmul.f32 v10, v2;
	(erf) = vpow2.f32 v6  }
0xa1: {  	v18 =	vld [tilespmem:s23+$0x40]  }
0xa2: {  	[tilespmem:s2+$0xB0] =	vst v17;
	v17 =	vld [tilespmem:s2+$0xC0]  }
0xa3: {  	v6 =	vld [tilespmem:s22+$0x100]  }
0xa4: {  	v21 =	vld [tilespmem:s23+$0x50];
	v20 =	vpop (erf)  }
0xa5: {  	v9 =	vld [tilespmem:s2+$0xFFFFFF80];
	v20 =	vadd.f32 $1.000000000e+00, v20  }
0xa6: {  	v7 =	vld [tilespmem:s22+$0xFFFFFE80];
	v23 =	vpop (erf)  }
0xa7: {  	v16 =	vld [tilespmem:$0xC210];
	(erf) = vrcp.f32 v20;
	v20 =	vadd.f32 $1.000000000e+00, v23  }
0xa8: {  	v6 =	vadd.f32 v6, v17;
	v17 =	vadd.f32 v19, v18;
	v18 =	vld [tilespmem:s23+$0x70]  }
0xa9: {  	(erf) = vrcp.f32 v20;
	v20 =	vld [tilespmem:s18+$0x170];
	v23 =	vpop (erf)  }
0xaa: {  	v21 =	vadd.f32 v24, v21;
	v6 =	vmul.f32 v6, v10;
	v19 =	vadd.f32 $1.000000000e+00, v23;
	v23 =	vld [tilespmem:$0xC220]  }
0xab: {  	v0 =	vld [tilespmem:s2+$0xFFFFFF00];
	v17 =	vmax.f32 v17, $0.0e+00  }
0xac: {  	v8 =	vld [tilespmem:s22+$0xFFFFFF40];
	v17 =	vmul.f32 v17, v26;
	[tilespmem:s2+$0xC0] =	vst v6;
	v6 =	vmax.f32 v21, $0.0e+00;
	v21 =	vadd.f32 v29, v28  }
0xad: {  	(erf) = vrcp.f32 v19;
	v19 =	vld [tilespmem:$0xC230]  }
0xae: {  	v24 =	vld [tilespmem:s2+$0xD0];
	v17 =	vadd.f32 $0.0e+00, v17;
	v29 =	vmul.f32 v6, v16;
	v21 =	vmax.f32 v21, $0.0e+00  }
0xaf: {  	v28 =	vld [tilespmem:s22+$0x110];
	v30 =	vadd.f32 v20, v18;
	v21 =	vmul.f32 v21, v23  }
0xb0: {  	v51 =	vld [tilespmem:s18+$0xB0];
	v0 =	vadd.f32 v7, v0;
	v7 =	vadd.f32 v29, v17  }
0xb1: {  	v14 =	vld [tilespmem:s2+$0x0];
	v29 =	vadd.f32 v8, v9;
	v20 =	vpop (erf);
	v8 =	vmax.f32 v30, $0.0e+00  }
0xb2: {  	v12 =	vld [tilespmem:s22+$0x0];
	v0 =	vmul.f32 v20, v0;
	v30 =	vadd.f32 v21, v7;
	v31 =	vmul.f32 v8, v19  }
0xb3: {  	v61 =	vld [tilespmem:s18+$0xC0];
	v21 =	vpop (erf)  }
0xb4: {  	v62 =	vld [tilespmem:s18+$0xFFFFFE80];
	v24 =	vadd.f32 v28, v24;
	[tilespmem:s2+$0xFFFFFF00] =	vst v0;
	v28 =	vadd.f32 v31, v30;
	v0 =	vmul.f32 v21, v29  }
0xb5: {  	s8 =	simm.s32 $0x2980;
	v35 =	vadd.f32 v35, v34;
	v34 =	vld [tilespmem:s18+$0xFFFFFF40];
	v52 =	vadd.f32 v51, v50  }
0xb6: {  	v51 =	vld [tilespmem:s8+$0xFFFFFFC0];
	(xrf2) =	vadd.scan.msk.f32 $0xffff, v28  }
0xb7: {  	v53 =	vmax.f32 v52, $0.0e+00;
	v52 =	vld [tilespmem:s8+$0x150];
	v12 =	vadd.f32 v12, v14  }
0xb8: {  	v15 =	vld [tilespmem:s2+$0xFFFFFF20];
	v14 =	vmul.f32 v24, v10;
	[tilespmem:s2+$0xFFFFFF80] =	vst v0;
	v0 =	vpop (erf)  }
0xb9: {  	v13 =	vld [tilespmem:s2+$0xFFFFFFA0];
	v12 =	vmul.f32 v0, v12  }
0xba: {  	[tilespmem:s2+$0xD0] =	vst v14;
	v14 =	vld [tilespmem:s2+$0xE0]  }
0xbb: {  	[tilespmem:s2+$0x0] =	vst v12;
	v12 =	vld [tilespmem:s22+$0x120]  }
0xbc: {  	v11 =	vld [tilespmem:s2+$0x20]  }
0xbd: {  	v3 =	vld [tilespmem:s2+$0x30]  }
0xbe: {  	v5 =	vld [tilespmem:s2+$0xFFFFFFB0]  }
0xbf: {  	v2 =	vld [tilespmem:s2+$0xFFFFFFC0]  }
0xc0: {  	v4 =	vld [tilespmem:s2+$0xFFFFFF30];
	v12 =	vadd.f32 v12, v14;
	v14, _, _ =	vpop (xrf2)  }
0xc1: {  	v31 =	vld [tilespmem:s18+$0xFFFFFF00];
	v14 =	vsub.f32 $0.0e+00, v14  }
0xc2: {  	v1 =	vld [tilespmem:s2+$0xFFFFFF40]  }
0xc3: {  	v29 =	vld [tilespmem:s22+$0xFFFFFE90];
	v39 =	vmul.f32 $1.442695020e+00, v14  }
0xc4: {  	v6 =	vld [tilespmem:s2+$0x40]  }
0xc5: {  	v17 =	vld [tilespmem:s2+$0xFFFFFFD0];
	v39 =	vbroadcast v39, $0xF  }
0xc6: {  	v28 =	vld [tilespmem:s22+$0xFFFFFF50];
	v31 =	vadd.f32 v31, v36  }
0xc7: {  	v9 =	vld [tilespmem:s2+$0x50];
	(erf) = vpow2.f32 v39  }
0xc8: {  	v18 =	vld [tilespmem:s2+$0xFFFFFF50];
	v27 =	vadd.f32 v29, v27;
	v29 =	vmax.f32 v31, $0.0e+00;
	v31 =	vadd.f32 v38, v37  }
0xc9: {  	v7 =	vld [tilespmem:s2+$0xFFFFFF60];
	v29 =	vmul.f32 v29, v26  }
0xca: {  	v36 =	vadd.f32 v48, v56;
	v30 =	vld [tilespmem:s22+$0x10];
	v31 =	vmax.f32 v31, $0.0e+00  }
0xcb: {  	v8 =	vld [tilespmem:s2+$0xFFFFFFE0];
	v22 =	vadd.f32 v28, v22;
	v29 =	vadd.f32 $0.0e+00, v29;
	v31 =	vmul.f32 v31, v16  }
0xcc: {  	s20 =	simm.s32 $0x8500;
	v24 =	vld [tilespmem:s2+$0x60]  }
0xcd: {  	v60 =	vmax.f32 v36, $0.0e+00;
	v36 =	vld [tilespmem:s20+$0xFFFFFFC0];
	v22 =	vmul.f32 v21, v22;
	v29 =	vadd.f32 v31, v29  }
0xce: {  	v27 =	vmul.f32 v20, v27;
	v31 =	vadd.f32 v33, v32;
	v32 =	vld [tilespmem:s20+$0xFFFFFF50];
	v39 =	vadd.f32 v44, v55  }
0xcf: {  	[tilespmem:s2+$0xFFFFFF90] =	vst v22;
	v25 =	vadd.f32 v30, v25;
	v30 =	vld [tilespmem:s20+$0x80]  }
0xd0: {  	[tilespmem:s2+$0xFFFFFF10] =	vst v27;
	v27 =	vmax.f32 v31, $0.0e+00;
	v31 =	vadd.f32 v41, v40;
	v63 =	vld [tilespmem:s22+$0xFFFFFF60];
	v28 =	vmax.f32 v39, $0.0e+00;
	v58 =	vpop (erf)  }
0xd1: {  	v41 =	vld [tilespmem:s20+$0xFFFFFF80];
	v12 =	vmul.f32 v12, v10;
	v28 =	vmul.f32 v28, v23;
	v38 =	vadd.f32 $1.000000000e+00, v58  }
0xd2: {  	v40 =	vld [tilespmem:$0xC200];
	v22 =	vmul.f32 v27, v26;
	v27 =	vmax.f32 v35, $0.0e+00;
	v25 =	vmul.f32 v0, v25  }
0xd3: {  	v35 =	vld [tilespmem:s20+$0xFFFFFF40];
	v28 =	vadd.f32 v28, v29;
	v29 =	vmul.f32 v60, v19;
	(erf) = vrcp.f32 v38  }
0xd4: {  	v46 =	vadd.f32 v46, v45;
	[tilespmem:s2+$0xE0] =	vst v12;
	v12 =	vld [tilespmem:s2+$0xF0]  }
0xd5: {  	v14 =	vld [tilespmem:s22+$0x130];
	[tilespmem:s2+$0x10] =	vst v25;
	v25 =	vmul.f32 v27, v26;
	v26 =	vmax.f32 v31, $0.0e+00;
	v28 =	vadd.f32 v29, v28  }
0xd6: {  	v22 =	vadd.f32 $0.0e+00, v22;
	v27 =	vadd.f32 v43, v42;
	v31 =	vld [tilespmem:s22+$0xFFFFFEA0];
	v26 =	vmul.f32 v26, v16  }
0xd7: {  	v49 =	vadd.f32 v59, v49;
	v33 =	vmax.f32 v46, $0.0e+00;
	v42 =	vld [tilespmem:s20+$0x0];
	(xrf2) =	vadd.scan.msk.f32 $0xffff, v28  }
0xd8: {  	v43 =	vld [tilespmem:$0xC210];
	v27 =	vmax.f32 v27, $0.0e+00;
	v22 =	vadd.f32 v26, v22;
	v26 =	vadd.f32 v57, v47  }
0xd9: {  	v33 =	vmul.f32 v33, v23;
	v48 =	vld [tilespmem:s22+$0x20];
	v25 =	vadd.f32 $0.0e+00, v25;
	v16 =	vmul.f32 v27, v16  }
0xda: {  	s23 =	simm.s32 $0x480;
	v30 =	vadd.f32 v61, v30;
	v13 =	vadd.f32 v63, v13;
	v61 =	vld [tilespmem:s20+$0xC0];
	v37 =	vmax.f32 v26, $0.0e+00  }
0xdb: {  	v63 =	vld [tilespmem:s23+$0x40];
	v16 =	vadd.f32 v16, v25;
	v25 =	vmax.f32 v49, $0.0e+00;
	v23 =	vmul.f32 v37, v23  }
0xdc: {  	v55 =	vld [tilespmem:s20+$0xFFFFFF00];
	v22 =	vadd.f32 v33, v22;
	v25 =	vmul.f32 v25, v19;
	v29 =	vpop (erf)  }
0xdd: {  	v27 =	vld [tilespmem:s2+$0xFFFFFFF0];
	v19 =	vmul.f32 v53, v19;
	v16 =	vadd.f32 v23, v16;
	v30 =	vmul.f32 v29, v30  }
0xde: {  	v47 =	vld [tilespmem:s20+$0xD0];
	v22 =	vadd.f32 v25, v22  }
0xdf: {  	v15 =	vadd.f32 v31, v15;
	v16 =	vadd.f32 v19, v16;
	[tilespmem:s20+$0x80] =	vst v30;
	v30 =	vld [tilespmem:s20+$0x90]  }
0xe0: {  	(xrf2) =	vadd.scan.msk.f32 $0xffff, v22;
	v54 =	vld [tilespmem:s18+$0xD0]  }
0xe1: {  	v26 =	vld [tilespmem:s2+$0x70];
	v11 =	vadd.f32 v48, v11;
	v15 =	vmul.f32 v20, v15;
	v19, _, _ =	vpop (xrf2);
	(xrf2) =	vadd.scan.msk.f32 $0xffff, v16  }
0xe2: {  	v13 =	vmul.f32 v21, v13;
	v33 =	vld [tilespmem:s20+$0x10]  }
0xe3: {  	v31 =	vld [tilespmem:s20+$0xA0];
	v11 =	vmul.f32 v0, v11;
	[tilespmem:s2+$0xFFFFFF20] =	vst v15;
	v16 =	vsub.f32 $0.0e+00, v19  }
0xe4: {  	[tilespmem:s2+$0xFFFFFFA0] =	vst v13;
	v13 =	vld [tilespmem:s22+$0xFFFFFEB0]  }
0xe5: {  	v49 =	vld [tilespmem:s23+$0xFFFFFFC0];
	[tilespmem:s2+$0x20] =	vst v11;
	v15 =	vmul.f32 $1.442695020e+00, v16;
	v19 =	vadd.f32 v54, v30  }
0xe6: {  	v56 =	vld [tilespmem:s22+$0x30]  }
0xe7: {  	v15 =	vbroadcast v15, $0xF;
	v30 =	vld [tilespmem:s22+$0xFFFFFF70];
	v19 =	vmul.f32 v29, v19  }
0xe8: {  	v37 =	vld [tilespmem:s20+$0x40]  }
0xe9: {  	v53 =	vld [tilespmem:s8+$0x170];
	v4 =	vadd.f32 v13, v4;
	(erf) = vpow2.f32 v15;
	[tilespmem:s20+$0x90] =	vst v19  }
0xea: {  	v11, _, _ =	vpop (xrf2);
	v15 =	vld [tilespmem:s18+$0xE0]  }
0xeb: {  	v23 =	vld [tilespmem:s20+$0xFFFFFF10];
	v3 =	vadd.f32 v56, v3;
	v4 =	vmul.f32 v4, v20;
	v13, _, _ =	vpop (xrf2)  }
0xec: {  	v25 =	vld [tilespmem:s20+$0xFFFFFF90];
	v5 =	vadd.f32 v30, v5;
	v30 =	vsub.f32 $0.0e+00, v13  }
0xed: {  	v49 =	vadd.f32 v51, v49;
	v51 =	vld [tilespmem:s23+$0x20];
	[tilespmem:s2+$0xFFFFFF30] =	vst v4;
	v57 =	vsub.f32 $0.0e+00, v11  }
0xee: {  	v3 =	vmul.f32 v0, v3;
	v59 =	vld [tilespmem:s22+$0xFFFFFEC0];
	v30 =	vmul.f32 $1.442695020e+00, v30  }
0xef: {  	v28 =	vld [tilespmem:s2+$0xFFFFFF70];
	v58 =	vmul.f32 $1.442695020e+00, v57;
	v31 =	vadd.f32 v15, v31  }
0xf0: {  	v22 =	vld [tilespmem:s20+$0xFFFFFFA0];
	[tilespmem:s2+$0x30] =	vst v3;
	v5 =	vmul.f32 v21, v5  }
0xf1: {  	v3 =	vld [tilespmem:s22+$0x40];
	v4 =	vmul.f32 v29, v31;
	v31 =	vbroadcast v58, $0xF  }
0xf2: {  	v38 =	vld [tilespmem:s18+$0x0];
	[tilespmem:s2+$0xFFFFFFB0] =	vst v5;
	v5 =	vbroadcast v30, $0xF;
	v30 =	vpop (erf)  }
0xf3: {  	v1 =	vadd.f32 v59, v1;
	[tilespmem:s20+$0xA0] =	vst v4;
	(erf) = vpow2.f32 v31;
	v4 =	vadd.f32 $1.000000000e+00, v30;
	v30 =	vld [tilespmem:s20+$0xB0]  }
0xf4: {  	(erf) = vpow2.f32 v5;
	v5 =	vld [tilespmem:s18+$0xF0]  }
0xf5: {  	v56 =	vld [tilespmem:s8+$0x140];
	v1 =	vmul.f32 v1, v20  }
0xf6: {  	v11 =	vld [tilespmem:s20+$0xFFFFFF30];
	v3 =	vadd.f32 v3, v6  }
0xf7: {  	v16 =	vld [tilespmem:s20+$0xFFFFFF20];
	[tilespmem:s2+$0xFFFFFF40] =	vst v1  }
0xf8: {  	v3 =	vmul.f32 v3, v0;
	v44 =	vld [tilespmem:s22+$0xFFFFFED0]  }
0xf9: {  	v59 =	vld [tilespmem:s23+$0x60];
	(erf) = vrcp.f32 v4;
	v4 =	vadd.f32 v5, v30  }
0xfa: {  	v48 =	vadd.f32 v56, v63;
	[tilespmem:s2+$0x40] =	vst v3;
	v60 =	vld [tilespmem:s22+$0xFFFFFF80]  }
0xfb: {  	v45 =	vld [tilespmem:s22+$0x50];
	v1 =	vmul.f32 v29, v4  }
0xfc: {  	v54 =	vmax.f32 v48, $0.0e+00;
	v48 =	vld [tilespmem:s8+$0xA0]  }
0xfd: {  	v44 =	vadd.f32 v44, v18;
	v18 =	vld [tilespmem:$0xC220];
	[tilespmem:s20+$0xB0] =	vst v1  }
0xfe: {  	v3 =	vld [tilespmem:s18+$0x100]  }
0xff: {  	v19 =	vld [tilespmem:s20+$0x20];
	v2 =	vadd.f32 v60, v2  }
0x100: {  	v9 =	vadd.f32 v45, v9;
	v45 =	vld [tilespmem:s8+$0x90]  }
0x101: {  	v13 =	vld [tilespmem:s20+$0xFFFFFFB0];
	v5 =	vmul.f32 v2, v21  }
0x102: {  	v15 =	vld [tilespmem:s20+$0x30];
	v4 =	vpop (erf)  }
0x103: {  	v58 =	vld [tilespmem:s23+$0x50];
	[tilespmem:s2+$0xFFFFFFC0] =	vst v5;
	v6 =	vpop (erf);
	v4 =	vadd.f32 $1.000000000e+00, v4;
	v3 =	vadd.f32 v3, v61  }
0x104: {  	v5 =	vadd.f32 v62, v55;
	v39 =	vld [tilespmem:s22+$0xFFFFFF90];
	v62 =	vadd.f32 $1.000000000e+00, v6  }
0x105: {  	v31 =	vld [tilespmem:s20+$0xFFFFFFD0];
	(erf) = vrcp.f32 v4;
	v3 =	vmul.f32 v3, v29  }
0x106: {  	v60 =	vld [tilespmem:s8+$0x160];
	v1 =	vpop (erf);
	(erf) = vrcp.f32 v62  }
0x107: {  	v30 =	vld [tilespmem:s20+$0x50];
	[tilespmem:s20+$0xC0] =	vst v3  }
0x108: {  	v57 =	vld [tilespmem:s18+$0x110]  }
0x109: {  	v2 =	vld [tilespmem:s20+$0xFFFFFF60];
	v39 =	vadd.f32 v39, v17  }
0x10a: {  	v55 =	vadd.f32 v52, v58;
	v52 =	vld [tilespmem:s23+$0x0];
	v5 =	vmul.f32 v1, v5  }
0x10b: {  	v62 =	vld [tilespmem:s23+$0x70];
	v39 =	vmul.f32 v39, v21;
	v3 =	vadd.f32 v34, v41  }
0x10c: {  	v44 =	vmul.f32 v44, v20;
	v17 =	vld [tilespmem:$0xC230];
	[tilespmem:s20+$0xFFFFFF00] =	vst v5  }
0x10d: {  	v46 =	vld [tilespmem:s18+$0xFFFFFE90];
	[tilespmem:s2+$0xFFFFFFD0] =	vst v39;
	v63 =	vadd.f32 v57, v47;
	v47 =	vmul.f32 v54, v40  }
0x10e: {  	v38 =	vadd.f32 v38, v42;
	[tilespmem:s2+$0xFFFFFF50] =	vst v44;
	v44 =	vld [tilespmem:s22+$0xFFFFFFA0];
	v34 =	vadd.f32 v60, v59;
	v4 =	vpop (erf);
	v57 =	vmax.f32 v55, $0.0e+00  }
0x10f: {  	v6 =	vld [tilespmem:s20+$0x60];
	v61 =	vmul.f32 v4, v3;
	v3 =	vpop (erf);
	v42 =	vmul.f32 v57, v43;
	v58 =	vadd.f32 $0.0e+00, v47  }
0x110: {  	v5 =	vld [tilespmem:s20+$0xFFFFFFE0];
	v59 =	vadd.f32 v53, v62;
	v34 =	vmax.f32 v34, $0.0e+00;
	v38 =	vmul.f32 v3, v38  }
0x111: {  	v60 =	vld [tilespmem:s20+$0xE0];
	v34 =	vmul.f32 v34, v18;
	v42 =	vadd.f32 v42, v58  }
0x112: {  	v23 =	vadd.f32 v46, v23;
	v46 =	vld [tilespmem:s23+$0xFFFFFFA0];
	[tilespmem:s20+$0x0] =	vst v38;
	v38 =	vmax.f32 v59, $0.0e+00  }
0x113: {  	v8 =	vadd.f32 v44, v8;
	v44 =	vld [tilespmem:s23+$0xFFFFFFE0];
	[tilespmem:s20+$0xFFFFFF80] =	vst v61;
	v38 =	vmul.f32 v38, v17;
	v34 =	vadd.f32 v34, v42  }
0x114: {  	v50 =	vld [tilespmem:s18+$0xFFFFFF50]  }
0x115: {  	v54 =	vld [tilespmem:s8+$0xFFFFFF10];
	v34 =	vadd.f32 v38, v34  }
0x116: {  	v55 =	vld [tilespmem:s23+$0xFFFFFFD0]  }
0x117: {  	v57 =	vld [tilespmem:s23+$0x10];
	v56 =	vmul.f32 v63, v29;
	(xrf2) =	vadd.scan.msk.f32 $0xffff, v34  }
0x118: {  	v41 =	vld [tilespmem:s18+$0x10]  }
0x119: {  	v47 =	vld [tilespmem:s22+$0xFFFFFEE0];
	[tilespmem:s20+$0xD0] =	vst v56  }
0x11a: {  	v61 =	vld [tilespmem:s18+$0x120]  }
0x11b: {  	v63 =	vld [tilespmem:s8+$0x80]  }
0x11c: {  	v56 =	vld [tilespmem:s8+$0xFFFFFFD0]  }
0x11d: {  	v25 =	vadd.f32 v50, v25;
	v50 =	vld [tilespmem:s8+$0xFFFFFFE0]  }
0x11e: {  	v42 =	vld [tilespmem:s8+$0xFFFFFF00]  }
0x11f: {  	v23 =	vmul.f32 v1, v23;
	v62 =	vadd.f32 v61, v60;
	v60 =	vld [tilespmem:s23+$0xFFFFFF80]  }
0x120: {  	v49 =	vmax.f32 v49, $0.0e+00;
	v45 =	vadd.f32 v45, v57;
	v33 =	vadd.f32 v41, v33;
	v41 =	vld [tilespmem:s8+$0xFFFFFF20]  }
0x121: {  	v49 =	vmul.f32 v49, v40;
	[tilespmem:s20+$0xFFFFFF10] =	vst v23;
	v8 =	vmul.f32 v8, v21;
	v7 =	vadd.f32 v47, v7;
	v61 =	vld [tilespmem:s23+$0xFFFFFF90];
	v58, _, _ =	vpop (xrf2)  }
0x122: {  	v57 =	vld [tilespmem:s18+$0xFFFFFEA0];
	v25 =	vmul.f32 v4, v25;
	v45 =	vmax.f32 v45, $0.0e+00;
	v58 =	vsub.f32 $0.0e+00, v58  }
0x123: {  	s10 =	simm.s32 $0x8700;
	v33 =	vmul.f32 v3, v33;
	v34 =	vadd.f32 v63, v52;
	v63 =	vld [tilespmem:s23+$0xFFFFFFB0];
	v44 =	vadd.f32 v50, v44  }
0x124: {  	v50 =	vld [tilespmem:s10+$0xFFFFFF00];
	v38 =	vmul.f32 v62, v29;
	v42 =	vadd.f32 v42, v60;
	v62 =	vmul.f32 $1.442695020e+00, v58  }
0x125: {  	[tilespmem:s20+$0xFFFFFF90] =	vst v25;
	v25 =	vmul.f32 v45, v43;
	v34 =	vmax.f32 v34, $0.0e+00;
	v41 =	vadd.f32 v41, v46;
	v60 =	vld [tilespmem:s8+$0xFFFFFF30]  }
0x126: {  	[tilespmem:s20+$0x10] =	vst v33;
	v33 =	vld [tilespmem:s10+$0xFFFFFF90];
	v59 =	vadd.f32 v54, v61;
	v42 =	vmax.f32 v42, $0.0e+00;
	v47 =	vbroadcast v62, $0xF  }
0x127: {  	v49 =	vadd.f32 $0.0e+00, v49;
	v46 =	vld [tilespmem:s23+$0x30];
	v34 =	vmul.f32 v34, v40;
	v40 =	vmul.f32 v42, v40  }
0x128: {  	v41 =	vmax.f32 v41, $0.0e+00;
	v54 =	vld [tilespmem:s23+$0xFFFFFFF0];
	v52 =	vmax.f32 v59, $0.0e+00;
	(erf) = vpow2.f32 v47  }
0x129: {  	v61 =	vadd.f32 v56, v55;
	v55 =	vld [tilespmem:s8+$0xFFFFFFF0];
	v52 =	vmul.f32 v52, v43;
	v40 =	vadd.f32 $0.0e+00, v40  }
0x12a: {  	[tilespmem:s2+$0xFFFFFFE0] =	vst v8;
	v34 =	vadd.f32 $0.0e+00, v34;
	v56 =	vld [tilespmem:s8+$0xB0];
	v59 =	vmax.f32 v44, $0.0e+00;
	v47 =	vadd.f32 v60, v63  }
0x12b: {  	v44 =	vld [tilespmem:s22+$0xFFFFFFB0];
	v42 =	vmax.f32 v61, $0.0e+00;
	v52 =	vadd.f32 v52, v40;
	v63 =	vmul.f32 v41, v18  }
0x12c: {  	v9 =	vmul.f32 v9, v0;
	[tilespmem:s20+$0xE0] =	vst v38;
	v38 =	vld [tilespmem:s20+$0xF0];
	v62 =	vmul.f32 v42, v43;
	v47 =	vmax.f32 v47, $0.0e+00  }
0x12d: {  	v39 =	vld [tilespmem:s18+$0x130];
	v25 =	vadd.f32 v25, v34;
	v52 =	vadd.f32 v63, v52;
	v53 =	vmul.f32 v47, v17  }
0x12e: {  	v7 =	vmul.f32 v7, v20;
	v34 =	vld [tilespmem:s10+$0x10];
	v23 =	vadd.f32 v62, v49;
	v60 =	vadd.f32 v48, v51  }
0x12f: {  	[tilespmem:s2+$0x50] =	vst v9;
	v61 =	vld [tilespmem:s18+$0xFFFFFF60];
	v9 =	vmul.f32 v59, v18;
	v62 =	vadd.f32 v55, v54;
	v43 =	vadd.f32 v53, v52  }
0x130: {  	[tilespmem:s2+$0xFFFFFF60] =	vst v7;
	v40 =	vld [tilespmem:s8+$0xFFFFFF40];
	v44 =	vadd.f32 v44, v27;
	v55 =	vadd.f32 v56, v46;
	v7 =	vmax.f32 v60, $0.0e+00  }
0x131: {  	v27 =	vld [tilespmem:s10+$0xFFFFFFE0];
	v9 =	vadd.f32 v9, v23;
	v7 =	vmul.f32 v7, v18;
	v18 =	vmax.f32 v62, $0.0e+00;
	(xrf2) =	vadd.scan.msk.f32 $0xffff, v43;
	v58 =	vpop (erf)  }
0x132: {  	v42 =	vld [tilespmem:s8+$0xFFFFFE80];
	v23 =	vmax.f32 v55, $0.0e+00;
	v18 =	vmul.f32 v18, v17;
	v49 =	vadd.f32 $1.000000000e+00, v58  }
0x133: {  	v41 =	vld [tilespmem:s8+$0x0];
	v8 =	vmul.f32 v23, v17;
	v7 =	vadd.f32 v7, v25  }
0x134: {  	v46 =	vld [tilespmem:s22+$0x60];
	v9 =	vadd.f32 v18, v9;
	(erf) = vrcp.f32 v49  }
0x135: {  	v56 =	vld [tilespmem:s10+$0x80];
	v18 =	vadd.f32 v8, v7  }
0x136: {  	v16 =	vadd.f32 v57, v16;
	v51 =	vld [tilespmem:s10+$0xFFFFFF80];
	(xrf2) =	vadd.scan.msk.f32 $0xffff, v9  }
0x137: {  	v17 =	vld [tilespmem:s8+$0xC0];
	(xrf2) =	vadd.scan.msk.f32 $0xffff, v18  }
0x138: {  	v16 =	vmul.f32 v1, v16;
	v63 =	vld [tilespmem:s18+$0x20]  }
0x139: {  	v52 =	vld [tilespmem:s10+$0x0]  }
0x13a: {  	[tilespmem:s20+$0xFFFFFF20] =	vst v16;
	v25 =	vadd.f32 v61, v22;
	v22 =	vld [tilespmem:s10+$0xFFFFFF20]  }
0x13b: {  	v61 =	vld [tilespmem:s18+$0xFFFFFEB0];
	v23, _, _ =	vpop (xrf2)  }
0x13c: {  	v8 =	vld [tilespmem:s20+$0xFFFFFF70];
	v60 =	vmul.f32 v4, v25;
	v18 =	vadd.f32 v17, v56;
	v23 =	vsub.f32 $0.0e+00, v23  }
0x13d: {  	v7 =	vld [tilespmem:s20+$0x70];
	v17 =	vpop (erf)  }
0x13e: {  	v43 =	vld [tilespmem:s10+$0xFFFFFF10];
	[tilespmem:s20+$0xFFFFFFA0] =	vst v60;
	v23 =	vmul.f32 $1.442695020e+00, v23;
	v18 =	vmul.f32 v17, v18  }
0x13f: {  	v19 =	vadd.f32 v63, v19;
	v62 =	vld [tilespmem:s18+$0xFFFFFF70]  }
0x140: {  	v58, _, _ =	vpop (xrf2);
	v59 =	vbroadcast v23, $0xF;
	[tilespmem:s10+$0x80] =	vst v18;
	v18 =	vld [tilespmem:s10+$0x90]  }
0x141: {  	v16 =	vmul.f32 v3, v19;
	v45 =	vsub.f32 $0.0e+00, v58;
	v25, _, _ =	vpop (xrf2);
	v57 =	vld [tilespmem:s8+$0xD0]  }
0x142: {  	v9 =	vld [tilespmem:s20+$0xFFFFFFF0];
	v11 =	vadd.f32 v61, v11;
	v19 =	vsub.f32 $0.0e+00, v25;
	(erf) = vpow2.f32 v59  }
0x143: {  	[tilespmem:s20+$0x20] =	vst v16;
	v16 =	vld [tilespmem:s10+$0xFFFFFF30];
	v45 =	vmul.f32 $1.442695020e+00, v45  }
0x144: {  	v63 =	vld [tilespmem:s18+$0x30];
	v48 =	vmul.f32 v11, v1;
	v19 =	vmul.f32 $1.442695020e+00, v19  }
0x145: {  	v49 =	vld [tilespmem:s22+$0xFFFFFEF0];
	v13 =	vadd.f32 v62, v13;
	v45 =	vbroadcast v45, $0xF  }
0x146: {  	v11 =	vld [tilespmem:s10+$0xFFFFFF40];
	[tilespmem:s20+$0xFFFFFF30] =	vst v48;
	v19 =	vbroadcast v19, $0xF;
	v18 =	vadd.f32 v57, v18  }
0x147: {  	v48 =	vld [tilespmem:s18+$0xFFFFFEC0];
	v61 =	vmul.f32 v4, v13;
	(erf) = vpow2.f32 v45  }
0x148: {  	v13 =	vld [tilespmem:s10+$0xFFFFFFC0];
	(erf) = vpow2.f32 v19;
	v57 =	vmul.f32 v17, v18  }
0x149: {  	v15 =	vadd.f32 v63, v15;
	v63 =	vadd.f32 v14, v12;
	v12 =	vld [tilespmem:s10+$0xFFFFFF50]  }
0x14a: {  	v58 =	vld [tilespmem:s10+$0xA0];
	[tilespmem:s10+$0x90] =	vst v57  }
0x14b: {  	v60 =	vpop (erf);
	v59 =	vld [tilespmem:s8+$0xE0]  }
0x14c: {  	v14 =	vld [tilespmem:s10+$0xFFFFFFD0];
	v15 =	vmul.f32 v3, v15;
	v53 =	vadd.f32 $1.000000000e+00, v60  }
0x14d: {  	[tilespmem:s20+$0xFFFFFFB0] =	vst v61;
	v25 =	vld [tilespmem:s10+$0x20]  }
0x14e: {  	[tilespmem:s20+$0x30] =	vst v15;
	v15 =	vld [tilespmem:s10+$0x40];
	(erf) = vrcp.f32 v53  }
0x14f: {  	v10 =	vmul.f32 v63, v10;
	v35 =	vadd.f32 v48, v35;
	v53 =	vld [tilespmem:s18+$0xFFFFFF80]  }
0x150: {  	v47 =	vld [tilespmem:s18+$0x40];
	v62 =	vpop (erf);
	v45 =	vadd.f32 v59, v58  }
0x151: {  	[tilespmem:s2+$0xF0] =	vst v10;
	v10 =	vld [tilespmem:s10+$0x50];
	v35 =	vmul.f32 v35, v1;
	v54 =	vadd.f32 $1.000000000e+00, v62;
	v60 =	vpop (erf)  }
0x152: {  	v23 =	vld [tilespmem:s10+$0xFFFFFFA0];
	v61 =	vadd.f32 $1.000000000e+00, v60;
	v45 =	vmul.f32 v17, v45  }
0x153: {  	v38 =	vadd.f32 v39, v38;
	[tilespmem:s20+$0xFFFFFF40] =	vst v35;
	v35 =	vld [tilespmem:s10+$0xFFFFFF60];
	(erf) = vrcp.f32 v54  }
0x154: {  	v62 =	vld [tilespmem:s10+$0xB0];
	(erf) = vrcp.f32 v61;
	v36 =	vadd.f32 v53, v36;
	[tilespmem:s10+$0xA0] =	vst v45  }
0x155: {  	v29 =	vmul.f32 v38, v29;
	v37 =	vadd.f32 v47, v37;
	v63 =	vld [tilespmem:s8+$0xF0]  }
0x156: {  	v28 =	vadd.f32 v49, v28;
	v19 =	vld [tilespmem:s10+$0x30];
	v47 =	vadd.f32 v42, v50;
	v36 =	vmul.f32 v36, v4  }
0x157: {  	[tilespmem:s20+$0xF0] =	vst v29;
	v50 =	vadd.f32 v46, v24;
	v37 =	vmul.f32 v37, v3;
	v18 =	vld [tilespmem:s10+$0xFFFFFFB0];
	v24 =	vpop (erf)  }
0x158: {  	v20 =	vmul.f32 v28, v20;
	v53 =	vld [tilespmem:s18+$0xFFFFFED0];
	[tilespmem:s20+$0xFFFFFFC0] =	vst v36;
	v39 =	vmul.f32 v24, v47  }
0x159: {  	v28 =	vadd.f32 v40, v51;
	v29 =	vmul.f32 v50, v0;
	[tilespmem:s20+$0x40] =	vst v37;
	v54 =	vld [tilespmem:s18+$0xFFFFFF90]  }
0x15a: {  	v56 =	vld [tilespmem:s18+$0x50];
	[tilespmem:s10+$0xFFFFFF00] =	vst v39;
	v55 =	vadd.f32 v63, v62  }
0x15b: {  	[tilespmem:s2+$0x60] =	vst v29;
	v57 =	vmul.f32 v44, v21;
	v29 =	vld [tilespmem:s8+$0xFFFFFE90]  }
0x15c: {  	[tilespmem:s2+$0xFFFFFF70] =	vst v20;
	v21 =	vld [tilespmem:s10+$0x60];
	v58 =	vadd.f32 v41, v52;
	v20 =	vpop (erf);
	v38 =	vmul.f32 v17, v55  }
0x15d: {  	v60 =	vld [tilespmem:s22+$0x70];
	[tilespmem:s2+$0xFFFFFFF0] =	vst v57;
	v36 =	vadd.f32 v53, v32;
	v59 =	vmul.f32 v20, v28;
	v28 =	vpop (erf)  }
0x15e: {  	v32 =	vld [tilespmem:s10+$0xC0];
	v61 =	vmul.f32 v28, v58;
	v31 =	vadd.f32 v54, v31;
	[tilespmem:s10+$0xB0] =	vst v38  }
0x15f: {  	v30 =	vadd.f32 v56, v30;
	[tilespmem:s10+$0xFFFFFF80] =	vst v59;
	v62 =	vmul.f32 v36, v1;
	v36 =	vld [tilespmem:s8+$0x100]  }
0x160: {  	v37 =	vld [tilespmem:s8+$0xFFFFFF50];
	[tilespmem:s10+$0x0] =	vst v61;
	v31 =	vmul.f32 v31, v4;
	v29 =	vadd.f32 v29, v43  }
0x161: {  	v63 =	vmul.f32 v30, v3;
	[tilespmem:s20+$0xFFFFFF50] =	vst v62;
	v38 =	vld [tilespmem:s8+$0x10]  }
0x162: {  	v30 =	vld [tilespmem:s18+$0xFFFFFEE0];
	[tilespmem:s20+$0xFFFFFFD0] =	vst v31;
	v39 =	vmul.f32 v24, v29;
	v29 =	vadd.f32 v60, v26  }
0x163: {  	s12 =	simm.s32 $0x8;
	s22 =	simm.s32 $0x2980;
	[tilespmem:s20+$0x50] =	vst v63;
	v31 =	vld [tilespmem:s18+$0xFFFFFFA0]  }
.LBB2_3:
0x164: {  	v26 =	vld [tilespmem:$0xC210];
	[tilespmem:s10+$0xFFFFFF10] =	vst v39;
	v32 =	vadd.f32 v36, v32;
	v29 =	vmul.f32 v29, v0;
	v0 =	vmovc v3;
	v3 =	vmov v28  }
0x165: {  	v28 =	vld [tilespmem:$0xC200];
	v33 =	vadd.f32 v37, v33  }
0x166: {  	s23 =	sadd.s32 $0x100, s23;
	v34 =	vadd.f32 v38, v34;
	v32 =	vmul.f32 v32, v17;
	v36 =	vld [tilespmem:s10+$0xD0];
	[tilespmem:s2+$0x70] =	vst v29;
	s2 =	smov.u32 s20;
	s20 =	smov.u32 s10  }
0x167: {  	s8 =	sadd.s32 $0x300, s8;
	v29 =	vld [tilespmem:s23+$0x40];
	v33 =	vmul.f32 v20, v33;
	v30 =	vadd.f32 v30, v2;
	v2 =	vmov v35  }
0x168: {  	v35 =	vld [tilespmem:s8+$0x140];
	v34 =	vmul.f32 v3, v34;
	[tilespmem:s10+$0xC0] =	vst v32;
	v31 =	vadd.f32 v31, v5;
	v5 =	vmov v27  }
0x169: {  	s12 =	sadd.s32 $0x4, s12;
	[tilespmem:s10+$0xFFFFFF90] =	vst v33;
	v27 =	vld [tilespmem:s22+$0x110];
	v30 =	vmul.f32 v30, v1  }
0x16a: {  	p1 =	slt.u32 s12, $0x3C;
	v32 =	vld [tilespmem:s23+$0x50];
	[tilespmem:s10+$0x10] =	vst v34;
	v31 =	vmul.f32 v31, v4  }
0x16b: {  	v33 =	vld [tilespmem:s8+$0x150];
	[tilespmem:s2+$0xFFFFFF60] =	vst v30  }
0x16c: {  	v30 =	vld [tilespmem:s23+$0x60];
	[tilespmem:s2+$0xFFFFFFE0] =	vst v31  }
0x16d: {  	v31 =	vld [tilespmem:s8+$0x160]  }
0x16e: {  	v29 =	vadd.f32 v35, v29;
	v34 =	vld [tilespmem:s23+$0x70];
	v27 =	vadd.f32 v27, v36  }
0x16f: {  	v35 =	vld [tilespmem:s8+$0x170]  }
0x170: {  	v29 =	vmax.f32 v29, $0.0e+00;
	v36 =	vld [tilespmem:$0xC220];
	v32 =	vadd.f32 v33, v32;
	v33 =	vmul.f32 v27, v17  }
0x171: {  	v29 =	vmul.f32 v29, v28;
	v27 =	vld [tilespmem:$0xC230]  }
0x172: {  	v32 =	vmax.f32 v32, $0.0e+00;
	v30 =	vadd.f32 v31, v30;
	[tilespmem:s10+$0xD0] =	vst v33;
	v31 =	vld [tilespmem:s10+$0xE0]  }
0x173: {  	v29 =	vadd.f32 $0.0e+00, v29;
	v32 =	vmul.f32 v32, v26;
	v33 =	vld [tilespmem:s22+$0x120]  }
0x174: {  	v37 =	vld [tilespmem:s8+$0xFFFFFF00];
	v30 =	vmax.f32 v30, $0.0e+00;
	v34 =	vadd.f32 v35, v34  }
0x175: {  	v35 =	vld [tilespmem:s23+$0xFFFFFFC0];
	v29 =	vadd.f32 v32, v29;
	v30 =	vmul.f32 v30, v36  }
0x176: {  	v32 =	vld [tilespmem:s8+$0xFFFFFFC0];
	v34 =	vmax.f32 v34, $0.0e+00  }
0x177: {  	v38 =	vld [tilespmem:s23+$0x0];
	v29 =	vadd.f32 v30, v29;
	v30 =	vmul.f32 v34, v27  }
0x178: {  	v34 =	vld [tilespmem:s8+$0x80];
	v31 =	vadd.f32 v33, v31  }
0x179: {  	v33 =	vld [tilespmem:s23+$0xFFFFFF80];
	v29 =	vadd.f32 v30, v29  }
0x17a: {  	v30 =	vld [tilespmem:s23+$0xFFFFFF90];
	v31 =	vmul.f32 v31, v17  }
0x17b: {  	v39 =	vld [tilespmem:s8+$0xFFFFFF10];
	v32 =	vadd.f32 v32, v35;
	(xrf2) =	vadd.scan.msk.f32 $0xffff, v29  }
0x17c: {  	[tilespmem:s10+$0xE0] =	vst v31;
	v29 =	vld [tilespmem:s10+$0xF0]  }
0x17d: {  	v31 =	vmax.f32 v32, $0.0e+00;
	v32 =	vadd.f32 v34, v38;
	v34 =	vld [tilespmem:s22+$0x130]  }
0x17e: {  	v33 =	vadd.f32 v37, v33;
	v31 =	vmul.f32 v31, v28;
	v35 =	vld [tilespmem:s23+$0xFFFFFFD0]  }
0x17f: {  	v37 =	vld [tilespmem:s8+$0xFFFFFFD0];
	v32 =	vmax.f32 v32, $0.0e+00  }
0x180: {  	v33 =	vmax.f32 v33, $0.0e+00;
	v30 =	vadd.f32 v39, v30;
	v32 =	vmul.f32 v32, v28;
	v38 =	vld [tilespmem:s23+$0x10]  }
0x181: {  	v31 =	vadd.f32 $0.0e+00, v31;
	v28 =	vmul.f32 v33, v28;
	v33 =	vld [tilespmem:s8+$0x90]  }
0x182: {  	v30 =	vmax.f32 v30, $0.0e+00;
	v39 =	vld [tilespmem:s23+$0xFFFFFFA0];
	v32 =	vadd.f32 $0.0e+00, v32;
	v29 =	vadd.f32 v34, v29  }
0x183: {  	v28 =	vadd.f32 $0.0e+00, v28;
	v40 =	vmul.f32 v30, v26;
	v34 =	vld [tilespmem:s8+$0xFFFFFF20]  }
0x184: {  	v35 =	vadd.f32 v37, v35;
	v37 =	vld [tilespmem:s23+$0xFFFFFFE0];
	v17 =	vmul.f32 v29, v17  }
0x185: {  	v28 =	vadd.f32 v40, v28;
	v29 =	vld [tilespmem:s8+$0xFFFFFFE0];
	v30, _, _ =	vpop (xrf2)  }
0x186: {  	v35 =	vmax.f32 v35, $0.0e+00;
	v33 =	vadd.f32 v33, v38;
	v38 =	vld [tilespmem:s23+$0x20];
	v30 =	vsub.f32 $0.0e+00, v30;
	[tilespmem:s10+$0xF0] =	vst v17  }
0x187: {  	v17 =	vmul.f32 v35, v26;
	v35 =	vld [tilespmem:s8+$0xA0]  }
0x188: {  	v34 =	vadd.f32 v34, v39;
	v39 =	vld [tilespmem:s23+$0xFFFFFFB0];
	v33 =	vmax.f32 v33, $0.0e+00;
	v30 =	vmul.f32 $1.442695020e+00, v30  }
0x189: {  	v40 =	vld [tilespmem:s8+$0xFFFFFF30];
	v17 =	vadd.f32 v17, v31;
	v26 =	vmul.f32 v33, v26  }
0x18a: {  	v31 =	vmax.f32 v34, $0.0e+00;
	v29 =	vadd.f32 v29, v37;
	v33 =	vld [tilespmem:s23+$0xFFFFFFF0];
	v30 =	vbroadcast v30, $0xF  }
0x18b: {  	v31 =	vmul.f32 v31, v36;
	v34 =	vld [tilespmem:s8+$0xFFFFFFF0];
	v26 =	vadd.f32 v26, v32  }
0x18c: {  	v29 =	vmax.f32 v29, $0.0e+00;
	v32 =	vadd.f32 v35, v38;
	v35 =	vld [tilespmem:s23+$0x30];
	(erf) = vpow2.f32 v30  }
0x18d: {  	v28 =	vadd.f32 v31, v28;
	v29 =	vmul.f32 v29, v36;
	v30 =	vld [tilespmem:s8+$0xB0]  }
0x18e: {  	v31 =	vadd.f32 v40, v39;
	v37 =	vld [tilespmem:s8+$0xFFFFFE80];
	v32 =	vmax.f32 v32, $0.0e+00  }
0x18f: {  	v17 =	vadd.f32 v29, v17;
	v38 =	vld [tilespmem:s8+$0xFFFFFF40];
	v29 =	vmul.f32 v32, v36  }
0x190: {  	v31 =	vmax.f32 v31, $0.0e+00;
	v32 =	vadd.f32 v34, v33;
	v36 =	vld [tilespmem:s8+$0x0]  }
0x191: {  	v31 =	vmul.f32 v31, v27;
	v26 =	vadd.f32 v29, v26;
	v29 =	vld [tilespmem:s22+$0xFFFFFEA0]  }
0x192: {  	v32 =	vmax.f32 v32, $0.0e+00;
	v30 =	vadd.f32 v30, v35;
	v33 =	vld [tilespmem:s22+$0xFFFFFF60]  }
0x193: {  	v35 =	vadd.f32 v31, v28;
	v31 =	vmul.f32 v32, v27;
	v32 =	vld [tilespmem:s22+$0x20]  }
0x194: {  	v30 =	vmax.f32 v30, $0.0e+00;
	v34 =	vld [tilespmem:s18+$0x60]  }
0x195: {  	v17 =	vadd.f32 v31, v17;
	v27 =	vmul.f32 v30, v27;
	(xrf2) =	vadd.scan.msk.f32 $0xffff, v35;
	v28 =	vpop (erf);
	v30 =	vld [tilespmem:s18+$0xFFFFFEF0]  }
0x196: {  	v28 =	vadd.f32 $1.000000000e+00, v28;
	v22 =	vadd.f32 v29, v22;
	v29 =	vld [tilespmem:s18+$0xFFFFFFB0]  }
0x197: {  	v27 =	vadd.f32 v27, v26;
	v31 =	vld [tilespmem:s10+$0xFFFFFF70];
	v23 =	vadd.f32 v33, v23  }
0x198: {  	(xrf2) =	vadd.scan.msk.f32 $0xffff, v17;
	(erf) = vrcp.f32 v28;
	v17 =	vmul.f32 v24, v22;
	v22 =	vld [tilespmem:s10+$0xFFFFFFF0];
	v25 =	vadd.f32 v32, v25  }
0x199: {  	s10 =	sadd.s32 $0x200, s10;
	v23 =	vmul.f32 v20, v23;
	v26 =	vld [tilespmem:s20+$0x70];
	v28 =	vadd.f32 v34, v6;
	v6 =	vmov v21  }
0x19a: {  	v21 =	vld [tilespmem:s10+$0x80];
	[tilespmem:s20+$0xFFFFFF20] =	vst v17;
	v17 =	vmul.f32 v3, v25;
	v30 =	vadd.f32 v30, v8  }
0x19b: {  	v25 =	vld [tilespmem:s8+$0xC0];
	(xrf2) =	vadd.scan.msk.f32 $0xffff, v27;
	[tilespmem:s20+$0xFFFFFFA0] =	vst v23;
	v29 =	vadd.f32 v29, v9;
	v23 =	vmul.f32 v28, v0  }
0x19c: {  	v27 =	vld [tilespmem:s10+$0xFFFFFF00];
	[tilespmem:s20+$0x20] =	vst v17;
	v30 =	vmul.f32 v30, v1;
	v8 =	vmov v31;
	v1 =	vmov v24  }
0x19d: {  	v24 =	vld [tilespmem:s10+$0xFFFFFF80];
	v28 =	vmul.f32 v29, v4;
	[tilespmem:s2+$0x60] =	vst v23;
	v9 =	vmov v22;
	v4 =	vmov v20  }
0x19e: {  	v20 =	vld [tilespmem:s10+$0x0];
	[tilespmem:s2+$0xFFFFFF70] =	vst v30  }
0x19f: {  	v29 =	vld [tilespmem:s10+$0xFFFFFF10];
	v17, _, _ =	vpop (xrf2);
	[tilespmem:s2+$0xFFFFFFF0] =	vst v28  }
0x1a0: {  	v22 =	vsub.f32 $0.0e+00, v17;
	v33 =	vld [tilespmem:s10+$0xFFFFFF90];
	v21 =	vadd.f32 v25, v21  }
0x1a1: {  	v27 =	vadd.f32 v37, v27;
	v34 =	vld [tilespmem:s10+$0x10];
	v17 =	vpop (erf)  }
0x1a2: {  	v32 =	vmul.f32 $1.442695020e+00, v22;
	v22 =	vld [tilespmem:s10+$0xFFFFFF20];
	v28 =	vadd.f32 v38, v24;
	v21 =	vmul.f32 v17, v21;
	v23, _, _ =	vpop (xrf2)  }
0x1a3: {  	v24 =	vsub.f32 $0.0e+00, v23;
	v23 =	vld [tilespmem:s10+$0xFFFFFFA0];
	v30 =	vadd.f32 v36, v20  }
0x1a4: {  	v20 =	vbroadcast v32, $0xF;
	[tilespmem:s10+$0x80] =	vst v21;
	v21 =	vld [tilespmem:s10+$0x90]  }
0x1a5: {  	v24 =	vmul.f32 $1.442695020e+00, v24;
	v31 =	vld [tilespmem:s8+$0xD0];
	v25, _, _ =	vpop (xrf2)  }
0x1a6: {  	v32 =	vsub.f32 $0.0e+00, v25;
	v25 =	vld [tilespmem:s10+$0x20];
	(erf) = vpow2.f32 v20  }
0x1a7: {  	v20 =	vbroadcast v24, $0xF;
	v24 =	vld [tilespmem:s22+$0xFFFFFEB0]  }
0x1a8: {  	v32 =	vmul.f32 $1.442695020e+00, v32;
	v35 =	vld [tilespmem:s22+$0xFFFFFF70]  }
0x1a9: {  	(erf) = vpow2.f32 v20;
	v20 =	vld [tilespmem:s22+$0x30]  }
0x1aa: {  	v36 =	vld [tilespmem:s10+$0xFFFFFF30];
	v32 =	vbroadcast v32, $0xF;
	v21 =	vadd.f32 v31, v21  }
0x1ab: {  	v31 =	vld [tilespmem:s10+$0xFFFFFFB0]  }
0x1ac: {  	v37 =	vld [tilespmem:s10+$0x30];
	v21 =	vmul.f32 v17, v21;
	(erf) = vpow2.f32 v32;
	v39 =	vadd.f32 v24, v16  }
0x1ad: {  	v24 =	vld [tilespmem:s10+$0xFFFFFF40];
	v40 =	vadd.f32 v35, v18  }
0x1ae: {  	[tilespmem:s10+$0x90] =	vst v21;
	v21 =	vld [tilespmem:s10+$0xA0];
	v32 =	vmul.f32 v39, v1;
	v39 =	vadd.f32 v20, v19  }
0x1af: {  	v20 =	vld [tilespmem:s8+$0xE0];
	v35 =	vpop (erf);
	v38 =	vmul.f32 v4, v40;
	v16 =	vmov v36  }
0x1b0: {  	v40 =	vadd.f32 $1.000000000e+00, v35;
	v36 =	vld [tilespmem:s10+$0xFFFFFFC0];
	[tilespmem:s20+$0xFFFFFF30] =	vst v32;
	v32 =	vmul.f32 v3, v39;
	v18 =	vmov v31  }
0x1b1: {  	v31 =	vld [tilespmem:s22+$0xFFFFFEC0];
	[tilespmem:s20+$0xFFFFFFB0] =	vst v38;
	v19 =	vmov v37  }
0x1b2: {  	(erf) = vrcp.f32 v40;
	v35 =	vpop (erf);
	v37 =	vld [tilespmem:s22+$0xFFFFFF80];
	[tilespmem:s20+$0x30] =	vst v32  }
0x1b3: {  	v32 =	vadd.f32 $1.000000000e+00, v35;
	v35 =	vld [tilespmem:s22+$0x40]  }
0x1b4: {  	v38 =	vld [tilespmem:s10+$0x40];
	v20 =	vadd.f32 v20, v21  }
0x1b5: {  	v39 =	vld [tilespmem:s10+$0xFFFFFF50];
	(erf) = vrcp.f32 v32;
	v21 =	vpop (erf)  }
0x1b6: {  	v32 =	vld [tilespmem:s10+$0xFFFFFFD0];
	v21 =	vadd.f32 $1.000000000e+00, v21;
	v20 =	vmul.f32 v17, v20;
	v31 =	vadd.f32 v31, v11;
	v11 =	vmovc v24  }
0x1b7: {  	v40 =	vld [tilespmem:s10+$0x50];
	v24 =	vadd.f32 v37, v13;
	v13 =	vmov v36  }
0x1b8: {  	[tilespmem:s10+$0xA0] =	vst v20;
	v20 =	vld [tilespmem:s10+$0xB0];
	(erf) = vrcp.f32 v21;
	v21 =	vmul.f32 v31, v1;
	v31 =	vadd.f32 v35, v15  }
0x1b9: {  	v36 =	vld [tilespmem:s8+$0xF0];
	v37 =	vmul.f32 v24, v4;
	v15 =	vmov v38  }
0x1ba: {  	v35 =	vld [tilespmem:s10+$0xFFFFFF60];
	[tilespmem:s20+$0xFFFFFF40] =	vst v21;
	v21 =	vmul.f32 v31, v3  }
0x1bb: {  	v24 =	vpop (erf);
	v31 =	vld [tilespmem:s22+$0xFFFFFED0];
	[tilespmem:s20+$0xFFFFFFC0] =	vst v37  }
0x1bc: {  	v27 =	vmul.f32 v24, v27;
	v37 =	vld [tilespmem:s22+$0xFFFFFF90];
	[tilespmem:s20+$0x40] =	vst v21  }
0x1bd: {  	v38 =	vld [tilespmem:s22+$0x50]  }
0x1be: {  	[tilespmem:s10+$0xFFFFFF00] =	vst v27;
	v27 =	vld [tilespmem:s10+$0xFFFFFFE0];
	v36 =	vadd.f32 v36, v20;
	v20 =	vpop (erf)  }
0x1bf: {  	v41 =	vld [tilespmem:s8+$0xFFFFFE90];
	v42 =	vmul.f32 v20, v28  }
0x1c0: {  	v21 =	vld [tilespmem:s10+$0x60];
	v36 =	vmul.f32 v17, v36;
	v31 =	vadd.f32 v31, v12;
	v12 =	vmov v39  }
0x1c1: {  	[tilespmem:s10+$0xFFFFFF80] =	vst v42;
	v28 =	vpop (erf);
	v37 =	vadd.f32 v37, v14;
	v42 =	vld [tilespmem:s18+$0x70];
	v14 =	vmov v32;
	s18 =	smov.u32 s22;
	s22 =	smov.u32 s8  }
0x1c2: {  	v30 =	vmul.f32 v28, v30;
	[tilespmem:s10+$0xB0] =	vst v36;
	v32 =	vld [tilespmem:s10+$0xC0];
	v31 =	vmul.f32 v31, v1;
	v38 =	vadd.f32 v38, v10  }
.Ltmp4:
0x1c3: {  	v10 =	vmov v40;
	v36 =	vld [tilespmem:s8+$0x100];
	v43 =	vmul.f32 v37, v4;
	(pc) =	sbr.rel @p1 .LBB2_3-.Ltmp4, $4  }
0x1c4: {  	v29 =	vadd.f32 v41, v29;
	v37 =	vld [tilespmem:s8+$0xFFFFFF50];
	[tilespmem:s10+$0x0] =	vst v30;
	v40 =	vmul.f32 v38, v3  }
0x1c5: {  	v38 =	vld [tilespmem:s8+$0x10];
	[tilespmem:s20+$0xFFFFFF50] =	vst v31  }
0x1c6: {  	v39 =	vmul.f32 v24, v29;
	v30 =	vld [tilespmem:s18+$0xFFFFFEE0];
	[tilespmem:s20+$0xFFFFFFD0] =	vst v43;
	v29 =	vadd.f32 v42, v7;
	v7 =	vmov v26  }
0x1c7: {  	v31 =	vld [tilespmem:s18+$0xFFFFFFA0];
	[tilespmem:s20+$0x50] =	vst v40  }
0x1c8: {  	_ = 	snop  }
0x1c9: {  	v26 =	vadd.f32 v37, v33  }
0x1ca: {  	v50 =	vadd.f32 v38, v34  }
0x1cb: {  	v26 =	vmul.f32 v20, v26  }
0x1cc: {  	[tilespmem:s10+$0xFFFFFF10] =	vst v39;
	v33 =	vmul.f32 v28, v50  }
0x1cd: {  	v51 =	vld [tilespmem:s22+$0xFFFFFEA0];
	[tilespmem:s10+$0xFFFFFF90] =	vst v26  }
0x1ce: {  	[tilespmem:s10+$0x10] =	vst v33;
	v52 =	vld [tilespmem:s22+$0xFFFFFF60]  }
0x1cf: {  	v53 =	vld [tilespmem:s22+$0x20];
	_ =	sdelay $0x2  }
0x1d0: {  	v22 =	vadd.f32 v51, v22  }
0x1d1: {  	v23 =	vadd.f32 v52, v23  }
0x1d2: {  	v22 =	vmul.f32 v24, v22;
	v25 =	vadd.f32 v53, v25  }
0x1d3: {  	v23 =	vmul.f32 v20, v23  }
0x1d4: {  	[tilespmem:s10+$0xFFFFFF20] =	vst v22;
	v54 =	vmul.f32 v28, v25  }
0x1d5: {  	v55 =	vld [tilespmem:s22+$0xFFFFFEB0];
	[tilespmem:s10+$0xFFFFFFA0] =	vst v23  }
0x1d6: {  	[tilespmem:s10+$0x20] =	vst v54;
	v56 =	vld [tilespmem:s22+$0xFFFFFF70]  }
0x1d7: {  	v57 =	vld [tilespmem:s22+$0x30];
	_ =	sdelay $0x2  }
0x1d8: {  	v16 =	vadd.f32 v55, v16  }
0x1d9: {  	v18 =	vadd.f32 v56, v18  }
0x1da: {  	v16 =	vmul.f32 v16, v24;
	v19 =	vadd.f32 v57, v19  }
0x1db: {  	v18 =	vmul.f32 v20, v18  }
0x1dc: {  	[tilespmem:s10+$0xFFFFFF30] =	vst v16;
	v60 =	vmul.f32 v28, v19  }
0x1dd: {  	v61 =	vld [tilespmem:s22+$0xFFFFFEC0];
	[tilespmem:s10+$0xFFFFFFB0] =	vst v18  }
0x1de: {  	v63 =	vld [tilespmem:s22+$0xFFFFFF80];
	[tilespmem:s10+$0x30] =	vst v60  }
0x1df: {  	v16 =	vld [tilespmem:s22+$0x40];
	_ =	sdelay $0x1  }
0x1e0: {  	v58 =	vadd.f32 v36, v32  }
0x1e1: {  	v11 =	vadd.f32 v61, v11  }
0x1e2: {  	v62 =	vmul.f32 v58, v17;
	v13 =	vadd.f32 v63, v13  }
0x1e3: {  	v11 =	vmul.f32 v11, v24;
	v15 =	vadd.f32 v16, v15  }
0x1e4: {  	v59 =	vld [tilespmem:s10+$0xD0];
	[tilespmem:s10+$0xC0] =	vst v62;
	v13 =	vmul.f32 v13, v20  }
0x1e5: {  	v18 =	vld [tilespmem:s22+$0x110];
	[tilespmem:s10+$0xFFFFFF40] =	vst v11;
	v23 =	vmul.f32 v15, v28  }
0x1e6: {  	v25 =	vld [tilespmem:s22+$0xFFFFFED0];
	[tilespmem:s10+$0xFFFFFFC0] =	vst v13  }
0x1e7: {  	v36 =	vld [tilespmem:s22+$0xFFFFFF90];
	[tilespmem:s10+$0x40] =	vst v23  }
0x1e8: {  	v11 =	vld [tilespmem:s22+$0x50];
	_ =	sdelay $0x1  }
0x1e9: {  	v22 =	vadd.f32 v18, v59  }
0x1ea: {  	v12 =	vadd.f32 v25, v12  }
0x1eb: {  	v40 =	vld [tilespmem:s18+$0x60];
	v32 =	vmul.f32 v22, v17;
	v14 =	vadd.f32 v36, v14  }
0x1ec: {  	v45 =	vld [tilespmem:s10+$0xF0];
	v12 =	vmul.f32 v12, v24;
	v10 =	vadd.f32 v11, v10  }
0x1ed: {  	v37 =	vld [tilespmem:s10+$0xE0];
	[tilespmem:s10+$0xD0] =	vst v32;
	v39 =	vmul.f32 v14, v20  }
0x1ee: {  	v38 =	vld [tilespmem:s22+$0x120];
	[tilespmem:s10+$0xFFFFFF50] =	vst v12;
	v10 =	vmul.f32 v10, v28  }
0x1ef: {  	v42 =	vld [tilespmem:s22+$0xFFFFFEE0];
	[tilespmem:s10+$0xFFFFFFD0] =	vst v39  }
0x1f0: {  	v2 =	vadd.f32 v30, v2;
	v11 =	vld [tilespmem:s22+$0xFFFFFFA0];
	[tilespmem:s10+$0x50] =	vst v10  }
0x1f1: {  	v6 =	vadd.f32 v40, v6;
	v44 =	vld [tilespmem:s22+$0x60]  }
0x1f2: {  	v34 =	vld [tilespmem:s10+$0x70];
	v5 =	vadd.f32 v31, v5;
	v2 =	vmul.f32 v2, v1  }
0x1f3: {  	v26 =	vld [tilespmem:s10+$0xFFFFFF70];
	v6 =	vmul.f32 v6, v3;
	v41 =	vadd.f32 v38, v37  }
0x1f4: {  	v33 =	vld [tilespmem:s10+$0xFFFFFFF0];
	v5 =	vmul.f32 v5, v4;
	[tilespmem:s20+$0xFFFFFF60] =	vst v2;
	v13 =	vadd.f32 v42, v35  }
0x1f5: {  	v47 =	vld [tilespmem:s18+$0xFFFFFEF0];
	[tilespmem:s20+$0x60] =	vst v6;
	v43 =	vmul.f32 v41, v17;
	v11 =	vadd.f32 v11, v27  }
0x1f6: {  	[tilespmem:s20+$0xFFFFFFE0] =	vst v5;
	v50 =	vld [tilespmem:s18+$0x70];
	v13 =	vmul.f32 v13, v24;
	v12 =	vadd.f32 v44, v21  }
0x1f7: {  	v48 =	vld [tilespmem:s18+$0xFFFFFFB0];
	[tilespmem:s10+$0xE0] =	vst v43;
	v49 =	vmul.f32 v11, v20  }
0x1f8: {  	v46 =	vld [tilespmem:s22+$0x130];
	[tilespmem:s10+$0xFFFFFF60] =	vst v13;
	v12 =	vmul.f32 v12, v28  }
0x1f9: {  	v51 =	vld [tilespmem:s22+$0xFFFFFEF0];
	[tilespmem:s10+$0xFFFFFFE0] =	vst v49  }
0x1fa: {  	v5 =	vadd.f32 v47, v8;
	v52 =	vld [tilespmem:s22+$0xFFFFFFB0];
	[tilespmem:s10+$0x60] =	vst v12  }
0x1fb: {  	v0 =	vmul.f32 v29, v0;
	v55 =	vadd.f32 v50, v7;
	v53 =	vld [tilespmem:s22+$0x70]  }
0x1fc: {  	v9 =	vadd.f32 v48, v9;
	v54 =	vmul.f32 v5, v1  }
0x1fd: {  	[tilespmem:s2+$0x70] =	vst v0;
	v58 =	vmul.f32 v55, v3;
	v2 =	vadd.f32 v46, v45  }
0x1fe: {  	[tilespmem:s20+$0xFFFFFF70] =	vst v54;
	v56 =	vmul.f32 v9, v4;
	v57 =	vadd.f32 v51, v26  }
0x1ff: {  	[tilespmem:s20+$0x70] =	vst v58;
	v2 =	vmul.f32 v2, v17;
	v59 =	vadd.f32 v52, v33  }
0x200: {  	[tilespmem:s20+$0xFFFFFFF0] =	vst v56;
	v60 =	vmul.f32 v57, v24;
	v61 =	vadd.f32 v53, v34  }
0x201: {  	[tilespmem:s10+$0xF0] =	vst v2;
	v62 =	vmul.f32 v59, v20  }
0x202: {  	[tilespmem:s10+$0xFFFFFF70] =	vst v60;
	v63 =	vmul.f32 v61, v28  }
0x203: {  	p1 =	seq.s32 s0, $0x4E;
	[tilespmem:s10+$0xFFFFFFF0] =	vst v62  }
0x204: {  	s2 =	sshll.u32 @!p1 s0, $0x9;
	[tilespmem:s10+$0x70] =	vst v63  }
0x205: {  	[spmem:s1] =	stream.indirect.scatter.add.f32 [tilespmem:s21], [sflag:$0x4], $0x80, s25, s19, $0xb8;
	[tilespmem:$0x1FE40] =	vst v63  }
0x206: {  	s2 =	sadd.s32 @!p1 s2, s13;
	_ =	swait.ge [sflag:s26], $0x2000  }
0x207: {  	s2 =	sshrl.u32 @!p1 s2, $0x3;
	[sflag:s26] =	ssyncset.done $0x0  }
0x208: {  	s8 =	simm.s32 @!p1 $0x0;
	s2 =	sadd.s32 @!p1 s4, s2;
	[sflag:s26] =	ssyncadd.s32 $0xFFFFE000  }
0x209: {  	[tilespmem:s8], [sflag:$0x4] =	stream.linear.gather @!p1 [hbm4b:s2+s8], $0x100, $0x38;
	[tilespmem:$0x1FE40] =	vst v63  }
0x20a: {  	s2 =	simm.s32 @!p1 $0x4  }
0x20b: {  	_ =	swait.ge @!p1 [sflag:s2], $0x100  }
0x20c: {  	[sflag:s2] =	ssyncset.done @!p1 $0x0  }
0x20d: {  	s10 =	simm.s32 @!p1 $0x200;
	[sflag:s2] =	ssyncadd.s32 @!p1 $0xFFFFFF00;
	s2 =	simm.s32 @!p1 $0x40  }
0x20e: {  	[tilespmem:s10], [sflag:$0x1] =	stream.indirect.gather @!p1 [hbm4b:s7+s2], $0x40, s8, s2, $0xb8;
	[tilespmem:$0x1FE40] =	vst v63  }
.Ltmp5:
0x20f: {  	_ = 	snop;
	(pc) =	sbr.rel @p0 .LBB2_8-.Ltmp5, $4  }
0x210: {  	s8 =	simm.s32 @!p1 $0x8200  }
0x211: {  	[tilespmem:s8], [sflag:$0x1] =	stream.indirect.gather @!p1 [hbm4b:s6+s2], $0x80, s2, s2, $0xb8;
	[tilespmem:$0x1FE40] =	vst v63  }
0x212: {  	s10 =	simm.s32 @!p1 $0x2200;
	s8 =	simm.s32 @!p1 $0x80  }
0x213: {  	[tilespmem:s10], [sflag:$0x1] =	stream.indirect.gather @!p1 [hbm4b:s5+s2], $0xC0, s8, s2, $0xb8;
	[tilespmem:$0x1FE40] =	vst v63  }
0x214: {  	_ =	swait.ge [sflag:s28], $0x1000  }
0x215: {  	[sflag:s28] =	ssyncset.done $0x0  }
0x216: {  	[sflag:s28] =	ssyncadd.s32 $0xFFFFF000  }
0x217: {  	_ =	swait.ge [sflag:s28], $0x2000  }
0x218: {  	[sflag:s28] =	ssyncset.done $0x0  }
0x219: {  	[sflag:s28] =	ssyncadd.s32 $0xFFFFE000  }
0x21a: {  	_ =	swait.ge [sflag:s28], $0x3000  }
0x21b: {  	[sflag:s28] =	ssyncset.done $0x0  }
0x21c: {  	[sflag:s28] =	ssyncadd.s32 $0xFFFFD000  }
0x21d: {  	v0 =	vld [tilespmem:$0xC210]  }
0x21e: {  	s8 =	simm.s32 $0x1280;
	v1 =	vld [tilespmem:$0xC200]  }
0x21f: {  	s22 =	simm.s32 $0x5380;
	v2 =	vld [tilespmem:s8+$0x40]  }
0x220: {  	v3 =	vld [tilespmem:s22+$0x140]  }
0x221: {  	v4 =	vld [tilespmem:s8+$0x50]  }
0x222: {  	v5 =	vld [tilespmem:s22+$0x150]  }
0x223: {  	v6 =	vld [tilespmem:s8+$0x60]  }
0x224: {  	v7 =	vld [tilespmem:s22+$0x160]  }
0x225: {  	v8 =	vld [tilespmem:s22+$0x170];
	v2 =	vadd.f32 v3, v2  }
0x226: {  	v3 =	vld [tilespmem:s8+$0x70]  }
0x227: {  	v9 =	vld [tilespmem:$0xC220];
	v4 =	vadd.f32 v5, v4;
	v2 =	vmax.f32 v2, $0.0e+00  }
0x228: {  	v2 =	vmul.f32 v2, v1  }
0x229: {  	v5 =	vld [tilespmem:$0xC230];
	v6 =	vadd.f32 v7, v6;
	v4 =	vmax.f32 v4, $0.0e+00  }
0x22a: {  	v4 =	vmul.f32 v4, v0;
	v2 =	vadd.f32 $0.0e+00, v2  }
0x22b: {  	v6 =	vmax.f32 v6, $0.0e+00;
	v3 =	vadd.f32 v8, v3  }
0x22c: {  	v2 =	vadd.f32 v4, v2;
	v4 =	vmul.f32 v6, v9  }
0x22d: {  	v3 =	vmax.f32 v3, $0.0e+00  }
0x22e: {  	v3 =	vmul.f32 v3, v5;
	v2 =	vadd.f32 v4, v2;
	_ =	sdelay $0x1  }
0x22f: {  	v2 =	vadd.f32 v3, v2;
	_ =	sdelay $0x1  }
0x230: {  	(xrf2) =	vadd.scan.msk.f32 $0xffff, v2;
	_ =	sdelay $0x9  }
0x231: {  	v2, _, _ =	vpop (xrf2)  }
0x232: {  	v2 =	vsub.f32 $0.0e+00, v2;
	_ =	sdelay $0x1  }
0x233: {  	v2 =	vmul.f32 $1.442695020e+00, v2;
	_ =	sdelay $0x1  }
0x234: {  	v11 =	vld [tilespmem:s8+$0xFFFFFF90];
	v2 =	vbroadcast v2, $0xF  }
0x235: {  	v12 =	vld [tilespmem:s22+$0xFFFFFF10]  }
0x236: {  	v13 =	vld [tilespmem:s8+$0xFFFFFFD0];
	(erf) = vpow2.f32 v2  }
0x237: {  	v14 =	vld [tilespmem:s22+$0xFFFFFFD0]  }
0x238: {  	v15 =	vld [tilespmem:s8+$0x10]  }
0x239: {  	v16 =	vld [tilespmem:s22+$0x90]  }
0x23a: {  	v17 =	vld [tilespmem:s22+$0xC0]  }
0x23b: {  	v18 =	vld [tilespmem:s8+$0xFFFFFFA0]  }
0x23c: {  	v19 =	vld [tilespmem:s22+$0xFFFFFF20]  }
0x23d: {  	v20 =	vld [tilespmem:s8+$0xFFFFFFE0]  }
0x23e: {  	v21 =	vld [tilespmem:s22+$0xFFFFFFE0]  }
0x23f: {  	v7 =	vld [tilespmem:s22+$0x80];
	v10 =	vpop (erf)  }
0x240: {  	v8 =	vld [tilespmem:s8+$0xFFFFFF80];
	v10 =	vadd.f32 $1.000000000e+00, v10  }
0x241: {  	v6 =	vld [tilespmem:s8+$0x0]  }
0x242: {  	v4 =	vld [tilespmem:s22+$0xFFFFFFC0];
	(erf) = vrcp.f32 v10  }
0x243: {  	v3 =	vld [tilespmem:s8+$0xFFFFFFC0]  }
0x244: {  	s2 =	simm.s32 $0xA300;
	v2 =	vld [tilespmem:s22+$0xFFFFFF00]  }
0x245: {  	v10 =	vld [tilespmem:s2+$0x80]  }
0x246: {  	v27 =	vld [tilespmem:s2+$0xFFFFFF10]  }
0x247: {  	v22 =	vld [tilespmem:s2+$0xFFFFFF90]  }
0x248: {  	v11 =	vadd.f32 v12, v11;
	v12 =	vld [tilespmem:s22+$0xFFFFFF30];
	v13 =	vadd.f32 v14, v13  }
0x249: {  	v6 =	vadd.f32 v7, v6;
	v7 =	vld [tilespmem:s8+$0xFFFFFFB0];
	v3 =	vadd.f32 v4, v3  }
0x24a: {  	v14 =	vld [tilespmem:s8+$0xFFFFFFF0];
	v2 =	vadd.f32 v2, v8;
	v17 =	vadd.f32 v17, v10  }
0x24b: {  	v15 =	vadd.f32 v16, v15;
	v6 =	vmax.f32 v6, $0.0e+00;
	v4 =	vld [tilespmem:s22+$0xA0];
	v3 =	vmax.f32 v3, $0.0e+00;
	v10 =	vpop (erf)  }
0x24c: {  	v3 =	vmul.f32 v3, v1;
	v8 =	vld [tilespmem:s8+$0x20];
	v2 =	vmax.f32 v2, $0.0e+00;
	v17 =	vmul.f32 v10, v17  }
0x24d: {  	v2 =	vmul.f32 v2, v1;
	v1 =	vmul.f32 v6, v1;
	v6 =	vmax.f32 v11, $0.0e+00;
	v11 =	vld [tilespmem:s2+$0x90]  }
0x24e: {  	v7 =	vadd.f32 v12, v7;
	[tilespmem:s2+$0x80] =	vst v17;
	v17 =	vadd.f32 v19, v18;
	v18 =	vld [tilespmem:s22+$0xFFFFFFF0]  }
0x24f: {  	v13 =	vmax.f32 v13, $0.0e+00;
	v6 =	vmul.f32 v6, v0;
	v2 =	vadd.f32 $0.0e+00, v2;
	v16 =	vld [tilespmem:s22+$0xD0]  }
0x250: {  	v25 =	vld [tilespmem:s2+$0x10];
	v13 =	vmul.f32 v13, v0;
	v7 =	vmax.f32 v7, $0.0e+00;
	v3 =	vadd.f32 $0.0e+00, v3  }
0x251: {  	s18 =	simm.s32 $0x5680;
	v26 =	vld [tilespmem:$0xC200];
	v2 =	vadd.f32 v6, v2;
	v6 =	vmax.f32 v15, $0.0e+00;
	v15 =	vadd.f32 v21, v20  }
0x252: {  	v24 =	vld [tilespmem:s18+$0x150];
	v3 =	vadd.f32 v13, v3;
	v4 =	vadd.f32 v4, v8;
	v13 =	vmax.f32 v17, $0.0e+00  }
0x253: {  	v0 =	vmul.f32 v6, v0;
	v12 =	vmax.f32 v15, $0.0e+00;
	v17 =	vld [tilespmem:s8+$0x30];
	v6 =	vmul.f32 v13, v9  }
0x254: {  	s23 =	simm.s32 $0x1380;
	v13 =	vld [tilespmem:s22+$0xB0];
	v8 =	vadd.f32 v16, v11;
	v11 =	vmul.f32 v12, v9;
	v12 =	vadd.f32 v18, v14  }
0x255: {  	v28 =	vld [tilespmem:s23+$0x60];
	v1 =	vadd.f32 $0.0e+00, v1;
	v2 =	vadd.f32 v6, v2;
	v6 =	vmul.f32 v7, v5  }
0x256: {  	v29 =	vld [tilespmem:s18+$0x160];
	v4 =	vmax.f32 v4, $0.0e+00;
	v7 =	vmul.f32 v10, v8;
	v8 =	vmax.f32 v12, $0.0e+00  }
0x257: {  	v32 =	vld [tilespmem:s23+$0xFFFFFFC0];
	v2 =	vadd.f32 v6, v2;
	v3 =	vadd.f32 v11, v3;
	v6 =	vmul.f32 v8, v5  }
0x258: {  	v0 =	vadd.f32 v0, v1;
	v1 =	vmul.f32 v4, v9;
	v4 =	vld [tilespmem:s2+$0xA0];
	[tilespmem:s2+$0x90] =	vst v7  }
0x259: {  	v11 =	vadd.f32 v13, v17;
	(xrf2) =	vadd.scan.msk.f32 $0xffff, v2;
	v3 =	vadd.f32 v6, v3;
	v2 =	vld [tilespmem:s22+$0xE0]  }
0x25a: {  	v33 =	vld [tilespmem:s18+$0xFFFFFFC0]  }
0x25b: {  	v34 =	vld [tilespmem:s23+$0x0];
	v7 =	vmax.f32 v11, $0.0e+00;
	(xrf2) =	vadd.scan.msk.f32 $0xffff, v3  }
0x25c: {  	v35 =	vld [tilespmem:s18+$0x80];
	v0 =	vadd.f32 v1, v0;
	v1 =	vmul.f32 v7, v5  }
0x25d: {  	v36 =	vld [tilespmem:s23+$0xFFFFFF80]  }
0x25e: {  	v37 =	vld [tilespmem:s23+$0xFFFFFF90];
	v0 =	vadd.f32 v1, v0;
	v1 =	vadd.f32 v2, v4  }
0x25f: {  	v38 =	vld [tilespmem:s18+$0xFFFFFF10]  }
0x260: {  	v40 =	vld [tilespmem:s23+$0xFFFFFFD0];
	(xrf2) =	vadd.scan.msk.f32 $0xffff, v0;
	v1 =	vmul.f32 v10, v1  }
0x261: {  	v41 =	vld [tilespmem:s18+$0xFFFFFFD0]  }
0x262: {  	v42 =	vld [tilespmem:s23+$0x10]  }
0x263: {  	v43 =	vld [tilespmem:s18+$0x90]  }
0x264: {  	v55 =	vld [tilespmem:s23+$0xFFFFFFA0];
	[tilespmem:s2+$0xA0] =	vst v1;
	v1, _, _ =	vpop (xrf2)  }
0x265: {  	v44 =	vld [tilespmem:s18+$0xFFFFFF20];
	v4, _, _ =	vpop (xrf2)  }
0x266: {  	v45 =	vld [tilespmem:s23+$0xFFFFFFE0];
	v1 =	vsub.f32 $0.0e+00, v1;
	v4 =	vsub.f32 $0.0e+00, v4  }
0x267: {  	v46 =	vld [tilespmem:s18+$0xFFFFFFE0]  }
0x268: {  	v47 =	vld [tilespmem:s23+$0x20];
	v1 =	vmul.f32 $1.442695020e+00, v1  }
0x269: {  	v2 =	vld [tilespmem:s2+$0xB0]  }
0x26a: {  	v3 =	vld [tilespmem:s22+$0xF0];
	v5 =	vmul.f32 $1.442695020e+00, v4;
	v1 =	vbroadcast v1, $0xF;
	v4, _, _ =	vpop (xrf2)  }
0x26b: {  	v56 =	vld [tilespmem:s23+$0xFFFFFFB0];
	v6 =	vsub.f32 $0.0e+00, v4  }
0x26c: {  	v48 =	vld [tilespmem:s18+$0xFFFFFF30];
	v16 =	vbroadcast v5, $0xF;
	(erf) = vpow2.f32 v1  }
0x26d: {  	v57 =	vld [tilespmem:s18+$0xA0];
	v6 =	vmul.f32 $1.442695020e+00, v6  }
0x26e: {  	v49 =	vld [tilespmem:s23+$0xFFFFFFF0];
	(erf) = vpow2.f32 v16  }
0x26f: {  	v59 =	vld [tilespmem:s18+$0xFFFFFFF0];
	v2 =	vadd.f32 v3, v2;
	v6 =	vbroadcast v6, $0xF  }
0x270: {  	v50 =	vld [tilespmem:s23+$0x30]  }
0x271: {  	v19 =	vld [tilespmem:s18+$0x140];
	v17 =	vmul.f32 v10, v2;
	(erf) = vpow2.f32 v6  }
0x272: {  	v18 =	vld [tilespmem:s23+$0x40]  }
0x273: {  	[tilespmem:s2+$0xB0] =	vst v17;
	v17 =	vld [tilespmem:s2+$0xC0]  }
0x274: {  	v6 =	vld [tilespmem:s22+$0x100]  }
0x275: {  	v21 =	vld [tilespmem:s23+$0x50];
	v20 =	vpop (erf)  }
0x276: {  	v9 =	vld [tilespmem:s2+$0xFFFFFF80];
	v20 =	vadd.f32 $1.000000000e+00, v20  }
0x277: {  	v7 =	vld [tilespmem:s22+$0xFFFFFE80];
	v23 =	vpop (erf)  }
0x278: {  	v16 =	vld [tilespmem:$0xC210];
	(erf) = vrcp.f32 v20;
	v20 =	vadd.f32 $1.000000000e+00, v23  }
0x279: {  	v6 =	vadd.f32 v6, v17;
	v17 =	vadd.f32 v19, v18;
	v18 =	vld [tilespmem:s23+$0x70]  }
0x27a: {  	(erf) = vrcp.f32 v20;
	v20 =	vld [tilespmem:s18+$0x170];
	v23 =	vpop (erf)  }
0x27b: {  	v21 =	vadd.f32 v24, v21;
	v6 =	vmul.f32 v6, v10;
	v19 =	vadd.f32 $1.000000000e+00, v23;
	v23 =	vld [tilespmem:$0xC220]  }
0x27c: {  	v0 =	vld [tilespmem:s2+$0xFFFFFF00];
	v17 =	vmax.f32 v17, $0.0e+00  }
0x27d: {  	v8 =	vld [tilespmem:s22+$0xFFFFFF40];
	v17 =	vmul.f32 v17, v26;
	[tilespmem:s2+$0xC0] =	vst v6;
	v6 =	vmax.f32 v21, $0.0e+00;
	v21 =	vadd.f32 v29, v28  }
0x27e: {  	(erf) = vrcp.f32 v19;
	v19 =	vld [tilespmem:$0xC230]  }
0x27f: {  	v24 =	vld [tilespmem:s2+$0xD0];
	v17 =	vadd.f32 $0.0e+00, v17;
	v29 =	vmul.f32 v6, v16;
	v21 =	vmax.f32 v21, $0.0e+00  }
0x280: {  	v28 =	vld [tilespmem:s22+$0x110];
	v30 =	vadd.f32 v20, v18;
	v21 =	vmul.f32 v21, v23  }
0x281: {  	v51 =	vld [tilespmem:s18+$0xB0];
	v0 =	vadd.f32 v7, v0;
	v7 =	vadd.f32 v29, v17  }
0x282: {  	v14 =	vld [tilespmem:s2+$0x0];
	v29 =	vadd.f32 v8, v9;
	v20 =	vpop (erf);
	v8 =	vmax.f32 v30, $0.0e+00  }
0x283: {  	v12 =	vld [tilespmem:s22+$0x0];
	v0 =	vmul.f32 v20, v0;
	v30 =	vadd.f32 v21, v7;
	v31 =	vmul.f32 v8, v19  }
0x284: {  	v61 =	vld [tilespmem:s18+$0xC0];
	v21 =	vpop (erf)  }
0x285: {  	v62 =	vld [tilespmem:s18+$0xFFFFFE80];
	v24 =	vadd.f32 v28, v24;
	[tilespmem:s2+$0xFFFFFF00] =	vst v0;
	v28 =	vadd.f32 v31, v30;
	v0 =	vmul.f32 v21, v29  }
0x286: {  	v35 =	vadd.f32 v35, v34;
	v34 =	vld [tilespmem:s18+$0xFFFFFF40];
	v52 =	vadd.f32 v51, v50  }
0x287: {  	v15 =	vld [tilespmem:s2+$0xFFFFFF20];
	s8 =	simm.s32 $0x5980;
	(xrf2) =	vadd.scan.msk.f32 $0xffff, v28  }
0x288: {  	v53 =	vmax.f32 v52, $0.0e+00;
	v52 =	vld [tilespmem:s8+$0x150];
	v12 =	vadd.f32 v12, v14  }
0x289: {  	v51 =	vld [tilespmem:s8+$0xFFFFFFC0];
	v14 =	vmul.f32 v24, v10;
	[tilespmem:s2+$0xFFFFFF80] =	vst v0;
	v0 =	vpop (erf)  }
0x28a: {  	v13 =	vld [tilespmem:s2+$0xFFFFFFA0];
	v12 =	vmul.f32 v0, v12  }
0x28b: {  	[tilespmem:s2+$0xD0] =	vst v14;
	v14 =	vld [tilespmem:s2+$0xE0]  }
0x28c: {  	[tilespmem:s2+$0x0] =	vst v12;
	v12 =	vld [tilespmem:s22+$0x120]  }
0x28d: {  	v11 =	vld [tilespmem:s2+$0x20]  }
0x28e: {  	v3 =	vld [tilespmem:s2+$0x30]  }
0x28f: {  	v5 =	vld [tilespmem:s2+$0xFFFFFFB0]  }
0x290: {  	v2 =	vld [tilespmem:s2+$0xFFFFFFC0]  }
0x291: {  	v4 =	vld [tilespmem:s2+$0xFFFFFF30];
	v12 =	vadd.f32 v12, v14;
	v14, _, _ =	vpop (xrf2)  }
0x292: {  	v31 =	vld [tilespmem:s18+$0xFFFFFF00];
	v14 =	vsub.f32 $0.0e+00, v14  }
0x293: {  	v1 =	vld [tilespmem:s2+$0xFFFFFF40]  }
0x294: {  	v29 =	vld [tilespmem:s22+$0xFFFFFE90];
	v39 =	vmul.f32 $1.442695020e+00, v14  }
0x295: {  	v6 =	vld [tilespmem:s2+$0x40]  }
0x296: {  	v17 =	vld [tilespmem:s2+$0xFFFFFFD0];
	v39 =	vbroadcast v39, $0xF  }
0x297: {  	v28 =	vld [tilespmem:s22+$0xFFFFFF50];
	v31 =	vadd.f32 v31, v36  }
0x298: {  	v9 =	vld [tilespmem:s2+$0x50];
	(erf) = vpow2.f32 v39  }
0x299: {  	v18 =	vld [tilespmem:s2+$0xFFFFFF50];
	v27 =	vadd.f32 v29, v27;
	v29 =	vmax.f32 v31, $0.0e+00;
	v31 =	vadd.f32 v38, v37  }
0x29a: {  	v7 =	vld [tilespmem:s2+$0xFFFFFF60];
	v29 =	vmul.f32 v29, v26  }
0x29b: {  	v36 =	vadd.f32 v48, v56;
	v30 =	vld [tilespmem:s22+$0x10];
	v31 =	vmax.f32 v31, $0.0e+00  }
0x29c: {  	v8 =	vld [tilespmem:s2+$0xFFFFFFE0];
	v22 =	vadd.f32 v28, v22;
	v29 =	vadd.f32 $0.0e+00, v29;
	v31 =	vmul.f32 v31, v16  }
0x29d: {  	s20 =	simm.s32 $0xA500;
	v24 =	vld [tilespmem:s2+$0x60]  }
0x29e: {  	v60 =	vmax.f32 v36, $0.0e+00;
	v36 =	vld [tilespmem:s20+$0xFFFFFFC0];
	v22 =	vmul.f32 v21, v22;
	v29 =	vadd.f32 v31, v29  }
0x29f: {  	v27 =	vmul.f32 v20, v27;
	v31 =	vadd.f32 v33, v32;
	v32 =	vld [tilespmem:s20+$0xFFFFFF50];
	v39 =	vadd.f32 v44, v55  }
0x2a0: {  	[tilespmem:s2+$0xFFFFFF90] =	vst v22;
	v25 =	vadd.f32 v30, v25;
	v30 =	vld [tilespmem:s20+$0x80]  }
0x2a1: {  	[tilespmem:s2+$0xFFFFFF10] =	vst v27;
	v27 =	vmax.f32 v31, $0.0e+00;
	v31 =	vadd.f32 v41, v40;
	v63 =	vld [tilespmem:s22+$0xFFFFFF60];
	v28 =	vmax.f32 v39, $0.0e+00;
	v58 =	vpop (erf)  }
0x2a2: {  	v41 =	vld [tilespmem:s20+$0xFFFFFF80];
	v12 =	vmul.f32 v12, v10;
	v28 =	vmul.f32 v28, v23;
	v38 =	vadd.f32 $1.000000000e+00, v58  }
0x2a3: {  	v40 =	vld [tilespmem:$0xC200];
	v22 =	vmul.f32 v27, v26;
	v27 =	vmax.f32 v35, $0.0e+00;
	v25 =	vmul.f32 v0, v25  }
0x2a4: {  	v35 =	vld [tilespmem:s20+$0xFFFFFF40];
	v28 =	vadd.f32 v28, v29;
	v29 =	vmul.f32 v60, v19;
	(erf) = vrcp.f32 v38  }
0x2a5: {  	v46 =	vadd.f32 v46, v45;
	[tilespmem:s2+$0xE0] =	vst v12;
	v12 =	vld [tilespmem:s2+$0xF0]  }
0x2a6: {  	v14 =	vld [tilespmem:s22+$0x130];
	[tilespmem:s2+$0x10] =	vst v25;
	v25 =	vmul.f32 v27, v26;
	v26 =	vmax.f32 v31, $0.0e+00;
	v28 =	vadd.f32 v29, v28  }
0x2a7: {  	v22 =	vadd.f32 $0.0e+00, v22;
	v27 =	vadd.f32 v43, v42;
	v31 =	vld [tilespmem:s22+$0xFFFFFEA0];
	v26 =	vmul.f32 v26, v16  }
0x2a8: {  	v49 =	vadd.f32 v59, v49;
	v33 =	vmax.f32 v46, $0.0e+00;
	v42 =	vld [tilespmem:s20+$0x0];
	(xrf2) =	vadd.scan.msk.f32 $0xffff, v28  }
0x2a9: {  	v43 =	vld [tilespmem:$0xC210];
	v27 =	vmax.f32 v27, $0.0e+00;
	v22 =	vadd.f32 v26, v22;
	v26 =	vadd.f32 v57, v47  }
0x2aa: {  	v33 =	vmul.f32 v33, v23;
	v48 =	vld [tilespmem:s22+$0x20];
	v25 =	vadd.f32 $0.0e+00, v25;
	v16 =	vmul.f32 v27, v16  }
0x2ab: {  	s23 =	simm.s32 $0x1480;
	v30 =	vadd.f32 v61, v30;
	v13 =	vadd.f32 v63, v13;
	v61 =	vld [tilespmem:s20+$0xC0];
	v37 =	vmax.f32 v26, $0.0e+00  }
0x2ac: {  	v63 =	vld [tilespmem:s23+$0x40];
	v16 =	vadd.f32 v16, v25;
	v25 =	vmax.f32 v49, $0.0e+00;
	v23 =	vmul.f32 v37, v23  }
0x2ad: {  	v55 =	vld [tilespmem:s20+$0xFFFFFF00];
	v22 =	vadd.f32 v33, v22;
	v25 =	vmul.f32 v25, v19;
	v29 =	vpop (erf)  }
0x2ae: {  	v27 =	vld [tilespmem:s2+$0xFFFFFFF0];
	v19 =	vmul.f32 v53, v19;
	v16 =	vadd.f32 v23, v16;
	v30 =	vmul.f32 v29, v30  }
0x2af: {  	v47 =	vld [tilespmem:s20+$0xD0];
	v22 =	vadd.f32 v25, v22  }
0x2b0: {  	v15 =	vadd.f32 v31, v15;
	v16 =	vadd.f32 v19, v16;
	[tilespmem:s20+$0x80] =	vst v30;
	v30 =	vld [tilespmem:s20+$0x90]  }
0x2b1: {  	(xrf2) =	vadd.scan.msk.f32 $0xffff, v22;
	v54 =	vld [tilespmem:s18+$0xD0]  }
0x2b2: {  	v26 =	vld [tilespmem:s2+$0x70];
	v11 =	vadd.f32 v48, v11;
	v15 =	vmul.f32 v20, v15;
	v19, _, _ =	vpop (xrf2);
	(xrf2) =	vadd.scan.msk.f32 $0xffff, v16  }
0x2b3: {  	v13 =	vmul.f32 v21, v13;
	v33 =	vld [tilespmem:s20+$0x10]  }
0x2b4: {  	v31 =	vld [tilespmem:s20+$0xA0];
	v11 =	vmul.f32 v0, v11;
	[tilespmem:s2+$0xFFFFFF20] =	vst v15;
	v16 =	vsub.f32 $0.0e+00, v19  }
0x2b5: {  	[tilespmem:s2+$0xFFFFFFA0] =	vst v13;
	v13 =	vld [tilespmem:s22+$0xFFFFFEB0]  }
0x2b6: {  	v49 =	vld [tilespmem:s23+$0xFFFFFFC0];
	[tilespmem:s2+$0x20] =	vst v11;
	v15 =	vmul.f32 $1.442695020e+00, v16;
	v19 =	vadd.f32 v54, v30  }
0x2b7: {  	v56 =	vld [tilespmem:s22+$0x30]  }
0x2b8: {  	v15 =	vbroadcast v15, $0xF;
	v30 =	vld [tilespmem:s22+$0xFFFFFF70];
	v19 =	vmul.f32 v29, v19  }
0x2b9: {  	v37 =	vld [tilespmem:s20+$0x40]  }
0x2ba: {  	v53 =	vld [tilespmem:s8+$0x170];
	v4 =	vadd.f32 v13, v4;
	(erf) = vpow2.f32 v15;
	[tilespmem:s20+$0x90] =	vst v19  }
0x2bb: {  	v11, _, _ =	vpop (xrf2);
	v15 =	vld [tilespmem:s18+$0xE0]  }
0x2bc: {  	v23 =	vld [tilespmem:s20+$0xFFFFFF10];
	v3 =	vadd.f32 v56, v3;
	v4 =	vmul.f32 v4, v20;
	v13, _, _ =	vpop (xrf2)  }
0x2bd: {  	v25 =	vld [tilespmem:s20+$0xFFFFFF90];
	v5 =	vadd.f32 v30, v5;
	v30 =	vsub.f32 $0.0e+00, v13  }
0x2be: {  	v49 =	vadd.f32 v51, v49;
	v51 =	vld [tilespmem:s23+$0x20];
	[tilespmem:s2+$0xFFFFFF30] =	vst v4;
	v57 =	vsub.f32 $0.0e+00, v11  }
0x2bf: {  	v3 =	vmul.f32 v0, v3;
	v59 =	vld [tilespmem:s22+$0xFFFFFEC0];
	v30 =	vmul.f32 $1.442695020e+00, v30  }
0x2c0: {  	v28 =	vld [tilespmem:s2+$0xFFFFFF70];
	v58 =	vmul.f32 $1.442695020e+00, v57;
	v31 =	vadd.f32 v15, v31  }
0x2c1: {  	v22 =	vld [tilespmem:s20+$0xFFFFFFA0];
	[tilespmem:s2+$0x30] =	vst v3;
	v5 =	vmul.f32 v21, v5  }
0x2c2: {  	v3 =	vld [tilespmem:s22+$0x40];
	v4 =	vmul.f32 v29, v31;
	v31 =	vbroadcast v58, $0xF  }
0x2c3: {  	v38 =	vld [tilespmem:s18+$0x0];
	[tilespmem:s2+$0xFFFFFFB0] =	vst v5;
	v5 =	vbroadcast v30, $0xF;
	v30 =	vpop (erf)  }
0x2c4: {  	v1 =	vadd.f32 v59, v1;
	[tilespmem:s20+$0xA0] =	vst v4;
	(erf) = vpow2.f32 v31;
	v4 =	vadd.f32 $1.000000000e+00, v30;
	v30 =	vld [tilespmem:s20+$0xB0]  }
0x2c5: {  	(erf) = vpow2.f32 v5;
	v5 =	vld [tilespmem:s18+$0xF0]  }
0x2c6: {  	v56 =	vld [tilespmem:s8+$0x140];
	v1 =	vmul.f32 v1, v20  }
0x2c7: {  	v11 =	vld [tilespmem:s20+$0xFFFFFF30];
	v3 =	vadd.f32 v3, v6  }
0x2c8: {  	v16 =	vld [tilespmem:s20+$0xFFFFFF20];
	[tilespmem:s2+$0xFFFFFF40] =	vst v1  }
0x2c9: {  	v3 =	vmul.f32 v3, v0;
	v44 =	vld [tilespmem:s22+$0xFFFFFED0]  }
0x2ca: {  	v59 =	vld [tilespmem:s23+$0x60];
	(erf) = vrcp.f32 v4;
	v4 =	vadd.f32 v5, v30  }
0x2cb: {  	v48 =	vadd.f32 v56, v63;
	[tilespmem:s2+$0x40] =	vst v3;
	v60 =	vld [tilespmem:s22+$0xFFFFFF80]  }
0x2cc: {  	v45 =	vld [tilespmem:s22+$0x50];
	v1 =	vmul.f32 v29, v4  }
0x2cd: {  	v54 =	vmax.f32 v48, $0.0e+00;
	v48 =	vld [tilespmem:s8+$0xA0]  }
0x2ce: {  	v44 =	vadd.f32 v44, v18;
	v18 =	vld [tilespmem:$0xC220];
	[tilespmem:s20+$0xB0] =	vst v1  }
0x2cf: {  	v3 =	vld [tilespmem:s18+$0x100]  }
0x2d0: {  	v19 =	vld [tilespmem:s20+$0x20];
	v2 =	vadd.f32 v60, v2  }
0x2d1: {  	v9 =	vadd.f32 v45, v9;
	v45 =	vld [tilespmem:s8+$0x90]  }
0x2d2: {  	v13 =	vld [tilespmem:s20+$0xFFFFFFB0];
	v5 =	vmul.f32 v2, v21  }
0x2d3: {  	v15 =	vld [tilespmem:s20+$0x30];
	v4 =	vpop (erf)  }
0x2d4: {  	v58 =	vld [tilespmem:s23+$0x50];
	[tilespmem:s2+$0xFFFFFFC0] =	vst v5;
	v6 =	vpop (erf);
	v4 =	vadd.f32 $1.000000000e+00, v4;
	v3 =	vadd.f32 v3, v61  }
0x2d5: {  	v5 =	vadd.f32 v62, v55;
	v39 =	vld [tilespmem:s22+$0xFFFFFF90];
	v62 =	vadd.f32 $1.000000000e+00, v6  }
0x2d6: {  	v31 =	vld [tilespmem:s20+$0xFFFFFFD0];
	(erf) = vrcp.f32 v4;
	v3 =	vmul.f32 v3, v29  }
0x2d7: {  	v60 =	vld [tilespmem:s8+$0x160];
	v1 =	vpop (erf);
	(erf) = vrcp.f32 v62  }
0x2d8: {  	v30 =	vld [tilespmem:s20+$0x50];
	[tilespmem:s20+$0xC0] =	vst v3  }
0x2d9: {  	v57 =	vld [tilespmem:s18+$0x110]  }
0x2da: {  	v2 =	vld [tilespmem:s20+$0xFFFFFF60];
	v39 =	vadd.f32 v39, v17  }
0x2db: {  	v55 =	vadd.f32 v52, v58;
	v52 =	vld [tilespmem:s23+$0x0];
	v5 =	vmul.f32 v1, v5  }
0x2dc: {  	v62 =	vld [tilespmem:s23+$0x70];
	v39 =	vmul.f32 v39, v21;
	v3 =	vadd.f32 v34, v41  }
0x2dd: {  	v44 =	vmul.f32 v44, v20;
	v17 =	vld [tilespmem:$0xC230];
	[tilespmem:s20+$0xFFFFFF00] =	vst v5  }
0x2de: {  	v46 =	vld [tilespmem:s18+$0xFFFFFE90];
	[tilespmem:s2+$0xFFFFFFD0] =	vst v39;
	v63 =	vadd.f32 v57, v47;
	v47 =	vmul.f32 v54, v40  }
0x2df: {  	v38 =	vadd.f32 v38, v42;
	[tilespmem:s2+$0xFFFFFF50] =	vst v44;
	v44 =	vld [tilespmem:s22+$0xFFFFFFA0];
	v34 =	vadd.f32 v60, v59;
	v4 =	vpop (erf);
	v57 =	vmax.f32 v55, $0.0e+00  }
0x2e0: {  	v6 =	vld [tilespmem:s20+$0x60];
	v61 =	vmul.f32 v4, v3;
	v3 =	vpop (erf);
	v42 =	vmul.f32 v57, v43;
	v58 =	vadd.f32 $0.0e+00, v47  }
0x2e1: {  	v5 =	vld [tilespmem:s20+$0xFFFFFFE0];
	v59 =	vadd.f32 v53, v62;
	v34 =	vmax.f32 v34, $0.0e+00;
	v38 =	vmul.f32 v3, v38  }
0x2e2: {  	v60 =	vld [tilespmem:s20+$0xE0];
	v34 =	vmul.f32 v34, v18;
	v42 =	vadd.f32 v42, v58  }
0x2e3: {  	v23 =	vadd.f32 v46, v23;
	v46 =	vld [tilespmem:s23+$0xFFFFFFA0];
	[tilespmem:s20+$0x0] =	vst v38;
	v38 =	vmax.f32 v59, $0.0e+00  }
0x2e4: {  	v8 =	vadd.f32 v44, v8;
	v44 =	vld [tilespmem:s23+$0xFFFFFFE0];
	[tilespmem:s20+$0xFFFFFF80] =	vst v61;
	v38 =	vmul.f32 v38, v17;
	v34 =	vadd.f32 v34, v42  }
0x2e5: {  	v50 =	vld [tilespmem:s18+$0xFFFFFF50]  }
0x2e6: {  	v54 =	vld [tilespmem:s8+$0xFFFFFF10];
	v34 =	vadd.f32 v38, v34  }
0x2e7: {  	v55 =	vld [tilespmem:s23+$0xFFFFFFD0]  }
0x2e8: {  	v57 =	vld [tilespmem:s23+$0x10];
	v56 =	vmul.f32 v63, v29;
	(xrf2) =	vadd.scan.msk.f32 $0xffff, v34  }
0x2e9: {  	v41 =	vld [tilespmem:s18+$0x10]  }
0x2ea: {  	v47 =	vld [tilespmem:s22+$0xFFFFFEE0];
	[tilespmem:s20+$0xD0] =	vst v56  }
0x2eb: {  	v61 =	vld [tilespmem:s18+$0x120]  }
0x2ec: {  	v63 =	vld [tilespmem:s8+$0x80]  }
0x2ed: {  	v56 =	vld [tilespmem:s8+$0xFFFFFFD0]  }
0x2ee: {  	v25 =	vadd.f32 v50, v25;
	v50 =	vld [tilespmem:s8+$0xFFFFFFE0]  }
0x2ef: {  	v42 =	vld [tilespmem:s8+$0xFFFFFF00]  }
0x2f0: {  	v23 =	vmul.f32 v1, v23;
	v62 =	vadd.f32 v61, v60;
	v60 =	vld [tilespmem:s23+$0xFFFFFF80]  }
0x2f1: {  	v49 =	vmax.f32 v49, $0.0e+00;
	v45 =	vadd.f32 v45, v57;
	v33 =	vadd.f32 v41, v33;
	v41 =	vld [tilespmem:s8+$0xFFFFFF20]  }
0x2f2: {  	v49 =	vmul.f32 v49, v40;
	[tilespmem:s20+$0xFFFFFF10] =	vst v23;
	v8 =	vmul.f32 v8, v21;
	v7 =	vadd.f32 v47, v7;
	v61 =	vld [tilespmem:s23+$0xFFFFFF90];
	v58, _, _ =	vpop (xrf2)  }
0x2f3: {  	v57 =	vld [tilespmem:s18+$0xFFFFFEA0];
	v25 =	vmul.f32 v4, v25;
	v45 =	vmax.f32 v45, $0.0e+00;
	v58 =	vsub.f32 $0.0e+00, v58  }
0x2f4: {  	s10 =	simm.s32 $0xA700;
	v33 =	vmul.f32 v3, v33;
	v34 =	vadd.f32 v63, v52;
	v63 =	vld [tilespmem:s23+$0xFFFFFFB0];
	v44 =	vadd.f32 v50, v44  }
0x2f5: {  	v50 =	vld [tilespmem:s10+$0xFFFFFF00];
	v38 =	vmul.f32 v62, v29;
	v42 =	vadd.f32 v42, v60;
	v62 =	vmul.f32 $1.442695020e+00, v58  }
0x2f6: {  	[tilespmem:s20+$0xFFFFFF90] =	vst v25;
	v25 =	vmul.f32 v45, v43;
	v34 =	vmax.f32 v34, $0.0e+00;
	v41 =	vadd.f32 v41, v46;
	v60 =	vld [tilespmem:s8+$0xFFFFFF30]  }
0x2f7: {  	[tilespmem:s20+$0x10] =	vst v33;
	v33 =	vld [tilespmem:s10+$0xFFFFFF90];
	v59 =	vadd.f32 v54, v61;
	v42 =	vmax.f32 v42, $0.0e+00;
	v47 =	vbroadcast v62, $0xF  }
0x2f8: {  	v49 =	vadd.f32 $0.0e+00, v49;
	v46 =	vld [tilespmem:s23+$0x30];
	v34 =	vmul.f32 v34, v40;
	v40 =	vmul.f32 v42, v40  }
0x2f9: {  	v41 =	vmax.f32 v41, $0.0e+00;
	v54 =	vld [tilespmem:s23+$0xFFFFFFF0];
	v52 =	vmax.f32 v59, $0.0e+00;
	(erf) = vpow2.f32 v47  }
0x2fa: {  	v61 =	vadd.f32 v56, v55;
	v55 =	vld [tilespmem:s8+$0xFFFFFFF0];
	v52 =	vmul.f32 v52, v43;
	v40 =	vadd.f32 $0.0e+00, v40  }
0x2fb: {  	[tilespmem:s2+$0xFFFFFFE0] =	vst v8;
	v34 =	vadd.f32 $0.0e+00, v34;
	v56 =	vld [tilespmem:s8+$0xB0];
	v59 =	vmax.f32 v44, $0.0e+00;
	v47 =	vadd.f32 v60, v63  }
0x2fc: {  	v44 =	vld [tilespmem:s22+$0xFFFFFFB0];
	v42 =	vmax.f32 v61, $0.0e+00;
	v52 =	vadd.f32 v52, v40;
	v63 =	vmul.f32 v41, v18  }
0x2fd: {  	v9 =	vmul.f32 v9, v0;
	[tilespmem:s20+$0xE0] =	vst v38;
	v38 =	vld [tilespmem:s20+$0xF0];
	v62 =	vmul.f32 v42, v43;
	v47 =	vmax.f32 v47, $0.0e+00  }
0x2fe: {  	v39 =	vld [tilespmem:s18+$0x130];
	v25 =	vadd.f32 v25, v34;
	v52 =	vadd.f32 v63, v52;
	v53 =	vmul.f32 v47, v17  }
0x2ff: {  	v7 =	vmul.f32 v7, v20;
	v34 =	vld [tilespmem:s10+$0x10];
	v23 =	vadd.f32 v62, v49;
	v60 =	vadd.f32 v48, v51  }
0x300: {  	[tilespmem:s2+$0x50] =	vst v9;
	v61 =	vld [tilespmem:s18+$0xFFFFFF60];
	v9 =	vmul.f32 v59, v18;
	v62 =	vadd.f32 v55, v54;
	v43 =	vadd.f32 v53, v52  }
0x301: {  	[tilespmem:s2+$0xFFFFFF60] =	vst v7;
	v40 =	vld [tilespmem:s8+$0xFFFFFF40];
	v44 =	vadd.f32 v44, v27;
	v55 =	vadd.f32 v56, v46;
	v7 =	vmax.f32 v60, $0.0e+00  }
0x302: {  	v27 =	vld [tilespmem:s10+$0xFFFFFFE0];
	v9 =	vadd.f32 v9, v23;
	v7 =	vmul.f32 v7, v18;
	v18 =	vmax.f32 v62, $0.0e+00;
	(xrf2) =	vadd.scan.msk.f32 $0xffff, v43;
	v58 =	vpop (erf)  }
0x303: {  	v42 =	vld [tilespmem:s8+$0xFFFFFE80];
	v23 =	vmax.f32 v55, $0.0e+00;
	v18 =	vmul.f32 v18, v17;
	v49 =	vadd.f32 $1.000000000e+00, v58  }
0x304: {  	v41 =	vld [tilespmem:s8+$0x0];
	v8 =	vmul.f32 v23, v17;
	v7 =	vadd.f32 v7, v25  }
0x305: {  	v46 =	vld [tilespmem:s22+$0x60];
	v9 =	vadd.f32 v18, v9;
	(erf) = vrcp.f32 v49  }
0x306: {  	v56 =	vld [tilespmem:s10+$0x80];
	v18 =	vadd.f32 v8, v7  }
0x307: {  	v16 =	vadd.f32 v57, v16;
	v51 =	vld [tilespmem:s10+$0xFFFFFF80];
	(xrf2) =	vadd.scan.msk.f32 $0xffff, v9  }
0x308: {  	v17 =	vld [tilespmem:s8+$0xC0];
	(xrf2) =	vadd.scan.msk.f32 $0xffff, v18  }
0x309: {  	v16 =	vmul.f32 v1, v16;
	v63 =	vld [tilespmem:s18+$0x20]  }
0x30a: {  	v52 =	vld [tilespmem:s10+$0x0]  }
0x30b: {  	[tilespmem:s20+$0xFFFFFF20] =	vst v16;
	v25 =	vadd.f32 v61, v22;
	v22 =	vld [tilespmem:s10+$0xFFFFFF20]  }
0x30c: {  	v61 =	vld [tilespmem:s18+$0xFFFFFEB0];
	v23, _, _ =	vpop (xrf2)  }
0x30d: {  	v8 =	vld [tilespmem:s20+$0xFFFFFF70];
	v60 =	vmul.f32 v4, v25;
	v18 =	vadd.f32 v17, v56;
	v23 =	vsub.f32 $0.0e+00, v23  }
0x30e: {  	v7 =	vld [tilespmem:s20+$0x70];
	v17 =	vpop (erf)  }
0x30f: {  	v43 =	vld [tilespmem:s10+$0xFFFFFF10];
	[tilespmem:s20+$0xFFFFFFA0] =	vst v60;
	v23 =	vmul.f32 $1.442695020e+00, v23;
	v18 =	vmul.f32 v17, v18  }
0x310: {  	v19 =	vadd.f32 v63, v19;
	v62 =	vld [tilespmem:s18+$0xFFFFFF70]  }
0x311: {  	v58, _, _ =	vpop (xrf2);
	v59 =	vbroadcast v23, $0xF;
	[tilespmem:s10+$0x80] =	vst v18;
	v18 =	vld [tilespmem:s10+$0x90]  }
0x312: {  	v16 =	vmul.f32 v3, v19;
	v45 =	vsub.f32 $0.0e+00, v58;
	v25, _, _ =	vpop (xrf2);
	v57 =	vld [tilespmem:s8+$0xD0]  }
0x313: {  	v9 =	vld [tilespmem:s20+$0xFFFFFFF0];
	v11 =	vadd.f32 v61, v11;
	v19 =	vsub.f32 $0.0e+00, v25;
	(erf) = vpow2.f32 v59  }
0x314: {  	[tilespmem:s20+$0x20] =	vst v16;
	v16 =	vld [tilespmem:s10+$0xFFFFFF30];
	v45 =	vmul.f32 $1.442695020e+00, v45  }
0x315: {  	v63 =	vld [tilespmem:s18+$0x30];
	v48 =	vmul.f32 v11, v1;
	v19 =	vmul.f32 $1.442695020e+00, v19  }
0x316: {  	v49 =	vld [tilespmem:s22+$0xFFFFFEF0];
	v13 =	vadd.f32 v62, v13;
	v45 =	vbroadcast v45, $0xF  }
0x317: {  	v11 =	vld [tilespmem:s10+$0xFFFFFF40];
	[tilespmem:s20+$0xFFFFFF30] =	vst v48;
	v19 =	vbroadcast v19, $0xF;
	v18 =	vadd.f32 v57, v18  }
0x318: {  	v48 =	vld [tilespmem:s18+$0xFFFFFEC0];
	v61 =	vmul.f32 v4, v13;
	(erf) = vpow2.f32 v45  }
0x319: {  	v13 =	vld [tilespmem:s10+$0xFFFFFFC0];
	(erf) = vpow2.f32 v19;
	v57 =	vmul.f32 v17, v18  }
0x31a: {  	v15 =	vadd.f32 v63, v15;
	v63 =	vadd.f32 v14, v12;
	v12 =	vld [tilespmem:s10+$0xFFFFFF50]  }
0x31b: {  	v58 =	vld [tilespmem:s10+$0xA0];
	[tilespmem:s10+$0x90] =	vst v57  }
0x31c: {  	v60 =	vpop (erf);
	v59 =	vld [tilespmem:s8+$0xE0]  }
0x31d: {  	v14 =	vld [tilespmem:s10+$0xFFFFFFD0];
	v15 =	vmul.f32 v3, v15;
	v53 =	vadd.f32 $1.000000000e+00, v60  }
0x31e: {  	[tilespmem:s20+$0xFFFFFFB0] =	vst v61;
	v25 =	vld [tilespmem:s10+$0x20]  }
0x31f: {  	[tilespmem:s20+$0x30] =	vst v15;
	v15 =	vld [tilespmem:s10+$0x40];
	(erf) = vrcp.f32 v53  }
0x320: {  	v10 =	vmul.f32 v63, v10;
	v35 =	vadd.f32 v48, v35;
	v53 =	vld [tilespmem:s18+$0xFFFFFF80]  }
0x321: {  	v47 =	vld [tilespmem:s18+$0x40];
	v62 =	vpop (erf);
	v45 =	vadd.f32 v59, v58  }
0x322: {  	[tilespmem:s2+$0xF0] =	vst v10;
	v10 =	vld [tilespmem:s10+$0x50];
	v35 =	vmul.f32 v35, v1;
	v54 =	vadd.f32 $1.000000000e+00, v62;
	v60 =	vpop (erf)  }
0x323: {  	v23 =	vld [tilespmem:s10+$0xFFFFFFA0];
	v61 =	vadd.f32 $1.000000000e+00, v60;
	v45 =	vmul.f32 v17, v45  }
0x324: {  	v38 =	vadd.f32 v39, v38;
	[tilespmem:s20+$0xFFFFFF40] =	vst v35;
	v35 =	vld [tilespmem:s10+$0xFFFFFF60];
	(erf) = vrcp.f32 v54  }
0x325: {  	v62 =	vld [tilespmem:s10+$0xB0];
	(erf) = vrcp.f32 v61;
	v36 =	vadd.f32 v53, v36;
	[tilespmem:s10+$0xA0] =	vst v45  }
0x326: {  	v29 =	vmul.f32 v38, v29;
	v37 =	vadd.f32 v47, v37;
	v63 =	vld [tilespmem:s8+$0xF0]  }
0x327: {  	v28 =	vadd.f32 v49, v28;
	v19 =	vld [tilespmem:s10+$0x30];
	v47 =	vadd.f32 v42, v50;
	v36 =	vmul.f32 v36, v4  }
0x328: {  	[tilespmem:s20+$0xF0] =	vst v29;
	v50 =	vadd.f32 v46, v24;
	v37 =	vmul.f32 v37, v3;
	v18 =	vld [tilespmem:s10+$0xFFFFFFB0];
	v24 =	vpop (erf)  }
0x329: {  	v20 =	vmul.f32 v28, v20;
	v53 =	vld [tilespmem:s18+$0xFFFFFED0];
	[tilespmem:s20+$0xFFFFFFC0] =	vst v36;
	v39 =	vmul.f32 v24, v47  }
0x32a: {  	v28 =	vadd.f32 v40, v51;
	v29 =	vmul.f32 v50, v0;
	[tilespmem:s20+$0x40] =	vst v37;
	v54 =	vld [tilespmem:s18+$0xFFFFFF90]  }
0x32b: {  	v56 =	vld [tilespmem:s18+$0x50];
	[tilespmem:s10+$0xFFFFFF00] =	vst v39;
	v55 =	vadd.f32 v63, v62  }
0x32c: {  	[tilespmem:s2+$0x60] =	vst v29;
	v57 =	vmul.f32 v44, v21;
	v29 =	vld [tilespmem:s8+$0xFFFFFE90]  }
0x32d: {  	[tilespmem:s2+$0xFFFFFF70] =	vst v20;
	v21 =	vld [tilespmem:s10+$0x60];
	v58 =	vadd.f32 v41, v52;
	v20 =	vpop (erf);
	v38 =	vmul.f32 v17, v55  }
0x32e: {  	v60 =	vld [tilespmem:s22+$0x70];
	[tilespmem:s2+$0xFFFFFFF0] =	vst v57;
	v36 =	vadd.f32 v53, v32;
	v59 =	vmul.f32 v20, v28;
	v28 =	vpop (erf)  }
0x32f: {  	v32 =	vld [tilespmem:s10+$0xC0];
	v61 =	vmul.f32 v28, v58;
	v31 =	vadd.f32 v54, v31;
	[tilespmem:s10+$0xB0] =	vst v38  }
0x330: {  	v30 =	vadd.f32 v56, v30;
	[tilespmem:s10+$0xFFFFFF80] =	vst v59;
	v62 =	vmul.f32 v36, v1;
	v36 =	vld [tilespmem:s8+$0x100]  }
0x331: {  	v37 =	vld [tilespmem:s8+$0xFFFFFF50];
	[tilespmem:s10+$0x0] =	vst v61;
	v31 =	vmul.f32 v31, v4;
	v29 =	vadd.f32 v29, v43  }
0x332: {  	v63 =	vmul.f32 v30, v3;
	[tilespmem:s20+$0xFFFFFF50] =	vst v62;
	v38 =	vld [tilespmem:s8+$0x10]  }
0x333: {  	v30 =	vld [tilespmem:s18+$0xFFFFFEE0];
	[tilespmem:s20+$0xFFFFFFD0] =	vst v31;
	v39 =	vmul.f32 v24, v29;
	v29 =	vadd.f32 v60, v26  }
0x334: {  	s12 =	simm.s32 $0x8;
	s22 =	simm.s32 $0x5980;
	[tilespmem:s20+$0x50] =	vst v63;
	v31 =	vld [tilespmem:s18+$0xFFFFFFA0]  }
.LBB2_6:
0x335: {  	v26 =	vld [tilespmem:$0xC210];
	[tilespmem:s10+$0xFFFFFF10] =	vst v39;
	v32 =	vadd.f32 v36, v32;
	v29 =	vmul.f32 v29, v0;
	v0 =	vmovc v3;
	v3 =	vmov v28  }
0x336: {  	v28 =	vld [tilespmem:$0xC200];
	v33 =	vadd.f32 v37, v33  }
0x337: {  	s23 =	sadd.s32 $0x100, s23;
	v34 =	vadd.f32 v38, v34;
	v32 =	vmul.f32 v32, v17;
	v36 =	vld [tilespmem:s10+$0xD0];
	[tilespmem:s2+$0x70] =	vst v29;
	s2 =	smov.u32 s20;
	s20 =	smov.u32 s10  }
0x338: {  	s8 =	sadd.s32 $0x300, s8;
	v29 =	vld [tilespmem:s23+$0x40];
	v33 =	vmul.f32 v20, v33;
	v30 =	vadd.f32 v30, v2;
	v2 =	vmov v35  }
0x339: {  	v35 =	vld [tilespmem:s8+$0x140];
	v34 =	vmul.f32 v3, v34;
	[tilespmem:s10+$0xC0] =	vst v32;
	v31 =	vadd.f32 v31, v5;
	v5 =	vmov v27  }
0x33a: {  	s12 =	sadd.s32 $0x4, s12;
	[tilespmem:s10+$0xFFFFFF90] =	vst v33;
	v27 =	vld [tilespmem:s22+$0x110];
	v30 =	vmul.f32 v30, v1  }
0x33b: {  	p0 =	slt.u32 s12, $0x3C;
	v32 =	vld [tilespmem:s23+$0x50];
	[tilespmem:s10+$0x10] =	vst v34;
	v31 =	vmul.f32 v31, v4  }
0x33c: {  	v33 =	vld [tilespmem:s8+$0x150];
	[tilespmem:s2+$0xFFFFFF60] =	vst v30  }
0x33d: {  	v30 =	vld [tilespmem:s23+$0x60];
	[tilespmem:s2+$0xFFFFFFE0] =	vst v31  }
0x33e: {  	v31 =	vld [tilespmem:s8+$0x160]  }
0x33f: {  	v29 =	vadd.f32 v35, v29;
	v34 =	vld [tilespmem:s23+$0x70];
	v27 =	vadd.f32 v27, v36  }
0x340: {  	v35 =	vld [tilespmem:s8+$0x170]  }
0x341: {  	v29 =	vmax.f32 v29, $0.0e+00;
	v36 =	vld [tilespmem:$0xC220];
	v32 =	vadd.f32 v33, v32;
	v33 =	vmul.f32 v27, v17  }
0x342: {  	v29 =	vmul.f32 v29, v28;
	v27 =	vld [tilespmem:$0xC230]  }
0x343: {  	v32 =	vmax.f32 v32, $0.0e+00;
	v30 =	vadd.f32 v31, v30;
	[tilespmem:s10+$0xD0] =	vst v33;
	v31 =	vld [tilespmem:s10+$0xE0]  }
0x344: {  	v29 =	vadd.f32 $0.0e+00, v29;
	v32 =	vmul.f32 v32, v26;
	v33 =	vld [tilespmem:s22+$0x120]  }
0x345: {  	v37 =	vld [tilespmem:s8+$0xFFFFFF00];
	v30 =	vmax.f32 v30, $0.0e+00;
	v34 =	vadd.f32 v35, v34  }
0x346: {  	v35 =	vld [tilespmem:s23+$0xFFFFFFC0];
	v29 =	vadd.f32 v32, v29;
	v30 =	vmul.f32 v30, v36  }
0x347: {  	v32 =	vld [tilespmem:s8+$0xFFFFFFC0];
	v34 =	vmax.f32 v34, $0.0e+00  }
0x348: {  	v38 =	vld [tilespmem:s23+$0x0];
	v29 =	vadd.f32 v30, v29;
	v30 =	vmul.f32 v34, v27  }
0x349: {  	v34 =	vld [tilespmem:s8+$0x80];
	v31 =	vadd.f32 v33, v31  }
0x34a: {  	v33 =	vld [tilespmem:s23+$0xFFFFFF80];
	v29 =	vadd.f32 v30, v29  }
0x34b: {  	v30 =	vld [tilespmem:s23+$0xFFFFFF90];
	v31 =	vmul.f32 v31, v17  }
0x34c: {  	v39 =	vld [tilespmem:s8+$0xFFFFFF10];
	v32 =	vadd.f32 v32, v35;
	(xrf2) =	vadd.scan.msk.f32 $0xffff, v29  }
0x34d: {  	[tilespmem:s10+$0xE0] =	vst v31;
	v29 =	vld [tilespmem:s10+$0xF0]  }
0x34e: {  	v31 =	vmax.f32 v32, $0.0e+00;
	v32 =	vadd.f32 v34, v38;
	v34 =	vld [tilespmem:s22+$0x130]  }
0x34f: {  	v33 =	vadd.f32 v37, v33;
	v31 =	vmul.f32 v31, v28;
	v35 =	vld [tilespmem:s23+$0xFFFFFFD0]  }
0x350: {  	v37 =	vld [tilespmem:s8+$0xFFFFFFD0];
	v32 =	vmax.f32 v32, $0.0e+00  }
0x351: {  	v33 =	vmax.f32 v33, $0.0e+00;
	v30 =	vadd.f32 v39, v30;
	v32 =	vmul.f32 v32, v28;
	v38 =	vld [tilespmem:s23+$0x10]  }
0x352: {  	v31 =	vadd.f32 $0.0e+00, v31;
	v28 =	vmul.f32 v33, v28;
	v33 =	vld [tilespmem:s8+$0x90]  }
0x353: {  	v30 =	vmax.f32 v30, $0.0e+00;
	v39 =	vld [tilespmem:s23+$0xFFFFFFA0];
	v32 =	vadd.f32 $0.0e+00, v32;
	v29 =	vadd.f32 v34, v29  }
0x354: {  	v28 =	vadd.f32 $0.0e+00, v28;
	v40 =	vmul.f32 v30, v26;
	v34 =	vld [tilespmem:s8+$0xFFFFFF20]  }
0x355: {  	v35 =	vadd.f32 v37, v35;
	v37 =	vld [tilespmem:s23+$0xFFFFFFE0];
	v17 =	vmul.f32 v29, v17  }
0x356: {  	v28 =	vadd.f32 v40, v28;
	v29 =	vld [tilespmem:s8+$0xFFFFFFE0];
	v30, _, _ =	vpop (xrf2)  }
0x357: {  	v35 =	vmax.f32 v35, $0.0e+00;
	v33 =	vadd.f32 v33, v38;
	v38 =	vld [tilespmem:s23+$0x20];
	v30 =	vsub.f32 $0.0e+00, v30;
	[tilespmem:s10+$0xF0] =	vst v17  }
0x358: {  	v17 =	vmul.f32 v35, v26;
	v35 =	vld [tilespmem:s8+$0xA0]  }
0x359: {  	v34 =	vadd.f32 v34, v39;
	v39 =	vld [tilespmem:s23+$0xFFFFFFB0];
	v33 =	vmax.f32 v33, $0.0e+00;
	v30 =	vmul.f32 $1.442695020e+00, v30  }
0x35a: {  	v40 =	vld [tilespmem:s8+$0xFFFFFF30];
	v17 =	vadd.f32 v17, v31;
	v26 =	vmul.f32 v33, v26  }
0x35b: {  	v31 =	vmax.f32 v34, $0.0e+00;
	v29 =	vadd.f32 v29, v37;
	v33 =	vld [tilespmem:s23+$0xFFFFFFF0];
	v30 =	vbroadcast v30, $0xF  }
0x35c: {  	v31 =	vmul.f32 v31, v36;
	v34 =	vld [tilespmem:s8+$0xFFFFFFF0];
	v26 =	vadd.f32 v26, v32  }
0x35d: {  	v29 =	vmax.f32 v29, $0.0e+00;
	v32 =	vadd.f32 v35, v38;
	v35 =	vld [tilespmem:s23+$0x30];
	(erf) = vpow2.f32 v30  }
0x35e: {  	v28 =	vadd.f32 v31, v28;
	v29 =	vmul.f32 v29, v36;
	v30 =	vld [tilespmem:s8+$0xB0]  }
0x35f: {  	v31 =	vadd.f32 v40, v39;
	v37 =	vld [tilespmem:s8+$0xFFFFFE80];
	v32 =	vmax.f32 v32, $0.0e+00  }
0x360: {  	v17 =	vadd.f32 v29, v17;
	v38 =	vld [tilespmem:s8+$0xFFFFFF40];
	v29 =	vmul.f32 v32, v36  }
0x361: {  	v31 =	vmax.f32 v31, $0.0e+00;
	v32 =	vadd.f32 v34, v33;
	v36 =	vld [tilespmem:s8+$0x0]  }
0x362: {  	v31 =	vmul.f32 v31, v27;
	v26 =	vadd.f32 v29, v26;
	v29 =	vld [tilespmem:s22+$0xFFFFFEA0]  }
0x363: {  	v32 =	vmax.f32 v32, $0.0e+00;
	v30 =	vadd.f32 v30, v35;
	v33 =	vld [tilespmem:s22+$0xFFFFFF60]  }
0x364: {  	v35 =	vadd.f32 v31, v28;
	v31 =	vmul.f32 v32, v27;
	v32 =	vld [tilespmem:s22+$0x20]  }
0x365: {  	v30 =	vmax.f32 v30, $0.0e+00;
	v34 =	vld [tilespmem:s18+$0x60]  }
0x366: {  	v17 =	vadd.f32 v31, v17;
	v27 =	vmul.f32 v30, v27;
	(xrf2) =	vadd.scan.msk.f32 $0xffff, v35;
	v28 =	vpop (erf);
	v30 =	vld [tilespmem:s18+$0xFFFFFEF0]  }
0x367: {  	v28 =	vadd.f32 $1.000000000e+00, v28;
	v22 =	vadd.f32 v29, v22;
	v29 =	vld [tilespmem:s18+$0xFFFFFFB0]  }
0x368: {  	v27 =	vadd.f32 v27, v26;
	v31 =	vld [tilespmem:s10+$0xFFFFFF70];
	v23 =	vadd.f32 v33, v23  }
0x369: {  	(xrf2) =	vadd.scan.msk.f32 $0xffff, v17;
	(erf) = vrcp.f32 v28;
	v17 =	vmul.f32 v24, v22;
	v22 =	vld [tilespmem:s10+$0xFFFFFFF0];
	v25 =	vadd.f32 v32, v25  }
0x36a: {  	s10 =	sadd.s32 $0x200, s10;
	v23 =	vmul.f32 v20, v23;
	v26 =	vld [tilespmem:s20+$0x70];
	v28 =	vadd.f32 v34, v6;
	v6 =	vmov v21  }
0x36b: {  	v21 =	vld [tilespmem:s10+$0x80];
	[tilespmem:s20+$0xFFFFFF20] =	vst v17;
	v17 =	vmul.f32 v3, v25;
	v30 =	vadd.f32 v30, v8  }
0x36c: {  	v25 =	vld [tilespmem:s8+$0xC0];
	(xrf2) =	vadd.scan.msk.f32 $0xffff, v27;
	[tilespmem:s20+$0xFFFFFFA0] =	vst v23;
	v29 =	vadd.f32 v29, v9;
	v23 =	vmul.f32 v28, v0  }
0x36d: {  	v27 =	vld [tilespmem:s10+$0xFFFFFF00];
	[tilespmem:s20+$0x20] =	vst v17;
	v30 =	vmul.f32 v30, v1;
	v8 =	vmov v31;
	v1 =	vmov v24  }
0x36e: {  	v24 =	vld [tilespmem:s10+$0xFFFFFF80];
	v28 =	vmul.f32 v29, v4;
	[tilespmem:s2+$0x60] =	vst v23;
	v9 =	vmov v22;
	v4 =	vmov v20  }
0x36f: {  	v20 =	vld [tilespmem:s10+$0x0];
	[tilespmem:s2+$0xFFFFFF70] =	vst v30  }
0x370: {  	v29 =	vld [tilespmem:s10+$0xFFFFFF10];
	v17, _, _ =	vpop (xrf2);
	[tilespmem:s2+$0xFFFFFFF0] =	vst v28  }
0x371: {  	v22 =	vsub.f32 $0.0e+00, v17;
	v33 =	vld [tilespmem:s10+$0xFFFFFF90];
	v21 =	vadd.f32 v25, v21  }
0x372: {  	v27 =	vadd.f32 v37, v27;
	v34 =	vld [tilespmem:s10+$0x10];
	v17 =	vpop (erf)  }
0x373: {  	v32 =	vmul.f32 $1.442695020e+00, v22;
	v22 =	vld [tilespmem:s10+$0xFFFFFF20];
	v28 =	vadd.f32 v38, v24;
	v21 =	vmul.f32 v17, v21;
	v23, _, _ =	vpop (xrf2)  }
0x374: {  	v24 =	vsub.f32 $0.0e+00, v23;
	v23 =	vld [tilespmem:s10+$0xFFFFFFA0];
	v30 =	vadd.f32 v36, v20  }
0x375: {  	v20 =	vbroadcast v32, $0xF;
	[tilespmem:s10+$0x80] =	vst v21;
	v21 =	vld [tilespmem:s10+$0x90]  }
0x376: {  	v24 =	vmul.f32 $1.442695020e+00, v24;
	v31 =	vld [tilespmem:s8+$0xD0];
	v25, _, _ =	vpop (xrf2)  }
0x377: {  	v32 =	vsub.f32 $0.0e+00, v25;
	v25 =	vld [tilespmem:s10+$0x20];
	(erf) = vpow2.f32 v20  }
0x378: {  	v20 =	vbroadcast v24, $0xF;
	v24 =	vld [tilespmem:s22+$0xFFFFFEB0]  }
0x379: {  	v32 =	vmul.f32 $1.442695020e+00, v32;
	v35 =	vld [tilespmem:s22+$0xFFFFFF70]  }
0x37a: {  	(erf) = vpow2.f32 v20;
	v20 =	vld [tilespmem:s22+$0x30]  }
0x37b: {  	v36 =	vld [tilespmem:s10+$0xFFFFFF30];
	v32 =	vbroadcast v32, $0xF;
	v21 =	vadd.f32 v31, v21  }
0x37c: {  	v31 =	vld [tilespmem:s10+$0xFFFFFFB0]  }
0x37d: {  	v37 =	vld [tilespmem:s10+$0x30];
	v21 =	vmul.f32 v17, v21;
	(erf) = vpow2.f32 v32;
	v39 =	vadd.f32 v24, v16  }
0x37e: {  	v24 =	vld [tilespmem:s10+$0xFFFFFF40];
	v40 =	vadd.f32 v35, v18  }
0x37f: {  	[tilespmem:s10+$0x90] =	vst v21;
	v21 =	vld [tilespmem:s10+$0xA0];
	v32 =	vmul.f32 v39, v1;
	v39 =	vadd.f32 v20, v19  }
0x380: {  	v20 =	vld [tilespmem:s8+$0xE0];
	v35 =	vpop (erf);
	v38 =	vmul.f32 v4, v40;
	v16 =	vmov v36  }
0x381: {  	v40 =	vadd.f32 $1.000000000e+00, v35;
	v36 =	vld [tilespmem:s10+$0xFFFFFFC0];
	[tilespmem:s20+$0xFFFFFF30] =	vst v32;
	v32 =	vmul.f32 v3, v39;
	v18 =	vmov v31  }
0x382: {  	v31 =	vld [tilespmem:s22+$0xFFFFFEC0];
	[tilespmem:s20+$0xFFFFFFB0] =	vst v38;
	v19 =	vmov v37  }
0x383: {  	(erf) = vrcp.f32 v40;
	v35 =	vpop (erf);
	v37 =	vld [tilespmem:s22+$0xFFFFFF80];
	[tilespmem:s20+$0x30] =	vst v32  }
0x384: {  	v32 =	vadd.f32 $1.000000000e+00, v35;
	v35 =	vld [tilespmem:s22+$0x40]  }
0x385: {  	v38 =	vld [tilespmem:s10+$0x40];
	v20 =	vadd.f32 v20, v21  }
0x386: {  	v39 =	vld [tilespmem:s10+$0xFFFFFF50];
	(erf) = vrcp.f32 v32;
	v21 =	vpop (erf)  }
0x387: {  	v32 =	vld [tilespmem:s10+$0xFFFFFFD0];
	v21 =	vadd.f32 $1.000000000e+00, v21;
	v20 =	vmul.f32 v17, v20;
	v31 =	vadd.f32 v31, v11;
	v11 =	vmovc v24  }
0x388: {  	v40 =	vld [tilespmem:s10+$0x50];
	v24 =	vadd.f32 v37, v13;
	v13 =	vmov v36  }
0x389: {  	[tilespmem:s10+$0xA0] =	vst v20;
	v20 =	vld [tilespmem:s10+$0xB0];
	(erf) = vrcp.f32 v21;
	v21 =	vmul.f32 v31, v1;
	v31 =	vadd.f32 v35, v15  }
0x38a: {  	v36 =	vld [tilespmem:s8+$0xF0];
	v37 =	vmul.f32 v24, v4;
	v15 =	vmov v38  }
0x38b: {  	v35 =	vld [tilespmem:s10+$0xFFFFFF60];
	[tilespmem:s20+$0xFFFFFF40] =	vst v21;
	v21 =	vmul.f32 v31, v3  }
0x38c: {  	v24 =	vpop (erf);
	v31 =	vld [tilespmem:s22+$0xFFFFFED0];
	[tilespmem:s20+$0xFFFFFFC0] =	vst v37  }
0x38d: {  	v27 =	vmul.f32 v24, v27;
	v37 =	vld [tilespmem:s22+$0xFFFFFF90];
	[tilespmem:s20+$0x40] =	vst v21  }
0x38e: {  	v38 =	vld [tilespmem:s22+$0x50]  }
0x38f: {  	[tilespmem:s10+$0xFFFFFF00] =	vst v27;
	v27 =	vld [tilespmem:s10+$0xFFFFFFE0];
	v36 =	vadd.f32 v36, v20;
	v20 =	vpop (erf)  }
0x390: {  	v41 =	vld [tilespmem:s8+$0xFFFFFE90];
	v42 =	vmul.f32 v20, v28  }
0x391: {  	v21 =	vld [tilespmem:s10+$0x60];
	v36 =	vmul.f32 v17, v36;
	v31 =	vadd.f32 v31, v12;
	v12 =	vmov v39  }
0x392: {  	[tilespmem:s10+$0xFFFFFF80] =	vst v42;
	v28 =	vpop (erf);
	v37 =	vadd.f32 v37, v14;
	v42 =	vld [tilespmem:s18+$0x70];
	v14 =	vmov v32;
	s18 =	smov.u32 s22;
	s22 =	smov.u32 s8  }
0x393: {  	v30 =	vmul.f32 v28, v30;
	[tilespmem:s10+$0xB0] =	vst v36;
	v32 =	vld [tilespmem:s10+$0xC0];
	v31 =	vmul.f32 v31, v1;
	v38 =	vadd.f32 v38, v10  }
.Ltmp6:
0x394: {  	v10 =	vmov v40;
	v36 =	vld [tilespmem:s8+$0x100];
	v43 =	vmul.f32 v37, v4;
	(pc) =	sbr.rel @p0 .LBB2_6-.Ltmp6, $4  }
0x395: {  	v29 =	vadd.f32 v41, v29;
	v37 =	vld [tilespmem:s8+$0xFFFFFF50];
	[tilespmem:s10+$0x0] =	vst v30;
	v40 =	vmul.f32 v38, v3  }
0x396: {  	v38 =	vld [tilespmem:s8+$0x10];
	[tilespmem:s20+$0xFFFFFF50] =	vst v31  }
0x397: {  	v39 =	vmul.f32 v24, v29;
	v30 =	vld [tilespmem:s18+$0xFFFFFEE0];
	[tilespmem:s20+$0xFFFFFFD0] =	vst v43;
	v29 =	vadd.f32 v42, v7;
	v7 =	vmov v26  }
0x398: {  	v31 =	vld [tilespmem:s18+$0xFFFFFFA0];
	[tilespmem:s20+$0x50] =	vst v40  }
0x399: {  	_ = 	snop  }
0x39a: {  	v26 =	vadd.f32 v37, v33  }
0x39b: {  	v50 =	vadd.f32 v38, v34  }
0x39c: {  	v26 =	vmul.f32 v20, v26  }
0x39d: {  	[tilespmem:s10+$0xFFFFFF10] =	vst v39;
	v33 =	vmul.f32 v28, v50  }
0x39e: {  	v51 =	vld [tilespmem:s22+$0xFFFFFEA0];
	[tilespmem:s10+$0xFFFFFF90] =	vst v26  }
0x39f: {  	[tilespmem:s10+$0x10] =	vst v33;
	v52 =	vld [tilespmem:s22+$0xFFFFFF60]  }
0x3a0: {  	v53 =	vld [tilespmem:s22+$0x20];
	_ =	sdelay $0x2  }
0x3a1: {  	v22 =	vadd.f32 v51, v22  }
0x3a2: {  	v23 =	vadd.f32 v52, v23  }
0x3a3: {  	v22 =	vmul.f32 v24, v22;
	v25 =	vadd.f32 v53, v25  }
0x3a4: {  	v23 =	vmul.f32 v20, v23  }
0x3a5: {  	[tilespmem:s10+$0xFFFFFF20] =	vst v22;
	v54 =	vmul.f32 v28, v25  }
0x3a6: {  	v55 =	vld [tilespmem:s22+$0xFFFFFEB0];
	[tilespmem:s10+$0xFFFFFFA0] =	vst v23  }
0x3a7: {  	[tilespmem:s10+$0x20] =	vst v54;
	v56 =	vld [tilespmem:s22+$0xFFFFFF70]  }
0x3a8: {  	v57 =	vld [tilespmem:s22+$0x30];
	_ =	sdelay $0x2  }
0x3a9: {  	v16 =	vadd.f32 v55, v16  }
0x3aa: {  	v18 =	vadd.f32 v56, v18  }
0x3ab: {  	v16 =	vmul.f32 v16, v24;
	v19 =	vadd.f32 v57, v19  }
0x3ac: {  	v18 =	vmul.f32 v20, v18  }
0x3ad: {  	[tilespmem:s10+$0xFFFFFF30] =	vst v16;
	v60 =	vmul.f32 v28, v19  }
0x3ae: {  	v61 =	vld [tilespmem:s22+$0xFFFFFEC0];
	[tilespmem:s10+$0xFFFFFFB0] =	vst v18  }
0x3af: {  	v63 =	vld [tilespmem:s22+$0xFFFFFF80];
	[tilespmem:s10+$0x30] =	vst v60  }
0x3b0: {  	v16 =	vld [tilespmem:s22+$0x40];
	_ =	sdelay $0x1  }
0x3b1: {  	v58 =	vadd.f32 v36, v32  }
0x3b2: {  	v11 =	vadd.f32 v61, v11  }
0x3b3: {  	v62 =	vmul.f32 v58, v17;
	v13 =	vadd.f32 v63, v13  }
0x3b4: {  	v11 =	vmul.f32 v11, v24;
	v15 =	vadd.f32 v16, v15  }
0x3b5: {  	v59 =	vld [tilespmem:s10+$0xD0];
	[tilespmem:s10+$0xC0] =	vst v62;
	v13 =	vmul.f32 v13, v20  }
0x3b6: {  	v18 =	vld [tilespmem:s22+$0x110];
	[tilespmem:s10+$0xFFFFFF40] =	vst v11;
	v23 =	vmul.f32 v15, v28  }
0x3b7: {  	v25 =	vld [tilespmem:s22+$0xFFFFFED0];
	[tilespmem:s10+$0xFFFFFFC0] =	vst v13  }
0x3b8: {  	v36 =	vld [tilespmem:s22+$0xFFFFFF90];
	[tilespmem:s10+$0x40] =	vst v23  }
0x3b9: {  	v11 =	vld [tilespmem:s22+$0x50];
	_ =	sdelay $0x1  }
0x3ba: {  	v22 =	vadd.f32 v18, v59  }
0x3bb: {  	v12 =	vadd.f32 v25, v12  }
0x3bc: {  	v40 =	vld [tilespmem:s18+$0x60];
	v32 =	vmul.f32 v22, v17;
	v14 =	vadd.f32 v36, v14  }
0x3bd: {  	v45 =	vld [tilespmem:s10+$0xF0];
	v12 =	vmul.f32 v12, v24;
	v10 =	vadd.f32 v11, v10  }
0x3be: {  	v37 =	vld [tilespmem:s10+$0xE0];
	[tilespmem:s10+$0xD0] =	vst v32;
	v39 =	vmul.f32 v14, v20  }
0x3bf: {  	v38 =	vld [tilespmem:s22+$0x120];
	[tilespmem:s10+$0xFFFFFF50] =	vst v12;
	v10 =	vmul.f32 v10, v28  }
0x3c0: {  	v42 =	vld [tilespmem:s22+$0xFFFFFEE0];
	[tilespmem:s10+$0xFFFFFFD0] =	vst v39  }
0x3c1: {  	v2 =	vadd.f32 v30, v2;
	v11 =	vld [tilespmem:s22+$0xFFFFFFA0];
	[tilespmem:s10+$0x50] =	vst v10  }
0x3c2: {  	v6 =	vadd.f32 v40, v6;
	v44 =	vld [tilespmem:s22+$0x60]  }
0x3c3: {  	v34 =	vld [tilespmem:s10+$0x70];
	v5 =	vadd.f32 v31, v5;
	v2 =	vmul.f32 v2, v1  }
0x3c4: {  	v26 =	vld [tilespmem:s10+$0xFFFFFF70];
	v6 =	vmul.f32 v6, v3;
	v41 =	vadd.f32 v38, v37  }
0x3c5: {  	v33 =	vld [tilespmem:s10+$0xFFFFFFF0];
	v5 =	vmul.f32 v5, v4;
	[tilespmem:s20+$0xFFFFFF60] =	vst v2;
	v13 =	vadd.f32 v42, v35  }
0x3c6: {  	v47 =	vld [tilespmem:s18+$0xFFFFFEF0];
	[tilespmem:s20+$0x60] =	vst v6;
	v43 =	vmul.f32 v41, v17;
	v11 =	vadd.f32 v11, v27  }
0x3c7: {  	[tilespmem:s20+$0xFFFFFFE0] =	vst v5;
	v50 =	vld [tilespmem:s18+$0x70];
	v13 =	vmul.f32 v13, v24;
	v12 =	vadd.f32 v44, v21  }
0x3c8: {  	v48 =	vld [tilespmem:s18+$0xFFFFFFB0];
	[tilespmem:s10+$0xE0] =	vst v43;
	v49 =	vmul.f32 v11, v20  }
0x3c9: {  	v46 =	vld [tilespmem:s22+$0x130];
	[tilespmem:s10+$0xFFFFFF60] =	vst v13;
	v12 =	vmul.f32 v12, v28  }
0x3ca: {  	v51 =	vld [tilespmem:s22+$0xFFFFFEF0];
	[tilespmem:s10+$0xFFFFFFE0] =	vst v49  }
0x3cb: {  	v5 =	vadd.f32 v47, v8;
	v52 =	vld [tilespmem:s22+$0xFFFFFFB0];
	[tilespmem:s10+$0x60] =	vst v12  }
0x3cc: {  	v0 =	vmul.f32 v29, v0;
	v55 =	vadd.f32 v50, v7;
	v53 =	vld [tilespmem:s22+$0x70]  }
0x3cd: {  	v9 =	vadd.f32 v48, v9;
	v54 =	vmul.f32 v5, v1  }
0x3ce: {  	[tilespmem:s2+$0x70] =	vst v0;
	v58 =	vmul.f32 v55, v3;
	v2 =	vadd.f32 v46, v45  }
0x3cf: {  	[tilespmem:s20+$0xFFFFFF70] =	vst v54;
	v56 =	vmul.f32 v9, v4;
	v57 =	vadd.f32 v51, v26  }
0x3d0: {  	[tilespmem:s20+$0x70] =	vst v58;
	v2 =	vmul.f32 v2, v17;
	v59 =	vadd.f32 v52, v33  }
0x3d1: {  	[tilespmem:s20+$0xFFFFFFF0] =	vst v56;
	v60 =	vmul.f32 v57, v24;
	v61 =	vadd.f32 v53, v34  }
0x3d2: {  	[tilespmem:s10+$0xF0] =	vst v2;
	v62 =	vmul.f32 v59, v20  }
0x3d3: {  	[tilespmem:s10+$0xFFFFFF70] =	vst v60;
	v63 =	vmul.f32 v61, v28  }
0x3d4: {  	[tilespmem:s10+$0xFFFFFFF0] =	vst v62  }
.Ltmp7:
0x3d5: {  	[tilespmem:s10+$0x70] =	vst v63;
	(pc) =	sbr.rel .LBB2_8-.Ltmp7, $4  }
0x3d6: {  	[spmem:s1] =	stream.indirect.scatter.add.f32 [tilespmem:s30], [sflag:$0x3], $0x80, s29, s19, $0xb8;
	[tilespmem:$0x1FE40] =	vst v63  }
0x3d7: {  	_ =	swait.ge [sflag:s17], $0x2000  }
0x3d8: {  	[sflag:s17] =	ssyncset.done $0x0  }
0x3d9: {  	[sflag:s17] =	ssyncadd.s32 $0xFFFFE000  }
.LBB2_10:
0x3da: {  	_ =	sfence.sel $0x180000  }
0x3db: {  	[bflag:$0x0] =	sbarrier.arrive $0xFFFF  }
0x3dc: {  	_ =	strace $0x9000004A  }
0x3dd: {  	s0 =	stileid.u32;
	[bflag:$0x2] =	sbarrier.arrive $0xFFFF  }
0x3de: {  	p0 =	sne.s32 s0, $0x0;
	s0 =	rddreg [dreg:$0x2]  }
0x3df: {  	s0 =	sadd.s32 @!p0 $0x100000, s0  }
0x3e0: {  	[sflag:s0] =	ssyncadd.tile.s32 @!p0 $0x1;
	_ =	shalt  }
.Lfunc_end2:
_tile_overlayer_lowered:
.L_overlay_start_2:
0x3e1: {  	(tag) =	ssettag $0x2  }
0x3e2: {  	s0 =	rddreg [dreg:$0x0];
	s2 =	stileid.u32  }
0x3e3: {  	s1 =	rddreg [dreg:$0x1];
	p0 =	sne.s32 s2, $0x0  }
0x3e4: {  	s3 =	rddreg [dreg:$0x2];
	[bflag:$0x3] =	sbarrier.arrive $0xFFFF;
	s2 =	simm.s32 @!p0 $0x1C03  }
0x3e5: {  	[timem:s3], [sflag:s2] =	dma.local @!p0 [hbm:s0], s1  }
0x3e6: {  	s0 =	simm.s32 @!p0 $0x3  }
0x3e7: {  	_ =	swait.ge @!p0 [sflag:s0], s1  }
0x3e8: {  	s1 =	ssub.s32 @!p0 $0x0, s1;
	[sflag:s0] =	ssyncset.done @!p0 $0x0  }
0x3e9: {  	[sflag:s0] =	ssyncadd.s32 @!p0 s1  }
0x3ea: {  	[bflag:$0x3] =	sbarrier.arrive $0xFFFF  }
0x3eb: {  	_ =	shalt  }

// kernel: kernel.17.cloned.1.call-start
scs
__scs_entry_jumppad:
0x0: {  	(pc) =	sbr.rel $0x88, $3  }
0x1: {  	(tag) =	ssettag $0x0;
	lr =	simm.s32 $0x1  }
0x2: {  	[smem:$0x3F95] =	sst lr;
	_ =	strace $0xD0000000  }
0x3: {  	_ = 	snop  }
0x4: {  	_ = 	snop  }
0x5: {  	_ = 	snop  }
0x6: {  	_ = 	snop  }
0x7: {  	_ = 	snop  }
__scs_overlays_trampoline_lowered:
0x8: {  	[smem:$0x3FA4] =	sst s0  }
0x9: {  	[smem:$0x3FA5] =	sst s1  }
0xa: {  	[smem:$0x3FA6] =	sst s2  }
0xb: {  	[smem:$0x3FA7] =	sst s3  }
0xc: {  	[smem:$0x3FA8] =	sst s4  }
0xd: {  	[smem:$0x3FA9] =	sst s5  }
0xe: {  	[smem:$0x3FAA] =	sst s6  }
0xf: {  	[smem:$0x3FAB] =	sst s7  }
0x10: {  	[smem:$0x3FAC] =	sst s8  }
0x11: {  	[smem:$0x3FAD] =	sst s9;
	s0 =	simm.s32 @!p0 $0x0  }
0x12: {  	s1 =	sld [smem:$0x3F93];
	s0 =	simm.s32 @p0 $0x1  }
0x13: {  	[smem:$0x3FAE] =	sst s0;
	s0 =	simm.s32 @!p1 $0x0  }
0x14: {  	s2 =	sld [smem:$0x3F92];
	s0 =	simm.s32 @p1 $0x1  }
0x15: {  	[smem:$0x3FAF] =	sst s0;
	s0 =	simm.s32 @!p2 $0x0  }
0x16: {  	s3 =	sld [smem:$0x3FDB];
	s0 =	simm.s32 @p2 $0x1  }
0x17: {  	s4 =	simm.s32 $0x1BF5;
	[smem:$0x3FB1] =	sst s0  }
0x18: {  	s0 =	sld [smem:$0x3F94];
	_ =	swait.ge [sflag:s4], $0x0  }
0x19: {  	s7 =	sld [smem:$0x3F95]  }
0x1a: {  	s8 =	sadd.s32 $0xFFFFE003, lr  }
0x1b: {  	s9 =	sadd.s32 $0xFFFFFEF7, lr;
	s5 =	simm.s32 $0xFFFFFFFF;
	p2 =	slt.u32 s8, $0xFFFFF086  }
0x1c: {  	p1 =	slt.u32 s9, $0xF7A;
	s5 =	simm.s32 @!p2 $0x0  }
0x1d: {  	s5 =	simm.s32 @p1 $0x1;
	p0 =	seq.s32 s7, s2  }
0x1e: {  	s7 =	smul.u32 @!p0 $0xF7A, s2;
	p2 =	seq.s32 @!p0 s5, $0x0  }
0x1f: {  	s9 =	smul.u32 $0xF7A, s1;
	s8 =	simm.s32 @!p0 $0x1BF5;
	p2 =	por !p2, p0  }
0x20: {  	[sflag:s8] =	ssyncset.s32 @!p0 $0xFFFFF086;
	s6 =	sadd.s32 @!p0 s3, s7;
	s7 =	simm.s32 @!p0 $0x108  }
0x21: {  	s3 =	sadd.s32 s3, s9;
	s6 =	sadd.s32 @!p0 $0x88, s6;
	s7 =	simm.s32 @p2 $0x1082  }
0x22: {  	[simem:s7], [sflag:s8] =	dma.local @!p0 [hbm:s6], $0xF7A  }
0x23: {  	s9 =	sor.u32 $0xD0000000, s2;
	s6 =	simm.s32 $0x108;
	_ =	swait.ge @!p0 [sflag:s8], $0x0  }
0x24: {  	s3 =	sadd.s32 $0x88, s3;
	s6 =	simm.s32 @!p1 $0x1082;
	[sflag:s4] =	ssyncset.s32 $0xFFFFF086  }
0x25: {  	[simem:s6], [sflag:s4] =	dma.local [hbm:s3], $0xF7A  }
0x26: {  	[smem:$0x3F95] =	sst s1;
	(tag) =	ssettag s2;
	_ =	strace s9  }
0x27: {  	s1 =	sld [smem:$0x3FA5]  }
0x28: {  	s2 =	sld [smem:$0x3FA6]  }
0x29: {  	s4 =	sld [smem:$0x3FA8]  }
0x2a: {  	p0 =	seq.s32 s5, $0x0;
	s5 =	sld [smem:$0x3FA9]  }
0x2b: {  	s6 =	sld [smem:$0x3FAA]  }
0x2c: {  	s7 =	sld [smem:$0x3FAB]  }
0x2d: {  	s3 =	simm.s32 $0x108;
	s8 =	sld [smem:$0x3FAC]  }
0x2e: {  	s3 =	simm.s32 @!p0 $0x1082;
	s9 =	sld [smem:$0x3FAD]  }
0x2f: {  	lr =	sadd.s32 s0, s3;
	s0 =	sld [smem:$0x3FA4]  }
0x30: {  	s3 =	sld [smem:$0x3FA7]  }
0x31: {  	[smem:$0x3FB0] =	sst s10  }
0x32: {  	s10 =	sld [smem:$0x3FAE];
	_ =	sdelay $0x3  }
0x33: {  	p0 =	seq.s32 s10, $0x1;
	s10 =	sld [smem:$0x3FB0];
	_ =	sdelay $0x3  }
0x34: {  	[smem:$0x3FB0] =	sst s10  }
0x35: {  	s10 =	sld [smem:$0x3FAF];
	_ =	sdelay $0x3  }
0x36: {  	p1 =	seq.s32 s10, $0x1;
	s10 =	sld [smem:$0x3FB0];
	_ =	sdelay $0x3  }
0x37: {  	[smem:$0x3FB0] =	sst s10  }
0x38: {  	s10 =	sld [smem:$0x3FB1]  }
0x39: {  	_ = 	snop;
	(pc) =	sbr.ind lr, $3  }
0x3a: {  	_ = 	snop  }
0x3b: {  	_ = 	snop  }
0x3c: {  	p2 =	seq.s32 s10, $0x1;
	s10 =	sld [smem:$0x3FB0]  }
0x3d: {  	_ =	shalt  }
0x3e: {  	_ =	shalt  }
0x3f: {  	_ =	shalt  }
0x40: {  	_ =	shalt  }
0x41: {  	_ =	shalt  }
0x42: {  	_ =	shalt  }
0x43: {  	_ =	shalt  }
0x44: {  	_ =	shalt  }
0x45: {  	_ =	shalt  }
0x46: {  	_ =	shalt  }
0x47: {  	_ =	shalt  }
0x48: {  	_ =	shalt  }
0x49: {  	_ =	shalt  }
0x4a: {  	_ =	shalt  }
0x4b: {  	_ =	shalt  }
0x4c: {  	_ =	shalt  }
0x4d: {  	_ =	shalt  }
0x4e: {  	_ =	shalt  }
0x4f: {  	_ =	shalt  }
0x50: {  	_ =	shalt  }
0x51: {  	_ =	shalt  }
0x52: {  	_ =	shalt  }
0x53: {  	_ =	shalt  }
0x54: {  	_ =	shalt  }
0x55: {  	_ =	shalt  }
0x56: {  	_ =	shalt  }
0x57: {  	_ =	shalt  }
0x58: {  	_ =	shalt  }
0x59: {  	_ =	shalt  }
0x5a: {  	_ =	shalt  }
0x5b: {  	_ =	shalt  }
0x5c: {  	_ =	shalt  }
0x5d: {  	_ =	shalt  }
0x5e: {  	_ =	shalt  }
0x5f: {  	_ =	shalt  }
0x60: {  	_ =	shalt  }
0x61: {  	_ =	shalt  }
0x62: {  	_ =	shalt  }
0x63: {  	_ =	shalt  }
0x64: {  	_ =	shalt  }
0x65: {  	_ =	shalt  }
0x66: {  	_ =	shalt  }
0x67: {  	_ =	shalt  }
0x68: {  	_ =	shalt  }
0x69: {  	_ =	shalt  }
0x6a: {  	_ =	shalt  }
0x6b: {  	_ =	shalt  }
0x6c: {  	_ =	shalt  }
0x6d: {  	_ =	shalt  }
0x6e: {  	_ =	shalt  }
0x6f: {  	_ =	shalt  }
0x70: {  	_ =	shalt  }
0x71: {  	_ =	shalt  }
0x72: {  	_ =	shalt  }
0x73: {  	_ =	shalt  }
0x74: {  	_ =	shalt  }
0x75: {  	_ =	shalt  }
0x76: {  	_ =	shalt  }
0x77: {  	_ =	shalt  }
0x78: {  	_ =	shalt  }
0x79: {  	_ =	shalt  }
0x7a: {  	_ =	shalt  }
0x7b: {  	_ =	shalt  }
0x7c: {  	_ =	shalt  }
0x7d: {  	_ =	shalt  }
0x7e: {  	_ =	shalt  }
0x7f: {  	_ =	shalt  }
0x80: {  	_ =	shalt  }
0x81: {  	_ =	shalt  }
0x82: {  	_ =	shalt  }
0x83: {  	_ =	shalt  }
0x84: {  	_ =	shalt  }
0x85: {  	_ =	shalt  }
0x86: {  	_ =	shalt  }
0x87: {  	_ =	shalt  }
.Lfunc_end0:
.L_simem_size_0:
called_computation.2_lowered:
.L_overlay_start_0:
0x88: {  	s2 =	sld [smem:$0x3FD9]  }
0x89: {  	s3 =	sld [smem:$0x3FFE];
	_ =	sdelay $0x1  }
0x8a: {  	s1 =	srdreg.scid  }
0x8b: {  	s0 =	sand.u32 $0x1, s1  }
0x8c: {  	s17 =	sshll.u32 s0, $0xA;
	s2 =	sadd.s32 s3, s2  }
0x8d: {  	s2 =	sadd.s32 s2, s17  }
0x8e: {  	[smem:$0x3FBC] =	sst s2  }
0x8f: {  	_ = 	snop  }
0x90: {  	s2 =	sld [smem:$0x3FD0];
	(tm) =	ssettm $0x1  }
0x91: {  	s18 =	sld [smem:$0x3FFB];
	_ =	sdelay $0x3  }
0x92: {  	_ =	strace s18  }
0x93: {  	s3 =	sld [smem:$0x3FFC];
	_ =	sdelay $0x3  }
0x94: {  	_ =	strace s3  }
0x95: {  	s3 =	sld [smem:$0x3FFD];
	_ =	sdelay $0x3  }
0x96: {  	_ =	strace s3  }
0x97: {  	_ =	strace $0x8FFFFFFF  }
0x98: {  	s19 =	sld [smem:$0x3FDB];
	_ =	sdelay $0x1  }
0x99: {  	s4 =	simm.s32 $_scs_section_size  }
0x9a: {  	s5 =	simm.s32 $_size__tile_overlayer_lowered;
	s6 =	simm.s32 $_tile_overlayer_lowered  }
0x9b: {  	s22 =	simm.s32 $0x1BFF;
	s21 =	sshll.u32 s6, $0x1;
	s3 =	sadd.s32 s4, s19  }
0x9c: {  	s7 =	simm.s32 $0x0;
	s20 =	sshll.u32 s5, $0x1;
	s5 =	sadd.s32 s21, s3  }
0x9d: {  	[timem:s7], [sflag:s22] =	dma.local [hbm:s5], s20  }
0x9e: {  	_ =	swait.ge [sflag:s22], s20  }
0x9f: {  	s4 =	ssub.s32 $0x0, s20;
	[sflag:s22] =	ssyncset.done $0x0  }
0xa0: {  	[sflag:s22] =	ssyncadd.s32 s4;
	_ =	sdelay $0x1  }
0xa1: {  	s23 =	simm.s32 $0x1B8B  }
0xa2: {  	_ =	swait.ge [sflag:s23], $0x1  }
0xa3: {  	[sflag:s23] =	ssyncset.done $0x0  }
0xa4: {  	s25 =	simm.s32 $0x1B8E;
	s24 =	sld [smem:$0x3FFE];
	[sflag:s23] =	ssyncadd.s32 $0xFFFFFFFF  }
0xa5: {  	s26 =	simm.s32 $execute0_lowered;
	[smem:$0x3FD2] =	sst s25  }
0xa6: {  	s5 =	sshll.u32 s26, $0x1;
	_ =	strace $0x8000004C;
	[dreg:$0x1] =	wrdreg $0xFFFFFFFF  }
0xa7: {  	s28 =	simm.s32 $_size_execute0_lowered;
	s3 =	sadd.s32 s3, s5;
	[dreg:$0x0] =	wrdreg $0x0  }
0xa8: {  	s5 =	sshll.u32 s28, $0x1;
	[dreg:$0x2] =	wrdreg s3  }
0xa9: {  	[dreg:$0x3] =	wrdreg s5  }
0xaa: {  	[dreg:$0x4] =	wrdreg $0xC0  }
0xab: {  	_ =	task [dreg:s7], $0x5FFFF  }
0xac: {  	[dreg:$0x1] =	wrdreg $0xFFFFFFFF  }
0xad: {  	[dreg:$0x0] =	wrdreg $0x60  }
0xae: {  	[dreg:$0x2] =	wrdreg s24  }
0xaf: {  	[dreg:$0x3] =	wrdreg s2  }
0xb0: {  	[dreg:$0x4] =	wrdreg $0xC2400  }
0xb1: {  	[dreg:$0x5] =	wrdreg $0x9  }
0xb2: {  	_ =	task.clear_ibuf [dreg:s7], $0x6FFFF;
	_ =	strace $0x9000004C  }
0xb3: {  	s29 =	simm.s32 $0x9;
	_ =	strace $0x8000004E  }
0xb4: {  	_ =	swait.ge [sflag:s29], $0x1  }
0xb5: {  	[sflag:s29] =	ssyncadd.s32 $0xFFFFFFFF  }
0xb6: {  	_ =	strace $0x9000004E  }
0xb7: {  	_ =	sfence  }
0xb8: {  	s30 =	sld [smem:$0x0];
	_ =	sdelay $0x2  }
0xb9: {  	s31 =	sshll.u32 s1, $0xD;
	s1 =	sshrl.u32 s1, $0x2  }
0xba: {  	s3 =	sand.u32 $0x4000, s31;
	s1 =	sadd.s32 s1, s30  }
0xbb: {  	s0 =	sor.u32 s3, s0;
	s1 =	sshll.u32 s1, $0x11  }
0xbc: {  	s0 =	sor.u32 s1, s0  }
0xbd: {  	s0 =	sadd.s32 $0x8F2B, s0  }
0xbe: {  	[sflag:s0] =	ssyncadd.remote.s32 $0x1  }
0xbf: {  	_ =	sfence.sel $0xFFFF  }
0xc0: {  	[dreg:$0x0] =	wrdreg $0xFFFFFFFF;
	(pc) =	sbr.abs _section_cstart, $3  }
0xc1: {  	[dreg:$0x1] =	wrdreg $0xFFFFFFFF  }
0xc2: {  	_ =	task.clear_ibuf [dreg:s7], $0x2FFFF;
	_ =	strace $0x9FFFFFFF  }
0xc3: {  	(tm) =	ssettm $0x7FFFFFFF  }
tec
execute0_lowered:
.L_overlay_start_1:
0x0: {  	(tag) =	ssettag $0x1  }
0x1: {  	s0 =	rddreg [dreg:$0x0]  }
0x2: {  	s2 =	rddreg [dreg:$0x2];
	s4 =	simm.s32 $0x0  }
0x3: {  	s14 =	stileid.u32;
	s1 =	srdreg.scid;
	s17 =	simm.s32 $0x3  }
0x4: {  	s19 =	simm.s32 $0x40;
	s28 =	simm.s32 $0x2;
	s29 =	simm.s32 $0x1C0  }
0x5: {  	s30 =	simm.s32 $0xA200;
	s31 =	simm.s32 $0x0;
	[smem:$0x7FF] =	sst s4  }
0x6: {  	s5 =	sadd.s32 $0x1E2A00, s0;
	s3 =	smul.u32 $0x13C00, s14;
	s6 =	sadd.s32 $0x4C00, s0  }
0x7: {  	s1 =	sand.u32 $0x1, s1;
	s7 =	sadd.s32 $0x13BE00, s0;
	s8 =	sadd.s32 $0x231A00, s0  }
0x8: {  	s11 =	sshll.u32 s14, $0x1;
	s24 =	sshll.u32 s14, $0x6;
	_ =	strace $0x8000004D  }
0x9: {  	s9 =	smul.u32 $0x13C000, s1;
	s12 =	ssub.s32 $0x2, s1;
	s1 =	sor.u32 s1, s11  }
0xa: {  	s11 =	sor.u32 $0x1C03, s24;
	s24 =	simm.s32 $0x1;
	s10 =	sshrl.u32 s3, $0x3  }
0xb: {  	s13 =	sshrl.u32 s12, $0x1;
	s9 =	sadd.s32 s3, s9;
	s22 =	sadd.s32 s10, s0  }
0xc: {  	s23 =	ssub.s32 s12, s13;
	s21 =	sshrl.u32 s9, $0x3;
	s9 =	smul.u32 $0x9D00, s1  }
.Ltmp0:
0xd: {  	s3 =	sadd.s32 s3, s2;
	s1 =	sadd.s32 $0x569600, s22;
	(pc) =	sbr.rel .LBB2_1-.Ltmp0, $4  }
0xe: {  	s15 =	smax.u32 s23, $0x1;
	s16 =	sshrl.u32 s3, $0x3;
	s0 =	sadd.s32 s21, s0  }
0xf: {  	[dreg:$0x4] =	wrdreg s1;
	s21 =	simm.s32 $0x8200;
	s25 =	sshrl.u32 s9, $0x3  }
0x10: {  	s13 =	sadd.s32 $0x200, s9;
	s14 =	sadd.s32 $0x2C000, s0;
	s26 =	sadd.s32 s6, s25  }
0x11: {  	s25 =	simm.s32 $0xC0;
	[dreg:$0x5] =	wrdreg s26;
	s26 =	simm.s32 $0x4  }
.LBB2_9:
0x12: {  	s31 =	sadd.s32 $0x1, s31  }
0x13: {  	p0 =	sne.s32 s31, s15  }
.Ltmp1:
0x14: {  	[bflag:$0x0] =	sbarrier.arrive $0xFFFF;
	(pc) =	sbr.rel @!p0 .LBB2_10-.Ltmp1, $4  }
0x15: {  	[hbm:s14], [sflag:s11] =	dma.local [spmem:s16], $0x2780  }
0x16: {  	_ =	swait.ge [sflag:s17], $0x2780  }
0x17: {  	[sflag:s17] =	ssyncset.done $0x0  }
0x18: {  	[sflag:s17] =	ssyncadd.s32 $0xFFFFD880  }
.LBB2_1:
0x19: {  	s0 =	rddreg [dreg:$0x4]  }
0x1a: {  	[spmem:s16], [sflag:s11] =	dma.local [hbm:s0], $0x2780  }
0x1b: {  	_ =	swait.ge [sflag:s17], $0x2780  }
0x1c: {  	[sflag:s17] =	ssyncset.done $0x0  }
0x1d: {  	[sflag:s17] =	ssyncadd.s32 $0xFFFFD880  }
0x1e: {  	s1 =	simm.s32 $0xC200;
	s12 =	rddreg [dreg:$0x1]  }
0x1f: {  	[tilespmem:s1], [sflag:$0x3] =	stream.linear.gather [hbm4b:s12+s4], $0x40, $0x38;
	[tilespmem:$0x1FE40] =	vst v63  }
0x20: {  	_ =	swait.ge [sflag:s17], $0x40  }
0x21: {  	[sflag:s17] =	ssyncset.done $0x0  }
0x22: {  	[sflag:s17] =	ssyncadd.s32 $0xFFFFFFC0  }
0x23: {  	[bflag:$0x0] =	sbarrier.arrive $0xFFFF  }
0x24: {  	s18 =	rddreg [dreg:$0x5]  }
0x25: {  	[tilespmem:s4], [sflag:$0x3] =	stream.linear.gather [hbm4b:s18+s4], $0x100, $0x38;
	[tilespmem:$0x1FE40] =	vst v63  }
0x26: {  	_ =	swait.ge [sflag:s17], $0x100  }
0x27: {  	[sflag:s17] =	ssyncset.done $0x0  }
0x28: {  	s20 =	simm.s32 $0x200;
	[sflag:s17] =	ssyncadd.s32 $0xFFFFFF00  }
0x29: {  	[tilespmem:s20], [sflag:$0x1] =	stream.indirect.gather [hbm4b:s8+s19], $0x40, s4, s19, $0xb8;
	[tilespmem:$0x1FE40] =	vst v63  }
.Ltmp2:
0x2a: {  	_ = 	snop;
	(pc) =	sbr.rel .LBB2_2-.Ltmp2, $4  }
0x2b: {  	_ = 	snop  }
0x2c: {  	[tilespmem:s21], [sflag:$0x1] =	stream.indirect.gather [hbm4b:s7+s19], $0x80, s19, s19, $0xb8;
	[tilespmem:$0x1FE40] =	vst v63  }
0x2d: {  	s22 =	simm.s32 $0x80;
	s23 =	simm.s32 $0x2200;
	s0 =	simm.s32 $0x0  }
0x2e: {  	[tilespmem:s23], [sflag:$0x1] =	stream.indirect.gather [hbm4b:s5+s19], $0xC0, s22, s19, $0xb8;
	[tilespmem:$0x1FE40] =	vst v63  }
.LBB2_8:
0x2f: {  	s0 =	sadd.s32 $0x1, s0  }
0x30: {  	p0 =	sne.s32 s0, $0x4F  }
.Ltmp3:
0x31: {  	_ = 	snop;
	(pc) =	sbr.rel @!p0 .LBB2_9-.Ltmp3, $1  }
0x32: {  	_ =	sdelay $0x3  }
.LBB2_2:
0x33: {  	s1 =	sshllo.u32 s0, $0x1  }
0x34: {  	p0 =	sgt.u32 s1, $0x9C  }
0x35: {  	s1 =	sshll.u32 @!p0 s1, $0x8  }
0x36: {  	s1 =	sadd.s32 @!p0 s9, s1  }
0x37: {  	s1 =	sshrl.u32 @!p0 s1, $0x3  }
0x38: {  	s3 =	simm.s32 @!p0 $0x0;
	s10 =	simm.s32 @!p0 $0x100;
	s1 =	sadd.s32 @!p0 s6, s1  }
0x39: {  	[tilespmem:s10], [sflag:$0x4] =	stream.linear.gather @!p0 [hbm4b:s1+s3], $0x100, $0x38;
	[tilespmem:$0x1FE40] =	vst v63  }
0x3a: {  	s1 =	simm.s32 @!p0 $0x4  }
0x3b: {  	_ =	swait.ge @!p0 [sflag:s1], $0x100  }
0x3c: {  	[sflag:s1] =	ssyncset.done @!p0 $0x0  }
0x3d: {  	s3 =	simm.s32 @!p0 $0x1200;
	[sflag:s1] =	ssyncadd.s32 @!p0 $0xFFFFFF00;
	s1 =	simm.s32 @!p0 $0x40  }
0x3e: {  	[tilespmem:s3], [sflag:$0x2] =	stream.indirect.gather @!p0 [hbm4b:s8+s1], $0x40, s10, s1, $0xb8;
	[tilespmem:$0x1FE40] =	vst v63  }
0x3f: {  	s3 =	simm.s32 @!p0 $0x140;
	s10 =	simm.s32 @!p0 $0xA200  }
0x40: {  	[tilespmem:s10], [sflag:$0x2] =	stream.indirect.gather @!p0 [hbm4b:s7+s1], $0x80, s3, s1, $0xb8;
	[tilespmem:$0x1FE40] =	vst v63  }
0x41: {  	s3 =	simm.s32 @!p0 $0x180;
	s10 =	simm.s32 @!p0 $0x5200  }
0x42: {  	[tilespmem:s10], [sflag:$0x2] =	stream.indirect.gather @!p0 [hbm4b:s5+s1], $0xC0, s3, s1, $0xb8;
	[tilespmem:$0x1FE40] =	vst v63  }
0x43: {  	_ =	swait.ge [sflag:s24], $0x1000  }
0x44: {  	[sflag:s24] =	ssyncset.done $0x0  }
0x45: {  	[sflag:s24] =	ssyncadd.s32 $0xFFFFF000  }
0x46: {  	_ =	swait.ge [sflag:s24], $0x2000  }
0x47: {  	[sflag:s24] =	ssyncset.done $0x0  }
0x48: {  	[sflag:s24] =	ssyncadd.s32 $0xFFFFE000  }
0x49: {  	_ =	swait.ge [sflag:s24], $0x3000  }
0x4a: {  	[sflag:s24] =	ssyncset.done $0x0  }
0x4b: {  	[sflag:s24] =	ssyncadd.s32 $0xFFFFD000  }
0x4c: {  	v0 =	vld [tilespmem:$0xC210]  }
0x4d: {  	s22 =	simm.s32 $0x280;
	v1 =	vld [tilespmem:$0xC200]  }
0x4e: {  	s20 =	simm.s32 $0x2380;
	v2 =	vld [tilespmem:s22+$0x40]  }
0x4f: {  	v3 =	vld [tilespmem:s20+$0x140]  }
0x50: {  	v4 =	vld [tilespmem:s22+$0x50]  }
0x51: {  	v5 =	vld [tilespmem:s20+$0x150]  }
0x52: {  	v6 =	vld [tilespmem:s22+$0x60]  }
0x53: {  	v7 =	vld [tilespmem:s20+$0x160]  }
0x54: {  	v8 =	vld [tilespmem:s20+$0x170];
	v2 =	vadd.f32 v3, v2  }
0x55: {  	v3 =	vld [tilespmem:s22+$0x70]  }
0x56: {  	v9 =	vld [tilespmem:$0xC220];
	v4 =	vadd.f32 v5, v4;
	v2 =	vmax.f32 v2, $0.0e+00  }
0x57: {  	v2 =	vmul.f32 v2, v1  }
0x58: {  	v5 =	vld [tilespmem:$0xC230];
	v6 =	vadd.f32 v7, v6;
	v4 =	vmax.f32 v4, $0.0e+00  }
0x59: {  	v4 =	vmul.f32 v4, v0;
	v2 =	vadd.f32 $0.0e+00, v2  }
0x5a: {  	v6 =	vmax.f32 v6, $0.0e+00;
	v3 =	vadd.f32 v8, v3  }
0x5b: {  	v2 =	vadd.f32 v4, v2;
	v4 =	vmul.f32 v6, v9  }
0x5c: {  	v3 =	vmax.f32 v3, $0.0e+00  }
0x5d: {  	v3 =	vmul.f32 v3, v5;
	v2 =	vadd.f32 v4, v2;
	_ =	sdelay $0x1  }
0x5e: {  	v2 =	vadd.f32 v3, v2;
	_ =	sdelay $0x1  }
0x5f: {  	(xrf2) =	vadd.scan.msk.f32 $0xffff, v2;
	_ =	sdelay $0x9  }
0x60: {  	v2, _, _ =	vpop (xrf2)  }
0x61: {  	v2 =	vsub.f32 $0.0e+00, v2;
	_ =	sdelay $0x1  }
0x62: {  	v2 =	vmul.f32 $1.442695020e+00, v2;
	_ =	sdelay $0x1  }
0x63: {  	v11 =	vld [tilespmem:s22+$0xFFFFFF90];
	v2 =	vbroadcast v2, $0xF  }
0x64: {  	v12 =	vld [tilespmem:s20+$0xFFFFFF10]  }
0x65: {  	v13 =	vld [tilespmem:s22+$0xFFFFFFD0];
	(erf) = vpow2.f32 v2  }
0x66: {  	v14 =	vld [tilespmem:s20+$0xFFFFFFD0]  }
0x67: {  	v15 =	vld [tilespmem:s22+$0x10]  }
0x68: {  	v16 =	vld [tilespmem:s20+$0x90]  }
0x69: {  	v17 =	vld [tilespmem:s20+$0xC0]  }
0x6a: {  	v18 =	vld [tilespmem:s22+$0xFFFFFFA0]  }
0x6b: {  	v19 =	vld [tilespmem:s20+$0xFFFFFF20]  }
0x6c: {  	v20 =	vld [tilespmem:s22+$0xFFFFFFE0]  }
0x6d: {  	v21 =	vld [tilespmem:s20+$0xFFFFFFE0]  }
0x6e: {  	v7 =	vld [tilespmem:s20+$0x80];
	v10 =	vpop (erf)  }
0x6f: {  	v8 =	vld [tilespmem:s22+$0xFFFFFF80];
	v10 =	vadd.f32 $1.000000000e+00, v10  }
0x70: {  	v6 =	vld [tilespmem:s22+$0x0]  }
0x71: {  	v4 =	vld [tilespmem:s20+$0xFFFFFFC0];
	(erf) = vrcp.f32 v10  }
0x72: {  	v3 =	vld [tilespmem:s22+$0xFFFFFFC0]  }
0x73: {  	s3 =	simm.s32 $0x8300;
	v2 =	vld [tilespmem:s20+$0xFFFFFF00]  }
0x74: {  	v10 =	vld [tilespmem:s3+$0x80]  }
0x75: {  	v27 =	vld [tilespmem:s3+$0xFFFFFF10]  }
0x76: {  	v22 =	vld [tilespmem:s3+$0xFFFFFF90]  }
0x77: {  	v11 =	vadd.f32 v12, v11;
	v12 =	vld [tilespmem:s20+$0xFFFFFF30];
	v13 =	vadd.f32 v14, v13  }
0x78: {  	v6 =	vadd.f32 v7, v6;
	v7 =	vld [tilespmem:s22+$0xFFFFFFB0];
	v3 =	vadd.f32 v4, v3  }
0x79: {  	v14 =	vld [tilespmem:s22+$0xFFFFFFF0];
	v2 =	vadd.f32 v2, v8;
	v17 =	vadd.f32 v17, v10  }
0x7a: {  	v15 =	vadd.f32 v16, v15;
	v6 =	vmax.f32 v6, $0.0e+00;
	v4 =	vld [tilespmem:s20+$0xA0];
	v3 =	vmax.f32 v3, $0.0e+00;
	v10 =	vpop (erf)  }
0x7b: {  	v3 =	vmul.f32 v3, v1;
	v8 =	vld [tilespmem:s22+$0x20];
	v2 =	vmax.f32 v2, $0.0e+00;
	v17 =	vmul.f32 v10, v17  }
0x7c: {  	v2 =	vmul.f32 v2, v1;
	v1 =	vmul.f32 v6, v1;
	v6 =	vmax.f32 v11, $0.0e+00;
	v11 =	vld [tilespmem:s3+$0x90]  }
0x7d: {  	v7 =	vadd.f32 v12, v7;
	[tilespmem:s3+$0x80] =	vst v17;
	v17 =	vadd.f32 v19, v18;
	v18 =	vld [tilespmem:s20+$0xFFFFFFF0]  }
0x7e: {  	v13 =	vmax.f32 v13, $0.0e+00;
	v6 =	vmul.f32 v6, v0;
	v2 =	vadd.f32 $0.0e+00, v2;
	v16 =	vld [tilespmem:s20+$0xD0]  }
0x7f: {  	v25 =	vld [tilespmem:s3+$0x10];
	v13 =	vmul.f32 v13, v0;
	v7 =	vmax.f32 v7, $0.0e+00;
	v3 =	vadd.f32 $0.0e+00, v3  }
0x80: {  	s1 =	simm.s32 $0x2680;
	v26 =	vld [tilespmem:$0xC200];
	v2 =	vadd.f32 v6, v2;
	v6 =	vmax.f32 v15, $0.0e+00;
	v15 =	vadd.f32 v21, v20  }
0x81: {  	v24 =	vld [tilespmem:s1+$0x150];
	v3 =	vadd.f32 v13, v3;
	v4 =	vadd.f32 v4, v8;
	v13 =	vmax.f32 v17, $0.0e+00  }
0x82: {  	v0 =	vmul.f32 v6, v0;
	v12 =	vmax.f32 v15, $0.0e+00;
	v17 =	vld [tilespmem:s22+$0x30];
	v6 =	vmul.f32 v13, v9  }
0x83: {  	s23 =	simm.s32 $0x380;
	v13 =	vld [tilespmem:s20+$0xB0];
	v8 =	vadd.f32 v16, v11;
	v11 =	vmul.f32 v12, v9;
	v12 =	vadd.f32 v18, v14  }
0x84: {  	v28 =	vld [tilespmem:s23+$0x60];
	v1 =	vadd.f32 $0.0e+00, v1;
	v2 =	vadd.f32 v6, v2;
	v6 =	vmul.f32 v7, v5  }
0x85: {  	v29 =	vld [tilespmem:s1+$0x160];
	v4 =	vmax.f32 v4, $0.0e+00;
	v7 =	vmul.f32 v10, v8;
	v8 =	vmax.f32 v12, $0.0e+00  }
0x86: {  	v32 =	vld [tilespmem:s23+$0xFFFFFFC0];
	v2 =	vadd.f32 v6, v2;
	v3 =	vadd.f32 v11, v3;
	v6 =	vmul.f32 v8, v5  }
0x87: {  	v0 =	vadd.f32 v0, v1;
	v1 =	vmul.f32 v4, v9;
	v4 =	vld [tilespmem:s3+$0xA0];
	[tilespmem:s3+$0x90] =	vst v7  }
0x88: {  	v11 =	vadd.f32 v13, v17;
	(xrf2) =	vadd.scan.msk.f32 $0xffff, v2;
	v3 =	vadd.f32 v6, v3;
	v2 =	vld [tilespmem:s20+$0xE0]  }
0x89: {  	v33 =	vld [tilespmem:s1+$0xFFFFFFC0]  }
0x8a: {  	v34 =	vld [tilespmem:s23+$0x0];
	v7 =	vmax.f32 v11, $0.0e+00;
	(xrf2) =	vadd.scan.msk.f32 $0xffff, v3  }
0x8b: {  	v35 =	vld [tilespmem:s1+$0x80];
	v0 =	vadd.f32 v1, v0;
	v1 =	vmul.f32 v7, v5  }
0x8c: {  	v36 =	vld [tilespmem:s23+$0xFFFFFF80]  }
0x8d: {  	v37 =	vld [tilespmem:s23+$0xFFFFFF90];
	v0 =	vadd.f32 v1, v0;
	v1 =	vadd.f32 v2, v4  }
0x8e: {  	v38 =	vld [tilespmem:s1+$0xFFFFFF10]  }
0x8f: {  	v40 =	vld [tilespmem:s23+$0xFFFFFFD0];
	(xrf2) =	vadd.scan.msk.f32 $0xffff, v0;
	v1 =	vmul.f32 v10, v1  }
0x90: {  	v41 =	vld [tilespmem:s1+$0xFFFFFFD0]  }
0x91: {  	v42 =	vld [tilespmem:s23+$0x10]  }
0x92: {  	v43 =	vld [tilespmem:s1+$0x90]  }
0x93: {  	v55 =	vld [tilespmem:s23+$0xFFFFFFA0];
	[tilespmem:s3+$0xA0] =	vst v1;
	v1, _, _ =	vpop (xrf2)  }
0x94: {  	v44 =	vld [tilespmem:s1+$0xFFFFFF20];
	v4, _, _ =	vpop (xrf2)  }
0x95: {  	v45 =	vld [tilespmem:s23+$0xFFFFFFE0];
	v1 =	vsub.f32 $0.0e+00, v1;
	v4 =	vsub.f32 $0.0e+00, v4  }
0x96: {  	v46 =	vld [tilespmem:s1+$0xFFFFFFE0]  }
0x97: {  	v47 =	vld [tilespmem:s23+$0x20];
	v1 =	vmul.f32 $1.442695020e+00, v1  }
0x98: {  	v2 =	vld [tilespmem:s3+$0xB0]  }
0x99: {  	v3 =	vld [tilespmem:s20+$0xF0];
	v5 =	vmul.f32 $1.442695020e+00, v4;
	v1 =	vbroadcast v1, $0xF;
	v4, _, _ =	vpop (xrf2)  }
0x9a: {  	v56 =	vld [tilespmem:s23+$0xFFFFFFB0];
	v6 =	vsub.f32 $0.0e+00, v4  }
0x9b: {  	v48 =	vld [tilespmem:s1+$0xFFFFFF30];
	v16 =	vbroadcast v5, $0xF;
	(erf) = vpow2.f32 v1  }
0x9c: {  	v57 =	vld [tilespmem:s1+$0xA0];
	v6 =	vmul.f32 $1.442695020e+00, v6  }
0x9d: {  	v49 =	vld [tilespmem:s23+$0xFFFFFFF0];
	(erf) = vpow2.f32 v16  }
0x9e: {  	v59 =	vld [tilespmem:s1+$0xFFFFFFF0];
	v2 =	vadd.f32 v3, v2;
	v6 =	vbroadcast v6, $0xF  }
0x9f: {  	v50 =	vld [tilespmem:s23+$0x30]  }
0xa0: {  	v19 =	vld [tilespmem:s1+$0x140];
	v17 =	vmul.f32 v10, v2;
	(erf) = vpow2.f32 v6  }
0xa1: {  	v18 =	vld [tilespmem:s23+$0x40]  }
0xa2: {  	[tilespmem:s3+$0xB0] =	vst v17;
	v17 =	vld [tilespmem:s3+$0xC0]  }
0xa3: {  	v6 =	vld [tilespmem:s20+$0x100]  }
0xa4: {  	v21 =	vld [tilespmem:s23+$0x50];
	v20 =	vpop (erf)  }
0xa5: {  	v9 =	vld [tilespmem:s3+$0xFFFFFF80];
	v20 =	vadd.f32 $1.000000000e+00, v20  }
0xa6: {  	v7 =	vld [tilespmem:s20+$0xFFFFFE80];
	v23 =	vpop (erf)  }
0xa7: {  	v16 =	vld [tilespmem:$0xC210];
	(erf) = vrcp.f32 v20;
	v20 =	vadd.f32 $1.000000000e+00, v23  }
0xa8: {  	v6 =	vadd.f32 v6, v17;
	v17 =	vadd.f32 v19, v18;
	v18 =	vld [tilespmem:s23+$0x70]  }
0xa9: {  	(erf) = vrcp.f32 v20;
	v20 =	vld [tilespmem:s1+$0x170];
	v23 =	vpop (erf)  }
0xaa: {  	v21 =	vadd.f32 v24, v21;
	v6 =	vmul.f32 v6, v10;
	v19 =	vadd.f32 $1.000000000e+00, v23;
	v23 =	vld [tilespmem:$0xC220]  }
0xab: {  	v0 =	vld [tilespmem:s3+$0xFFFFFF00];
	v17 =	vmax.f32 v17, $0.0e+00  }
0xac: {  	v8 =	vld [tilespmem:s20+$0xFFFFFF40];
	v17 =	vmul.f32 v17, v26;
	[tilespmem:s3+$0xC0] =	vst v6;
	v6 =	vmax.f32 v21, $0.0e+00;
	v21 =	vadd.f32 v29, v28  }
0xad: {  	(erf) = vrcp.f32 v19;
	v19 =	vld [tilespmem:$0xC230]  }
0xae: {  	v24 =	vld [tilespmem:s3+$0xD0];
	v17 =	vadd.f32 $0.0e+00, v17;
	v29 =	vmul.f32 v6, v16;
	v21 =	vmax.f32 v21, $0.0e+00  }
0xaf: {  	v28 =	vld [tilespmem:s20+$0x110];
	v30 =	vadd.f32 v20, v18;
	v21 =	vmul.f32 v21, v23  }
0xb0: {  	v51 =	vld [tilespmem:s1+$0xB0];
	v0 =	vadd.f32 v7, v0;
	v7 =	vadd.f32 v29, v17  }
0xb1: {  	v14 =	vld [tilespmem:s3+$0x0];
	v29 =	vadd.f32 v8, v9;
	v20 =	vpop (erf);
	v8 =	vmax.f32 v30, $0.0e+00  }
0xb2: {  	v12 =	vld [tilespmem:s20+$0x0];
	v0 =	vmul.f32 v20, v0;
	v30 =	vadd.f32 v21, v7;
	v31 =	vmul.f32 v8, v19  }
0xb3: {  	v61 =	vld [tilespmem:s1+$0xC0];
	v21 =	vpop (erf)  }
0xb4: {  	v62 =	vld [tilespmem:s1+$0xFFFFFE80];
	v24 =	vadd.f32 v28, v24;
	[tilespmem:s3+$0xFFFFFF00] =	vst v0;
	v28 =	vadd.f32 v31, v30;
	v0 =	vmul.f32 v21, v29  }
0xb5: {  	v35 =	vadd.f32 v35, v34;
	v34 =	vld [tilespmem:s1+$0xFFFFFF40]  }
0xb6: {  	v15 =	vld [tilespmem:s3+$0xFFFFFF20];
	(xrf2) =	vadd.scan.msk.f32 $0xffff, v28  }
0xb7: {  	v13 =	vld [tilespmem:s3+$0xFFFFFFA0];
	v12 =	vadd.f32 v12, v14  }
0xb8: {  	v11 =	vld [tilespmem:s3+$0x20];
	v14 =	vmul.f32 v24, v10;
	[tilespmem:s3+$0xFFFFFF80] =	vst v0;
	v0 =	vpop (erf)  }
0xb9: {  	v3 =	vld [tilespmem:s3+$0x30];
	v12 =	vmul.f32 v0, v12  }
0xba: {  	[tilespmem:s3+$0xD0] =	vst v14;
	v14 =	vld [tilespmem:s3+$0xE0]  }
0xbb: {  	[tilespmem:s3+$0x0] =	vst v12;
	v12 =	vld [tilespmem:s20+$0x120]  }
0xbc: {  	v5 =	vld [tilespmem:s3+$0xFFFFFFB0]  }
0xbd: {  	v2 =	vld [tilespmem:s3+$0xFFFFFFC0]  }
0xbe: {  	v52 =	vadd.f32 v51, v50;
	v4 =	vld [tilespmem:s3+$0xFFFFFF30]  }
0xbf: {  	v1 =	vld [tilespmem:s3+$0xFFFFFF40];
	s23 =	simm.s32 $0x2980  }
0xc0: {  	v53 =	vmax.f32 v52, $0.0e+00;
	v52 =	vld [tilespmem:s23+$0x150];
	v12 =	vadd.f32 v12, v14;
	v14, _, _ =	vpop (xrf2)  }
0xc1: {  	v31 =	vld [tilespmem:s1+$0xFFFFFF00];
	v14 =	vsub.f32 $0.0e+00, v14  }
0xc2: {  	v51 =	vld [tilespmem:s23+$0xFFFFFFC0]  }
0xc3: {  	v29 =	vld [tilespmem:s20+$0xFFFFFE90];
	v39 =	vmul.f32 $1.442695020e+00, v14  }
0xc4: {  	v6 =	vld [tilespmem:s3+$0x40]  }
0xc5: {  	v17 =	vld [tilespmem:s3+$0xFFFFFFD0];
	v39 =	vbroadcast v39, $0xF  }
0xc6: {  	v28 =	vld [tilespmem:s20+$0xFFFFFF50];
	v31 =	vadd.f32 v31, v36  }
0xc7: {  	v9 =	vld [tilespmem:s3+$0x50];
	(erf) = vpow2.f32 v39  }
0xc8: {  	v18 =	vld [tilespmem:s3+$0xFFFFFF50];
	v27 =	vadd.f32 v29, v27;
	v29 =	vmax.f32 v31, $0.0e+00;
	v31 =	vadd.f32 v38, v37  }
0xc9: {  	v7 =	vld [tilespmem:s3+$0xFFFFFF60];
	v29 =	vmul.f32 v29, v26  }
0xca: {  	v36 =	vadd.f32 v48, v56;
	v30 =	vld [tilespmem:s20+$0x10];
	v31 =	vmax.f32 v31, $0.0e+00  }
0xcb: {  	v8 =	vld [tilespmem:s3+$0xFFFFFFE0];
	v22 =	vadd.f32 v28, v22;
	v29 =	vadd.f32 $0.0e+00, v29;
	v31 =	vmul.f32 v31, v16  }
0xcc: {  	s18 =	simm.s32 $0x8500;
	v24 =	vld [tilespmem:s3+$0x60]  }
0xcd: {  	v60 =	vmax.f32 v36, $0.0e+00;
	v36 =	vld [tilespmem:s18+$0xFFFFFFC0];
	v22 =	vmul.f32 v21, v22;
	v29 =	vadd.f32 v31, v29  }
0xce: {  	v27 =	vmul.f32 v20, v27;
	v31 =	vadd.f32 v33, v32;
	v32 =	vld [tilespmem:s18+$0xFFFFFF50];
	v39 =	vadd.f32 v44, v55  }
0xcf: {  	[tilespmem:s3+$0xFFFFFF90] =	vst v22;
	v25 =	vadd.f32 v30, v25;
	v30 =	vld [tilespmem:s18+$0x80]  }
0xd0: {  	[tilespmem:s3+$0xFFFFFF10] =	vst v27;
	v27 =	vmax.f32 v31, $0.0e+00;
	v31 =	vadd.f32 v41, v40;
	v63 =	vld [tilespmem:s20+$0xFFFFFF60];
	v28 =	vmax.f32 v39, $0.0e+00;
	v58 =	vpop (erf)  }
0xd1: {  	v41 =	vld [tilespmem:s18+$0xFFFFFF80];
	v12 =	vmul.f32 v12, v10;
	v28 =	vmul.f32 v28, v23;
	v38 =	vadd.f32 $1.000000000e+00, v58  }
0xd2: {  	v40 =	vld [tilespmem:$0xC200];
	v22 =	vmul.f32 v27, v26;
	v27 =	vmax.f32 v35, $0.0e+00;
	v25 =	vmul.f32 v0, v25  }
0xd3: {  	v35 =	vld [tilespmem:s18+$0xFFFFFF40];
	v28 =	vadd.f32 v28, v29;
	v29 =	vmul.f32 v60, v19;
	(erf) = vrcp.f32 v38  }
0xd4: {  	v46 =	vadd.f32 v46, v45;
	[tilespmem:s3+$0xE0] =	vst v12;
	v12 =	vld [tilespmem:s3+$0xF0]  }
0xd5: {  	v14 =	vld [tilespmem:s20+$0x130];
	[tilespmem:s3+$0x10] =	vst v25;
	v25 =	vmul.f32 v27, v26;
	v26 =	vmax.f32 v31, $0.0e+00;
	v28 =	vadd.f32 v29, v28  }
0xd6: {  	v22 =	vadd.f32 $0.0e+00, v22;
	v27 =	vadd.f32 v43, v42;
	v31 =	vld [tilespmem:s20+$0xFFFFFEA0];
	v26 =	vmul.f32 v26, v16  }
0xd7: {  	v49 =	vadd.f32 v59, v49;
	v33 =	vmax.f32 v46, $0.0e+00;
	v42 =	vld [tilespmem:s18+$0x0];
	(xrf2) =	vadd.scan.msk.f32 $0xffff, v28  }
0xd8: {  	v43 =	vld [tilespmem:$0xC210];
	v27 =	vmax.f32 v27, $0.0e+00;
	v22 =	vadd.f32 v26, v22;
	v26 =	vadd.f32 v57, v47  }
0xd9: {  	v33 =	vmul.f32 v33, v23;
	v48 =	vld [tilespmem:s20+$0x20];
	v25 =	vadd.f32 $0.0e+00, v25;
	v16 =	vmul.f32 v27, v16  }
0xda: {  	s22 =	simm.s32 $0x480;
	v30 =	vadd.f32 v61, v30;
	v13 =	vadd.f32 v63, v13;
	v61 =	vld [tilespmem:s18+$0xC0];
	v37 =	vmax.f32 v26, $0.0e+00  }
0xdb: {  	v63 =	vld [tilespmem:s22+$0x40];
	v16 =	vadd.f32 v16, v25;
	v25 =	vmax.f32 v49, $0.0e+00;
	v23 =	vmul.f32 v37, v23  }
0xdc: {  	v55 =	vld [tilespmem:s18+$0xFFFFFF00];
	v22 =	vadd.f32 v33, v22;
	v25 =	vmul.f32 v25, v19;
	v29 =	vpop (erf)  }
0xdd: {  	v27 =	vld [tilespmem:s3+$0xFFFFFFF0];
	v19 =	vmul.f32 v53, v19;
	v16 =	vadd.f32 v23, v16;
	v30 =	vmul.f32 v29, v30  }
0xde: {  	v47 =	vld [tilespmem:s18+$0xD0];
	v22 =	vadd.f32 v25, v22  }
0xdf: {  	v15 =	vadd.f32 v31, v15;
	v16 =	vadd.f32 v19, v16;
	[tilespmem:s18+$0x80] =	vst v30;
	v30 =	vld [tilespmem:s18+$0x90]  }
0xe0: {  	(xrf2) =	vadd.scan.msk.f32 $0xffff, v22;
	v54 =	vld [tilespmem:s1+$0xD0]  }
0xe1: {  	v26 =	vld [tilespmem:s3+$0x70];
	v11 =	vadd.f32 v48, v11;
	v15 =	vmul.f32 v20, v15;
	v19, _, _ =	vpop (xrf2);
	(xrf2) =	vadd.scan.msk.f32 $0xffff, v16  }
0xe2: {  	v13 =	vmul.f32 v21, v13;
	v33 =	vld [tilespmem:s18+$0x10]  }
0xe3: {  	v31 =	vld [tilespmem:s18+$0xA0];
	v11 =	vmul.f32 v0, v11;
	[tilespmem:s3+$0xFFFFFF20] =	vst v15;
	v16 =	vsub.f32 $0.0e+00, v19  }
0xe4: {  	[tilespmem:s3+$0xFFFFFFA0] =	vst v13;
	v13 =	vld [tilespmem:s20+$0xFFFFFEB0]  }
0xe5: {  	v49 =	vld [tilespmem:s22+$0xFFFFFFC0];
	[tilespmem:s3+$0x20] =	vst v11;
	v15 =	vmul.f32 $1.442695020e+00, v16;
	v19 =	vadd.f32 v54, v30  }
0xe6: {  	v56 =	vld [tilespmem:s20+$0x30]  }
0xe7: {  	v15 =	vbroadcast v15, $0xF;
	v30 =	vld [tilespmem:s20+$0xFFFFFF70];
	v19 =	vmul.f32 v29, v19  }
0xe8: {  	v37 =	vld [tilespmem:s18+$0x40]  }
0xe9: {  	v53 =	vld [tilespmem:s23+$0x170];
	v4 =	vadd.f32 v13, v4;
	(erf) = vpow2.f32 v15;
	[tilespmem:s18+$0x90] =	vst v19  }
0xea: {  	v11, _, _ =	vpop (xrf2);
	v15 =	vld [tilespmem:s1+$0xE0]  }
0xeb: {  	v23 =	vld [tilespmem:s18+$0xFFFFFF10];
	v3 =	vadd.f32 v56, v3;
	v4 =	vmul.f32 v4, v20;
	v13, _, _ =	vpop (xrf2)  }
0xec: {  	v25 =	vld [tilespmem:s18+$0xFFFFFF90];
	v5 =	vadd.f32 v30, v5;
	v30 =	vsub.f32 $0.0e+00, v13  }
0xed: {  	v49 =	vadd.f32 v51, v49;
	v51 =	vld [tilespmem:s22+$0x20];
	[tilespmem:s3+$0xFFFFFF30] =	vst v4;
	v57 =	vsub.f32 $0.0e+00, v11  }
0xee: {  	v3 =	vmul.f32 v0, v3;
	v59 =	vld [tilespmem:s20+$0xFFFFFEC0];
	v30 =	vmul.f32 $1.442695020e+00, v30  }
0xef: {  	v28 =	vld [tilespmem:s3+$0xFFFFFF70];
	v58 =	vmul.f32 $1.442695020e+00, v57;
	v31 =	vadd.f32 v15, v31  }
0xf0: {  	v22 =	vld [tilespmem:s18+$0xFFFFFFA0];
	[tilespmem:s3+$0x30] =	vst v3;
	v5 =	vmul.f32 v21, v5  }
0xf1: {  	v3 =	vld [tilespmem:s20+$0x40];
	v4 =	vmul.f32 v29, v31;
	v31 =	vbroadcast v58, $0xF  }
0xf2: {  	v38 =	vld [tilespmem:s1+$0x0];
	[tilespmem:s3+$0xFFFFFFB0] =	vst v5;
	v5 =	vbroadcast v30, $0xF;
	v30 =	vpop (erf)  }
0xf3: {  	v1 =	vadd.f32 v59, v1;
	[tilespmem:s18+$0xA0] =	vst v4;
	(erf) = vpow2.f32 v31;
	v4 =	vadd.f32 $1.000000000e+00, v30;
	v30 =	vld [tilespmem:s18+$0xB0]  }
0xf4: {  	(erf) = vpow2.f32 v5;
	v5 =	vld [tilespmem:s1+$0xF0]  }
0xf5: {  	v56 =	vld [tilespmem:s23+$0x140];
	v1 =	vmul.f32 v1, v20  }
0xf6: {  	v11 =	vld [tilespmem:s18+$0xFFFFFF30];
	v3 =	vadd.f32 v3, v6  }
0xf7: {  	v16 =	vld [tilespmem:s18+$0xFFFFFF20];
	[tilespmem:s3+$0xFFFFFF40] =	vst v1  }
0xf8: {  	v3 =	vmul.f32 v3, v0;
	v44 =	vld [tilespmem:s20+$0xFFFFFED0]  }
0xf9: {  	v59 =	vld [tilespmem:s22+$0x60];
	(erf) = vrcp.f32 v4;
	v4 =	vadd.f32 v5, v30  }
0xfa: {  	v48 =	vadd.f32 v56, v63;
	[tilespmem:s3+$0x40] =	vst v3;
	v60 =	vld [tilespmem:s20+$0xFFFFFF80]  }
0xfb: {  	v45 =	vld [tilespmem:s20+$0x50];
	v1 =	vmul.f32 v29, v4  }
0xfc: {  	v54 =	vmax.f32 v48, $0.0e+00;
	v48 =	vld [tilespmem:s23+$0xA0]  }
0xfd: {  	v44 =	vadd.f32 v44, v18;
	v18 =	vld [tilespmem:$0xC220];
	[tilespmem:s18+$0xB0] =	vst v1  }
0xfe: {  	v3 =	vld [tilespmem:s1+$0x100]  }
0xff: {  	v19 =	vld [tilespmem:s18+$0x20];
	v2 =	vadd.f32 v60, v2  }
0x100: {  	v9 =	vadd.f32 v45, v9;
	v45 =	vld [tilespmem:s23+$0x90]  }
0x101: {  	v13 =	vld [tilespmem:s18+$0xFFFFFFB0];
	v5 =	vmul.f32 v2, v21  }
0x102: {  	v15 =	vld [tilespmem:s18+$0x30];
	v4 =	vpop (erf)  }
0x103: {  	v58 =	vld [tilespmem:s22+$0x50];
	[tilespmem:s3+$0xFFFFFFC0] =	vst v5;
	v6 =	vpop (erf);
	v4 =	vadd.f32 $1.000000000e+00, v4;
	v3 =	vadd.f32 v3, v61  }
0x104: {  	v5 =	vadd.f32 v62, v55;
	v39 =	vld [tilespmem:s20+$0xFFFFFF90];
	v62 =	vadd.f32 $1.000000000e+00, v6  }
0x105: {  	v31 =	vld [tilespmem:s18+$0xFFFFFFD0];
	(erf) = vrcp.f32 v4;
	v3 =	vmul.f32 v3, v29  }
0x106: {  	v60 =	vld [tilespmem:s23+$0x160];
	v1 =	vpop (erf);
	(erf) = vrcp.f32 v62  }
0x107: {  	v30 =	vld [tilespmem:s18+$0x50];
	[tilespmem:s18+$0xC0] =	vst v3  }
0x108: {  	v57 =	vld [tilespmem:s1+$0x110]  }
0x109: {  	v2 =	vld [tilespmem:s18+$0xFFFFFF60];
	v39 =	vadd.f32 v39, v17  }
0x10a: {  	v55 =	vadd.f32 v52, v58;
	v52 =	vld [tilespmem:s22+$0x0];
	v5 =	vmul.f32 v1, v5  }
0x10b: {  	v62 =	vld [tilespmem:s22+$0x70];
	v39 =	vmul.f32 v39, v21;
	v3 =	vadd.f32 v34, v41  }
0x10c: {  	v44 =	vmul.f32 v44, v20;
	v17 =	vld [tilespmem:$0xC230];
	[tilespmem:s18+$0xFFFFFF00] =	vst v5  }
0x10d: {  	v46 =	vld [tilespmem:s1+$0xFFFFFE90];
	[tilespmem:s3+$0xFFFFFFD0] =	vst v39;
	v63 =	vadd.f32 v57, v47;
	v47 =	vmul.f32 v54, v40  }
0x10e: {  	v38 =	vadd.f32 v38, v42;
	[tilespmem:s3+$0xFFFFFF50] =	vst v44;
	v44 =	vld [tilespmem:s20+$0xFFFFFFA0];
	v34 =	vadd.f32 v60, v59;
	v4 =	vpop (erf);
	v57 =	vmax.f32 v55, $0.0e+00  }
0x10f: {  	v6 =	vld [tilespmem:s18+$0x60];
	v61 =	vmul.f32 v4, v3;
	v3 =	vpop (erf);
	v42 =	vmul.f32 v57, v43;
	v58 =	vadd.f32 $0.0e+00, v47  }
0x110: {  	v5 =	vld [tilespmem:s18+$0xFFFFFFE0];
	v59 =	vadd.f32 v53, v62;
	v34 =	vmax.f32 v34, $0.0e+00;
	v38 =	vmul.f32 v3, v38  }
0x111: {  	v60 =	vld [tilespmem:s18+$0xE0];
	v34 =	vmul.f32 v34, v18;
	v42 =	vadd.f32 v42, v58  }
0x112: {  	v23 =	vadd.f32 v46, v23;
	v46 =	vld [tilespmem:s22+$0xFFFFFFA0];
	[tilespmem:s18+$0x0] =	vst v38;
	v38 =	vmax.f32 v59, $0.0e+00  }
0x113: {  	v8 =	vadd.f32 v44, v8;
	v44 =	vld [tilespmem:s22+$0xFFFFFFE0];
	[tilespmem:s18+$0xFFFFFF80] =	vst v61;
	v38 =	vmul.f32 v38, v17;
	v34 =	vadd.f32 v34, v42  }
0x114: {  	v50 =	vld [tilespmem:s1+$0xFFFFFF50]  }
0x115: {  	v54 =	vld [tilespmem:s23+$0xFFFFFF10];
	v34 =	vadd.f32 v38, v34  }
0x116: {  	v55 =	vld [tilespmem:s22+$0xFFFFFFD0]  }
0x117: {  	v57 =	vld [tilespmem:s22+$0x10];
	v56 =	vmul.f32 v63, v29;
	(xrf2) =	vadd.scan.msk.f32 $0xffff, v34  }
0x118: {  	v41 =	vld [tilespmem:s1+$0x10]  }
0x119: {  	v47 =	vld [tilespmem:s20+$0xFFFFFEE0];
	[tilespmem:s18+$0xD0] =	vst v56  }
0x11a: {  	v61 =	vld [tilespmem:s1+$0x120]  }
0x11b: {  	v63 =	vld [tilespmem:s23+$0x80]  }
0x11c: {  	v56 =	vld [tilespmem:s23+$0xFFFFFFD0]  }
0x11d: {  	v25 =	vadd.f32 v50, v25;
	v50 =	vld [tilespmem:s23+$0xFFFFFFE0]  }
0x11e: {  	v42 =	vld [tilespmem:s23+$0xFFFFFF00]  }
0x11f: {  	v23 =	vmul.f32 v1, v23;
	v62 =	vadd.f32 v61, v60;
	v60 =	vld [tilespmem:s22+$0xFFFFFF80]  }
0x120: {  	v49 =	vmax.f32 v49, $0.0e+00;
	v45 =	vadd.f32 v45, v57;
	v33 =	vadd.f32 v41, v33;
	v41 =	vld [tilespmem:s23+$0xFFFFFF20]  }
0x121: {  	v49 =	vmul.f32 v49, v40;
	[tilespmem:s18+$0xFFFFFF10] =	vst v23;
	v8 =	vmul.f32 v8, v21;
	v7 =	vadd.f32 v47, v7;
	v61 =	vld [tilespmem:s22+$0xFFFFFF90];
	v58, _, _ =	vpop (xrf2)  }
0x122: {  	v57 =	vld [tilespmem:s1+$0xFFFFFEA0];
	v25 =	vmul.f32 v4, v25;
	v45 =	vmax.f32 v45, $0.0e+00;
	v58 =	vsub.f32 $0.0e+00, v58  }
0x123: {  	s10 =	simm.s32 $0x8700;
	v33 =	vmul.f32 v3, v33;
	v34 =	vadd.f32 v63, v52;
	v63 =	vld [tilespmem:s22+$0xFFFFFFB0];
	v44 =	vadd.f32 v50, v44  }
0x124: {  	v50 =	vld [tilespmem:s10+$0xFFFFFF00];
	v38 =	vmul.f32 v62, v29;
	v42 =	vadd.f32 v42, v60;
	v62 =	vmul.f32 $1.442695020e+00, v58  }
0x125: {  	[tilespmem:s18+$0xFFFFFF90] =	vst v25;
	v25 =	vmul.f32 v45, v43;
	v34 =	vmax.f32 v34, $0.0e+00;
	v41 =	vadd.f32 v41, v46;
	v60 =	vld [tilespmem:s23+$0xFFFFFF30]  }
0x126: {  	[tilespmem:s18+$0x10] =	vst v33;
	v33 =	vld [tilespmem:s10+$0xFFFFFF90];
	v59 =	vadd.f32 v54, v61;
	v42 =	vmax.f32 v42, $0.0e+00;
	v47 =	vbroadcast v62, $0xF  }
0x127: {  	v49 =	vadd.f32 $0.0e+00, v49;
	v46 =	vld [tilespmem:s22+$0x30];
	v34 =	vmul.f32 v34, v40;
	v40 =	vmul.f32 v42, v40  }
0x128: {  	v41 =	vmax.f32 v41, $0.0e+00;
	v54 =	vld [tilespmem:s22+$0xFFFFFFF0];
	v52 =	vmax.f32 v59, $0.0e+00;
	(erf) = vpow2.f32 v47  }
0x129: {  	v61 =	vadd.f32 v56, v55;
	v55 =	vld [tilespmem:s23+$0xFFFFFFF0];
	v52 =	vmul.f32 v52, v43;
	v40 =	vadd.f32 $0.0e+00, v40  }
0x12a: {  	[tilespmem:s3+$0xFFFFFFE0] =	vst v8;
	v34 =	vadd.f32 $0.0e+00, v34;
	v56 =	vld [tilespmem:s23+$0xB0];
	v59 =	vmax.f32 v44, $0.0e+00;
	v47 =	vadd.f32 v60, v63  }
0x12b: {  	v44 =	vld [tilespmem:s20+$0xFFFFFFB0];
	v42 =	vmax.f32 v61, $0.0e+00;
	v52 =	vadd.f32 v52, v40;
	v63 =	vmul.f32 v41, v18  }
0x12c: {  	v9 =	vmul.f32 v9, v0;
	[tilespmem:s18+$0xE0] =	vst v38;
	v38 =	vld [tilespmem:s18+$0xF0];
	v62 =	vmul.f32 v42, v43;
	v47 =	vmax.f32 v47, $0.0e+00  }
0x12d: {  	v39 =	vld [tilespmem:s1+$0x130];
	v25 =	vadd.f32 v25, v34;
	v52 =	vadd.f32 v63, v52;
	v53 =	vmul.f32 v47, v17  }
0x12e: {  	v7 =	vmul.f32 v7, v20;
	v34 =	vld [tilespmem:s10+$0x10];
	v23 =	vadd.f32 v62, v49;
	v60 =	vadd.f32 v48, v51  }
0x12f: {  	[tilespmem:s3+$0x50] =	vst v9;
	v61 =	vld [tilespmem:s1+$0xFFFFFF60];
	v9 =	vmul.f32 v59, v18;
	v62 =	vadd.f32 v55, v54;
	v43 =	vadd.f32 v53, v52  }
0x130: {  	[tilespmem:s3+$0xFFFFFF60] =	vst v7;
	v40 =	vld [tilespmem:s23+$0xFFFFFF40];
	v44 =	vadd.f32 v44, v27;
	v55 =	vadd.f32 v56, v46;
	v7 =	vmax.f32 v60, $0.0e+00  }
0x131: {  	v27 =	vld [tilespmem:s10+$0xFFFFFFE0];
	v9 =	vadd.f32 v9, v23;
	v7 =	vmul.f32 v7, v18;
	v18 =	vmax.f32 v62, $0.0e+00;
	(xrf2) =	vadd.scan.msk.f32 $0xffff, v43;
	v58 =	vpop (erf)  }
0x132: {  	v42 =	vld [tilespmem:s23+$0xFFFFFE80];
	v23 =	vmax.f32 v55, $0.0e+00;
	v18 =	vmul.f32 v18, v17;
	v49 =	vadd.f32 $1.000000000e+00, v58  }
0x133: {  	v41 =	vld [tilespmem:s23+$0x0];
	v8 =	vmul.f32 v23, v17;
	v7 =	vadd.f32 v7, v25  }
0x134: {  	v46 =	vld [tilespmem:s20+$0x60];
	v9 =	vadd.f32 v18, v9;
	(erf) = vrcp.f32 v49  }
0x135: {  	v56 =	vld [tilespmem:s10+$0x80];
	v18 =	vadd.f32 v8, v7  }
0x136: {  	v16 =	vadd.f32 v57, v16;
	v51 =	vld [tilespmem:s10+$0xFFFFFF80];
	(xrf2) =	vadd.scan.msk.f32 $0xffff, v9  }
0x137: {  	v17 =	vld [tilespmem:s23+$0xC0];
	(xrf2) =	vadd.scan.msk.f32 $0xffff, v18  }
0x138: {  	v16 =	vmul.f32 v1, v16;
	v63 =	vld [tilespmem:s1+$0x20]  }
0x139: {  	v52 =	vld [tilespmem:s10+$0x0]  }
0x13a: {  	[tilespmem:s18+$0xFFFFFF20] =	vst v16;
	v25 =	vadd.f32 v61, v22;
	v22 =	vld [tilespmem:s10+$0xFFFFFF20]  }
0x13b: {  	v61 =	vld [tilespmem:s1+$0xFFFFFEB0];
	v23, _, _ =	vpop (xrf2)  }
0x13c: {  	v8 =	vld [tilespmem:s18+$0xFFFFFF70];
	v60 =	vmul.f32 v4, v25;
	v18 =	vadd.f32 v17, v56;
	v23 =	vsub.f32 $0.0e+00, v23  }
0x13d: {  	v7 =	vld [tilespmem:s18+$0x70];
	v17 =	vpop (erf)  }
0x13e: {  	v43 =	vld [tilespmem:s10+$0xFFFFFF10];
	[tilespmem:s18+$0xFFFFFFA0] =	vst v60;
	v23 =	vmul.f32 $1.442695020e+00, v23;
	v18 =	vmul.f32 v17, v18  }
0x13f: {  	v19 =	vadd.f32 v63, v19;
	v62 =	vld [tilespmem:s1+$0xFFFFFF70]  }
0x140: {  	v58, _, _ =	vpop (xrf2);
	v59 =	vbroadcast v23, $0xF;
	[tilespmem:s10+$0x80] =	vst v18;
	v18 =	vld [tilespmem:s10+$0x90]  }
0x141: {  	v16 =	vmul.f32 v3, v19;
	v45 =	vsub.f32 $0.0e+00, v58;
	v25, _, _ =	vpop (xrf2);
	v57 =	vld [tilespmem:s23+$0xD0]  }
0x142: {  	v9 =	vld [tilespmem:s18+$0xFFFFFFF0];
	v11 =	vadd.f32 v61, v11;
	v19 =	vsub.f32 $0.0e+00, v25;
	(erf) = vpow2.f32 v59  }
0x143: {  	[tilespmem:s18+$0x20] =	vst v16;
	v16 =	vld [tilespmem:s10+$0xFFFFFF30];
	v45 =	vmul.f32 $1.442695020e+00, v45  }
0x144: {  	v63 =	vld [tilespmem:s1+$0x30];
	v48 =	vmul.f32 v11, v1;
	v19 =	vmul.f32 $1.442695020e+00, v19  }
0x145: {  	v49 =	vld [tilespmem:s20+$0xFFFFFEF0];
	v13 =	vadd.f32 v62, v13;
	v45 =	vbroadcast v45, $0xF  }
0x146: {  	v11 =	vld [tilespmem:s10+$0xFFFFFF40];
	[tilespmem:s18+$0xFFFFFF30] =	vst v48;
	v19 =	vbroadcast v19, $0xF;
	v18 =	vadd.f32 v57, v18  }
0x147: {  	v48 =	vld [tilespmem:s1+$0xFFFFFEC0];
	v61 =	vmul.f32 v4, v13;
	(erf) = vpow2.f32 v45  }
0x148: {  	v13 =	vld [tilespmem:s10+$0xFFFFFFC0];
	(erf) = vpow2.f32 v19;
	v57 =	vmul.f32 v17, v18  }
0x149: {  	v15 =	vadd.f32 v63, v15;
	v63 =	vadd.f32 v14, v12;
	v12 =	vld [tilespmem:s10+$0xFFFFFF50]  }
0x14a: {  	v58 =	vld [tilespmem:s10+$0xA0];
	[tilespmem:s10+$0x90] =	vst v57  }
0x14b: {  	v60 =	vpop (erf);
	v59 =	vld [tilespmem:s23+$0xE0]  }
0x14c: {  	v14 =	vld [tilespmem:s10+$0xFFFFFFD0];
	v15 =	vmul.f32 v3, v15;
	v53 =	vadd.f32 $1.000000000e+00, v60  }
0x14d: {  	[tilespmem:s18+$0xFFFFFFB0] =	vst v61;
	v25 =	vld [tilespmem:s10+$0x20]  }
0x14e: {  	[tilespmem:s18+$0x30] =	vst v15;
	v15 =	vld [tilespmem:s10+$0x40];
	(erf) = vrcp.f32 v53  }
0x14f: {  	v10 =	vmul.f32 v63, v10;
	v35 =	vadd.f32 v48, v35;
	v53 =	vld [tilespmem:s1+$0xFFFFFF80]  }
0x150: {  	v47 =	vld [tilespmem:s1+$0x40];
	v62 =	vpop (erf);
	v45 =	vadd.f32 v59, v58  }
0x151: {  	[tilespmem:s3+$0xF0] =	vst v10;
	v10 =	vld [tilespmem:s10+$0x50];
	v35 =	vmul.f32 v35, v1;
	v54 =	vadd.f32 $1.000000000e+00, v62;
	v60 =	vpop (erf)  }
0x152: {  	v23 =	vld [tilespmem:s10+$0xFFFFFFA0];
	v61 =	vadd.f32 $1.000000000e+00, v60;
	v45 =	vmul.f32 v17, v45  }
0x153: {  	v38 =	vadd.f32 v39, v38;
	[tilespmem:s18+$0xFFFFFF40] =	vst v35;
	v35 =	vld [tilespmem:s10+$0xFFFFFF60];
	(erf) = vrcp.f32 v54  }
0x154: {  	v62 =	vld [tilespmem:s10+$0xB0];
	(erf) = vrcp.f32 v61;
	v36 =	vadd.f32 v53, v36;
	[tilespmem:s10+$0xA0] =	vst v45  }
0x155: {  	v29 =	vmul.f32 v38, v29;
	v37 =	vadd.f32 v47, v37;
	v63 =	vld [tilespmem:s23+$0xF0]  }
0x156: {  	v28 =	vadd.f32 v49, v28;
	v19 =	vld [tilespmem:s10+$0x30];
	v47 =	vadd.f32 v42, v50;
	v36 =	vmul.f32 v36, v4  }
0x157: {  	[tilespmem:s18+$0xF0] =	vst v29;
	v50 =	vadd.f32 v46, v24;
	v37 =	vmul.f32 v37, v3;
	v18 =	vld [tilespmem:s10+$0xFFFFFFB0];
	v24 =	vpop (erf)  }
0x158: {  	v20 =	vmul.f32 v28, v20;
	v53 =	vld [tilespmem:s1+$0xFFFFFED0];
	[tilespmem:s18+$0xFFFFFFC0] =	vst v36;
	v39 =	vmul.f32 v24, v47  }
0x159: {  	v28 =	vadd.f32 v40, v51;
	v29 =	vmul.f32 v50, v0;
	[tilespmem:s18+$0x40] =	vst v37;
	v54 =	vld [tilespmem:s1+$0xFFFFFF90]  }
0x15a: {  	v56 =	vld [tilespmem:s1+$0x50];
	[tilespmem:s10+$0xFFFFFF00] =	vst v39;
	v55 =	vadd.f32 v63, v62  }
0x15b: {  	[tilespmem:s3+$0x60] =	vst v29;
	v57 =	vmul.f32 v44, v21;
	v29 =	vld [tilespmem:s23+$0xFFFFFE90]  }
0x15c: {  	[tilespmem:s3+$0xFFFFFF70] =	vst v20;
	v21 =	vld [tilespmem:s10+$0x60];
	v58 =	vadd.f32 v41, v52;
	v20 =	vpop (erf);
	v38 =	vmul.f32 v17, v55  }
0x15d: {  	v60 =	vld [tilespmem:s20+$0x70];
	[tilespmem:s3+$0xFFFFFFF0] =	vst v57;
	v36 =	vadd.f32 v53, v32;
	v59 =	vmul.f32 v20, v28;
	v28 =	vpop (erf)  }
0x15e: {  	v32 =	vld [tilespmem:s10+$0xC0];
	v61 =	vmul.f32 v28, v58;
	v31 =	vadd.f32 v54, v31;
	[tilespmem:s10+$0xB0] =	vst v38  }
0x15f: {  	v30 =	vadd.f32 v56, v30;
	[tilespmem:s10+$0xFFFFFF80] =	vst v59;
	v62 =	vmul.f32 v36, v1;
	v36 =	vld [tilespmem:s23+$0x100]  }
0x160: {  	v37 =	vld [tilespmem:s23+$0xFFFFFF50];
	[tilespmem:s10+$0x0] =	vst v61;
	v31 =	vmul.f32 v31, v4;
	v29 =	vadd.f32 v29, v43  }
0x161: {  	v63 =	vmul.f32 v30, v3;
	[tilespmem:s18+$0xFFFFFF50] =	vst v62;
	v38 =	vld [tilespmem:s23+$0x10]  }
0x162: {  	v30 =	vld [tilespmem:s1+$0xFFFFFEE0];
	[tilespmem:s18+$0xFFFFFFD0] =	vst v31;
	v39 =	vmul.f32 v24, v29;
	v29 =	vadd.f32 v60, v26  }
0x163: {  	s12 =	simm.s32 $0x8;
	s20 =	simm.s32 $0x2980;
	[tilespmem:s18+$0x50] =	vst v63;
	v31 =	vld [tilespmem:s1+$0xFFFFFFA0]  }
.LBB2_3:
0x164: {  	v26 =	vld [tilespmem:$0xC210];
	[tilespmem:s10+$0xFFFFFF10] =	vst v39;
	v32 =	vadd.f32 v36, v32;
	v29 =	vmul.f32 v29, v0;
	v0 =	vmovc v3;
	v3 =	vmov v28  }
0x165: {  	v28 =	vld [tilespmem:$0xC200];
	v33 =	vadd.f32 v37, v33  }
0x166: {  	s22 =	sadd.s32 $0x100, s22;
	v34 =	vadd.f32 v38, v34;
	v32 =	vmul.f32 v32, v17;
	v36 =	vld [tilespmem:s10+$0xD0];
	[tilespmem:s3+$0x70] =	vst v29;
	s3 =	smov.u32 s18;
	s18 =	smov.u32 s10  }
0x167: {  	s23 =	sadd.s32 $0x300, s23;
	v29 =	vld [tilespmem:s22+$0x40];
	v33 =	vmul.f32 v20, v33;
	v30 =	vadd.f32 v30, v2;
	v2 =	vmov v35  }
0x168: {  	v35 =	vld [tilespmem:s23+$0x140];
	v34 =	vmul.f32 v3, v34;
	[tilespmem:s10+$0xC0] =	vst v32;
	v31 =	vadd.f32 v31, v5;
	v5 =	vmov v27  }
0x169: {  	s12 =	sadd.s32 $0x4, s12;
	[tilespmem:s10+$0xFFFFFF90] =	vst v33;
	v27 =	vld [tilespmem:s20+$0x110];
	v30 =	vmul.f32 v30, v1  }
0x16a: {  	p1 =	slt.u32 s12, $0x3C;
	v32 =	vld [tilespmem:s22+$0x50];
	[tilespmem:s10+$0x10] =	vst v34;
	v31 =	vmul.f32 v31, v4  }
0x16b: {  	v33 =	vld [tilespmem:s23+$0x150];
	[tilespmem:s3+$0xFFFFFF60] =	vst v30  }
0x16c: {  	v30 =	vld [tilespmem:s22+$0x60];
	[tilespmem:s3+$0xFFFFFFE0] =	vst v31  }
0x16d: {  	v31 =	vld [tilespmem:s23+$0x160]  }
0x16e: {  	v29 =	vadd.f32 v35, v29;
	v34 =	vld [tilespmem:s22+$0x70];
	v27 =	vadd.f32 v27, v36  }
0x16f: {  	v35 =	vld [tilespmem:s23+$0x170]  }
0x170: {  	v29 =	vmax.f32 v29, $0.0e+00;
	v36 =	vld [tilespmem:$0xC220];
	v32 =	vadd.f32 v33, v32;
	v33 =	vmul.f32 v27, v17  }
0x171: {  	v29 =	vmul.f32 v29, v28;
	v27 =	vld [tilespmem:$0xC230]  }
0x172: {  	v32 =	vmax.f32 v32, $0.0e+00;
	v30 =	vadd.f32 v31, v30;
	[tilespmem:s10+$0xD0] =	vst v33;
	v31 =	vld [tilespmem:s10+$0xE0]  }
0x173: {  	v29 =	vadd.f32 $0.0e+00, v29;
	v32 =	vmul.f32 v32, v26;
	v33 =	vld [tilespmem:s20+$0x120]  }
0x174: {  	v37 =	vld [tilespmem:s23+$0xFFFFFF00];
	v30 =	vmax.f32 v30, $0.0e+00;
	v34 =	vadd.f32 v35, v34  }
0x175: {  	v35 =	vld [tilespmem:s22+$0xFFFFFFC0];
	v29 =	vadd.f32 v32, v29;
	v30 =	vmul.f32 v30, v36  }
0x176: {  	v32 =	vld [tilespmem:s23+$0xFFFFFFC0];
	v34 =	vmax.f32 v34, $0.0e+00  }
0x177: {  	v38 =	vld [tilespmem:s22+$0x0];
	v29 =	vadd.f32 v30, v29;
	v30 =	vmul.f32 v34, v27  }
0x178: {  	v34 =	vld [tilespmem:s23+$0x80];
	v31 =	vadd.f32 v33, v31  }
0x179: {  	v33 =	vld [tilespmem:s22+$0xFFFFFF80];
	v29 =	vadd.f32 v30, v29  }
0x17a: {  	v30 =	vld [tilespmem:s22+$0xFFFFFF90];
	v31 =	vmul.f32 v31, v17  }
0x17b: {  	v39 =	vld [tilespmem:s23+$0xFFFFFF10];
	v32 =	vadd.f32 v32, v35;
	(xrf2) =	vadd.scan.msk.f32 $0xffff, v29  }
0x17c: {  	[tilespmem:s10+$0xE0] =	vst v31;
	v29 =	vld [tilespmem:s10+$0xF0]  }
0x17d: {  	v31 =	vmax.f32 v32, $0.0e+00;
	v32 =	vadd.f32 v34, v38;
	v34 =	vld [tilespmem:s20+$0x130]  }
0x17e: {  	v33 =	vadd.f32 v37, v33;
	v31 =	vmul.f32 v31, v28;
	v35 =	vld [tilespmem:s22+$0xFFFFFFD0]  }
0x17f: {  	v37 =	vld [tilespmem:s23+$0xFFFFFFD0];
	v32 =	vmax.f32 v32, $0.0e+00  }
0x180: {  	v33 =	vmax.f32 v33, $0.0e+00;
	v30 =	vadd.f32 v39, v30;
	v32 =	vmul.f32 v32, v28;
	v38 =	vld [tilespmem:s22+$0x10]  }
0x181: {  	v31 =	vadd.f32 $0.0e+00, v31;
	v28 =	vmul.f32 v33, v28;
	v33 =	vld [tilespmem:s23+$0x90]  }
0x182: {  	v30 =	vmax.f32 v30, $0.0e+00;
	v39 =	vld [tilespmem:s22+$0xFFFFFFA0];
	v32 =	vadd.f32 $0.0e+00, v32;
	v29 =	vadd.f32 v34, v29  }
0x183: {  	v28 =	vadd.f32 $0.0e+00, v28;
	v40 =	vmul.f32 v30, v26;
	v34 =	vld [tilespmem:s23+$0xFFFFFF20]  }
0x184: {  	v35 =	vadd.f32 v37, v35;
	v37 =	vld [tilespmem:s22+$0xFFFFFFE0];
	v17 =	vmul.f32 v29, v17  }
0x185: {  	v28 =	vadd.f32 v40, v28;
	v29 =	vld [tilespmem:s23+$0xFFFFFFE0];
	v30, _, _ =	vpop (xrf2)  }
0x186: {  	v35 =	vmax.f32 v35, $0.0e+00;
	v33 =	vadd.f32 v33, v38;
	v38 =	vld [tilespmem:s22+$0x20];
	v30 =	vsub.f32 $0.0e+00, v30;
	[tilespmem:s10+$0xF0] =	vst v17  }
0x187: {  	v17 =	vmul.f32 v35, v26;
	v35 =	vld [tilespmem:s23+$0xA0]  }
0x188: {  	v34 =	vadd.f32 v34, v39;
	v39 =	vld [tilespmem:s22+$0xFFFFFFB0];
	v33 =	vmax.f32 v33, $0.0e+00;
	v30 =	vmul.f32 $1.442695020e+00, v30  }
0x189: {  	v40 =	vld [tilespmem:s23+$0xFFFFFF30];
	v17 =	vadd.f32 v17, v31;
	v26 =	vmul.f32 v33, v26  }
0x18a: {  	v31 =	vmax.f32 v34, $0.0e+00;
	v29 =	vadd.f32 v29, v37;
	v33 =	vld [tilespmem:s22+$0xFFFFFFF0];
	v30 =	vbroadcast v30, $0xF  }
0x18b: {  	v31 =	vmul.f32 v31, v36;
	v34 =	vld [tilespmem:s23+$0xFFFFFFF0];
	v26 =	vadd.f32 v26, v32  }
0x18c: {  	v29 =	vmax.f32 v29, $0.0e+00;
	v32 =	vadd.f32 v35, v38;
	v35 =	vld [tilespmem:s22+$0x30];
	(erf) = vpow2.f32 v30  }
0x18d: {  	v28 =	vadd.f32 v31, v28;
	v29 =	vmul.f32 v29, v36;
	v30 =	vld [tilespmem:s23+$0xB0]  }
0x18e: {  	v31 =	vadd.f32 v40, v39;
	v37 =	vld [tilespmem:s23+$0xFFFFFE80];
	v32 =	vmax.f32 v32, $0.0e+00  }
0x18f: {  	v17 =	vadd.f32 v29, v17;
	v38 =	vld [tilespmem:s23+$0xFFFFFF40];
	v29 =	vmul.f32 v32, v36  }
0x190: {  	v31 =	vmax.f32 v31, $0.0e+00;
	v32 =	vadd.f32 v34, v33;
	v36 =	vld [tilespmem:s23+$0x0]  }
0x191: {  	v31 =	vmul.f32 v31, v27;
	v26 =	vadd.f32 v29, v26;
	v29 =	vld [tilespmem:s20+$0xFFFFFEA0]  }
0x192: {  	v32 =	vmax.f32 v32, $0.0e+00;
	v30 =	vadd.f32 v30, v35;
	v33 =	vld [tilespmem:s20+$0xFFFFFF60]  }
0x193: {  	v35 =	vadd.f32 v31, v28;
	v31 =	vmul.f32 v32, v27;
	v32 =	vld [tilespmem:s20+$0x20]  }
0x194: {  	v30 =	vmax.f32 v30, $0.0e+00;
	v34 =	vld [tilespmem:s1+$0x60]  }
0x195: {  	v17 =	vadd.f32 v31, v17;
	v27 =	vmul.f32 v30, v27;
	(xrf2) =	vadd.scan.msk.f32 $0xffff, v35;
	v28 =	vpop (erf);
	v30 =	vld [tilespmem:s1+$0xFFFFFEF0]  }
0x196: {  	v28 =	vadd.f32 $1.000000000e+00, v28;
	v22 =	vadd.f32 v29, v22;
	v29 =	vld [tilespmem:s1+$0xFFFFFFB0]  }
0x197: {  	v27 =	vadd.f32 v27, v26;
	v31 =	vld [tilespmem:s10+$0xFFFFFF70];
	v23 =	vadd.f32 v33, v23  }
0x198: {  	(xrf2) =	vadd.scan.msk.f32 $0xffff, v17;
	(erf) = vrcp.f32 v28;
	v17 =	vmul.f32 v24, v22;
	v22 =	vld [tilespmem:s10+$0xFFFFFFF0];
	v25 =	vadd.f32 v32, v25  }
0x199: {  	s10 =	sadd.s32 $0x200, s10;
	v23 =	vmul.f32 v20, v23;
	v26 =	vld [tilespmem:s18+$0x70];
	v28 =	vadd.f32 v34, v6;
	v6 =	vmov v21  }
0x19a: {  	v21 =	vld [tilespmem:s10+$0x80];
	[tilespmem:s18+$0xFFFFFF20] =	vst v17;
	v17 =	vmul.f32 v3, v25;
	v30 =	vadd.f32 v30, v8  }
0x19b: {  	v25 =	vld [tilespmem:s23+$0xC0];
	(xrf2) =	vadd.scan.msk.f32 $0xffff, v27;
	[tilespmem:s18+$0xFFFFFFA0] =	vst v23;
	v29 =	vadd.f32 v29, v9;
	v23 =	vmul.f32 v28, v0  }
0x19c: {  	v27 =	vld [tilespmem:s10+$0xFFFFFF00];
	[tilespmem:s18+$0x20] =	vst v17;
	v30 =	vmul.f32 v30, v1;
	v8 =	vmov v31;
	v1 =	vmov v24  }
0x19d: {  	v24 =	vld [tilespmem:s10+$0xFFFFFF80];
	v28 =	vmul.f32 v29, v4;
	[tilespmem:s3+$0x60] =	vst v23;
	v9 =	vmov v22;
	v4 =	vmov v20  }
0x19e: {  	v20 =	vld [tilespmem:s10+$0x0];
	[tilespmem:s3+$0xFFFFFF70] =	vst v30  }
0x19f: {  	v29 =	vld [tilespmem:s10+$0xFFFFFF10];
	v17, _, _ =	vpop (xrf2);
	[tilespmem:s3+$0xFFFFFFF0] =	vst v28  }
0x1a0: {  	v22 =	vsub.f32 $0.0e+00, v17;
	v33 =	vld [tilespmem:s10+$0xFFFFFF90];
	v21 =	vadd.f32 v25, v21  }
0x1a1: {  	v27 =	vadd.f32 v37, v27;
	v34 =	vld [tilespmem:s10+$0x10];
	v17 =	vpop (erf)  }
0x1a2: {  	v32 =	vmul.f32 $1.442695020e+00, v22;
	v22 =	vld [tilespmem:s10+$0xFFFFFF20];
	v28 =	vadd.f32 v38, v24;
	v21 =	vmul.f32 v17, v21;
	v23, _, _ =	vpop (xrf2)  }
0x1a3: {  	v24 =	vsub.f32 $0.0e+00, v23;
	v23 =	vld [tilespmem:s10+$0xFFFFFFA0];
	v30 =	vadd.f32 v36, v20  }
0x1a4: {  	v20 =	vbroadcast v32, $0xF;
	[tilespmem:s10+$0x80] =	vst v21;
	v21 =	vld [tilespmem:s10+$0x90]  }
0x1a5: {  	v24 =	vmul.f32 $1.442695020e+00, v24;
	v31 =	vld [tilespmem:s23+$0xD0];
	v25, _, _ =	vpop (xrf2)  }
0x1a6: {  	v32 =	vsub.f32 $0.0e+00, v25;
	v25 =	vld [tilespmem:s10+$0x20];
	(erf) = vpow2.f32 v20  }
0x1a7: {  	v20 =	vbroadcast v24, $0xF;
	v24 =	vld [tilespmem:s20+$0xFFFFFEB0]  }
0x1a8: {  	v32 =	vmul.f32 $1.442695020e+00, v32;
	v35 =	vld [tilespmem:s20+$0xFFFFFF70]  }
0x1a9: {  	(erf) = vpow2.f32 v20;
	v20 =	vld [tilespmem:s20+$0x30]  }
0x1aa: {  	v36 =	vld [tilespmem:s10+$0xFFFFFF30];
	v32 =	vbroadcast v32, $0xF;
	v21 =	vadd.f32 v31, v21  }
0x1ab: {  	v31 =	vld [tilespmem:s10+$0xFFFFFFB0]  }
0x1ac: {  	v37 =	vld [tilespmem:s10+$0x30];
	v21 =	vmul.f32 v17, v21;
	(erf) = vpow2.f32 v32;
	v39 =	vadd.f32 v24, v16  }
0x1ad: {  	v24 =	vld [tilespmem:s10+$0xFFFFFF40];
	v40 =	vadd.f32 v35, v18  }
0x1ae: {  	[tilespmem:s10+$0x90] =	vst v21;
	v21 =	vld [tilespmem:s10+$0xA0];
	v32 =	vmul.f32 v39, v1;
	v39 =	vadd.f32 v20, v19  }
0x1af: {  	v20 =	vld [tilespmem:s23+$0xE0];
	v35 =	vpop (erf);
	v38 =	vmul.f32 v4, v40;
	v16 =	vmov v36  }
0x1b0: {  	v40 =	vadd.f32 $1.000000000e+00, v35;
	v36 =	vld [tilespmem:s10+$0xFFFFFFC0];
	[tilespmem:s18+$0xFFFFFF30] =	vst v32;
	v32 =	vmul.f32 v3, v39;
	v18 =	vmov v31  }
0x1b1: {  	v31 =	vld [tilespmem:s20+$0xFFFFFEC0];
	[tilespmem:s18+$0xFFFFFFB0] =	vst v38;
	v19 =	vmov v37  }
0x1b2: {  	(erf) = vrcp.f32 v40;
	v35 =	vpop (erf);
	v37 =	vld [tilespmem:s20+$0xFFFFFF80];
	[tilespmem:s18+$0x30] =	vst v32  }
0x1b3: {  	v32 =	vadd.f32 $1.000000000e+00, v35;
	v35 =	vld [tilespmem:s20+$0x40]  }
0x1b4: {  	v38 =	vld [tilespmem:s10+$0x40];
	v20 =	vadd.f32 v20, v21  }
0x1b5: {  	v39 =	vld [tilespmem:s10+$0xFFFFFF50];
	(erf) = vrcp.f32 v32;
	v21 =	vpop (erf)  }
0x1b6: {  	v32 =	vld [tilespmem:s10+$0xFFFFFFD0];
	v21 =	vadd.f32 $1.000000000e+00, v21;
	v20 =	vmul.f32 v17, v20;
	v31 =	vadd.f32 v31, v11;
	v11 =	vmovc v24  }
0x1b7: {  	v40 =	vld [tilespmem:s10+$0x50];
	v24 =	vadd.f32 v37, v13;
	v13 =	vmov v36  }
0x1b8: {  	[tilespmem:s10+$0xA0] =	vst v20;
	v20 =	vld [tilespmem:s10+$0xB0];
	(erf) = vrcp.f32 v21;
	v21 =	vmul.f32 v31, v1;
	v31 =	vadd.f32 v35, v15  }
0x1b9: {  	v36 =	vld [tilespmem:s23+$0xF0];
	v37 =	vmul.f32 v24, v4;
	v15 =	vmov v38  }
0x1ba: {  	v35 =	vld [tilespmem:s10+$0xFFFFFF60];
	[tilespmem:s18+$0xFFFFFF40] =	vst v21;
	v21 =	vmul.f32 v31, v3  }
0x1bb: {  	v24 =	vpop (erf);
	v31 =	vld [tilespmem:s20+$0xFFFFFED0];
	[tilespmem:s18+$0xFFFFFFC0] =	vst v37  }
0x1bc: {  	v27 =	vmul.f32 v24, v27;
	v37 =	vld [tilespmem:s20+$0xFFFFFF90];
	[tilespmem:s18+$0x40] =	vst v21  }
0x1bd: {  	v38 =	vld [tilespmem:s20+$0x50]  }
0x1be: {  	[tilespmem:s10+$0xFFFFFF00] =	vst v27;
	v27 =	vld [tilespmem:s10+$0xFFFFFFE0];
	v36 =	vadd.f32 v36, v20;
	v20 =	vpop (erf)  }
0x1bf: {  	v41 =	vld [tilespmem:s23+$0xFFFFFE90];
	v42 =	vmul.f32 v20, v28  }
0x1c0: {  	v21 =	vld [tilespmem:s10+$0x60];
	v36 =	vmul.f32 v17, v36;
	v31 =	vadd.f32 v31, v12;
	v12 =	vmov v39  }
0x1c1: {  	[tilespmem:s10+$0xFFFFFF80] =	vst v42;
	v28 =	vpop (erf);
	v37 =	vadd.f32 v37, v14;
	v42 =	vld [tilespmem:s1+$0x70];
	v14 =	vmov v32;
	s1 =	smov.u32 s20;
	s20 =	smov.u32 s23  }
0x1c2: {  	v30 =	vmul.f32 v28, v30;
	[tilespmem:s10+$0xB0] =	vst v36;
	v32 =	vld [tilespmem:s10+$0xC0];
	v31 =	vmul.f32 v31, v1;
	v38 =	vadd.f32 v38, v10  }
.Ltmp4:
0x1c3: {  	v10 =	vmov v40;
	v36 =	vld [tilespmem:s23+$0x100];
	v43 =	vmul.f32 v37, v4;
	(pc) =	sbr.rel @p1 .LBB2_3-.Ltmp4, $4  }
0x1c4: {  	v29 =	vadd.f32 v41, v29;
	v37 =	vld [tilespmem:s23+$0xFFFFFF50];
	[tilespmem:s10+$0x0] =	vst v30;
	v40 =	vmul.f32 v38, v3  }
0x1c5: {  	v38 =	vld [tilespmem:s23+$0x10];
	[tilespmem:s18+$0xFFFFFF50] =	vst v31  }
0x1c6: {  	v39 =	vmul.f32 v24, v29;
	v30 =	vld [tilespmem:s1+$0xFFFFFEE0];
	[tilespmem:s18+$0xFFFFFFD0] =	vst v43;
	v29 =	vadd.f32 v42, v7;
	v7 =	vmov v26  }
0x1c7: {  	v31 =	vld [tilespmem:s1+$0xFFFFFFA0];
	[tilespmem:s18+$0x50] =	vst v40  }
0x1c8: {  	_ = 	snop  }
0x1c9: {  	v26 =	vadd.f32 v37, v33  }
0x1ca: {  	v50 =	vadd.f32 v38, v34  }
0x1cb: {  	v26 =	vmul.f32 v20, v26  }
0x1cc: {  	[tilespmem:s10+$0xFFFFFF10] =	vst v39;
	v33 =	vmul.f32 v28, v50  }
0x1cd: {  	v51 =	vld [tilespmem:s20+$0xFFFFFEA0];
	[tilespmem:s10+$0xFFFFFF90] =	vst v26  }
0x1ce: {  	[tilespmem:s10+$0x10] =	vst v33;
	v52 =	vld [tilespmem:s20+$0xFFFFFF60]  }
0x1cf: {  	v53 =	vld [tilespmem:s20+$0x20];
	_ =	sdelay $0x2  }
0x1d0: {  	v22 =	vadd.f32 v51, v22  }
0x1d1: {  	v23 =	vadd.f32 v52, v23  }
0x1d2: {  	v22 =	vmul.f32 v24, v22;
	v25 =	vadd.f32 v53, v25  }
0x1d3: {  	v23 =	vmul.f32 v20, v23  }
0x1d4: {  	[tilespmem:s10+$0xFFFFFF20] =	vst v22;
	v54 =	vmul.f32 v28, v25  }
0x1d5: {  	v55 =	vld [tilespmem:s20+$0xFFFFFEB0];
	[tilespmem:s10+$0xFFFFFFA0] =	vst v23  }
0x1d6: {  	[tilespmem:s10+$0x20] =	vst v54;
	v56 =	vld [tilespmem:s20+$0xFFFFFF70]  }
0x1d7: {  	v57 =	vld [tilespmem:s20+$0x30];
	_ =	sdelay $0x2  }
0x1d8: {  	v16 =	vadd.f32 v55, v16  }
0x1d9: {  	v18 =	vadd.f32 v56, v18  }
0x1da: {  	v16 =	vmul.f32 v16, v24;
	v19 =	vadd.f32 v57, v19  }
0x1db: {  	v18 =	vmul.f32 v20, v18  }
0x1dc: {  	[tilespmem:s10+$0xFFFFFF30] =	vst v16;
	v60 =	vmul.f32 v28, v19  }
0x1dd: {  	v61 =	vld [tilespmem:s20+$0xFFFFFEC0];
	[tilespmem:s10+$0xFFFFFFB0] =	vst v18  }
0x1de: {  	v63 =	vld [tilespmem:s20+$0xFFFFFF80];
	[tilespmem:s10+$0x30] =	vst v60  }
0x1df: {  	v16 =	vld [tilespmem:s20+$0x40];
	_ =	sdelay $0x1  }
0x1e0: {  	v58 =	vadd.f32 v36, v32  }
0x1e1: {  	v11 =	vadd.f32 v61, v11  }
0x1e2: {  	v62 =	vmul.f32 v58, v17;
	v13 =	vadd.f32 v63, v13  }
0x1e3: {  	v11 =	vmul.f32 v11, v24;
	v15 =	vadd.f32 v16, v15  }
0x1e4: {  	v59 =	vld [tilespmem:s10+$0xD0];
	[tilespmem:s10+$0xC0] =	vst v62;
	v13 =	vmul.f32 v13, v20  }
0x1e5: {  	v18 =	vld [tilespmem:s20+$0x110];
	[tilespmem:s10+$0xFFFFFF40] =	vst v11;
	v23 =	vmul.f32 v15, v28  }
0x1e6: {  	v25 =	vld [tilespmem:s20+$0xFFFFFED0];
	[tilespmem:s10+$0xFFFFFFC0] =	vst v13  }
0x1e7: {  	v36 =	vld [tilespmem:s20+$0xFFFFFF90];
	[tilespmem:s10+$0x40] =	vst v23  }
0x1e8: {  	v11 =	vld [tilespmem:s20+$0x50];
	_ =	sdelay $0x1  }
0x1e9: {  	v22 =	vadd.f32 v18, v59  }
0x1ea: {  	v12 =	vadd.f32 v25, v12  }
0x1eb: {  	v40 =	vld [tilespmem:s1+$0x60];
	v32 =	vmul.f32 v22, v17;
	v14 =	vadd.f32 v36, v14  }
0x1ec: {  	v45 =	vld [tilespmem:s10+$0xF0];
	v12 =	vmul.f32 v12, v24;
	v10 =	vadd.f32 v11, v10  }
0x1ed: {  	v37 =	vld [tilespmem:s10+$0xE0];
	[tilespmem:s10+$0xD0] =	vst v32;
	v39 =	vmul.f32 v14, v20  }
0x1ee: {  	v38 =	vld [tilespmem:s20+$0x120];
	[tilespmem:s10+$0xFFFFFF50] =	vst v12;
	v10 =	vmul.f32 v10, v28  }
0x1ef: {  	v42 =	vld [tilespmem:s20+$0xFFFFFEE0];
	[tilespmem:s10+$0xFFFFFFD0] =	vst v39  }
0x1f0: {  	v2 =	vadd.f32 v30, v2;
	v11 =	vld [tilespmem:s20+$0xFFFFFFA0];
	[tilespmem:s10+$0x50] =	vst v10  }
0x1f1: {  	v6 =	vadd.f32 v40, v6;
	v44 =	vld [tilespmem:s20+$0x60]  }
0x1f2: {  	v34 =	vld [tilespmem:s10+$0x70];
	v5 =	vadd.f32 v31, v5;
	v2 =	vmul.f32 v2, v1  }
0x1f3: {  	v26 =	vld [tilespmem:s10+$0xFFFFFF70];
	v6 =	vmul.f32 v6, v3;
	v41 =	vadd.f32 v38, v37  }
0x1f4: {  	v33 =	vld [tilespmem:s10+$0xFFFFFFF0];
	v5 =	vmul.f32 v5, v4;
	[tilespmem:s18+$0xFFFFFF60] =	vst v2;
	v13 =	vadd.f32 v42, v35  }
0x1f5: {  	v47 =	vld [tilespmem:s1+$0xFFFFFEF0];
	[tilespmem:s18+$0x60] =	vst v6;
	v43 =	vmul.f32 v41, v17;
	v11 =	vadd.f32 v11, v27  }
0x1f6: {  	[tilespmem:s18+$0xFFFFFFE0] =	vst v5;
	v50 =	vld [tilespmem:s1+$0x70];
	v13 =	vmul.f32 v13, v24;
	v12 =	vadd.f32 v44, v21  }
0x1f7: {  	v48 =	vld [tilespmem:s1+$0xFFFFFFB0];
	[tilespmem:s10+$0xE0] =	vst v43;
	v49 =	vmul.f32 v11, v20  }
0x1f8: {  	v46 =	vld [tilespmem:s20+$0x130];
	[tilespmem:s10+$0xFFFFFF60] =	vst v13;
	v12 =	vmul.f32 v12, v28  }
0x1f9: {  	v51 =	vld [tilespmem:s20+$0xFFFFFEF0];
	[tilespmem:s10+$0xFFFFFFE0] =	vst v49  }
0x1fa: {  	v5 =	vadd.f32 v47, v8;
	v52 =	vld [tilespmem:s20+$0xFFFFFFB0];
	[tilespmem:s10+$0x60] =	vst v12  }
0x1fb: {  	v0 =	vmul.f32 v29, v0;
	v55 =	vadd.f32 v50, v7;
	v53 =	vld [tilespmem:s20+$0x70]  }
0x1fc: {  	v9 =	vadd.f32 v48, v9;
	v54 =	vmul.f32 v5, v1  }
0x1fd: {  	[tilespmem:s3+$0x70] =	vst v0;
	v58 =	vmul.f32 v55, v3;
	v2 =	vadd.f32 v46, v45  }
0x1fe: {  	[tilespmem:s18+$0xFFFFFF70] =	vst v54;
	v56 =	vmul.f32 v9, v4;
	v57 =	vadd.f32 v51, v26  }
0x1ff: {  	[tilespmem:s18+$0x70] =	vst v58;
	v2 =	vmul.f32 v2, v17;
	v59 =	vadd.f32 v52, v33  }
0x200: {  	[tilespmem:s18+$0xFFFFFFF0] =	vst v56;
	v60 =	vmul.f32 v57, v24;
	v61 =	vadd.f32 v53, v34  }
0x201: {  	[tilespmem:s10+$0xF0] =	vst v2;
	v62 =	vmul.f32 v59, v20  }
0x202: {  	[tilespmem:s10+$0xFFFFFF70] =	vst v60;
	v63 =	vmul.f32 v61, v28  }
0x203: {  	p1 =	seq.s32 s0, $0x4E;
	[tilespmem:s10+$0xFFFFFFF0] =	vst v62  }
0x204: {  	s1 =	sshll.u32 @!p1 s0, $0x9;
	[tilespmem:s10+$0x70] =	vst v63  }
0x205: {  	[spmem:s2] =	stream.indirect.scatter.add.f32 [tilespmem:s21], [sflag:$0x4], $0x80, s25, s19, $0xb8;
	[tilespmem:$0x1FE40] =	vst v63  }
0x206: {  	s1 =	sadd.s32 @!p1 s1, s13;
	_ =	swait.ge [sflag:s26], $0x2000  }
0x207: {  	s1 =	sshrl.u32 @!p1 s1, $0x3;
	[sflag:s26] =	ssyncset.done $0x0  }
0x208: {  	s3 =	simm.s32 @!p1 $0x0;
	s1 =	sadd.s32 @!p1 s6, s1;
	[sflag:s26] =	ssyncadd.s32 $0xFFFFE000  }
0x209: {  	[tilespmem:s3], [sflag:$0x4] =	stream.linear.gather @!p1 [hbm4b:s1+s3], $0x100, $0x38;
	[tilespmem:$0x1FE40] =	vst v63  }
0x20a: {  	s1 =	simm.s32 @!p1 $0x4  }
0x20b: {  	_ =	swait.ge @!p1 [sflag:s1], $0x100  }
0x20c: {  	[sflag:s1] =	ssyncset.done @!p1 $0x0  }
0x20d: {  	s10 =	simm.s32 @!p1 $0x200;
	[sflag:s1] =	ssyncadd.s32 @!p1 $0xFFFFFF00;
	s1 =	simm.s32 @!p1 $0x40  }
0x20e: {  	[tilespmem:s10], [sflag:$0x1] =	stream.indirect.gather @!p1 [hbm4b:s8+s1], $0x40, s3, s1, $0xb8;
	[tilespmem:$0x1FE40] =	vst v63  }
.Ltmp5:
0x20f: {  	_ = 	snop;
	(pc) =	sbr.rel @p0 .LBB2_8-.Ltmp5, $4  }
0x210: {  	s3 =	simm.s32 @!p1 $0x8200  }
0x211: {  	[tilespmem:s3], [sflag:$0x1] =	stream.indirect.gather @!p1 [hbm4b:s7+s1], $0x80, s1, s1, $0xb8;
	[tilespmem:$0x1FE40] =	vst v63  }
0x212: {  	s10 =	simm.s32 @!p1 $0x2200;
	s3 =	simm.s32 @!p1 $0x80  }
0x213: {  	[tilespmem:s10], [sflag:$0x1] =	stream.indirect.gather @!p1 [hbm4b:s5+s1], $0xC0, s3, s1, $0xb8;
	[tilespmem:$0x1FE40] =	vst v63  }
0x214: {  	_ =	swait.ge [sflag:s28], $0x1000  }
0x215: {  	[sflag:s28] =	ssyncset.done $0x0  }
0x216: {  	[sflag:s28] =	ssyncadd.s32 $0xFFFFF000  }
0x217: {  	_ =	swait.ge [sflag:s28], $0x2000  }
0x218: {  	[sflag:s28] =	ssyncset.done $0x0  }
0x219: {  	[sflag:s28] =	ssyncadd.s32 $0xFFFFE000  }
0x21a: {  	_ =	swait.ge [sflag:s28], $0x3000  }
0x21b: {  	[sflag:s28] =	ssyncset.done $0x0  }
0x21c: {  	[sflag:s28] =	ssyncadd.s32 $0xFFFFD000  }
0x21d: {  	v0 =	vld [tilespmem:$0xC210]  }
0x21e: {  	s1 =	simm.s32 $0x1280;
	v1 =	vld [tilespmem:$0xC200]  }
0x21f: {  	s20 =	simm.s32 $0x5380;
	v2 =	vld [tilespmem:s1+$0x40]  }
0x220: {  	v3 =	vld [tilespmem:s20+$0x140]  }
0x221: {  	v4 =	vld [tilespmem:s1+$0x50]  }
0x222: {  	v5 =	vld [tilespmem:s20+$0x150]  }
0x223: {  	v6 =	vld [tilespmem:s1+$0x60]  }
0x224: {  	v7 =	vld [tilespmem:s20+$0x160]  }
0x225: {  	v8 =	vld [tilespmem:s20+$0x170];
	v2 =	vadd.f32 v3, v2  }
0x226: {  	v3 =	vld [tilespmem:s1+$0x70]  }
0x227: {  	v9 =	vld [tilespmem:$0xC220];
	v4 =	vadd.f32 v5, v4;
	v2 =	vmax.f32 v2, $0.0e+00  }
0x228: {  	v2 =	vmul.f32 v2, v1  }
0x229: {  	v5 =	vld [tilespmem:$0xC230];
	v6 =	vadd.f32 v7, v6;
	v4 =	vmax.f32 v4, $0.0e+00  }
0x22a: {  	v4 =	vmul.f32 v4, v0;
	v2 =	vadd.f32 $0.0e+00, v2  }
0x22b: {  	v6 =	vmax.f32 v6, $0.0e+00;
	v3 =	vadd.f32 v8, v3  }
0x22c: {  	v2 =	vadd.f32 v4, v2;
	v4 =	vmul.f32 v6, v9  }
0x22d: {  	v3 =	vmax.f32 v3, $0.0e+00  }
0x22e: {  	v3 =	vmul.f32 v3, v5;
	v2 =	vadd.f32 v4, v2;
	_ =	sdelay $0x1  }
0x22f: {  	v2 =	vadd.f32 v3, v2;
	_ =	sdelay $0x1  }
0x230: {  	(xrf2) =	vadd.scan.msk.f32 $0xffff, v2;
	_ =	sdelay $0x9  }
0x231: {  	v2, _, _ =	vpop (xrf2)  }
0x232: {  	v2 =	vsub.f32 $0.0e+00, v2;
	_ =	sdelay $0x1  }
0x233: {  	v2 =	vmul.f32 $1.442695020e+00, v2;
	_ =	sdelay $0x1  }
0x234: {  	v11 =	vld [tilespmem:s1+$0xFFFFFF90];
	v2 =	vbroadcast v2, $0xF  }
0x235: {  	v12 =	vld [tilespmem:s20+$0xFFFFFF10]  }
0x236: {  	v13 =	vld [tilespmem:s1+$0xFFFFFFD0];
	(erf) = vpow2.f32 v2  }
0x237: {  	v14 =	vld [tilespmem:s20+$0xFFFFFFD0]  }
0x238: {  	v15 =	vld [tilespmem:s1+$0x10]  }
0x239: {  	v16 =	vld [tilespmem:s20+$0x90]  }
0x23a: {  	v17 =	vld [tilespmem:s20+$0xC0]  }
0x23b: {  	v18 =	vld [tilespmem:s1+$0xFFFFFFA0]  }
0x23c: {  	v19 =	vld [tilespmem:s20+$0xFFFFFF20]  }
0x23d: {  	v20 =	vld [tilespmem:s1+$0xFFFFFFE0]  }
0x23e: {  	v21 =	vld [tilespmem:s20+$0xFFFFFFE0]  }
0x23f: {  	v7 =	vld [tilespmem:s20+$0x80];
	v10 =	vpop (erf)  }
0x240: {  	v8 =	vld [tilespmem:s1+$0xFFFFFF80];
	v10 =	vadd.f32 $1.000000000e+00, v10  }
0x241: {  	v6 =	vld [tilespmem:s1+$0x0]  }
0x242: {  	v4 =	vld [tilespmem:s20+$0xFFFFFFC0];
	(erf) = vrcp.f32 v10  }
0x243: {  	v3 =	vld [tilespmem:s1+$0xFFFFFFC0]  }
0x244: {  	s3 =	simm.s32 $0xA300;
	v2 =	vld [tilespmem:s20+$0xFFFFFF00]  }
0x245: {  	v10 =	vld [tilespmem:s3+$0x80]  }
0x246: {  	v27 =	vld [tilespmem:s3+$0xFFFFFF10]  }
0x247: {  	v22 =	vld [tilespmem:s3+$0xFFFFFF90]  }
0x248: {  	v11 =	vadd.f32 v12, v11;
	v12 =	vld [tilespmem:s20+$0xFFFFFF30];
	v13 =	vadd.f32 v14, v13  }
0x249: {  	v6 =	vadd.f32 v7, v6;
	v7 =	vld [tilespmem:s1+$0xFFFFFFB0];
	v3 =	vadd.f32 v4, v3  }
0x24a: {  	v14 =	vld [tilespmem:s1+$0xFFFFFFF0];
	v2 =	vadd.f32 v2, v8;
	v17 =	vadd.f32 v17, v10  }
0x24b: {  	v15 =	vadd.f32 v16, v15;
	v6 =	vmax.f32 v6, $0.0e+00;
	v4 =	vld [tilespmem:s20+$0xA0];
	v3 =	vmax.f32 v3, $0.0e+00;
	v10 =	vpop (erf)  }
0x24c: {  	v3 =	vmul.f32 v3, v1;
	v8 =	vld [tilespmem:s1+$0x20];
	v2 =	vmax.f32 v2, $0.0e+00;
	v17 =	vmul.f32 v10, v17  }
0x24d: {  	v2 =	vmul.f32 v2, v1;
	v1 =	vmul.f32 v6, v1;
	v6 =	vmax.f32 v11, $0.0e+00;
	v11 =	vld [tilespmem:s3+$0x90]  }
0x24e: {  	v7 =	vadd.f32 v12, v7;
	[tilespmem:s3+$0x80] =	vst v17;
	v17 =	vadd.f32 v19, v18;
	v18 =	vld [tilespmem:s20+$0xFFFFFFF0]  }
0x24f: {  	v13 =	vmax.f32 v13, $0.0e+00;
	v6 =	vmul.f32 v6, v0;
	v2 =	vadd.f32 $0.0e+00, v2;
	v16 =	vld [tilespmem:s20+$0xD0]  }
0x250: {  	v25 =	vld [tilespmem:s3+$0x10];
	v13 =	vmul.f32 v13, v0;
	v7 =	vmax.f32 v7, $0.0e+00;
	v3 =	vadd.f32 $0.0e+00, v3  }
0x251: {  	s10 =	simm.s32 $0x1380;
	v26 =	vld [tilespmem:$0xC200];
	v2 =	vadd.f32 v6, v2;
	v6 =	vmax.f32 v15, $0.0e+00;
	v15 =	vadd.f32 v21, v20  }
0x252: {  	v28 =	vld [tilespmem:s10+$0x60];
	v3 =	vadd.f32 v13, v3;
	v4 =	vadd.f32 v4, v8;
	v13 =	vmax.f32 v17, $0.0e+00  }
0x253: {  	v0 =	vmul.f32 v6, v0;
	v12 =	vmax.f32 v15, $0.0e+00;
	v17 =	vld [tilespmem:s1+$0x30];
	v6 =	vmul.f32 v13, v9  }
0x254: {  	v13 =	vld [tilespmem:s20+$0xB0];
	v8 =	vadd.f32 v16, v11;
	v11 =	vmul.f32 v12, v9;
	v12 =	vadd.f32 v18, v14  }
0x255: {  	v32 =	vld [tilespmem:s10+$0xFFFFFFC0];
	v1 =	vadd.f32 $0.0e+00, v1;
	v2 =	vadd.f32 v6, v2;
	v6 =	vmul.f32 v7, v5  }
0x256: {  	v34 =	vld [tilespmem:s10+$0x0];
	v4 =	vmax.f32 v4, $0.0e+00;
	v7 =	vmul.f32 v10, v8;
	v8 =	vmax.f32 v12, $0.0e+00  }
0x257: {  	v36 =	vld [tilespmem:s10+$0xFFFFFF80];
	v2 =	vadd.f32 v6, v2;
	v3 =	vadd.f32 v11, v3;
	v6 =	vmul.f32 v8, v5  }
0x258: {  	v0 =	vadd.f32 v0, v1;
	v1 =	vmul.f32 v4, v9;
	v4 =	vld [tilespmem:s3+$0xA0];
	[tilespmem:s3+$0x90] =	vst v7  }
0x259: {  	v11 =	vadd.f32 v13, v17;
	(xrf2) =	vadd.scan.msk.f32 $0xffff, v2;
	v3 =	vadd.f32 v6, v3;
	v2 =	vld [tilespmem:s20+$0xE0]  }
0x25a: {  	v37 =	vld [tilespmem:s10+$0xFFFFFF90]  }
0x25b: {  	v40 =	vld [tilespmem:s10+$0xFFFFFFD0];
	v7 =	vmax.f32 v11, $0.0e+00;
	(xrf2) =	vadd.scan.msk.f32 $0xffff, v3  }
0x25c: {  	v42 =	vld [tilespmem:s10+$0x10];
	v0 =	vadd.f32 v1, v0;
	v1 =	vmul.f32 v7, v5  }
0x25d: {  	v55 =	vld [tilespmem:s10+$0xFFFFFFA0]  }
0x25e: {  	v45 =	vld [tilespmem:s10+$0xFFFFFFE0];
	v0 =	vadd.f32 v1, v0;
	v1 =	vadd.f32 v2, v4  }
0x25f: {  	v47 =	vld [tilespmem:s10+$0x20]  }
0x260: {  	v56 =	vld [tilespmem:s10+$0xFFFFFFB0];
	(xrf2) =	vadd.scan.msk.f32 $0xffff, v0;
	v1 =	vmul.f32 v10, v1  }
0x261: {  	v49 =	vld [tilespmem:s10+$0xFFFFFFF0]  }
0x262: {  	v50 =	vld [tilespmem:s10+$0x30]  }
0x263: {  	v21 =	vld [tilespmem:s10+$0x50]  }
0x264: {  	v15 =	vld [tilespmem:s3+$0xFFFFFF20];
	s1 =	simm.s32 $0x5680;
	[tilespmem:s3+$0xA0] =	vst v1;
	v1, _, _ =	vpop (xrf2)  }
0x265: {  	v19 =	vld [tilespmem:s1+$0x140];
	v4, _, _ =	vpop (xrf2)  }
0x266: {  	v24 =	vld [tilespmem:s1+$0x150];
	v1 =	vsub.f32 $0.0e+00, v1;
	v4 =	vsub.f32 $0.0e+00, v4  }
0x267: {  	v29 =	vld [tilespmem:s1+$0x160]  }
0x268: {  	v33 =	vld [tilespmem:s1+$0xFFFFFFC0];
	v1 =	vmul.f32 $1.442695020e+00, v1  }
0x269: {  	v2 =	vld [tilespmem:s3+$0xB0]  }
0x26a: {  	v3 =	vld [tilespmem:s20+$0xF0];
	v5 =	vmul.f32 $1.442695020e+00, v4;
	v1 =	vbroadcast v1, $0xF;
	v4, _, _ =	vpop (xrf2)  }
0x26b: {  	v35 =	vld [tilespmem:s1+$0x80];
	v6 =	vsub.f32 $0.0e+00, v4  }
0x26c: {  	v38 =	vld [tilespmem:s1+$0xFFFFFF10];
	v16 =	vbroadcast v5, $0xF;
	(erf) = vpow2.f32 v1  }
0x26d: {  	v41 =	vld [tilespmem:s1+$0xFFFFFFD0];
	v6 =	vmul.f32 $1.442695020e+00, v6  }
0x26e: {  	v43 =	vld [tilespmem:s1+$0x90];
	(erf) = vpow2.f32 v16  }
0x26f: {  	v44 =	vld [tilespmem:s1+$0xFFFFFF20];
	v2 =	vadd.f32 v3, v2;
	v6 =	vbroadcast v6, $0xF  }
0x270: {  	v46 =	vld [tilespmem:s1+$0xFFFFFFE0]  }
0x271: {  	v48 =	vld [tilespmem:s1+$0xFFFFFF30];
	v17 =	vmul.f32 v10, v2;
	(erf) = vpow2.f32 v6  }
0x272: {  	v18 =	vld [tilespmem:s10+$0x40]  }
0x273: {  	[tilespmem:s3+$0xB0] =	vst v17;
	v17 =	vld [tilespmem:s3+$0xC0]  }
0x274: {  	v6 =	vld [tilespmem:s20+$0x100]  }
0x275: {  	v57 =	vld [tilespmem:s1+$0xA0];
	v20 =	vpop (erf)  }
0x276: {  	v9 =	vld [tilespmem:s3+$0xFFFFFF80];
	v20 =	vadd.f32 $1.000000000e+00, v20  }
0x277: {  	v7 =	vld [tilespmem:s20+$0xFFFFFE80];
	v23 =	vpop (erf)  }
0x278: {  	v16 =	vld [tilespmem:$0xC210];
	(erf) = vrcp.f32 v20;
	v20 =	vadd.f32 $1.000000000e+00, v23  }
0x279: {  	v6 =	vadd.f32 v6, v17;
	v17 =	vadd.f32 v19, v18;
	v18 =	vld [tilespmem:s10+$0x70]  }
0x27a: {  	(erf) = vrcp.f32 v20;
	v20 =	vld [tilespmem:s1+$0x170];
	v23 =	vpop (erf)  }
0x27b: {  	v21 =	vadd.f32 v24, v21;
	v6 =	vmul.f32 v6, v10;
	v19 =	vadd.f32 $1.000000000e+00, v23;
	v23 =	vld [tilespmem:$0xC220]  }
0x27c: {  	v0 =	vld [tilespmem:s3+$0xFFFFFF00];
	v17 =	vmax.f32 v17, $0.0e+00  }
0x27d: {  	v8 =	vld [tilespmem:s20+$0xFFFFFF40];
	v17 =	vmul.f32 v17, v26;
	[tilespmem:s3+$0xC0] =	vst v6;
	v6 =	vmax.f32 v21, $0.0e+00;
	v21 =	vadd.f32 v29, v28  }
0x27e: {  	(erf) = vrcp.f32 v19;
	v19 =	vld [tilespmem:$0xC230]  }
0x27f: {  	v24 =	vld [tilespmem:s3+$0xD0];
	v17 =	vadd.f32 $0.0e+00, v17;
	v29 =	vmul.f32 v6, v16;
	v21 =	vmax.f32 v21, $0.0e+00  }
0x280: {  	v28 =	vld [tilespmem:s20+$0x110];
	v30 =	vadd.f32 v20, v18;
	v21 =	vmul.f32 v21, v23  }
0x281: {  	v59 =	vld [tilespmem:s1+$0xFFFFFFF0];
	v0 =	vadd.f32 v7, v0;
	v7 =	vadd.f32 v29, v17  }
0x282: {  	v14 =	vld [tilespmem:s3+$0x0];
	v29 =	vadd.f32 v8, v9;
	v20 =	vpop (erf);
	v8 =	vmax.f32 v30, $0.0e+00  }
0x283: {  	v12 =	vld [tilespmem:s20+$0x0];
	v0 =	vmul.f32 v20, v0;
	v30 =	vadd.f32 v21, v7;
	v31 =	vmul.f32 v8, v19  }
0x284: {  	v51 =	vld [tilespmem:s1+$0xB0];
	v21 =	vpop (erf)  }
0x285: {  	v61 =	vld [tilespmem:s1+$0xC0];
	v24 =	vadd.f32 v28, v24;
	[tilespmem:s3+$0xFFFFFF00] =	vst v0;
	v28 =	vadd.f32 v31, v30;
	v0 =	vmul.f32 v21, v29  }
0x286: {  	v62 =	vld [tilespmem:s1+$0xFFFFFE80]  }
0x287: {  	v13 =	vld [tilespmem:s3+$0xFFFFFFA0];
	(xrf2) =	vadd.scan.msk.f32 $0xffff, v28  }
0x288: {  	s23 =	simm.s32 $0x5980;
	v35 =	vadd.f32 v35, v34;
	v34 =	vld [tilespmem:s1+$0xFFFFFF40];
	v12 =	vadd.f32 v12, v14  }
0x289: {  	v52 =	vadd.f32 v51, v50;
	v51 =	vld [tilespmem:s23+$0xFFFFFFC0];
	v14 =	vmul.f32 v24, v10;
	[tilespmem:s3+$0xFFFFFF80] =	vst v0;
	v0 =	vpop (erf)  }
0x28a: {  	v11 =	vld [tilespmem:s3+$0x20];
	v12 =	vmul.f32 v0, v12  }
0x28b: {  	[tilespmem:s3+$0xD0] =	vst v14;
	v14 =	vld [tilespmem:s3+$0xE0]  }
0x28c: {  	[tilespmem:s3+$0x0] =	vst v12;
	v12 =	vld [tilespmem:s20+$0x120]  }
0x28d: {  	v53 =	vmax.f32 v52, $0.0e+00;
	v52 =	vld [tilespmem:s23+$0x150]  }
0x28e: {  	v3 =	vld [tilespmem:s3+$0x30]  }
0x28f: {  	v5 =	vld [tilespmem:s3+$0xFFFFFFB0]  }
0x290: {  	v2 =	vld [tilespmem:s3+$0xFFFFFFC0]  }
0x291: {  	v4 =	vld [tilespmem:s3+$0xFFFFFF30];
	v12 =	vadd.f32 v12, v14;
	v14, _, _ =	vpop (xrf2)  }
0x292: {  	v31 =	vld [tilespmem:s1+$0xFFFFFF00];
	v14 =	vsub.f32 $0.0e+00, v14  }
0x293: {  	v1 =	vld [tilespmem:s3+$0xFFFFFF40]  }
0x294: {  	v29 =	vld [tilespmem:s20+$0xFFFFFE90];
	v39 =	vmul.f32 $1.442695020e+00, v14  }
0x295: {  	v6 =	vld [tilespmem:s3+$0x40]  }
0x296: {  	v17 =	vld [tilespmem:s3+$0xFFFFFFD0];
	v39 =	vbroadcast v39, $0xF  }
0x297: {  	v28 =	vld [tilespmem:s20+$0xFFFFFF50];
	v31 =	vadd.f32 v31, v36  }
0x298: {  	v9 =	vld [tilespmem:s3+$0x50];
	(erf) = vpow2.f32 v39  }
0x299: {  	v18 =	vld [tilespmem:s3+$0xFFFFFF50];
	v27 =	vadd.f32 v29, v27;
	v29 =	vmax.f32 v31, $0.0e+00;
	v31 =	vadd.f32 v38, v37  }
0x29a: {  	v7 =	vld [tilespmem:s3+$0xFFFFFF60];
	v29 =	vmul.f32 v29, v26  }
0x29b: {  	v36 =	vadd.f32 v48, v56;
	v30 =	vld [tilespmem:s20+$0x10];
	v31 =	vmax.f32 v31, $0.0e+00  }
0x29c: {  	v8 =	vld [tilespmem:s3+$0xFFFFFFE0];
	v22 =	vadd.f32 v28, v22;
	v29 =	vadd.f32 $0.0e+00, v29;
	v31 =	vmul.f32 v31, v16  }
0x29d: {  	s18 =	simm.s32 $0xA500;
	v24 =	vld [tilespmem:s3+$0x60]  }
0x29e: {  	v60 =	vmax.f32 v36, $0.0e+00;
	v36 =	vld [tilespmem:s18+$0xFFFFFFC0];
	v22 =	vmul.f32 v21, v22;
	v29 =	vadd.f32 v31, v29  }
0x29f: {  	v27 =	vmul.f32 v20, v27;
	v31 =	vadd.f32 v33, v32;
	v32 =	vld [tilespmem:s18+$0xFFFFFF50];
	v39 =	vadd.f32 v44, v55  }
0x2a0: {  	[tilespmem:s3+$0xFFFFFF90] =	vst v22;
	v25 =	vadd.f32 v30, v25;
	v30 =	vld [tilespmem:s18+$0x80]  }
0x2a1: {  	[tilespmem:s3+$0xFFFFFF10] =	vst v27;
	v27 =	vmax.f32 v31, $0.0e+00;
	v31 =	vadd.f32 v41, v40;
	v63 =	vld [tilespmem:s20+$0xFFFFFF60];
	v28 =	vmax.f32 v39, $0.0e+00;
	v58 =	vpop (erf)  }
0x2a2: {  	v41 =	vld [tilespmem:s18+$0xFFFFFF80];
	v12 =	vmul.f32 v12, v10;
	v28 =	vmul.f32 v28, v23;
	v38 =	vadd.f32 $1.000000000e+00, v58  }
0x2a3: {  	v40 =	vld [tilespmem:$0xC200];
	v22 =	vmul.f32 v27, v26;
	v27 =	vmax.f32 v35, $0.0e+00;
	v25 =	vmul.f32 v0, v25  }
0x2a4: {  	v35 =	vld [tilespmem:s18+$0xFFFFFF40];
	v28 =	vadd.f32 v28, v29;
	v29 =	vmul.f32 v60, v19;
	(erf) = vrcp.f32 v38  }
0x2a5: {  	v46 =	vadd.f32 v46, v45;
	[tilespmem:s3+$0xE0] =	vst v12;
	v12 =	vld [tilespmem:s3+$0xF0]  }
0x2a6: {  	v14 =	vld [tilespmem:s20+$0x130];
	[tilespmem:s3+$0x10] =	vst v25;
	v25 =	vmul.f32 v27, v26;
	v26 =	vmax.f32 v31, $0.0e+00;
	v28 =	vadd.f32 v29, v28  }
0x2a7: {  	v22 =	vadd.f32 $0.0e+00, v22;
	v27 =	vadd.f32 v43, v42;
	v31 =	vld [tilespmem:s20+$0xFFFFFEA0];
	v26 =	vmul.f32 v26, v16  }
0x2a8: {  	v49 =	vadd.f32 v59, v49;
	v33 =	vmax.f32 v46, $0.0e+00;
	v42 =	vld [tilespmem:s18+$0x0];
	(xrf2) =	vadd.scan.msk.f32 $0xffff, v28  }
0x2a9: {  	v43 =	vld [tilespmem:$0xC210];
	v27 =	vmax.f32 v27, $0.0e+00;
	v22 =	vadd.f32 v26, v22;
	v26 =	vadd.f32 v57, v47  }
0x2aa: {  	v33 =	vmul.f32 v33, v23;
	v48 =	vld [tilespmem:s20+$0x20];
	v25 =	vadd.f32 $0.0e+00, v25;
	v16 =	vmul.f32 v27, v16  }
0x2ab: {  	s22 =	simm.s32 $0x1480;
	v30 =	vadd.f32 v61, v30;
	v13 =	vadd.f32 v63, v13;
	v61 =	vld [tilespmem:s18+$0xC0];
	v37 =	vmax.f32 v26, $0.0e+00  }
0x2ac: {  	v63 =	vld [tilespmem:s22+$0x40];
	v16 =	vadd.f32 v16, v25;
	v25 =	vmax.f32 v49, $0.0e+00;
	v23 =	vmul.f32 v37, v23  }
0x2ad: {  	v55 =	vld [tilespmem:s18+$0xFFFFFF00];
	v22 =	vadd.f32 v33, v22;
	v25 =	vmul.f32 v25, v19;
	v29 =	vpop (erf)  }
0x2ae: {  	v27 =	vld [tilespmem:s3+$0xFFFFFFF0];
	v19 =	vmul.f32 v53, v19;
	v16 =	vadd.f32 v23, v16;
	v30 =	vmul.f32 v29, v30  }
0x2af: {  	v47 =	vld [tilespmem:s18+$0xD0];
	v22 =	vadd.f32 v25, v22  }
0x2b0: {  	v15 =	vadd.f32 v31, v15;
	v16 =	vadd.f32 v19, v16;
	[tilespmem:s18+$0x80] =	vst v30;
	v30 =	vld [tilespmem:s18+$0x90]  }
0x2b1: {  	(xrf2) =	vadd.scan.msk.f32 $0xffff, v22;
	v54 =	vld [tilespmem:s1+$0xD0]  }
0x2b2: {  	v26 =	vld [tilespmem:s3+$0x70];
	v11 =	vadd.f32 v48, v11;
	v15 =	vmul.f32 v20, v15;
	v19, _, _ =	vpop (xrf2);
	(xrf2) =	vadd.scan.msk.f32 $0xffff, v16  }
0x2b3: {  	v13 =	vmul.f32 v21, v13;
	v33 =	vld [tilespmem:s18+$0x10]  }
0x2b4: {  	v31 =	vld [tilespmem:s18+$0xA0];
	v11 =	vmul.f32 v0, v11;
	[tilespmem:s3+$0xFFFFFF20] =	vst v15;
	v16 =	vsub.f32 $0.0e+00, v19  }
0x2b5: {  	[tilespmem:s3+$0xFFFFFFA0] =	vst v13;
	v13 =	vld [tilespmem:s20+$0xFFFFFEB0]  }
0x2b6: {  	v49 =	vld [tilespmem:s22+$0xFFFFFFC0];
	[tilespmem:s3+$0x20] =	vst v11;
	v15 =	vmul.f32 $1.442695020e+00, v16;
	v19 =	vadd.f32 v54, v30  }
0x2b7: {  	v56 =	vld [tilespmem:s20+$0x30]  }
0x2b8: {  	v15 =	vbroadcast v15, $0xF;
	v30 =	vld [tilespmem:s20+$0xFFFFFF70];
	v19 =	vmul.f32 v29, v19  }
0x2b9: {  	v37 =	vld [tilespmem:s18+$0x40]  }
0x2ba: {  	v53 =	vld [tilespmem:s23+$0x170];
	v4 =	vadd.f32 v13, v4;
	(erf) = vpow2.f32 v15;
	[tilespmem:s18+$0x90] =	vst v19  }
0x2bb: {  	v11, _, _ =	vpop (xrf2);
	v15 =	vld [tilespmem:s1+$0xE0]  }
0x2bc: {  	v23 =	vld [tilespmem:s18+$0xFFFFFF10];
	v3 =	vadd.f32 v56, v3;
	v4 =	vmul.f32 v4, v20;
	v13, _, _ =	vpop (xrf2)  }
0x2bd: {  	v25 =	vld [tilespmem:s18+$0xFFFFFF90];
	v5 =	vadd.f32 v30, v5;
	v30 =	vsub.f32 $0.0e+00, v13  }
0x2be: {  	v49 =	vadd.f32 v51, v49;
	v51 =	vld [tilespmem:s22+$0x20];
	[tilespmem:s3+$0xFFFFFF30] =	vst v4;
	v57 =	vsub.f32 $0.0e+00, v11  }
0x2bf: {  	v3 =	vmul.f32 v0, v3;
	v59 =	vld [tilespmem:s20+$0xFFFFFEC0];
	v30 =	vmul.f32 $1.442695020e+00, v30  }
0x2c0: {  	v28 =	vld [tilespmem:s3+$0xFFFFFF70];
	v58 =	vmul.f32 $1.442695020e+00, v57;
	v31 =	vadd.f32 v15, v31  }
0x2c1: {  	v22 =	vld [tilespmem:s18+$0xFFFFFFA0];
	[tilespmem:s3+$0x30] =	vst v3;
	v5 =	vmul.f32 v21, v5  }
0x2c2: {  	v3 =	vld [tilespmem:s20+$0x40];
	v4 =	vmul.f32 v29, v31;
	v31 =	vbroadcast v58, $0xF  }
0x2c3: {  	v38 =	vld [tilespmem:s1+$0x0];
	[tilespmem:s3+$0xFFFFFFB0] =	vst v5;
	v5 =	vbroadcast v30, $0xF;
	v30 =	vpop (erf)  }
0x2c4: {  	v1 =	vadd.f32 v59, v1;
	[tilespmem:s18+$0xA0] =	vst v4;
	(erf) = vpow2.f32 v31;
	v4 =	vadd.f32 $1.000000000e+00, v30;
	v30 =	vld [tilespmem:s18+$0xB0]  }
0x2c5: {  	(erf) = vpow2.f32 v5;
	v5 =	vld [tilespmem:s1+$0xF0]  }
0x2c6: {  	v56 =	vld [tilespmem:s23+$0x140];
	v1 =	vmul.f32 v1, v20  }
0x2c7: {  	v11 =	vld [tilespmem:s18+$0xFFFFFF30];
	v3 =	vadd.f32 v3, v6  }
0x2c8: {  	v16 =	vld [tilespmem:s18+$0xFFFFFF20];
	[tilespmem:s3+$0xFFFFFF40] =	vst v1  }
0x2c9: {  	v3 =	vmul.f32 v3, v0;
	v44 =	vld [tilespmem:s20+$0xFFFFFED0]  }
0x2ca: {  	v59 =	vld [tilespmem:s22+$0x60];
	(erf) = vrcp.f32 v4;
	v4 =	vadd.f32 v5, v30  }
0x2cb: {  	v48 =	vadd.f32 v56, v63;
	[tilespmem:s3+$0x40] =	vst v3;
	v60 =	vld [tilespmem:s20+$0xFFFFFF80]  }
0x2cc: {  	v45 =	vld [tilespmem:s20+$0x50];
	v1 =	vmul.f32 v29, v4  }
0x2cd: {  	v54 =	vmax.f32 v48, $0.0e+00;
	v48 =	vld [tilespmem:s23+$0xA0]  }
0x2ce: {  	v44 =	vadd.f32 v44, v18;
	v18 =	vld [tilespmem:$0xC220];
	[tilespmem:s18+$0xB0] =	vst v1  }
0x2cf: {  	v3 =	vld [tilespmem:s1+$0x100]  }
0x2d0: {  	v19 =	vld [tilespmem:s18+$0x20];
	v2 =	vadd.f32 v60, v2  }
0x2d1: {  	v9 =	vadd.f32 v45, v9;
	v45 =	vld [tilespmem:s23+$0x90]  }
0x2d2: {  	v13 =	vld [tilespmem:s18+$0xFFFFFFB0];
	v5 =	vmul.f32 v2, v21  }
0x2d3: {  	v15 =	vld [tilespmem:s18+$0x30];
	v4 =	vpop (erf)  }
0x2d4: {  	v58 =	vld [tilespmem:s22+$0x50];
	[tilespmem:s3+$0xFFFFFFC0] =	vst v5;
	v6 =	vpop (erf);
	v4 =	vadd.f32 $1.000000000e+00, v4;
	v3 =	vadd.f32 v3, v61  }
0x2d5: {  	v5 =	vadd.f32 v62, v55;
	v39 =	vld [tilespmem:s20+$0xFFFFFF90];
	v62 =	vadd.f32 $1.000000000e+00, v6  }
0x2d6: {  	v31 =	vld [tilespmem:s18+$0xFFFFFFD0];
	(erf) = vrcp.f32 v4;
	v3 =	vmul.f32 v3, v29  }
0x2d7: {  	v60 =	vld [tilespmem:s23+$0x160];
	v1 =	vpop (erf);
	(erf) = vrcp.f32 v62  }
0x2d8: {  	v30 =	vld [tilespmem:s18+$0x50];
	[tilespmem:s18+$0xC0] =	vst v3  }
0x2d9: {  	v57 =	vld [tilespmem:s1+$0x110]  }
0x2da: {  	v2 =	vld [tilespmem:s18+$0xFFFFFF60];
	v39 =	vadd.f32 v39, v17  }
0x2db: {  	v55 =	vadd.f32 v52, v58;
	v52 =	vld [tilespmem:s22+$0x0];
	v5 =	vmul.f32 v1, v5  }
0x2dc: {  	v62 =	vld [tilespmem:s22+$0x70];
	v39 =	vmul.f32 v39, v21;
	v3 =	vadd.f32 v34, v41  }
0x2dd: {  	v44 =	vmul.f32 v44, v20;
	v17 =	vld [tilespmem:$0xC230];
	[tilespmem:s18+$0xFFFFFF00] =	vst v5  }
0x2de: {  	v46 =	vld [tilespmem:s1+$0xFFFFFE90];
	[tilespmem:s3+$0xFFFFFFD0] =	vst v39;
	v63 =	vadd.f32 v57, v47;
	v47 =	vmul.f32 v54, v40  }
0x2df: {  	v38 =	vadd.f32 v38, v42;
	[tilespmem:s3+$0xFFFFFF50] =	vst v44;
	v44 =	vld [tilespmem:s20+$0xFFFFFFA0];
	v34 =	vadd.f32 v60, v59;
	v4 =	vpop (erf);
	v57 =	vmax.f32 v55, $0.0e+00  }
0x2e0: {  	v6 =	vld [tilespmem:s18+$0x60];
	v61 =	vmul.f32 v4, v3;
	v3 =	vpop (erf);
	v42 =	vmul.f32 v57, v43;
	v58 =	vadd.f32 $0.0e+00, v47  }
0x2e1: {  	v5 =	vld [tilespmem:s18+$0xFFFFFFE0];
	v59 =	vadd.f32 v53, v62;
	v34 =	vmax.f32 v34, $0.0e+00;
	v38 =	vmul.f32 v3, v38  }
0x2e2: {  	v60 =	vld [tilespmem:s18+$0xE0];
	v34 =	vmul.f32 v34, v18;
	v42 =	vadd.f32 v42, v58  }
0x2e3: {  	v23 =	vadd.f32 v46, v23;
	v46 =	vld [tilespmem:s22+$0xFFFFFFA0];
	[tilespmem:s18+$0x0] =	vst v38;
	v38 =	vmax.f32 v59, $0.0e+00  }
0x2e4: {  	v8 =	vadd.f32 v44, v8;
	v44 =	vld [tilespmem:s22+$0xFFFFFFE0];
	[tilespmem:s18+$0xFFFFFF80] =	vst v61;
	v38 =	vmul.f32 v38, v17;
	v34 =	vadd.f32 v34, v42  }
0x2e5: {  	v50 =	vld [tilespmem:s1+$0xFFFFFF50]  }
0x2e6: {  	v54 =	vld [tilespmem:s23+$0xFFFFFF10];
	v34 =	vadd.f32 v38, v34  }
0x2e7: {  	v55 =	vld [tilespmem:s22+$0xFFFFFFD0]  }
0x2e8: {  	v57 =	vld [tilespmem:s22+$0x10];
	v56 =	vmul.f32 v63, v29;
	(xrf2) =	vadd.scan.msk.f32 $0xffff, v34  }
0x2e9: {  	v41 =	vld [tilespmem:s1+$0x10]  }
0x2ea: {  	v47 =	vld [tilespmem:s20+$0xFFFFFEE0];
	[tilespmem:s18+$0xD0] =	vst v56  }
0x2eb: {  	v61 =	vld [tilespmem:s1+$0x120]  }
0x2ec: {  	v63 =	vld [tilespmem:s23+$0x80]  }
0x2ed: {  	v56 =	vld [tilespmem:s23+$0xFFFFFFD0]  }
0x2ee: {  	v25 =	vadd.f32 v50, v25;
	v50 =	vld [tilespmem:s23+$0xFFFFFFE0]  }
0x2ef: {  	v42 =	vld [tilespmem:s23+$0xFFFFFF00]  }
0x2f0: {  	v23 =	vmul.f32 v1, v23;
	v62 =	vadd.f32 v61, v60;
	v60 =	vld [tilespmem:s22+$0xFFFFFF80]  }
0x2f1: {  	v49 =	vmax.f32 v49, $0.0e+00;
	v45 =	vadd.f32 v45, v57;
	v33 =	vadd.f32 v41, v33;
	v41 =	vld [tilespmem:s23+$0xFFFFFF20]  }
0x2f2: {  	v49 =	vmul.f32 v49, v40;
	[tilespmem:s18+$0xFFFFFF10] =	vst v23;
	v8 =	vmul.f32 v8, v21;
	v7 =	vadd.f32 v47, v7;
	v61 =	vld [tilespmem:s22+$0xFFFFFF90];
	v58, _, _ =	vpop (xrf2)  }
0x2f3: {  	v57 =	vld [tilespmem:s1+$0xFFFFFEA0];
	v25 =	vmul.f32 v4, v25;
	v45 =	vmax.f32 v45, $0.0e+00;
	v58 =	vsub.f32 $0.0e+00, v58  }
0x2f4: {  	s10 =	simm.s32 $0xA700;
	v33 =	vmul.f32 v3, v33;
	v34 =	vadd.f32 v63, v52;
	v63 =	vld [tilespmem:s22+$0xFFFFFFB0];
	v44 =	vadd.f32 v50, v44  }
0x2f5: {  	v50 =	vld [tilespmem:s10+$0xFFFFFF00];
	v38 =	vmul.f32 v62, v29;
	v42 =	vadd.f32 v42, v60;
	v62 =	vmul.f32 $1.442695020e+00, v58  }
0x2f6: {  	[tilespmem:s18+$0xFFFFFF90] =	vst v25;
	v25 =	vmul.f32 v45, v43;
	v34 =	vmax.f32 v34, $0.0e+00;
	v41 =	vadd.f32 v41, v46;
	v60 =	vld [tilespmem:s23+$0xFFFFFF30]  }
0x2f7: {  	[tilespmem:s18+$0x10] =	vst v33;
	v33 =	vld [tilespmem:s10+$0xFFFFFF90];
	v59 =	vadd.f32 v54, v61;
	v42 =	vmax.f32 v42, $0.0e+00;
	v47 =	vbroadcast v62, $0xF  }
0x2f8: {  	v49 =	vadd.f32 $0.0e+00, v49;
	v46 =	vld [tilespmem:s22+$0x30];
	v34 =	vmul.f32 v34, v40;
	v40 =	vmul.f32 v42, v40  }
0x2f9: {  	v41 =	vmax.f32 v41, $0.0e+00;
	v54 =	vld [tilespmem:s22+$0xFFFFFFF0];
	v52 =	vmax.f32 v59, $0.0e+00;
	(erf) = vpow2.f32 v47  }
0x2fa: {  	v61 =	vadd.f32 v56, v55;
	v55 =	vld [tilespmem:s23+$0xFFFFFFF0];
	v52 =	vmul.f32 v52, v43;
	v40 =	vadd.f32 $0.0e+00, v40  }
0x2fb: {  	[tilespmem:s3+$0xFFFFFFE0] =	vst v8;
	v34 =	vadd.f32 $0.0e+00, v34;
	v56 =	vld [tilespmem:s23+$0xB0];
	v59 =	vmax.f32 v44, $0.0e+00;
	v47 =	vadd.f32 v60, v63  }
0x2fc: {  	v44 =	vld [tilespmem:s20+$0xFFFFFFB0];
	v42 =	vmax.f32 v61, $0.0e+00;
	v52 =	vadd.f32 v52, v40;
	v63 =	vmul.f32 v41, v18  }
0x2fd: {  	v9 =	vmul.f32 v9, v0;
	[tilespmem:s18+$0xE0] =	vst v38;
	v38 =	vld [tilespmem:s18+$0xF0];
	v62 =	vmul.f32 v42, v43;
	v47 =	vmax.f32 v47, $0.0e+00  }
0x2fe: {  	v39 =	vld [tilespmem:s1+$0x130];
	v25 =	vadd.f32 v25, v34;
	v52 =	vadd.f32 v63, v52;
	v53 =	vmul.f32 v47, v17  }
0x2ff: {  	v7 =	vmul.f32 v7, v20;
	v34 =	vld [tilespmem:s10+$0x10];
	v23 =	vadd.f32 v62, v49;
	v60 =	vadd.f32 v48, v51  }
0x300: {  	[tilespmem:s3+$0x50] =	vst v9;
	v61 =	vld [tilespmem:s1+$0xFFFFFF60];
	v9 =	vmul.f32 v59, v18;
	v62 =	vadd.f32 v55, v54;
	v43 =	vadd.f32 v53, v52  }
0x301: {  	[tilespmem:s3+$0xFFFFFF60] =	vst v7;
	v40 =	vld [tilespmem:s23+$0xFFFFFF40];
	v44 =	vadd.f32 v44, v27;
	v55 =	vadd.f32 v56, v46;
	v7 =	vmax.f32 v60, $0.0e+00  }
0x302: {  	v27 =	vld [tilespmem:s10+$0xFFFFFFE0];
	v9 =	vadd.f32 v9, v23;
	v7 =	vmul.f32 v7, v18;
	v18 =	vmax.f32 v62, $0.0e+00;
	(xrf2) =	vadd.scan.msk.f32 $0xffff, v43;
	v58 =	vpop (erf)  }
0x303: {  	v42 =	vld [tilespmem:s23+$0xFFFFFE80];
	v23 =	vmax.f32 v55, $0.0e+00;
	v18 =	vmul.f32 v18, v17;
	v49 =	vadd.f32 $1.000000000e+00, v58  }
0x304: {  	v41 =	vld [tilespmem:s23+$0x0];
	v8 =	vmul.f32 v23, v17;
	v7 =	vadd.f32 v7, v25  }
0x305: {  	v46 =	vld [tilespmem:s20+$0x60];
	v9 =	vadd.f32 v18, v9;
	(erf) = vrcp.f32 v49  }
0x306: {  	v56 =	vld [tilespmem:s10+$0x80];
	v18 =	vadd.f32 v8, v7  }
0x307: {  	v16 =	vadd.f32 v57, v16;
	v51 =	vld [tilespmem:s10+$0xFFFFFF80];
	(xrf2) =	vadd.scan.msk.f32 $0xffff, v9  }
0x308: {  	v17 =	vld [tilespmem:s23+$0xC0];
	(xrf2) =	vadd.scan.msk.f32 $0xffff, v18  }
0x309: {  	v16 =	vmul.f32 v1, v16;
	v63 =	vld [tilespmem:s1+$0x20]  }
0x30a: {  	v52 =	vld [tilespmem:s10+$0x0]  }
0x30b: {  	[tilespmem:s18+$0xFFFFFF20] =	vst v16;
	v25 =	vadd.f32 v61, v22;
	v22 =	vld [tilespmem:s10+$0xFFFFFF20]  }
0x30c: {  	v61 =	vld [tilespmem:s1+$0xFFFFFEB0];
	v23, _, _ =	vpop (xrf2)  }
0x30d: {  	v8 =	vld [tilespmem:s18+$0xFFFFFF70];
	v60 =	vmul.f32 v4, v25;
	v18 =	vadd.f32 v17, v56;
	v23 =	vsub.f32 $0.0e+00, v23  }
0x30e: {  	v7 =	vld [tilespmem:s18+$0x70];
	v17 =	vpop (erf)  }
0x30f: {  	v43 =	vld [tilespmem:s10+$0xFFFFFF10];
	[tilespmem:s18+$0xFFFFFFA0] =	vst v60;
	v23 =	vmul.f32 $1.442695020e+00, v23;
	v18 =	vmul.f32 v17, v18  }
0x310: {  	v19 =	vadd.f32 v63, v19;
	v62 =	vld [tilespmem:s1+$0xFFFFFF70]  }
0x311: {  	v58, _, _ =	vpop (xrf2);
	v59 =	vbroadcast v23, $0xF;
	[tilespmem:s10+$0x80] =	vst v18;
	v18 =	vld [tilespmem:s10+$0x90]  }
0x312: {  	v16 =	vmul.f32 v3, v19;
	v45 =	vsub.f32 $0.0e+00, v58;
	v25, _, _ =	vpop (xrf2);
	v57 =	vld [tilespmem:s23+$0xD0]  }
0x313: {  	v9 =	vld [tilespmem:s18+$0xFFFFFFF0];
	v11 =	vadd.f32 v61, v11;
	v19 =	vsub.f32 $0.0e+00, v25;
	(erf) = vpow2.f32 v59  }
0x314: {  	[tilespmem:s18+$0x20] =	vst v16;
	v16 =	vld [tilespmem:s10+$0xFFFFFF30];
	v45 =	vmul.f32 $1.442695020e+00, v45  }
0x315: {  	v63 =	vld [tilespmem:s1+$0x30];
	v48 =	vmul.f32 v11, v1;
	v19 =	vmul.f32 $1.442695020e+00, v19  }
0x316: {  	v49 =	vld [tilespmem:s20+$0xFFFFFEF0];
	v13 =	vadd.f32 v62, v13;
	v45 =	vbroadcast v45, $0xF  }
0x317: {  	v11 =	vld [tilespmem:s10+$0xFFFFFF40];
	[tilespmem:s18+$0xFFFFFF30] =	vst v48;
	v19 =	vbroadcast v19, $0xF;
	v18 =	vadd.f32 v57, v18  }
0x318: {  	v48 =	vld [tilespmem:s1+$0xFFFFFEC0];
	v61 =	vmul.f32 v4, v13;
	(erf) = vpow2.f32 v45  }
0x319: {  	v13 =	vld [tilespmem:s10+$0xFFFFFFC0];
	(erf) = vpow2.f32 v19;
	v57 =	vmul.f32 v17, v18  }
0x31a: {  	v15 =	vadd.f32 v63, v15;
	v63 =	vadd.f32 v14, v12;
	v12 =	vld [tilespmem:s10+$0xFFFFFF50]  }
0x31b: {  	v58 =	vld [tilespmem:s10+$0xA0];
	[tilespmem:s10+$0x90] =	vst v57  }
0x31c: {  	v60 =	vpop (erf);
	v59 =	vld [tilespmem:s23+$0xE0]  }
0x31d: {  	v14 =	vld [tilespmem:s10+$0xFFFFFFD0];
	v15 =	vmul.f32 v3, v15;
	v53 =	vadd.f32 $1.000000000e+00, v60  }
0x31e: {  	[tilespmem:s18+$0xFFFFFFB0] =	vst v61;
	v25 =	vld [tilespmem:s10+$0x20]  }
0x31f: {  	[tilespmem:s18+$0x30] =	vst v15;
	v15 =	vld [tilespmem:s10+$0x40];
	(erf) = vrcp.f32 v53  }
0x320: {  	v10 =	vmul.f32 v63, v10;
	v35 =	vadd.f32 v48, v35;
	v53 =	vld [tilespmem:s1+$0xFFFFFF80]  }
0x321: {  	v47 =	vld [tilespmem:s1+$0x40];
	v62 =	vpop (erf);
	v45 =	vadd.f32 v59, v58  }
0x322: {  	[tilespmem:s3+$0xF0] =	vst v10;
	v10 =	vld [tilespmem:s10+$0x50];
	v35 =	vmul.f32 v35, v1;
	v54 =	vadd.f32 $1.000000000e+00, v62;
	v60 =	vpop (erf)  }
0x323: {  	v23 =	vld [tilespmem:s10+$0xFFFFFFA0];
	v61 =	vadd.f32 $1.000000000e+00, v60;
	v45 =	vmul.f32 v17, v45  }
0x324: {  	v38 =	vadd.f32 v39, v38;
	[tilespmem:s18+$0xFFFFFF40] =	vst v35;
	v35 =	vld [tilespmem:s10+$0xFFFFFF60];
	(erf) = vrcp.f32 v54  }
0x325: {  	v62 =	vld [tilespmem:s10+$0xB0];
	(erf) = vrcp.f32 v61;
	v36 =	vadd.f32 v53, v36;
	[tilespmem:s10+$0xA0] =	vst v45  }
0x326: {  	v29 =	vmul.f32 v38, v29;
	v37 =	vadd.f32 v47, v37;
	v63 =	vld [tilespmem:s23+$0xF0]  }
0x327: {  	v28 =	vadd.f32 v49, v28;
	v19 =	vld [tilespmem:s10+$0x30];
	v47 =	vadd.f32 v42, v50;
	v36 =	vmul.f32 v36, v4  }
0x328: {  	[tilespmem:s18+$0xF0] =	vst v29;
	v50 =	vadd.f32 v46, v24;
	v37 =	vmul.f32 v37, v3;
	v18 =	vld [tilespmem:s10+$0xFFFFFFB0];
	v24 =	vpop (erf)  }
0x329: {  	v20 =	vmul.f32 v28, v20;
	v53 =	vld [tilespmem:s1+$0xFFFFFED0];
	[tilespmem:s18+$0xFFFFFFC0] =	vst v36;
	v39 =	vmul.f32 v24, v47  }
0x32a: {  	v28 =	vadd.f32 v40, v51;
	v29 =	vmul.f32 v50, v0;
	[tilespmem:s18+$0x40] =	vst v37;
	v54 =	vld [tilespmem:s1+$0xFFFFFF90]  }
0x32b: {  	v56 =	vld [tilespmem:s1+$0x50];
	[tilespmem:s10+$0xFFFFFF00] =	vst v39;
	v55 =	vadd.f32 v63, v62  }
0x32c: {  	[tilespmem:s3+$0x60] =	vst v29;
	v57 =	vmul.f32 v44, v21;
	v29 =	vld [tilespmem:s23+$0xFFFFFE90]  }
0x32d: {  	[tilespmem:s3+$0xFFFFFF70] =	vst v20;
	v21 =	vld [tilespmem:s10+$0x60];
	v58 =	vadd.f32 v41, v52;
	v20 =	vpop (erf);
	v38 =	vmul.f32 v17, v55  }
0x32e: {  	v60 =	vld [tilespmem:s20+$0x70];
	[tilespmem:s3+$0xFFFFFFF0] =	vst v57;
	v36 =	vadd.f32 v53, v32;
	v59 =	vmul.f32 v20, v28;
	v28 =	vpop (erf)  }
0x32f: {  	v32 =	vld [tilespmem:s10+$0xC0];
	v61 =	vmul.f32 v28, v58;
	v31 =	vadd.f32 v54, v31;
	[tilespmem:s10+$0xB0] =	vst v38  }
0x330: {  	v30 =	vadd.f32 v56, v30;
	[tilespmem:s10+$0xFFFFFF80] =	vst v59;
	v62 =	vmul.f32 v36, v1;
	v36 =	vld [tilespmem:s23+$0x100]  }
0x331: {  	v37 =	vld [tilespmem:s23+$0xFFFFFF50];
	[tilespmem:s10+$0x0] =	vst v61;
	v31 =	vmul.f32 v31, v4;
	v29 =	vadd.f32 v29, v43  }
0x332: {  	v63 =	vmul.f32 v30, v3;
	[tilespmem:s18+$0xFFFFFF50] =	vst v62;
	v38 =	vld [tilespmem:s23+$0x10]  }
0x333: {  	v30 =	vld [tilespmem:s1+$0xFFFFFEE0];
	[tilespmem:s18+$0xFFFFFFD0] =	vst v31;
	v39 =	vmul.f32 v24, v29;
	v29 =	vadd.f32 v60, v26  }
0x334: {  	s12 =	simm.s32 $0x8;
	s20 =	simm.s32 $0x5980;
	[tilespmem:s18+$0x50] =	vst v63;
	v31 =	vld [tilespmem:s1+$0xFFFFFFA0]  }
.LBB2_6:
0x335: {  	v26 =	vld [tilespmem:$0xC210];
	[tilespmem:s10+$0xFFFFFF10] =	vst v39;
	v32 =	vadd.f32 v36, v32;
	v29 =	vmul.f32 v29, v0;
	v0 =	vmovc v3;
	v3 =	vmov v28  }
0x336: {  	v28 =	vld [tilespmem:$0xC200];
	v33 =	vadd.f32 v37, v33  }
0x337: {  	s22 =	sadd.s32 $0x100, s22;
	v34 =	vadd.f32 v38, v34;
	v32 =	vmul.f32 v32, v17;
	v36 =	vld [tilespmem:s10+$0xD0];
	[tilespmem:s3+$0x70] =	vst v29;
	s3 =	smov.u32 s18;
	s18 =	smov.u32 s10  }
0x338: {  	s23 =	sadd.s32 $0x300, s23;
	v29 =	vld [tilespmem:s22+$0x40];
	v33 =	vmul.f32 v20, v33;
	v30 =	vadd.f32 v30, v2;
	v2 =	vmov v35  }
0x339: {  	v35 =	vld [tilespmem:s23+$0x140];
	v34 =	vmul.f32 v3, v34;
	[tilespmem:s10+$0xC0] =	vst v32;
	v31 =	vadd.f32 v31, v5;
	v5 =	vmov v27  }
0x33a: {  	s12 =	sadd.s32 $0x4, s12;
	[tilespmem:s10+$0xFFFFFF90] =	vst v33;
	v27 =	vld [tilespmem:s20+$0x110];
	v30 =	vmul.f32 v30, v1  }
0x33b: {  	p0 =	slt.u32 s12, $0x3C;
	v32 =	vld [tilespmem:s22+$0x50];
	[tilespmem:s10+$0x10] =	vst v34;
	v31 =	vmul.f32 v31, v4  }
0x33c: {  	v33 =	vld [tilespmem:s23+$0x150];
	[tilespmem:s3+$0xFFFFFF60] =	vst v30  }
0x33d: {  	v30 =	vld [tilespmem:s22+$0x60];
	[tilespmem:s3+$0xFFFFFFE0] =	vst v31  }
0x33e: {  	v31 =	vld [tilespmem:s23+$0x160]  }
0x33f: {  	v29 =	vadd.f32 v35, v29;
	v34 =	vld [tilespmem:s22+$0x70];
	v27 =	vadd.f32 v27, v36  }
0x340: {  	v35 =	vld [tilespmem:s23+$0x170]  }
0x341: {  	v29 =	vmax.f32 v29, $0.0e+00;
	v36 =	vld [tilespmem:$0xC220];
	v32 =	vadd.f32 v33, v32;
	v33 =	vmul.f32 v27, v17  }
0x342: {  	v29 =	vmul.f32 v29, v28;
	v27 =	vld [tilespmem:$0xC230]  }
0x343: {  	v32 =	vmax.f32 v32, $0.0e+00;
	v30 =	vadd.f32 v31, v30;
	[tilespmem:s10+$0xD0] =	vst v33;
	v31 =	vld [tilespmem:s10+$0xE0]  }
0x344: {  	v29 =	vadd.f32 $0.0e+00, v29;
	v32 =	vmul.f32 v32, v26;
	v33 =	vld [tilespmem:s20+$0x120]  }
0x345: {  	v37 =	vld [tilespmem:s23+$0xFFFFFF00];
	v30 =	vmax.f32 v30, $0.0e+00;
	v34 =	vadd.f32 v35, v34  }
0x346: {  	v35 =	vld [tilespmem:s22+$0xFFFFFFC0];
	v29 =	vadd.f32 v32, v29;
	v30 =	vmul.f32 v30, v36  }
0x347: {  	v32 =	vld [tilespmem:s23+$0xFFFFFFC0];
	v34 =	vmax.f32 v34, $0.0e+00  }
0x348: {  	v38 =	vld [tilespmem:s22+$0x0];
	v29 =	vadd.f32 v30, v29;
	v30 =	vmul.f32 v34, v27  }
0x349: {  	v34 =	vld [tilespmem:s23+$0x80];
	v31 =	vadd.f32 v33, v31  }
0x34a: {  	v33 =	vld [tilespmem:s22+$0xFFFFFF80];
	v29 =	vadd.f32 v30, v29  }
0x34b: {  	v30 =	vld [tilespmem:s22+$0xFFFFFF90];
	v31 =	vmul.f32 v31, v17  }
0x34c: {  	v39 =	vld [tilespmem:s23+$0xFFFFFF10];
	v32 =	vadd.f32 v32, v35;
	(xrf2) =	vadd.scan.msk.f32 $0xffff, v29  }
0x34d: {  	[tilespmem:s10+$0xE0] =	vst v31;
	v29 =	vld [tilespmem:s10+$0xF0]  }
0x34e: {  	v31 =	vmax.f32 v32, $0.0e+00;
	v32 =	vadd.f32 v34, v38;
	v34 =	vld [tilespmem:s20+$0x130]  }
0x34f: {  	v33 =	vadd.f32 v37, v33;
	v31 =	vmul.f32 v31, v28;
	v35 =	vld [tilespmem:s22+$0xFFFFFFD0]  }
0x350: {  	v37 =	vld [tilespmem:s23+$0xFFFFFFD0];
	v32 =	vmax.f32 v32, $0.0e+00  }
0x351: {  	v33 =	vmax.f32 v33, $0.0e+00;
	v30 =	vadd.f32 v39, v30;
	v32 =	vmul.f32 v32, v28;
	v38 =	vld [tilespmem:s22+$0x10]  }
0x352: {  	v31 =	vadd.f32 $0.0e+00, v31;
	v28 =	vmul.f32 v33, v28;
	v33 =	vld [tilespmem:s23+$0x90]  }
0x353: {  	v30 =	vmax.f32 v30, $0.0e+00;
	v39 =	vld [tilespmem:s22+$0xFFFFFFA0];
	v32 =	vadd.f32 $0.0e+00, v32;
	v29 =	vadd.f32 v34, v29  }
0x354: {  	v28 =	vadd.f32 $0.0e+00, v28;
	v40 =	vmul.f32 v30, v26;
	v34 =	vld [tilespmem:s23+$0xFFFFFF20]  }
0x355: {  	v35 =	vadd.f32 v37, v35;
	v37 =	vld [tilespmem:s22+$0xFFFFFFE0];
	v17 =	vmul.f32 v29, v17  }
0x356: {  	v28 =	vadd.f32 v40, v28;
	v29 =	vld [tilespmem:s23+$0xFFFFFFE0];
	v30, _, _ =	vpop (xrf2)  }
0x357: {  	v35 =	vmax.f32 v35, $0.0e+00;
	v33 =	vadd.f32 v33, v38;
	v38 =	vld [tilespmem:s22+$0x20];
	v30 =	vsub.f32 $0.0e+00, v30;
	[tilespmem:s10+$0xF0] =	vst v17  }
0x358: {  	v17 =	vmul.f32 v35, v26;
	v35 =	vld [tilespmem:s23+$0xA0]  }
0x359: {  	v34 =	vadd.f32 v34, v39;
	v39 =	vld [tilespmem:s22+$0xFFFFFFB0];
	v33 =	vmax.f32 v33, $0.0e+00;
	v30 =	vmul.f32 $1.442695020e+00, v30  }
0x35a: {  	v40 =	vld [tilespmem:s23+$0xFFFFFF30];
	v17 =	vadd.f32 v17, v31;
	v26 =	vmul.f32 v33, v26  }
0x35b: {  	v31 =	vmax.f32 v34, $0.0e+00;
	v29 =	vadd.f32 v29, v37;
	v33 =	vld [tilespmem:s22+$0xFFFFFFF0];
	v30 =	vbroadcast v30, $0xF  }
0x35c: {  	v31 =	vmul.f32 v31, v36;
	v34 =	vld [tilespmem:s23+$0xFFFFFFF0];
	v26 =	vadd.f32 v26, v32  }
0x35d: {  	v29 =	vmax.f32 v29, $0.0e+00;
	v32 =	vadd.f32 v35, v38;
	v35 =	vld [tilespmem:s22+$0x30];
	(erf) = vpow2.f32 v30  }
0x35e: {  	v28 =	vadd.f32 v31, v28;
	v29 =	vmul.f32 v29, v36;
	v30 =	vld [tilespmem:s23+$0xB0]  }
0x35f: {  	v31 =	vadd.f32 v40, v39;
	v37 =	vld [tilespmem:s23+$0xFFFFFE80];
	v32 =	vmax.f32 v32, $0.0e+00  }
0x360: {  	v17 =	vadd.f32 v29, v17;
	v38 =	vld [tilespmem:s23+$0xFFFFFF40];
	v29 =	vmul.f32 v32, v36  }
0x361: {  	v31 =	vmax.f32 v31, $0.0e+00;
	v32 =	vadd.f32 v34, v33;
	v36 =	vld [tilespmem:s23+$0x0]  }
0x362: {  	v31 =	vmul.f32 v31, v27;
	v26 =	vadd.f32 v29, v26;
	v29 =	vld [tilespmem:s20+$0xFFFFFEA0]  }
0x363: {  	v32 =	vmax.f32 v32, $0.0e+00;
	v30 =	vadd.f32 v30, v35;
	v33 =	vld [tilespmem:s20+$0xFFFFFF60]  }
0x364: {  	v35 =	vadd.f32 v31, v28;
	v31 =	vmul.f32 v32, v27;
	v32 =	vld [tilespmem:s20+$0x20]  }
0x365: {  	v30 =	vmax.f32 v30, $0.0e+00;
	v34 =	vld [tilespmem:s1+$0x60]  }
0x366: {  	v17 =	vadd.f32 v31, v17;
	v27 =	vmul.f32 v30, v27;
	(xrf2) =	vadd.scan.msk.f32 $0xffff, v35;
	v28 =	vpop (erf);
	v30 =	vld [tilespmem:s1+$0xFFFFFEF0]  }
0x367: {  	v28 =	vadd.f32 $1.000000000e+00, v28;
	v22 =	vadd.f32 v29, v22;
	v29 =	vld [tilespmem:s1+$0xFFFFFFB0]  }
0x368: {  	v27 =	vadd.f32 v27, v26;
	v31 =	vld [tilespmem:s10+$0xFFFFFF70];
	v23 =	vadd.f32 v33, v23  }
0x369: {  	(xrf2) =	vadd.scan.msk.f32 $0xffff, v17;
	(erf) = vrcp.f32 v28;
	v17 =	vmul.f32 v24, v22;
	v22 =	vld [tilespmem:s10+$0xFFFFFFF0];
	v25 =	vadd.f32 v32, v25  }
0x36a: {  	s10 =	sadd.s32 $0x200, s10;
	v23 =	vmul.f32 v20, v23;
	v26 =	vld [tilespmem:s18+$0x70];
	v28 =	vadd.f32 v34, v6;
	v6 =	vmov v21  }
0x36b: {  	v21 =	vld [tilespmem:s10+$0x80];
	[tilespmem:s18+$0xFFFFFF20] =	vst v17;
	v17 =	vmul.f32 v3, v25;
	v30 =	vadd.f32 v30, v8  }
0x36c: {  	v25 =	vld [tilespmem:s23+$0xC0];
	(xrf2) =	vadd.scan.msk.f32 $0xffff, v27;
	[tilespmem:s18+$0xFFFFFFA0] =	vst v23;
	v29 =	vadd.f32 v29, v9;
	v23 =	vmul.f32 v28, v0  }
0x36d: {  	v27 =	vld [tilespmem:s10+$0xFFFFFF00];
	[tilespmem:s18+$0x20] =	vst v17;
	v30 =	vmul.f32 v30, v1;
	v8 =	vmov v31;
	v1 =	vmov v24  }
0x36e: {  	v24 =	vld [tilespmem:s10+$0xFFFFFF80];
	v28 =	vmul.f32 v29, v4;
	[tilespmem:s3+$0x60] =	vst v23;
	v9 =	vmov v22;
	v4 =	vmov v20  }
0x36f: {  	v20 =	vld [tilespmem:s10+$0x0];
	[tilespmem:s3+$0xFFFFFF70] =	vst v30  }
0x370: {  	v29 =	vld [tilespmem:s10+$0xFFFFFF10];
	v17, _, _ =	vpop (xrf2);
	[tilespmem:s3+$0xFFFFFFF0] =	vst v28  }
0x371: {  	v22 =	vsub.f32 $0.0e+00, v17;
	v33 =	vld [tilespmem:s10+$0xFFFFFF90];
	v21 =	vadd.f32 v25, v21  }
0x372: {  	v27 =	vadd.f32 v37, v27;
	v34 =	vld [tilespmem:s10+$0x10];
	v17 =	vpop (erf)  }
0x373: {  	v32 =	vmul.f32 $1.442695020e+00, v22;
	v22 =	vld [tilespmem:s10+$0xFFFFFF20];
	v28 =	vadd.f32 v38, v24;
	v21 =	vmul.f32 v17, v21;
	v23, _, _ =	vpop (xrf2)  }
0x374: {  	v24 =	vsub.f32 $0.0e+00, v23;
	v23 =	vld [tilespmem:s10+$0xFFFFFFA0];
	v30 =	vadd.f32 v36, v20  }
0x375: {  	v20 =	vbroadcast v32, $0xF;
	[tilespmem:s10+$0x80] =	vst v21;
	v21 =	vld [tilespmem:s10+$0x90]  }
0x376: {  	v24 =	vmul.f32 $1.442695020e+00, v24;
	v31 =	vld [tilespmem:s23+$0xD0];
	v25, _, _ =	vpop (xrf2)  }
0x377: {  	v32 =	vsub.f32 $0.0e+00, v25;
	v25 =	vld [tilespmem:s10+$0x20];
	(erf) = vpow2.f32 v20  }
0x378: {  	v20 =	vbroadcast v24, $0xF;
	v24 =	vld [tilespmem:s20+$0xFFFFFEB0]  }
0x379: {  	v32 =	vmul.f32 $1.442695020e+00, v32;
	v35 =	vld [tilespmem:s20+$0xFFFFFF70]  }
0x37a: {  	(erf) = vpow2.f32 v20;
	v20 =	vld [tilespmem:s20+$0x30]  }
0x37b: {  	v36 =	vld [tilespmem:s10+$0xFFFFFF30];
	v32 =	vbroadcast v32, $0xF;
	v21 =	vadd.f32 v31, v21  }
0x37c: {  	v31 =	vld [tilespmem:s10+$0xFFFFFFB0]  }
0x37d: {  	v37 =	vld [tilespmem:s10+$0x30];
	v21 =	vmul.f32 v17, v21;
	(erf) = vpow2.f32 v32;
	v39 =	vadd.f32 v24, v16  }
0x37e: {  	v24 =	vld [tilespmem:s10+$0xFFFFFF40];
	v40 =	vadd.f32 v35, v18  }
0x37f: {  	[tilespmem:s10+$0x90] =	vst v21;
	v21 =	vld [tilespmem:s10+$0xA0];
	v32 =	vmul.f32 v39, v1;
	v39 =	vadd.f32 v20, v19  }
0x380: {  	v20 =	vld [tilespmem:s23+$0xE0];
	v35 =	vpop (erf);
	v38 =	vmul.f32 v4, v40;
	v16 =	vmov v36  }
0x381: {  	v40 =	vadd.f32 $1.000000000e+00, v35;
	v36 =	vld [tilespmem:s10+$0xFFFFFFC0];
	[tilespmem:s18+$0xFFFFFF30] =	vst v32;
	v32 =	vmul.f32 v3, v39;
	v18 =	vmov v31  }
0x382: {  	v31 =	vld [tilespmem:s20+$0xFFFFFEC0];
	[tilespmem:s18+$0xFFFFFFB0] =	vst v38;
	v19 =	vmov v37  }
0x383: {  	(erf) = vrcp.f32 v40;
	v35 =	vpop (erf);
	v37 =	vld [tilespmem:s20+$0xFFFFFF80];
	[tilespmem:s18+$0x30] =	vst v32  }
0x384: {  	v32 =	vadd.f32 $1.000000000e+00, v35;
	v35 =	vld [tilespmem:s20+$0x40]  }
0x385: {  	v38 =	vld [tilespmem:s10+$0x40];
	v20 =	vadd.f32 v20, v21  }
0x386: {  	v39 =	vld [tilespmem:s10+$0xFFFFFF50];
	(erf) = vrcp.f32 v32;
	v21 =	vpop (erf)  }
0x387: {  	v32 =	vld [tilespmem:s10+$0xFFFFFFD0];
	v21 =	vadd.f32 $1.000000000e+00, v21;
	v20 =	vmul.f32 v17, v20;
	v31 =	vadd.f32 v31, v11;
	v11 =	vmovc v24  }
0x388: {  	v40 =	vld [tilespmem:s10+$0x50];
	v24 =	vadd.f32 v37, v13;
	v13 =	vmov v36  }
0x389: {  	[tilespmem:s10+$0xA0] =	vst v20;
	v20 =	vld [tilespmem:s10+$0xB0];
	(erf) = vrcp.f32 v21;
	v21 =	vmul.f32 v31, v1;
	v31 =	vadd.f32 v35, v15  }
0x38a: {  	v36 =	vld [tilespmem:s23+$0xF0];
	v37 =	vmul.f32 v24, v4;
	v15 =	vmov v38  }
0x38b: {  	v35 =	vld [tilespmem:s10+$0xFFFFFF60];
	[tilespmem:s18+$0xFFFFFF40] =	vst v21;
	v21 =	vmul.f32 v31, v3  }
0x38c: {  	v24 =	vpop (erf);
	v31 =	vld [tilespmem:s20+$0xFFFFFED0];
	[tilespmem:s18+$0xFFFFFFC0] =	vst v37  }
0x38d: {  	v27 =	vmul.f32 v24, v27;
	v37 =	vld [tilespmem:s20+$0xFFFFFF90];
	[tilespmem:s18+$0x40] =	vst v21  }
0x38e: {  	v38 =	vld [tilespmem:s20+$0x50]  }
0x38f: {  	[tilespmem:s10+$0xFFFFFF00] =	vst v27;
	v27 =	vld [tilespmem:s10+$0xFFFFFFE0];
	v36 =	vadd.f32 v36, v20;
	v20 =	vpop (erf)  }
0x390: {  	v41 =	vld [tilespmem:s23+$0xFFFFFE90];
	v42 =	vmul.f32 v20, v28  }
0x391: {  	v21 =	vld [tilespmem:s10+$0x60];
	v36 =	vmul.f32 v17, v36;
	v31 =	vadd.f32 v31, v12;
	v12 =	vmov v39  }
0x392: {  	[tilespmem:s10+$0xFFFFFF80] =	vst v42;
	v28 =	vpop (erf);
	v37 =	vadd.f32 v37, v14;
	v42 =	vld [tilespmem:s1+$0x70];
	v14 =	vmov v32;
	s1 =	smov.u32 s20;
	s20 =	smov.u32 s23  }
0x393: {  	v30 =	vmul.f32 v28, v30;
	[tilespmem:s10+$0xB0] =	vst v36;
	v32 =	vld [tilespmem:s10+$0xC0];
	v31 =	vmul.f32 v31, v1;
	v38 =	vadd.f32 v38, v10  }
.Ltmp6:
0x394: {  	v10 =	vmov v40;
	v36 =	vld [tilespmem:s23+$0x100];
	v43 =	vmul.f32 v37, v4;
	(pc) =	sbr.rel @p0 .LBB2_6-.Ltmp6, $4  }
0x395: {  	v29 =	vadd.f32 v41, v29;
	v37 =	vld [tilespmem:s23+$0xFFFFFF50];
	[tilespmem:s10+$0x0] =	vst v30;
	v40 =	vmul.f32 v38, v3  }
0x396: {  	v38 =	vld [tilespmem:s23+$0x10];
	[tilespmem:s18+$0xFFFFFF50] =	vst v31  }
0x397: {  	v39 =	vmul.f32 v24, v29;
	v30 =	vld [tilespmem:s1+$0xFFFFFEE0];
	[tilespmem:s18+$0xFFFFFFD0] =	vst v43;
	v29 =	vadd.f32 v42, v7;
	v7 =	vmov v26  }
0x398: {  	v31 =	vld [tilespmem:s1+$0xFFFFFFA0];
	[tilespmem:s18+$0x50] =	vst v40  }
0x399: {  	_ = 	snop  }
0x39a: {  	v26 =	vadd.f32 v37, v33  }
0x39b: {  	v50 =	vadd.f32 v38, v34  }
0x39c: {  	v26 =	vmul.f32 v20, v26  }
0x39d: {  	[tilespmem:s10+$0xFFFFFF10] =	vst v39;
	v33 =	vmul.f32 v28, v50  }
0x39e: {  	v51 =	vld [tilespmem:s20+$0xFFFFFEA0];
	[tilespmem:s10+$0xFFFFFF90] =	vst v26  }
0x39f: {  	[tilespmem:s10+$0x10] =	vst v33;
	v52 =	vld [tilespmem:s20+$0xFFFFFF60]  }
0x3a0: {  	v53 =	vld [tilespmem:s20+$0x20];
	_ =	sdelay $0x2  }
0x3a1: {  	v22 =	vadd.f32 v51, v22  }
0x3a2: {  	v23 =	vadd.f32 v52, v23  }
0x3a3: {  	v22 =	vmul.f32 v24, v22;
	v25 =	vadd.f32 v53, v25  }
0x3a4: {  	v23 =	vmul.f32 v20, v23  }
0x3a5: {  	[tilespmem:s10+$0xFFFFFF20] =	vst v22;
	v54 =	vmul.f32 v28, v25  }
0x3a6: {  	v55 =	vld [tilespmem:s20+$0xFFFFFEB0];
	[tilespmem:s10+$0xFFFFFFA0] =	vst v23  }
0x3a7: {  	[tilespmem:s10+$0x20] =	vst v54;
	v56 =	vld [tilespmem:s20+$0xFFFFFF70]  }
0x3a8: {  	v57 =	vld [tilespmem:s20+$0x30];
	_ =	sdelay $0x2  }
0x3a9: {  	v16 =	vadd.f32 v55, v16  }
0x3aa: {  	v18 =	vadd.f32 v56, v18  }
0x3ab: {  	v16 =	vmul.f32 v16, v24;
	v19 =	vadd.f32 v57, v19  }
0x3ac: {  	v18 =	vmul.f32 v20, v18  }
0x3ad: {  	[tilespmem:s10+$0xFFFFFF30] =	vst v16;
	v60 =	vmul.f32 v28, v19  }
0x3ae: {  	v61 =	vld [tilespmem:s20+$0xFFFFFEC0];
	[tilespmem:s10+$0xFFFFFFB0] =	vst v18  }
0x3af: {  	v63 =	vld [tilespmem:s20+$0xFFFFFF80];
	[tilespmem:s10+$0x30] =	vst v60  }
0x3b0: {  	v16 =	vld [tilespmem:s20+$0x40];
	_ =	sdelay $0x1  }
0x3b1: {  	v58 =	vadd.f32 v36, v32  }
0x3b2: {  	v11 =	vadd.f32 v61, v11  }
0x3b3: {  	v62 =	vmul.f32 v58, v17;
	v13 =	vadd.f32 v63, v13  }
0x3b4: {  	v11 =	vmul.f32 v11, v24;
	v15 =	vadd.f32 v16, v15  }
0x3b5: {  	v59 =	vld [tilespmem:s10+$0xD0];
	[tilespmem:s10+$0xC0] =	vst v62;
	v13 =	vmul.f32 v13, v20  }
0x3b6: {  	v18 =	vld [tilespmem:s20+$0x110];
	[tilespmem:s10+$0xFFFFFF40] =	vst v11;
	v23 =	vmul.f32 v15, v28  }
0x3b7: {  	v25 =	vld [tilespmem:s20+$0xFFFFFED0];
	[tilespmem:s10+$0xFFFFFFC0] =	vst v13  }
0x3b8: {  	v36 =	vld [tilespmem:s20+$0xFFFFFF90];
	[tilespmem:s10+$0x40] =	vst v23  }
0x3b9: {  	v11 =	vld [tilespmem:s20+$0x50];
	_ =	sdelay $0x1  }
0x3ba: {  	v22 =	vadd.f32 v18, v59  }
0x3bb: {  	v12 =	vadd.f32 v25, v12  }
0x3bc: {  	v40 =	vld [tilespmem:s1+$0x60];
	v32 =	vmul.f32 v22, v17;
	v14 =	vadd.f32 v36, v14  }
0x3bd: {  	v45 =	vld [tilespmem:s10+$0xF0];
	v12 =	vmul.f32 v12, v24;
	v10 =	vadd.f32 v11, v10  }
0x3be: {  	v37 =	vld [tilespmem:s10+$0xE0];
	[tilespmem:s10+$0xD0] =	vst v32;
	v39 =	vmul.f32 v14, v20  }
0x3bf: {  	v38 =	vld [tilespmem:s20+$0x120];
	[tilespmem:s10+$0xFFFFFF50] =	vst v12;
	v10 =	vmul.f32 v10, v28  }
0x3c0: {  	v42 =	vld [tilespmem:s20+$0xFFFFFEE0];
	[tilespmem:s10+$0xFFFFFFD0] =	vst v39  }
0x3c1: {  	v2 =	vadd.f32 v30, v2;
	v11 =	vld [tilespmem:s20+$0xFFFFFFA0];
	[tilespmem:s10+$0x50] =	vst v10  }
0x3c2: {  	v6 =	vadd.f32 v40, v6;
	v44 =	vld [tilespmem:s20+$0x60]  }
0x3c3: {  	v34 =	vld [tilespmem:s10+$0x70];
	v5 =	vadd.f32 v31, v5;
	v2 =	vmul.f32 v2, v1  }
0x3c4: {  	v26 =	vld [tilespmem:s10+$0xFFFFFF70];
	v6 =	vmul.f32 v6, v3;
	v41 =	vadd.f32 v38, v37  }
0x3c5: {  	v33 =	vld [tilespmem:s10+$0xFFFFFFF0];
	v5 =	vmul.f32 v5, v4;
	[tilespmem:s18+$0xFFFFFF60] =	vst v2;
	v13 =	vadd.f32 v42, v35  }
0x3c6: {  	v47 =	vld [tilespmem:s1+$0xFFFFFEF0];
	[tilespmem:s18+$0x60] =	vst v6;
	v43 =	vmul.f32 v41, v17;
	v11 =	vadd.f32 v11, v27  }
0x3c7: {  	[tilespmem:s18+$0xFFFFFFE0] =	vst v5;
	v50 =	vld [tilespmem:s1+$0x70];
	v13 =	vmul.f32 v13, v24;
	v12 =	vadd.f32 v44, v21  }
0x3c8: {  	v48 =	vld [tilespmem:s1+$0xFFFFFFB0];
	[tilespmem:s10+$0xE0] =	vst v43;
	v49 =	vmul.f32 v11, v20  }
0x3c9: {  	v46 =	vld [tilespmem:s20+$0x130];
	[tilespmem:s10+$0xFFFFFF60] =	vst v13;
	v12 =	vmul.f32 v12, v28  }
0x3ca: {  	v51 =	vld [tilespmem:s20+$0xFFFFFEF0];
	[tilespmem:s10+$0xFFFFFFE0] =	vst v49  }
0x3cb: {  	v5 =	vadd.f32 v47, v8;
	v52 =	vld [tilespmem:s20+$0xFFFFFFB0];
	[tilespmem:s10+$0x60] =	vst v12  }
0x3cc: {  	v0 =	vmul.f32 v29, v0;
	v55 =	vadd.f32 v50, v7;
	v53 =	vld [tilespmem:s20+$0x70]  }
0x3cd: {  	v9 =	vadd.f32 v48, v9;
	v54 =	vmul.f32 v5, v1  }
0x3ce: {  	[tilespmem:s3+$0x70] =	vst v0;
	v58 =	vmul.f32 v55, v3;
	v2 =	vadd.f32 v46, v45  }
0x3cf: {  	[tilespmem:s18+$0xFFFFFF70] =	vst v54;
	v56 =	vmul.f32 v9, v4;
	v57 =	vadd.f32 v51, v26  }
0x3d0: {  	[tilespmem:s18+$0x70] =	vst v58;
	v2 =	vmul.f32 v2, v17;
	v59 =	vadd.f32 v52, v33  }
0x3d1: {  	[tilespmem:s18+$0xFFFFFFF0] =	vst v56;
	v60 =	vmul.f32 v57, v24;
	v61 =	vadd.f32 v53, v34  }
0x3d2: {  	[tilespmem:s10+$0xF0] =	vst v2;
	v62 =	vmul.f32 v59, v20  }
0x3d3: {  	[tilespmem:s10+$0xFFFFFF70] =	vst v60;
	v63 =	vmul.f32 v61, v28  }
0x3d4: {  	[tilespmem:s10+$0xFFFFFFF0] =	vst v62  }
.Ltmp7:
0x3d5: {  	[tilespmem:s10+$0x70] =	vst v63;
	(pc) =	sbr.rel .LBB2_8-.Ltmp7, $4  }
0x3d6: {  	[spmem:s2] =	stream.indirect.scatter.add.f32 [tilespmem:s30], [sflag:$0x3], $0x80, s29, s19, $0xb8;
	[tilespmem:$0x1FE40] =	vst v63  }
0x3d7: {  	_ =	swait.ge [sflag:s17], $0x2000  }
0x3d8: {  	[sflag:s17] =	ssyncset.done $0x0  }
0x3d9: {  	[sflag:s17] =	ssyncadd.s32 $0xFFFFE000  }
.LBB2_10:
0x3da: {  	_ =	sfence.sel $0x180000  }
0x3db: {  	[bflag:$0x0] =	sbarrier.arrive $0xFFFF  }
0x3dc: {  	_ =	strace $0x9000004D  }
0x3dd: {  	s0 =	stileid.u32;
	[bflag:$0x2] =	sbarrier.arrive $0xFFFF  }
0x3de: {  	p0 =	sne.s32 s0, $0x0;
	s0 =	rddreg [dreg:$0x3]  }
0x3df: {  	s0 =	sadd.s32 @!p0 $0x100000, s0  }
0x3e0: {  	[sflag:s0] =	ssyncadd.tile.s32 @!p0 $0x1;
	_ =	shalt  }
.Lfunc_end2:
_tile_overlayer_lowered:
.L_overlay_start_2:
0x3e1: {  	(tag) =	ssettag $0x2  }
0x3e2: {  	s0 =	rddreg [dreg:$0x0];
	s2 =	stileid.u32  }
0x3e3: {  	s1 =	rddreg [dreg:$0x1];
	p0 =	sne.s32 s2, $0x0  }
0x3e4: {  	s3 =	rddreg [dreg:$0x2];
	[bflag:$0x3] =	sbarrier.arrive $0xFFFF;
	s2 =	simm.s32 @!p0 $0x1C03  }
0x3e5: {  	[timem:s3], [sflag:s2] =	dma.local @!p0 [hbm:s0], s1  }
0x3e6: {  	s0 =	simm.s32 @!p0 $0x3  }
0x3e7: {  	_ =	swait.ge @!p0 [sflag:s0], s1  }
0x3e8: {  	s1 =	ssub.s32 @!p0 $0x0, s1;
	[sflag:s0] =	ssyncset.done @!p0 $0x0  }
0x3e9: {  	[sflag:s0] =	ssyncadd.s32 @!p0 s1  }
0x3ea: {  	[bflag:$0x3] =	sbarrier.arrive $0xFFFF  }
0x3eb: {  	_ =	shalt  }

</sc_bundles>
